<compile_context>
chip_gen: v7x
topology: tpu7x:2x2x1
jax: 0.10.2.dev20260603
libtpu: 0.0.44.dev20260713+nightly
codegen_flags: <defaults>
</compile_context>

<pallas_src>
import jax
import jax.numpy as jnp
from jax import lax
from jax.experimental import pallas as pl
from jax.experimental.pallas import tpu as pltpu
from jax.experimental.pallas import tpu_sc as plsc

N = 10000
E = 320000
D = 128
DH = 64
R = 8
H = 8
C = 80
CP = 80
NC = 2
NS = 16
L = 16
ROWS_PER_TILE = N // NS
NCHUNK = E // C
KPS = NCHUNK // NS
INV_SQRT_AVG = 0.1767766952966369


def _sc_body(nodes2, ef2, rad, snd, rcv, w0, w1, zrows, out,
             acc_m, acc_t, w0_v, w1_v,
             send0, send1, eidx0, eidx1, recv0, recv1, rad0, rad1, h_v,
             msg0, msg1, ef0, ef1,
             si0, si1, ri0, ri1, g0, g1, s0, s1):
    c = lax.axis_index("c")
    sid = lax.axis_index("s")

    SEND, EIDX, RECV, RAD = [send0, send1], [eidx0, eidx1], [recv0, recv1], [rad0, rad1]
    MSG, EF = [msg0, msg1], [ef0, ef1]
    SI, RI, G, S = [si0, si1], [ri0, ri1], [g0, g1], [s0, s1]

    pltpu.sync_copy(zrows, acc_m.at[pl.ds(sid * ROWS_PER_TILE, ROWS_PER_TILE)])
    pltpu.sync_copy(zrows, acc_t.at[pl.ds(sid * ROWS_PER_TILE, ROWS_PER_TILE)])
    pltpu.sync_copy(w0, w0_v)
    pltpu.sync_copy(w1, w1_v)
    plsc.subcore_barrier()

    w0vecs = [w0_v[pl.ds(16 * t, L)] for t in range(R * H // L)]
    w0s = [[w0vecs[(i * H + j) // L][(i * H + j) % L] for j in range(H)]
           for i in range(R)]
    cm = c * DH
    ct = D + c * DH

    def e0_of(k):
        return (sid + NS * k) * C

    def issue_in2(k, B):
        e0 = e0_of(k)
        pltpu.async_copy(snd.at[pl.ds(e0, C)], SEND[B], SI[B])
        pltpu.async_copy(rad.at[pl.ds(e0, C)], RAD[B].at[pl.ds(0, C)], SI[B])

    def wait_in2(k, B):
        e0 = e0_of(k)
        pltpu.make_async_copy(snd.at[pl.ds(e0, C)], SEND[B], SI[B]).wait()
        pltpu.make_async_copy(rad.at[pl.ds(e0, C)], RAD[B].at[pl.ds(0, C)],
                              SI[B]).wait()

    def issue_recv(k, B):
        pltpu.async_copy(rcv.at[pl.ds(e0_of(k), C)], RECV[B], RI[B])

    def wait_recv(k, B):
        pltpu.make_async_copy(rcv.at[pl.ds(e0_of(k), C)], RECV[B],
                              RI[B]).wait()

    def make_indices(k, B):
        sv, ev = SEND[B], EIDX[B]
        base = 2 * e0_of(k) + c
        io = lax.iota(jnp.int32, L) * 2
        for t in range(C // L):
            sv[pl.ds(L * t, L)] = sv[pl.ds(L * t, L)] * 2 + c
            ev[pl.ds(L * t, L)] = io + (base + 2 * L * t)

    def issue_gathers(B):
        pltpu.async_copy(nodes2.at[SEND[B]], MSG[B], G[B])
        pltpu.async_copy(ef2.at[EIDX[B]], EF[B], G[B])

    def wait_gathers(B):
        pltpu.make_async_copy(nodes2.at[SEND[B]], MSG[B], G[B]).wait()
        pltpu.make_async_copy(ef2.at[EIDX[B]], EF[B], G[B]).wait()

    def issue_scatter(B):
        pltpu.async_copy(MSG[B], acc_m.at[RECV[B]], S[B], add=True)
        pltpu.async_copy(EF[B], acc_t.at[RECV[B]], S[B], add=True)

    def wait_scatter(B):
        pltpu.make_async_copy(MSG[B], acc_m.at[RECV[B]], S[B]).wait()
        pltpu.make_async_copy(EF[B], acc_t.at[RECV[B]], S[B]).wait()

    def _merged_edges(B, lo_e, hi_e):
        msg_v, ef_v = MSG[B], EF[B]

        def h_bcast(e):
            ve = jnp.full((L,), 0, jnp.int32) + e
            return [plsc.load_gather(h_v, [jnp.full((L,), j, jnp.int32), ve])
                    for j in range(H)]

        def wsum_bf(wv, k2, hsbf):
            p = [wv[j][k2] * hsbf[j] for j in range(H)]
            q = [p[0] + p[1], p[2] + p[3], p[4] + p[5], p[6] + p[7]]
            return (q[0] + q[1]) + (q[2] + q[3])

        w1m = [[w1_v[j, pl.ds(cm + 32 * k2, 2 * L)] for k2 in range(DH // (2 * L))]
               for j in range(H)]
        w1t = [[w1_v[j, pl.ds(ct + 32 * k2, 2 * L)] for k2 in range(DH // (2 * L))]
               for j in range(H)]

        @plsc.parallel_loop(lo_e, hi_e)
        def _(e):
            hs = h_bcast(e)
            hsbf = [plsc.pack(hs[j], hs[j], format=plsc.PackFormat.INTERLEAVED)
                    for j in range(H)]
            for k2 in range(DH // (2 * L)):
                lo, hi = pl.ds(32 * k2, L), pl.ds(32 * k2 + L, L)
                m0, m1 = msg_v[e, lo], msg_v[e, hi]
                wt0, wt1 = plsc.unpack(wsum_bf(w1t, k2, hsbf),
                                       format=plsc.PackFormat.INTERLEAVED)
                ef_v[e, lo] = m0 * ef_v[e, lo] * wt0
                ef_v[e, hi] = m1 * ef_v[e, hi] * wt1
                wm0, wm1 = plsc.unpack(wsum_bf(w1m, k2, hsbf),
                                       format=plsc.PackFormat.INTERLEAVED)
                msg_v[e, lo] = m0 * wm0
                msg_v[e, hi] = m1 * wm1

    def compute_front(B):
        rad_v = RAD[B]

        @plsc.parallel_loop(0, CP // L)
        def _(g):
            rows = jnp.int32(L) * g + lax.iota(jnp.int32, L)
            r = [plsc.load_gather(rad_v, [rows, jnp.full((L,), i, jnp.int32)])
                 for i in range(R)]
            for j in range(H):
                a = r[0] * w0s[0][j]
                for i in range(1, R):
                    a = a + r[i] * w0s[i][j]
                h_v[j, pl.ds(L * g, L)] = a / (1.0 + jnp.exp(-a))

        _merged_edges(B, 0, C // 8)

    def compute_back(B):
        _merged_edges(B, C // 8, C)

    def half(k, B):
        o = 1 - B
        wait_gathers(B)
        compute_front(B)

        @pl.when(k + 1 < KPS)
        def _():
            wait_in2(k + 1, o)

            @pl.when(k >= 1)
            def _():
                wait_scatter(o)
                issue_recv(k + 1, o)

            make_indices(k + 1, o)
            issue_gathers(o)

        compute_back(B)
        wait_recv(k, B)
        issue_scatter(B)

        @pl.when(k + 2 < KPS)
        def _():
            issue_in2(k + 2, B)

        return 0

    issue_in2(0, 0)
    issue_recv(0, 0)
    issue_in2(1, 1)
    issue_recv(1, 1)
    wait_in2(0, 0)
    make_indices(0, 0)
    issue_gathers(0)

    def pair_body(p, _):
        half(2 * p, 0)
        half(2 * p + 1, 1)
        return 0

    lax.fori_loop(0, KPS // 2, pair_body, 0)

    wait_scatter(0)
    wait_scatter(1)
    plsc.subcore_barrier()

    @pl.when(sid == 0)
    def _():
        pltpu.sync_copy(acc_m, out.at[c, 0])
        pltpu.sync_copy(acc_t, out.at[c, 1])


def kernel(node_feats, edge_features, radial_embedding, senders, receivers, W0, W1):
    nodes2 = node_feats.reshape(2 * N, DH)
    ef2 = edge_features.reshape(2 * E, DH)
    w0f = W0.reshape(-1).astype(jnp.float32)
    w1s = (W1 * INV_SQRT_AVG).astype(jnp.float32)
    w1s = (w1s.reshape(H, 2 * D // 32, 2, 16)
              .transpose(0, 1, 3, 2)
              .reshape(H, 2 * D)
              .astype(jnp.bfloat16))
    zrows = jnp.zeros((ROWS_PER_TILE, DH), jnp.float32)
    mesh = plsc.VectorSubcoreMesh(core_axis_name="c", subcore_axis_name="s")
    f = pl.kernel(
        _sc_body,
        out_type=jax.ShapeDtypeStruct((NC, 2, N, DH), jnp.float32),
        mesh=mesh,
        compiler_params=pltpu.CompilerParams(needs_layout_passes=False,
                                             use_tc_tiling_on_sc=False),
        scratch_types=[
            pltpu.VMEM_SHARED((N, DH), jnp.float32),
            pltpu.VMEM_SHARED((N, DH), jnp.float32),
            pltpu.VMEM((R * H,), jnp.float32),
            pltpu.VMEM((H, 2 * D), jnp.bfloat16),
            pltpu.VMEM((C,), jnp.int32),
            pltpu.VMEM((C,), jnp.int32),
            pltpu.VMEM((C,), jnp.int32),
            pltpu.VMEM((C,), jnp.int32),
            pltpu.VMEM((C,), jnp.int32),
            pltpu.VMEM((C,), jnp.int32),
            pltpu.VMEM((CP, R), jnp.float32),
            pltpu.VMEM((CP, R), jnp.float32),
            pltpu.VMEM((H, CP), jnp.float32),
            pltpu.VMEM((C, DH), jnp.float32),
            pltpu.VMEM((C, DH), jnp.float32),
            pltpu.VMEM((C, DH), jnp.float32),
            pltpu.VMEM((C, DH), jnp.float32),
            pltpu.SemaphoreType.DMA,
            pltpu.SemaphoreType.DMA,
            pltpu.SemaphoreType.DMA,
            pltpu.SemaphoreType.DMA,
            pltpu.SemaphoreType.DMA,
            pltpu.SemaphoreType.DMA,
            pltpu.SemaphoreType.DMA,
            pltpu.SemaphoreType.DMA,
        ],
    )
    out2 = f(nodes2, ef2, radial_embedding, senders, receivers, w0f, w1s, zrows)
    return jnp.concatenate(
        [out2[0, 0], out2[1, 0], out2[0, 1], out2[1, 1]], axis=-1)

# --- scband reference (transcript-rebuilt; emitter-appended) ---
"""Pipeline reference for scband-message-passing-convolution-54382875902593 (READ-ONLY COPY).

The authoritative reference and input builder live on the scoring server;
editing this copy changes nothing except your own understanding.
"""

import jax, jax.numpy as jnp
import numpy as np

N, E, D, R, H = 10000, 320000, 128, 8, 8
AVG_NUM_NEIGHBORS = 32.0

def setup_inputs(seed: int = 0) -> dict:
    key = jax.random.key(seed)
    ks = jax.random.split(key, 7)
    node_feats = jax.random.normal(ks[0], (N, D), dtype=jnp.float32)
    edge_features = jax.random.normal(ks[1], (E, D), dtype=jnp.float32)
    radial_embedding = jax.random.normal(ks[2], (E, R), dtype=jnp.float32)
    senders = jax.random.randint(ks[3], (E,), 0, N, dtype=jnp.int32)
    receivers = jax.random.randint(ks[4], (E,), 0, N, dtype=jnp.int32)
    # radial MLP params (with_bias=False): 1 hidden layer of 8 neurons,
    # output size = num_irreps of concatenated messages = 2*D (messages + tensor-product channels)
    W0 = jax.random.normal(ks[5], (R, H), dtype=jnp.float32) / jnp.sqrt(R)
    W1 = jax.random.normal(ks[6], (H, 2 * D), dtype=jnp.float32) / jnp.sqrt(H)
    return {
        'node_feats': node_feats,
        'edge_features': edge_features,
        'radial_embedding': radial_embedding,
        'senders': senders,
        'receivers': receivers,
        'W0': W0,
        'W1': W1,
    }


def reference(node_feats, edge_features, radial_embedding, senders, receivers, W0, W1):
    # messages = node_feats[senders]  (gather over edges)
    messages = jnp.take(node_feats, senders, axis=0)              # [E, D]
    # tensor product of messages with edge features (scalar-irrep channelwise product)
    tp = messages * edge_features                                  # [E, D]
    # concatenate filtered messages with tensor-product features
    msgs = jnp.concatenate([messages, tp], axis=-1)                # [E, 2D]
    # radial MLP (no bias, swish hidden activation, linear output) -> per-channel weights
    h = jax.nn.swish(radial_embedding @ W0)                        # [E, H]
    weights = h @ W1                                               # [E, 2D]
    msgs = msgs * weights                                          # [E, 2D]
    # scatter-add messages to receiver nodes
    out = jnp.zeros((node_feats.shape[0], msgs.shape[1]), msgs.dtype).at[receivers].add(msgs)
    return out / jnp.sqrt(AVG_NUM_NEIGHBORS)

if __name__ == "__main__":
    import jax
    _d = setup_inputs()
    print(jax.jit(kernel)(*tuple(_d.values())))

</pallas_src>

<mosaic_0001>
#map = affine_map<(d0, d1) -> (0, 0)>
#map1 = affine_map<(d0, d1) -> (0)>
#map2 = affine_map<(d0, d1) -> (0, 0, 0, 0)>
module attributes {stable_mosaic.version = 14 : i64} {
  func.func @_sc_body(%arg0: i32, %arg1: i32, %arg2: memref<20000x64xf32, #tpu.memory_space<hbm>>, %arg3: memref<640000x64xf32, #tpu.memory_space<hbm>>, %arg4: memref<320000x8xf32, #tpu.memory_space<hbm>>, %arg5: memref<320000xi32, #tpu.memory_space<hbm>>, %arg6: memref<320000xi32, #tpu.memory_space<hbm>>, %arg7: memref<64xf32, #tpu.memory_space<hbm>>, %arg8: memref<8x256xbf16, #tpu.memory_space<hbm>>, %arg9: memref<625x64xf32, #tpu.memory_space<hbm>>, %arg10: memref<2x2x10000x64xf32, #tpu.memory_space<hbm>>, %arg11: memref<10000x64xf32, #tpu.memory_space<vmem_shared>>, %arg12: memref<10000x64xf32, #tpu.memory_space<vmem_shared>>, %arg13: memref<64xf32, #tpu.memory_space<vmem>>, %arg14: memref<8x256xbf16, #tpu.memory_space<vmem>>, %arg15: memref<80xi32, #tpu.memory_space<vmem>>, %arg16: memref<80xi32, #tpu.memory_space<vmem>>, %arg17: memref<80xi32, #tpu.memory_space<vmem>>, %arg18: memref<80xi32, #tpu.memory_space<vmem>>, %arg19: memref<80xi32, #tpu.memory_space<vmem>>, %arg20: memref<80xi32, #tpu.memory_space<vmem>>, %arg21: memref<80x8xf32, #tpu.memory_space<vmem>>, %arg22: memref<80x8xf32, #tpu.memory_space<vmem>>, %arg23: memref<8x80xf32, #tpu.memory_space<vmem>>, %arg24: memref<80x64xf32, #tpu.memory_space<vmem>>, %arg25: memref<80x64xf32, #tpu.memory_space<vmem>>, %arg26: memref<80x64xf32, #tpu.memory_space<vmem>>, %arg27: memref<80x64xf32, #tpu.memory_space<vmem>>, %arg28: memref<!tpu.dma_semaphore, #tpu.memory_space<semaphore_mem>>, %arg29: memref<!tpu.dma_semaphore, #tpu.memory_space<semaphore_mem>>, %arg30: memref<!tpu.dma_semaphore, #tpu.memory_space<semaphore_mem>>, %arg31: memref<!tpu.dma_semaphore, #tpu.memory_space<semaphore_mem>>, %arg32: memref<!tpu.dma_semaphore, #tpu.memory_space<semaphore_mem>>, %arg33: memref<!tpu.dma_semaphore, #tpu.memory_space<semaphore_mem>>, %arg34: memref<!tpu.dma_semaphore, #tpu.memory_space<semaphore_mem>>, %arg35: memref<!tpu.dma_semaphore, #tpu.memory_space<semaphore_mem>>) attributes {dimension_semantics = [#tpu.dimension_semantics<core_parallel>, #tpu.dimension_semantics<subcore_parallel>], iteration_bounds = array<i64: 2, 16>, scalar_prefetch = 0 : i64, scratch_operands = 25 : i64, tpu.core_type = #tpu.core_type<sc_vector_subcore>, window_params = [{transform_indices = #map}, {transform_indices = #map}, {transform_indices = #map}, {transform_indices = #map1}, {transform_indices = #map1}, {transform_indices = #map1}, {transform_indices = #map}, {transform_indices = #map}, {transform_indices = #map2}]} {
    %mul3A = arith.constant 625 : i32
    %mul3A_0 = arith.muli %arg1, %mul3A : i32
    "tpu.region"() ({
      %run_scoped3A = tpu.sem_alloc : memref<!tpu.dma_semaphore, #tpu.memory_space<semaphore_mem>>
      %dma_start3A_310 = arith.constant 0 : i32
      %dma_start3A_311 = tpu.memref_slice %arg11[%mul3A_0, %dma_start3A_310] : memref<10000x64xf32, #tpu.memory_space<vmem_shared>> -> memref<625x64xf32, #tpu.memory_space<vmem_shared>>
      tpu.enqueue_dma source(%arg9 : memref<625x64xf32, #tpu.memory_space<hbm>>) target(%dma_start3A_311 : memref<625x64xf32, #tpu.memory_space<vmem_shared>>) target_semaphore(%run_scoped3A : memref<!tpu.dma_semaphore, #tpu.memory_space<semaphore_mem>>)
      %dma_wait3A_312 = arith.constant 0 : i32
      %dma_wait3A_313 = tpu.memref_slice %arg11[%mul3A_0, %dma_wait3A_312] : memref<10000x64xf32, #tpu.memory_space<vmem_shared>> -> memref<625x64xf32, #tpu.memory_space<vmem_shared>>
      tpu.wait_dma2 semaphore(%run_scoped3A : memref<!tpu.dma_semaphore, #tpu.memory_space<semaphore_mem>>) src(%arg9 : memref<625x64xf32, #tpu.memory_space<hbm>>) dst(%dma_wait3A_313 : memref<625x64xf32, #tpu.memory_space<vmem_shared>>)
      tpu.yield
    }) : () -> ()
    %mul3A_1 = arith.constant 625 : i32
    %mul3A_2 = arith.muli %arg1, %mul3A_1 : i32
    "tpu.region"() ({
      %run_scoped3A = tpu.sem_alloc : memref<!tpu.dma_semaphore, #tpu.memory_space<semaphore_mem>>
      %dma_start3A_310 = arith.constant 0 : i32
      %dma_start3A_311 = tpu.memref_slice %arg12[%mul3A_2, %dma_start3A_310] : memref<10000x64xf32, #tpu.memory_space<vmem_shared>> -> memref<625x64xf32, #tpu.memory_space<vmem_shared>>
      tpu.enqueue_dma source(%arg9 : memref<625x64xf32, #tpu.memory_space<hbm>>) target(%dma_start3A_311 : memref<625x64xf32, #tpu.memory_space<vmem_shared>>) target_semaphore(%run_scoped3A : memref<!tpu.dma_semaphore, #tpu.memory_space<semaphore_mem>>)
      %dma_wait3A_312 = arith.constant 0 : i32
      %dma_wait3A_313 = tpu.memref_slice %arg12[%mul3A_2, %dma_wait3A_312] : memref<10000x64xf32, #tpu.memory_space<vmem_shared>> -> memref<625x64xf32, #tpu.memory_space<vmem_shared>>
      tpu.wait_dma2 semaphore(%run_scoped3A : memref<!tpu.dma_semaphore, #tpu.memory_space<semaphore_mem>>) src(%arg9 : memref<625x64xf32, #tpu.memory_space<hbm>>) dst(%dma_wait3A_313 : memref<625x64xf32, #tpu.memory_space<vmem_shared>>)
      tpu.yield
    }) : () -> ()
    "tpu.region"() ({
      %run_scoped3A = tpu.sem_alloc : memref<!tpu.dma_semaphore, #tpu.memory_space<semaphore_mem>>
      tpu.enqueue_dma source(%arg7 : memref<64xf32, #tpu.memory_space<hbm>>) target(%arg13 : memref<64xf32, #tpu.memory_space<vmem>>) target_semaphore(%run_scoped3A : memref<!tpu.dma_semaphore, #tpu.memory_space<semaphore_mem>>)
      tpu.wait_dma2 semaphore(%run_scoped3A : memref<!tpu.dma_semaphore, #tpu.memory_space<semaphore_mem>>) src(%arg7 : memref<64xf32, #tpu.memory_space<hbm>>) dst(%arg13 : memref<64xf32, #tpu.memory_space<vmem>>)
      tpu.yield
    }) : () -> ()
    "tpu.region"() ({
      %run_scoped3A = tpu.sem_alloc : memref<!tpu.dma_semaphore, #tpu.memory_space<semaphore_mem>>
      tpu.enqueue_dma source(%arg8 : memref<8x256xbf16, #tpu.memory_space<hbm>>) target(%arg14 : memref<8x256xbf16, #tpu.memory_space<vmem>>) target_semaphore(%run_scoped3A : memref<!tpu.dma_semaphore, #tpu.memory_space<semaphore_mem>>)
      tpu.wait_dma2 semaphore(%run_scoped3A : memref<!tpu.dma_semaphore, #tpu.memory_space<semaphore_mem>>) src(%arg8 : memref<8x256xbf16, #tpu.memory_space<hbm>>) dst(%arg14 : memref<8x256xbf16, #tpu.memory_space<vmem>>)
      tpu.yield
    }) : () -> ()
    %barrier3A = arith.constant 0 : index
    tpu.barrier barrier_id(%barrier3A)
    %get3A = arith.constant 0 : index
    %get3A_3 = tpu.vector_load %arg13[%get3A] {strides = array<i32>} : memref<64xf32, #tpu.memory_space<vmem>>, vector<16xf32>,
    %get3A_4 = arith.constant 16 : index
    %get3A_5 = tpu.vector_load %arg13[%get3A_4] {strides = array<i32>} : memref<64xf32, #tpu.memory_space<vmem>>, vector<16xf32>,
    %get3A_6 = arith.constant 32 : index
    %get3A_7 = tpu.vector_load %arg13[%get3A_6] {strides = array<i32>} : memref<64xf32, #tpu.memory_space<vmem>>, vector<16xf32>,
    %get3A_8 = arith.constant 48 : index
    %get3A_9 = tpu.vector_load %arg13[%get3A_8] {strides = array<i32>} : memref<64xf32, #tpu.memory_space<vmem>>, vector<16xf32>,
    %slice3A = vector.extract_strided_slice %get3A_3 {offsets = [0], sizes = [1], strides = [1]} : vector<16xf32> to vector<1xf32>
    %squeeze3A = vector.extract %slice3A[0] : f32 from vector<1xf32>
    %slice3A_10 = vector.extract_strided_slice %get3A_3 {offsets = [1], sizes = [1], strides = [1]} : vector<16xf32> to vector<1xf32>
    %squeeze3A_11 = vector.extract %slice3A_10[0] : f32 from vector<1xf32>
    %slice3A_12 = vector.extract_strided_slice %get3A_3 {offsets = [2], sizes = [1], strides = [1]} : vector<16xf32> to vector<1xf32>
    %squeeze3A_13 = vector.extract %slice3A_12[0] : f32 from vector<1xf32>
    %slice3A_14 = vector.extract_strided_slice %get3A_3 {offsets = [3], sizes = [1], strides = [1]} : vector<16xf32> to vector<1xf32>
    %squeeze3A_15 = vector.extract %slice3A_14[0] : f32 from vector<1xf32>
    %slice3A_16 = vector.extract_strided_slice %get3A_3 {offsets = [4], sizes = [1], strides = [1]} : vector<16xf32> to vector<1xf32>
    %squeeze3A_17 = vector.extract %slice3A_16[0] : f32 from vector<1xf32>
    %slice3A_18 = vector.extract_strided_slice %get3A_3 {offsets = [5], sizes = [1], strides = [1]} : vector<16xf32> to vector<1xf32>
    %squeeze3A_19 = vector.extract %slice3A_18[0] : f32 from vector<1xf32>
    %slice3A_20 = vector.extract_strided_slice %get3A_3 {offsets = [6], sizes = [1], strides = [1]} : vector<16xf32> to vector<1xf32>
    %squeeze3A_21 = vector.extract %slice3A_20[0] : f32 from vector<1xf32>
    %slice3A_22 = vector.extract_strided_slice %get3A_3 {offsets = [7], sizes = [1], strides = [1]} : vector<16xf32> to vector<1xf32>
    %squeeze3A_23 = vector.extract %slice3A_22[0] : f32 from vector<1xf32>
    %slice3A_24 = vector.extract_strided_slice %get3A_3 {offsets = [8], sizes = [1], strides = [1]} : vector<16xf32> to vector<1xf32>
    %squeeze3A_25 = vector.extract %slice3A_24[0] : f32 from vector<1xf32>
    %slice3A_26 = vector.extract_strided_slice %get3A_3 {offsets = [9], sizes = [1], strides = [1]} : vector<16xf32> to vector<1xf32>
    %squeeze3A_27 = vector.extract %slice3A_26[0] : f32 from vector<1xf32>
    %slice3A_28 = vector.extract_strided_slice %get3A_3 {offsets = [10], sizes = [1], strides = [1]} : vector<16xf32> to vector<1xf32>
    %squeeze3A_29 = vector.extract %slice3A_28[0] : f32 from vector<1xf32>
    %slice3A_30 = vector.extract_strided_slice %get3A_3 {offsets = [11], sizes = [1], strides = [1]} : vector<16xf32> to vector<1xf32>
    %squeeze3A_31 = vector.extract %slice3A_30[0] : f32 from vector<1xf32>
    %slice3A_32 = vector.extract_strided_slice %get3A_3 {offsets = [12], sizes = [1], strides = [1]} : vector<16xf32> to vector<1xf32>
    %squeeze3A_33 = vector.extract %slice3A_32[0] : f32 from vector<1xf32>
    %slice3A_34 = vector.extract_strided_slice %get3A_3 {offsets = [13], sizes = [1], strides = [1]} : vector<16xf32> to vector<1xf32>
    %squeeze3A_35 = vector.extract %slice3A_34[0] : f32 from vector<1xf32>
    %slice3A_36 = vector.extract_strided_slice %get3A_3 {offsets = [14], sizes = [1], strides = [1]} : vector<16xf32> to vector<1xf32>
    %squeeze3A_37 = vector.extract %slice3A_36[0] : f32 from vector<1xf32>
    %slice3A_38 = vector.extract_strided_slice %get3A_3 {offsets = [15], sizes = [1], strides = [1]} : vector<16xf32> to vector<1xf32>
    %squeeze3A_39 = vector.extract %slice3A_38[0] : f32 from vector<1xf32>
    %slice3A_40 = vector.extract_strided_slice %get3A_5 {offsets = [0], sizes = [1], strides = [1]} : vector<16xf32> to vector<1xf32>
    %squeeze3A_41 = vector.extract %slice3A_40[0] : f32 from vector<1xf32>
    %slice3A_42 = vector.extract_strided_slice %get3A_5 {offsets = [1], sizes = [1], strides = [1]} : vector<16xf32> to vector<1xf32>
    %squeeze3A_43 = vector.extract %slice3A_42[0] : f32 from vector<1xf32>
    %slice3A_44 = vector.extract_strided_slice %get3A_5 {offsets = [2], sizes = [1], strides = [1]} : vector<16xf32> to vector<1xf32>
    %squeeze3A_45 = vector.extract %slice3A_44[0] : f32 from vector<1xf32>
    %slice3A_46 = vector.extract_strided_slice %get3A_5 {offsets = [3], sizes = [1], strides = [1]} : vector<16xf32> to vector<1xf32>
    %squeeze3A_47 = vector.extract %slice3A_46[0] : f32 from vector<1xf32>
    %slice3A_48 = vector.extract_strided_slice %get3A_5 {offsets = [4], sizes = [1], strides = [1]} : vector<16xf32> to vector<1xf32>
    %squeeze3A_49 = vector.extract %slice3A_48[0] : f32 from vector<1xf32>
    %slice3A_50 = vector.extract_strided_slice %get3A_5 {offsets = [5], sizes = [1], strides = [1]} : vector<16xf32> to vector<1xf32>
    %squeeze3A_51 = vector.extract %slice3A_50[0] : f32 from vector<1xf32>
    %slice3A_52 = vector.extract_strided_slice %get3A_5 {offsets = [6], sizes = [1], strides = [1]} : vector<16xf32> to vector<1xf32>
    %squeeze3A_53 = vector.extract %slice3A_52[0] : f32 from vector<1xf32>
    %slice3A_54 = vector.extract_strided_slice %get3A_5 {offsets = [7], sizes = [1], strides = [1]} : vector<16xf32> to vector<1xf32>
    %squeeze3A_55 = vector.extract %slice3A_54[0] : f32 from vector<1xf32>
    %slice3A_56 = vector.extract_strided_slice %get3A_5 {offsets = [8], sizes = [1], strides = [1]} : vector<16xf32> to vector<1xf32>
    %squeeze3A_57 = vector.extract %slice3A_56[0] : f32 from vector<1xf32>
    %slice3A_58 = vector.extract_strided_slice %get3A_5 {offsets = [9], sizes = [1], strides = [1]} : vector<16xf32> to vector<1xf32>
    %squeeze3A_59 = vector.extract %slice3A_58[0] : f32 from vector<1xf32>
    %slice3A_60 = vector.extract_strided_slice %get3A_5 {offsets = [10], sizes = [1], strides = [1]} : vector<16xf32> to vector<1xf32>
    %squeeze3A_61 = vector.extract %slice3A_60[0] : f32 from vector<1xf32>
    %slice3A_62 = vector.extract_strided_slice %get3A_5 {offsets = [11], sizes = [1], strides = [1]} : vector<16xf32> to vector<1xf32>
    %squeeze3A_63 = vector.extract %slice3A_62[0] : f32 from vector<1xf32>
    %slice3A_64 = vector.extract_strided_slice %get3A_5 {offsets = [12], sizes = [1], strides = [1]} : vector<16xf32> to vector<1xf32>
    %squeeze3A_65 = vector.extract %slice3A_64[0] : f32 from vector<1xf32>
    %slice3A_66 = vector.extract_strided_slice %get3A_5 {offsets = [13], sizes = [1], strides = [1]} : vector<16xf32> to vector<1xf32>
    %squeeze3A_67 = vector.extract %slice3A_66[0] : f32 from vector<1xf32>
    %slice3A_68 = vector.extract_strided_slice %get3A_5 {offsets = [14], sizes = [1], strides = [1]} : vector<16xf32> to vector<1xf32>
    %squeeze3A_69 = vector.extract %slice3A_68[0] : f32 from vector<1xf32>
    %slice3A_70 = vector.extract_strided_slice %get3A_5 {offsets = [15], sizes = [1], strides = [1]} : vector<16xf32> to vector<1xf32>
    %squeeze3A_71 = vector.extract %slice3A_70[0] : f32 from vector<1xf32>
    %slice3A_72 = vector.extract_strided_slice %get3A_7 {offsets = [0], sizes = [1], strides = [1]} : vector<16xf32> to vector<1xf32>
    %squeeze3A_73 = vector.extract %slice3A_72[0] : f32 from vector<1xf32>
    %slice3A_74 = vector.extract_strided_slice %get3A_7 {offsets = [1], sizes = [1], strides = [1]} : vector<16xf32> to vector<1xf32>
    %squeeze3A_75 = vector.extract %slice3A_74[0] : f32 from vector<1xf32>
    %slice3A_76 = vector.extract_strided_slice %get3A_7 {offsets = [2], sizes = [1], strides = [1]} : vector<16xf32> to vector<1xf32>
    %squeeze3A_77 = vector.extract %slice3A_76[0] : f32 from vector<1xf32>
    %slice3A_78 = vector.extract_strided_slice %get3A_7 {offsets = [3], sizes = [1], strides = [1]} : vector<16xf32> to vector<1xf32>
    %squeeze3A_79 = vector.extract %slice3A_78[0] : f32 from vector<1xf32>
    %slice3A_80 = vector.extract_strided_slice %get3A_7 {offsets = [4], sizes = [1], strides = [1]} : vector<16xf32> to vector<1xf32>
    %squeeze3A_81 = vector.extract %slice3A_80[0] : f32 from vector<1xf32>
    %slice3A_82 = vector.extract_strided_slice %get3A_7 {offsets = [5], sizes = [1], strides = [1]} : vector<16xf32> to vector<1xf32>
    %squeeze3A_83 = vector.extract %slice3A_82[0] : f32 from vector<1xf32>
    %slice3A_84 = vector.extract_strided_slice %get3A_7 {offsets = [6], sizes = [1], strides = [1]} : vector<16xf32> to vector<1xf32>
    %squeeze3A_85 = vector.extract %slice3A_84[0] : f32 from vector<1xf32>
    %slice3A_86 = vector.extract_strided_slice %get3A_7 {offsets = [7], sizes = [1], strides = [1]} : vector<16xf32> to vector<1xf32>
    %squeeze3A_87 = vector.extract %slice3A_86[0] : f32 from vector<1xf32>
    %slice3A_88 = vector.extract_strided_slice %get3A_7 {offsets = [8], sizes = [1], strides = [1]} : vector<16xf32> to vector<1xf32>
    %squeeze3A_89 = vector.extract %slice3A_88[0] : f32 from vector<1xf32>
    %slice3A_90 = vector.extract_strided_slice %get3A_7 {offsets = [9], sizes = [1], strides = [1]} : vector<16xf32> to vector<1xf32>
    %squeeze3A_91 = vector.extract %slice3A_90[0] : f32 from vector<1xf32>
    %slice3A_92 = vector.extract_strided_slice %get3A_7 {offsets = [10], sizes = [1], strides = [1]} : vector<16xf32> to vector<1xf32>
    %squeeze3A_93 = vector.extract %slice3A_92[0] : f32 from vector<1xf32>
    %slice3A_94 = vector.extract_strided_slice %get3A_7 {offsets = [11], sizes = [1], strides = [1]} : vector<16xf32> to vector<1xf32>
    %squeeze3A_95 = vector.extract %slice3A_94[0] : f32 from vector<1xf32>
    %slice3A_96 = vector.extract_strided_slice %get3A_7 {offsets = [12], sizes = [1], strides = [1]} : vector<16xf32> to vector<1xf32>
    %squeeze3A_97 = vector.extract %slice3A_96[0] : f32 from vector<1xf32>
    %slice3A_98 = vector.extract_strided_slice %get3A_7 {offsets = [13], sizes = [1], strides = [1]} : vector<16xf32> to vector<1xf32>
    %squeeze3A_99 = vector.extract %slice3A_98[0] : f32 from vector<1xf32>
    %slice3A_100 = vector.extract_strided_slice %get3A_7 {offsets = [14], sizes = [1], strides = [1]} : vector<16xf32> to vector<1xf32>
    %squeeze3A_101 = vector.extract %slice3A_100[0] : f32 from vector<1xf32>
    %slice3A_102 = vector.extract_strided_slice %get3A_7 {offsets = [15], sizes = [1], strides = [1]} : vector<16xf32> to vector<1xf32>
    %squeeze3A_103 = vector.extract %slice3A_102[0] : f32 from vector<1xf32>
    %slice3A_104 = vector.extract_strided_slice %get3A_9 {offsets = [0], sizes = [1], strides = [1]} : vector<16xf32> to vector<1xf32>
    %squeeze3A_105 = vector.extract %slice3A_104[0] : f32 from vector<1xf32>
    %slice3A_106 = vector.extract_strided_slice %get3A_9 {offsets = [1], sizes = [1], strides = [1]} : vector<16xf32> to vector<1xf32>
    %squeeze3A_107 = vector.extract %slice3A_106[0] : f32 from vector<1xf32>
    %slice3A_108 = vector.extract_strided_slice %get3A_9 {offsets = [2], sizes = [1], strides = [1]} : vector<16xf32> to vector<1xf32>
    %squeeze3A_109 = vector.extract %slice3A_108[0] : f32 from vector<1xf32>
    %slice3A_110 = vector.extract_strided_slice %get3A_9 {offsets = [3], sizes = [1], strides = [1]} : vector<16xf32> to vector<1xf32>
    %squeeze3A_111 = vector.extract %slice3A_110[0] : f32 from vector<1xf32>
    %slice3A_112 = vector.extract_strided_slice %get3A_9 {offsets = [4], sizes = [1], strides = [1]} : vector<16xf32> to vector<1xf32>
    %squeeze3A_113 = vector.extract %slice3A_112[0] : f32 from vector<1xf32>
    %slice3A_114 = vector.extract_strided_slice %get3A_9 {offsets = [5], sizes = [1], strides = [1]} : vector<16xf32> to vector<1xf32>
    %squeeze3A_115 = vector.extract %slice3A_114[0] : f32 from vector<1xf32>
    %slice3A_116 = vector.extract_strided_slice %get3A_9 {offsets = [6], sizes = [1], strides = [1]} : vector<16xf32> to vector<1xf32>
    %squeeze3A_117 = vector.extract %slice3A_116[0] : f32 from vector<1xf32>
    %slice3A_118 = vector.extract_strided_slice %get3A_9 {offsets = [7], sizes = [1], strides = [1]} : vector<16xf32> to vector<1xf32>
    %squeeze3A_119 = vector.extract %slice3A_118[0] : f32 from vector<1xf32>
    %slice3A_120 = vector.extract_strided_slice %get3A_9 {offsets = [8], sizes = [1], strides = [1]} : vector<16xf32> to vector<1xf32>
    %squeeze3A_121 = vector.extract %slice3A_120[0] : f32 from vector<1xf32>
    %slice3A_122 = vector.extract_strided_slice %get3A_9 {offsets = [9], sizes = [1], strides = [1]} : vector<16xf32> to vector<1xf32>
    %squeeze3A_123 = vector.extract %slice3A_122[0] : f32 from vector<1xf32>
    %slice3A_124 = vector.extract_strided_slice %get3A_9 {offsets = [10], sizes = [1], strides = [1]} : vector<16xf32> to vector<1xf32>
    %squeeze3A_125 = vector.extract %slice3A_124[0] : f32 from vector<1xf32>
    %slice3A_126 = vector.extract_strided_slice %get3A_9 {offsets = [11], sizes = [1], strides = [1]} : vector<16xf32> to vector<1xf32>
    %squeeze3A_127 = vector.extract %slice3A_126[0] : f32 from vector<1xf32>
    %slice3A_128 = vector.extract_strided_slice %get3A_9 {offsets = [12], sizes = [1], strides = [1]} : vector<16xf32> to vector<1xf32>
    %squeeze3A_129 = vector.extract %slice3A_128[0] : f32 from vector<1xf32>
    %slice3A_130 = vector.extract_strided_slice %get3A_9 {offsets = [13], sizes = [1], strides = [1]} : vector<16xf32> to vector<1xf32>
    %squeeze3A_131 = vector.extract %slice3A_130[0] : f32 from vector<1xf32>
    %slice3A_132 = vector.extract_strided_slice %get3A_9 {offsets = [14], sizes = [1], strides = [1]} : vector<16xf32> to vector<1xf32>
    %squeeze3A_133 = vector.extract %slice3A_132[0] : f32 from vector<1xf32>
    %slice3A_134 = vector.extract_strided_slice %get3A_9 {offsets = [15], sizes = [1], strides = [1]} : vector<16xf32> to vector<1xf32>
    %squeeze3A_135 = vector.extract %slice3A_134[0] : f32 from vector<1xf32>
    %mul3A_136 = arith.constant 64 : i32
    %mul3A_137 = arith.muli %arg0, %mul3A_136 : i32
    %mul3A_138 = arith.constant 64 : i32
    %mul3A_139 = arith.muli %arg0, %mul3A_138 : i32
    %add3A = arith.constant 128 : i32
    %add3A_140 = arith.addi %add3A, %mul3A_139 : i32
    %add3A_141 = arith.constant 0 : i32
    %add3A_142 = arith.addi %arg1, %add3A_141 : i32
    %mul3A_143 = arith.constant 80 : i32
    %mul3A_144 = arith.muli %add3A_142, %mul3A_143 : i32
    %dma_start3A = tpu.memref_slice %arg5[%mul3A_144] : memref<320000xi32, #tpu.memory_space<hbm>> -> memref<80xi32, #tpu.memory_space<hbm>>
    %dma_start3A_145 = tpu.memref_slice %arg5[%mul3A_144] : memref<320000xi32, #tpu.memory_space<hbm>> -> memref<80xi32, #tpu.memory_space<hbm>>
    tpu.enqueue_dma source(%dma_start3A_145 : memref<80xi32, #tpu.memory_space<hbm>>) target(%arg15 : memref<80xi32, #tpu.memory_space<vmem>>) target_semaphore(%arg28 : memref<!tpu.dma_semaphore, #tpu.memory_space<semaphore_mem>>)
    %dma_start3A_146 = arith.constant 0 : i32
    %dma_start3A_147 = arith.constant 0 : i32
    %dma_start3A_148 = tpu.memref_slice %arg21[%dma_start3A_146, %dma_start3A_147] : memref<80x8xf32, #tpu.memory_space<vmem>> -> memref<80x8xf32, #tpu.memory_space<vmem>>
    %dma_start3A_149 = arith.constant 0 : i32
    %dma_start3A_150 = tpu.memref_slice %arg4[%mul3A_144, %dma_start3A_149] : memref<320000x8xf32, #tpu.memory_space<hbm>> -> memref<80x8xf32, #tpu.memory_space<hbm>>
    %dma_start3A_151 = arith.constant 0 : i32
    %dma_start3A_152 = arith.constant 0 : i32
    %dma_start3A_153 = tpu.memref_slice %arg21[%dma_start3A_151, %dma_start3A_152] : memref<80x8xf32, #tpu.memory_space<vmem>> -> memref<80x8xf32, #tpu.memory_space<vmem>>
    %dma_start3A_154 = arith.constant 0 : i32
    %dma_start3A_155 = tpu.memref_slice %arg4[%mul3A_144, %dma_start3A_154] : memref<320000x8xf32, #tpu.memory_space<hbm>> -> memref<80x8xf32, #tpu.memory_space<hbm>>
    tpu.enqueue_dma source(%dma_start3A_155 : memref<80x8xf32, #tpu.memory_space<hbm>>) target(%dma_start3A_153 : memref<80x8xf32, #tpu.memory_space<vmem>>) target_semaphore(%arg28 : memref<!tpu.dma_semaphore, #tpu.memory_space<semaphore_mem>>)
    %add3A_156 = arith.constant 0 : i32
    %add3A_157 = arith.addi %arg1, %add3A_156 : i32
    %mul3A_158 = arith.constant 80 : i32
    %mul3A_159 = arith.muli %add3A_157, %mul3A_158 : i32
    %dma_start3A_160 = tpu.memref_slice %arg6[%mul3A_159] : memref<320000xi32, #tpu.memory_space<hbm>> -> memref<80xi32, #tpu.memory_space<hbm>>
    %dma_start3A_161 = tpu.memref_slice %arg6[%mul3A_159] : memref<320000xi32, #tpu.memory_space<hbm>> -> memref<80xi32, #tpu.memory_space<hbm>>
    tpu.enqueue_dma source(%dma_start3A_161 : memref<80xi32, #tpu.memory_space<hbm>>) target(%arg19 : memref<80xi32, #tpu.memory_space<vmem>>) target_semaphore(%arg30 : memref<!tpu.dma_semaphore, #tpu.memory_space<semaphore_mem>>)
    %add3A_162 = arith.constant 16 : i32
    %add3A_163 = arith.addi %arg1, %add3A_162 : i32
    %mul3A_164 = arith.constant 80 : i32
    %mul3A_165 = arith.muli %add3A_163, %mul3A_164 : i32
    %dma_start3A_166 = tpu.memref_slice %arg5[%mul3A_165] : memref<320000xi32, #tpu.memory_space<hbm>> -> memref<80xi32, #tpu.memory_space<hbm>>
    %dma_start3A_167 = tpu.memref_slice %arg5[%mul3A_165] : memref<320000xi32, #tpu.memory_space<hbm>> -> memref<80xi32, #tpu.memory_space<hbm>>
    tpu.enqueue_dma source(%dma_start3A_167 : memref<80xi32, #tpu.memory_space<hbm>>) target(%arg16 : memref<80xi32, #tpu.memory_space<vmem>>) target_semaphore(%arg29 : memref<!tpu.dma_semaphore, #tpu.memory_space<semaphore_mem>>)
    %dma_start3A_168 = arith.constant 0 : i32
    %dma_start3A_169 = arith.constant 0 : i32
    %dma_start3A_170 = tpu.memref_slice %arg22[%dma_start3A_168, %dma_start3A_169] : memref<80x8xf32, #tpu.memory_space<vmem>> -> memref<80x8xf32, #tpu.memory_space<vmem>>
    %dma_start3A_171 = arith.constant 0 : i32
    %dma_start3A_172 = tpu.memref_slice %arg4[%mul3A_165, %dma_start3A_171] : memref<320000x8xf32, #tpu.memory_space<hbm>> -> memref<80x8xf32, #tpu.memory_space<hbm>>
    %dma_start3A_173 = arith.constant 0 : i32
    %dma_start3A_174 = arith.constant 0 : i32
    %dma_start3A_175 = tpu.memref_slice %arg22[%dma_start3A_173, %dma_start3A_174] : memref<80x8xf32, #tpu.memory_space<vmem>> -> memref<80x8xf32, #tpu.memory_space<vmem>>
    %dma_start3A_176 = arith.constant 0 : i32
    %dma_start3A_177 = tpu.memref_slice %arg4[%mul3A_165, %dma_start3A_176] : memref<320000x8xf32, #tpu.memory_space<hbm>> -> memref<80x8xf32, #tpu.memory_space<hbm>>
    tpu.enqueue_dma source(%dma_start3A_177 : memref<80x8xf32, #tpu.memory_space<hbm>>) target(%dma_start3A_175 : memref<80x8xf32, #tpu.memory_space<vmem>>) target_semaphore(%arg29 : memref<!tpu.dma_semaphore, #tpu.memory_space<semaphore_mem>>)
    %add3A_178 = arith.constant 16 : i32
    %add3A_179 = arith.addi %arg1, %add3A_178 : i32
    %mul3A_180 = arith.constant 80 : i32
    %mul3A_181 = arith.muli %add3A_179, %mul3A_180 : i32
    %dma_start3A_182 = tpu.memref_slice %arg6[%mul3A_181] : memref<320000xi32, #tpu.memory_space<hbm>> -> memref<80xi32, #tpu.memory_space<hbm>>
    %dma_start3A_183 = tpu.memref_slice %arg6[%mul3A_181] : memref<320000xi32, #tpu.memory_space<hbm>> -> memref<80xi32, #tpu.memory_space<hbm>>
    tpu.enqueue_dma source(%dma_start3A_183 : memref<80xi32, #tpu.memory_space<hbm>>) target(%arg20 : memref<80xi32, #tpu.memory_space<vmem>>) target_semaphore(%arg31 : memref<!tpu.dma_semaphore, #tpu.memory_space<semaphore_mem>>)
    %add3A_184 = arith.constant 0 : i32
    %add3A_185 = arith.addi %arg1, %add3A_184 : i32
    %mul3A_186 = arith.constant 80 : i32
    %mul3A_187 = arith.muli %add3A_185, %mul3A_186 : i32
    %dma_wait3A = tpu.memref_slice %arg5[%mul3A_187] : memref<320000xi32, #tpu.memory_space<hbm>> -> memref<80xi32, #tpu.memory_space<hbm>>
    %dma_wait3A_188 = tpu.memref_slice %arg5[%mul3A_187] : memref<320000xi32, #tpu.memory_space<hbm>> -> memref<80xi32, #tpu.memory_space<hbm>>
    tpu.wait_dma2 semaphore(%arg28 : memref<!tpu.dma_semaphore, #tpu.memory_space<semaphore_mem>>) src(%dma_wait3A_188 : memref<80xi32, #tpu.memory_space<hbm>>) dst(%arg15 : memref<80xi32, #tpu.memory_space<vmem>>)
    %dma_wait3A_189 = arith.constant 0 : i32
    %dma_wait3A_190 = arith.constant 0 : i32
    %dma_wait3A_191 = tpu.memref_slice %arg21[%dma_wait3A_189, %dma_wait3A_190] : memref<80x8xf32, #tpu.memory_space<vmem>> -> memref<80x8xf32, #tpu.memory_space<vmem>>
    %dma_wait3A_192 = arith.constant 0 : i32
    %dma_wait3A_193 = tpu.memref_slice %arg4[%mul3A_187, %dma_wait3A_192] : memref<320000x8xf32, #tpu.memory_space<hbm>> -> memref<80x8xf32, #tpu.memory_space<hbm>>
    %dma_wait3A_194 = arith.constant 0 : i32
    %dma_wait3A_195 = arith.constant 0 : i32
    %dma_wait3A_196 = tpu.memref_slice %arg21[%dma_wait3A_194, %dma_wait3A_195] : memref<80x8xf32, #tpu.memory_space<vmem>> -> memref<80x8xf32, #tpu.memory_space<vmem>>
    %dma_wait3A_197 = arith.constant 0 : i32
    %dma_wait3A_198 = tpu.memref_slice %arg4[%mul3A_187, %dma_wait3A_197] : memref<320000x8xf32, #tpu.memory_space<hbm>> -> memref<80x8xf32, #tpu.memory_space<hbm>>
    tpu.wait_dma2 semaphore(%arg28 : memref<!tpu.dma_semaphore, #tpu.memory_space<semaphore_mem>>) src(%dma_wait3A_198 : memref<80x8xf32, #tpu.memory_space<hbm>>) dst(%dma_wait3A_196 : memref<80x8xf32, #tpu.memory_space<vmem>>)
    %add3A_199 = arith.constant 0 : i32
    %add3A_200 = arith.addi %arg1, %add3A_199 : i32
    %mul3A_201 = arith.constant 80 : i32
    %mul3A_202 = arith.muli %add3A_200, %mul3A_201 : i32
    %mul3A_203 = arith.constant 2 : i32
    %mul3A_204 = arith.muli %mul3A_203, %mul3A_202 : i32
    %add3A_205 = arith.addi %mul3A_204, %arg0 : i32
    %iota3A = tpu.iota {dimensions = array<i32: 0>} : vector<16xi32>
    %mul3A_206 = arith.constant 2 : i32
    %mul3A_207 = vector.broadcast %mul3A_206 : i32 to vector<16xi32>
    %mul3A_208 = arith.muli %iota3A, %mul3A_207 : vector<16xi32>
    %get3A_209 = arith.constant 0 : index
    %get3A_210 = tpu.vector_load %arg15[%get3A_209] {strides = array<i32>} : memref<80xi32, #tpu.memory_space<vmem>>, vector<16xi32>,
    %mul3A_211 = arith.constant 2 : i32
    %mul3A_212 = vector.broadcast %mul3A_211 : i32 to vector<16xi32>
    %mul3A_213 = arith.muli %get3A_210, %mul3A_212 : vector<16xi32>
    %add3A_214 = vector.broadcast %arg0 : i32 to vector<16xi32>
    %add3A_215 = arith.addi %mul3A_213, %add3A_214 : vector<16xi32>
    %swap3A = arith.constant 0 : index
    %swap3A_216 = tpu.vector_load %arg15[%swap3A] {strides = array<i32>} : memref<80xi32, #tpu.memory_space<vmem>>, vector<16xi32>,
    tpu.vector_store %arg15[%swap3A], %add3A_215 {strides = array<i32>} : memref<80xi32, #tpu.memory_space<vmem>>, vector<16xi32>,
    %add3A_217 = arith.constant 0 : i32
    %add3A_218 = arith.addi %add3A_205, %add3A_217 : i32
    %add3A_219 = vector.broadcast %add3A_218 : i32 to vector<16xi32>
    %add3A_220 = arith.addi %mul3A_208, %add3A_219 : vector<16xi32>
    %swap3A_221 = arith.constant 0 : index
    %swap3A_222 = tpu.vector_load %arg17[%swap3A_221] {strides = array<i32>} : memref<80xi32, #tpu.memory_space<vmem>>, vector<16xi32>,
    tpu.vector_store %arg17[%swap3A_221], %add3A_220 {strides = array<i32>} : memref<80xi32, #tpu.memory_space<vmem>>, vector<16xi32>,
    %get3A_223 = arith.constant 16 : index
    %get3A_224 = tpu.vector_load %arg15[%get3A_223] {strides = array<i32>} : memref<80xi32, #tpu.memory_space<vmem>>, vector<16xi32>,
    %mul3A_225 = arith.constant 2 : i32
    %mul3A_226 = vector.broadcast %mul3A_225 : i32 to vector<16xi32>
    %mul3A_227 = arith.muli %get3A_224, %mul3A_226 : vector<16xi32>
    %add3A_228 = vector.broadcast %arg0 : i32 to vector<16xi32>
    %add3A_229 = arith.addi %mul3A_227, %add3A_228 : vector<16xi32>
    %swap3A_230 = arith.constant 16 : index
    %swap3A_231 = tpu.vector_load %arg15[%swap3A_230] {strides = array<i32>} : memref<80xi32, #tpu.memory_space<vmem>>, vector<16xi32>,
    tpu.vector_store %arg15[%swap3A_230], %add3A_229 {strides = array<i32>} : memref<80xi32, #tpu.memory_space<vmem>>, vector<16xi32>,
    %add3A_232 = arith.constant 32 : i32
    %add3A_233 = arith.addi %add3A_205, %add3A_232 : i32
    %add3A_234 = vector.broadcast %add3A_233 : i32 to vector<16xi32>
    %add3A_235 = arith.addi %mul3A_208, %add3A_234 : vector<16xi32>
    %swap3A_236 = arith.constant 16 : index
    %swap3A_237 = tpu.vector_load %arg17[%swap3A_236] {strides = array<i32>} : memref<80xi32, #tpu.memory_space<vmem>>, vector<16xi32>,
    tpu.vector_store %arg17[%swap3A_236], %add3A_235 {strides = array<i32>} : memref<80xi32, #tpu.memory_space<vmem>>, vector<16xi32>,
    %get3A_238 = arith.constant 32 : index
    %get3A_239 = tpu.vector_load %arg15[%get3A_238] {strides = array<i32>} : memref<80xi32, #tpu.memory_space<vmem>>, vector<16xi32>,
    %mul3A_240 = arith.constant 2 : i32
    %mul3A_241 = vector.broadcast %mul3A_240 : i32 to vector<16xi32>
    %mul3A_242 = arith.muli %get3A_239, %mul3A_241 : vector<16xi32>
    %add3A_243 = vector.broadcast %arg0 : i32 to vector<16xi32>
    %add3A_244 = arith.addi %mul3A_242, %add3A_243 : vector<16xi32>
    %swap3A_245 = arith.constant 32 : index
    %swap3A_246 = tpu.vector_load %arg15[%swap3A_245] {strides = array<i32>} : memref<80xi32, #tpu.memory_space<vmem>>, vector<16xi32>,
    tpu.vector_store %arg15[%swap3A_245], %add3A_244 {strides = array<i32>} : memref<80xi32, #tpu.memory_space<vmem>>, vector<16xi32>,
    %add3A_247 = arith.constant 64 : i32
    %add3A_248 = arith.addi %add3A_205, %add3A_247 : i32
    %add3A_249 = vector.broadcast %add3A_248 : i32 to vector<16xi32>
    %add3A_250 = arith.addi %mul3A_208, %add3A_249 : vector<16xi32>
    %swap3A_251 = arith.constant 32 : index
    %swap3A_252 = tpu.vector_load %arg17[%swap3A_251] {strides = array<i32>} : memref<80xi32, #tpu.memory_space<vmem>>, vector<16xi32>,
    tpu.vector_store %arg17[%swap3A_251], %add3A_250 {strides = array<i32>} : memref<80xi32, #tpu.memory_space<vmem>>, vector<16xi32>,
    %get3A_253 = arith.constant 48 : index
    %get3A_254 = tpu.vector_load %arg15[%get3A_253] {strides = array<i32>} : memref<80xi32, #tpu.memory_space<vmem>>, vector<16xi32>,
    %mul3A_255 = arith.constant 2 : i32
    %mul3A_256 = vector.broadcast %mul3A_255 : i32 to vector<16xi32>
    %mul3A_257 = arith.muli %get3A_254, %mul3A_256 : vector<16xi32>
    %add3A_258 = vector.broadcast %arg0 : i32 to vector<16xi32>
    %add3A_259 = arith.addi %mul3A_257, %add3A_258 : vector<16xi32>
    %swap3A_260 = arith.constant 48 : index
    %swap3A_261 = tpu.vector_load %arg15[%swap3A_260] {strides = array<i32>} : memref<80xi32, #tpu.memory_space<vmem>>, vector<16xi32>,
    tpu.vector_store %arg15[%swap3A_260], %add3A_259 {strides = array<i32>} : memref<80xi32, #tpu.memory_space<vmem>>, vector<16xi32>,
    %add3A_262 = arith.constant 96 : i32
    %add3A_263 = arith.addi %add3A_205, %add3A_262 : i32
    %add3A_264 = vector.broadcast %add3A_263 : i32 to vector<16xi32>
    %add3A_265 = arith.addi %mul3A_208, %add3A_264 : vector<16xi32>
    %swap3A_266 = arith.constant 48 : index
    %swap3A_267 = tpu.vector_load %arg17[%swap3A_266] {strides = array<i32>} : memref<80xi32, #tpu.memory_space<vmem>>, vector<16xi32>,
    tpu.vector_store %arg17[%swap3A_266], %add3A_265 {strides = array<i32>} : memref<80xi32, #tpu.memory_space<vmem>>, vector<16xi32>,
    %get3A_268 = arith.constant 64 : index
    %get3A_269 = tpu.vector_load %arg15[%get3A_268] {strides = array<i32>} : memref<80xi32, #tpu.memory_space<vmem>>, vector<16xi32>,
    %mul3A_270 = arith.constant 2 : i32
    %mul3A_271 = vector.broadcast %mul3A_270 : i32 to vector<16xi32>
    %mul3A_272 = arith.muli %get3A_269, %mul3A_271 : vector<16xi32>
    %add3A_273 = vector.broadcast %arg0 : i32 to vector<16xi32>
    %add3A_274 = arith.addi %mul3A_272, %add3A_273 : vector<16xi32>
    %swap3A_275 = arith.constant 64 : index
    %swap3A_276 = tpu.vector_load %arg15[%swap3A_275] {strides = array<i32>} : memref<80xi32, #tpu.memory_space<vmem>>, vector<16xi32>,
    tpu.vector_store %arg15[%swap3A_275], %add3A_274 {strides = array<i32>} : memref<80xi32, #tpu.memory_space<vmem>>, vector<16xi32>,
    %add3A_277 = arith.constant 128 : i32
    %add3A_278 = arith.addi %add3A_205, %add3A_277 : i32
    %add3A_279 = vector.broadcast %add3A_278 : i32 to vector<16xi32>
    %add3A_280 = arith.addi %mul3A_208, %add3A_279 : vector<16xi32>
    %swap3A_281 = arith.constant 64 : index
    %swap3A_282 = tpu.vector_load %arg17[%swap3A_281] {strides = array<i32>} : memref<80xi32, #tpu.memory_space<vmem>>, vector<16xi32>,
    tpu.vector_store %arg17[%swap3A_281], %add3A_280 {strides = array<i32>} : memref<80xi32, #tpu.memory_space<vmem>>, vector<16xi32>,
    %dma_start3A_283 = arith.constant 0 : i32
    %dma_start3A_284 = arith.constant 0 : i32
    %dma_start3A_285 = tpu.memref_slice %arg2[%dma_start3A_283, %dma_start3A_284] : memref<20000x64xf32, #tpu.memory_space<hbm>> -> memref<20000x64xf32, #tpu.memory_space<hbm>>
    tpu.enqueue_indirect_dma source(%dma_start3A_285 : memref<20000x64xf32, #tpu.memory_space<hbm>>) target(%arg24 : memref<80x64xf32, #tpu.memory_space<vmem>>) offsets(%arg15 : memref<80xi32, #tpu.memory_space<vmem>>) semaphore(%arg32 : memref<!tpu.dma_semaphore, #tpu.memory_space<semaphore_mem>>)
    %dma_start3A_286 = arith.constant 0 : i32
    %dma_start3A_287 = arith.constant 0 : i32
    %dma_start3A_288 = tpu.memref_slice %arg3[%dma_start3A_286, %dma_start3A_287] : memref<640000x64xf32, #tpu.memory_space<hbm>> -> memref<640000x64xf32, #tpu.memory_space<hbm>>
    tpu.enqueue_indirect_dma source(%dma_start3A_288 : memref<640000x64xf32, #tpu.memory_space<hbm>>) target(%arg26 : memref<80x64xf32, #tpu.memory_space<vmem>>) offsets(%arg17 : memref<80xi32, #tpu.memory_space<vmem>>) semaphore(%arg32 : memref<!tpu.dma_semaphore, #tpu.memory_space<semaphore_mem>>)
    %scan3A = arith.constant 0 : i32
    %scan3A_289 = arith.constant 0 : i32
    %scan3A_290 = arith.constant 125 : i32
    %scan3A_291 = arith.addi %scan3A_289, %scan3A_290 : i32
    %scan3A_292 = arith.constant 1 : i32
    %scan3A_293 = scf.for %scan3A_310 = %scan3A_289 to %scan3A_291 step %scan3A_292 iter_args(%scan3A_311 = %scan3A) -> (i32)  : i32 {
      %mul3A_312 = arith.constant 2 : i32
      %mul3A_313 = arith.muli %mul3A_312, %scan3A_310 : i32
      %dma_wait3A_314 = arith.constant 0 : i32
      %dma_wait3A_315 = arith.constant 0 : i32
      %dma_wait3A_316 = tpu.memref_slice %arg2[%dma_wait3A_314, %dma_wait3A_315] : memref<20000x64xf32, #tpu.memory_space<hbm>> -> memref<20000x64xf32, #tpu.memory_space<hbm>>
      tpu.wait_indirect_dma semaphore(%arg32 : memref<!tpu.dma_semaphore, #tpu.memory_space<semaphore_mem>>) src(%dma_wait3A_316 : memref<20000x64xf32, #tpu.memory_space<hbm>>) dst(%arg24 : memref<80x64xf32, #tpu.memory_space<vmem>>)
      %dma_wait3A_317 = arith.constant 0 : i32
      %dma_wait3A_318 = arith.constant 0 : i32
      %dma_wait3A_319 = tpu.memref_slice %arg3[%dma_wait3A_317, %dma_wait3A_318] : memref<640000x64xf32, #tpu.memory_space<hbm>> -> memref<640000x64xf32, #tpu.memory_space<hbm>>
      tpu.wait_indirect_dma semaphore(%arg32 : memref<!tpu.dma_semaphore, #tpu.memory_space<semaphore_mem>>) src(%dma_wait3A_319 : memref<640000x64xf32, #tpu.memory_space<hbm>>) dst(%arg26 : memref<80x64xf32, #tpu.memory_space<vmem>>)
      %parallel_loop3A = arith.constant 0 : i32
      %parallel_loop3A_320 = arith.constant 5 : i32
      %parallel_loop3A_321 = arith.constant 1 : i32
      scf.for %parallel_loop3A_1169 = %parallel_loop3A to %parallel_loop3A_320 step %parallel_loop3A_321  : i32 {
        %parallel_loop3A_1170 = arith.constant 16 : i32
        %parallel_loop3A_1171 = arith.muli %parallel_loop3A_1170, %parallel_loop3A_1169 : i32
        %parallel_loop3A_1172 = tpu.iota {dimensions = array<i32: 0>} : vector<16xi32>
        %parallel_loop3A_1173 = vector.broadcast %parallel_loop3A_1171 : i32 to vector<16xi32>
        %parallel_loop3A_1174 = arith.addi %parallel_loop3A_1173, %parallel_loop3A_1172 : vector<16xi32>
        %parallel_loop3A_1175 = arith.constant 0 : i32
        %parallel_loop3A_1176 = vector.broadcast %parallel_loop3A_1175 : i32 to vector<16xi32>
        %parallel_loop3A_1177 = tpu.vector_load_idx %arg21[%parallel_loop3A_1174, %parallel_loop3A_1176] : memref<80x8xf32, #tpu.memory_space<vmem>>[vector<16xi32>, vector<16xi32>], vector<16xf32>,
        %parallel_loop3A_1178 = arith.constant 1 : i32
        %parallel_loop3A_1179 = vector.broadcast %parallel_loop3A_1178 : i32 to vector<16xi32>
        %parallel_loop3A_1180 = tpu.vector_load_idx %arg21[%parallel_loop3A_1174, %parallel_loop3A_1179] : memref<80x8xf32, #tpu.memory_space<vmem>>[vector<16xi32>, vector<16xi32>], vector<16xf32>,
        %parallel_loop3A_1181 = arith.constant 2 : i32
        %parallel_loop3A_1182 = vector.broadcast %parallel_loop3A_1181 : i32 to vector<16xi32>
        %parallel_loop3A_1183 = tpu.vector_load_idx %arg21[%parallel_loop3A_1174, %parallel_loop3A_1182] : memref<80x8xf32, #tpu.memory_space<vmem>>[vector<16xi32>, vector<16xi32>], vector<16xf32>,
        %parallel_loop3A_1184 = arith.constant 3 : i32
        %parallel_loop3A_1185 = vector.broadcast %parallel_loop3A_1184 : i32 to vector<16xi32>
        %parallel_loop3A_1186 = tpu.vector_load_idx %arg21[%parallel_loop3A_1174, %parallel_loop3A_1185] : memref<80x8xf32, #tpu.memory_space<vmem>>[vector<16xi32>, vector<16xi32>], vector<16xf32>,
        %parallel_loop3A_1187 = arith.constant 4 : i32
        %parallel_loop3A_1188 = vector.broadcast %parallel_loop3A_1187 : i32 to vector<16xi32>
        %parallel_loop3A_1189 = tpu.vector_load_idx %arg21[%parallel_loop3A_1174, %parallel_loop3A_1188] : memref<80x8xf32, #tpu.memory_space<vmem>>[vector<16xi32>, vector<16xi32>], vector<16xf32>,
        %parallel_loop3A_1190 = arith.constant 5 : i32
        %parallel_loop3A_1191 = vector.broadcast %parallel_loop3A_1190 : i32 to vector<16xi32>
        %parallel_loop3A_1192 = tpu.vector_load_idx %arg21[%parallel_loop3A_1174, %parallel_loop3A_1191] : memref<80x8xf32, #tpu.memory_space<vmem>>[vector<16xi32>, vector<16xi32>], vector<16xf32>,
        %parallel_loop3A_1193 = arith.constant 6 : i32
        %parallel_loop3A_1194 = vector.broadcast %parallel_loop3A_1193 : i32 to vector<16xi32>
        %parallel_loop3A_1195 = tpu.vector_load_idx %arg21[%parallel_loop3A_1174, %parallel_loop3A_1194] : memref<80x8xf32, #tpu.memory_space<vmem>>[vector<16xi32>, vector<16xi32>], vector<16xf32>,
        %parallel_loop3A_1196 = arith.constant 7 : i32
        %parallel_loop3A_1197 = vector.broadcast %parallel_loop3A_1196 : i32 to vector<16xi32>
        %parallel_loop3A_1198 = tpu.vector_load_idx %arg21[%parallel_loop3A_1174, %parallel_loop3A_1197] : memref<80x8xf32, #tpu.memory_space<vmem>>[vector<16xi32>, vector<16xi32>], vector<16xf32>,
        %parallel_loop3A_1199 = vector.broadcast %squeeze3A : f32 to vector<16xf32>
        %parallel_loop3A_1200 = arith.mulf %parallel_loop3A_1177, %parallel_loop3A_1199 : vector<16xf32>
        %parallel_loop3A_1201 = vector.broadcast %squeeze3A_25 : f32 to vector<16xf32>
        %parallel_loop3A_1202 = arith.mulf %parallel_loop3A_1180, %parallel_loop3A_1201 : vector<16xf32>
        %parallel_loop3A_1203 = arith.addf %parallel_loop3A_1200, %parallel_loop3A_1202 : vector<16xf32>
        %parallel_loop3A_1204 = vector.broadcast %squeeze3A_41 : f32 to vector<16xf32>
        %parallel_loop3A_1205 = arith.mulf %parallel_loop3A_1183, %parallel_loop3A_1204 : vector<16xf32>
        %parallel_loop3A_1206 = arith.addf %parallel_loop3A_1203, %parallel_loop3A_1205 : vector<16xf32>
        %parallel_loop3A_1207 = vector.broadcast %squeeze3A_57 : f32 to vector<16xf32>
        %parallel_loop3A_1208 = arith.mulf %parallel_loop3A_1186, %parallel_loop3A_1207 : vector<16xf32>
        %parallel_loop3A_1209 = arith.addf %parallel_loop3A_1206, %parallel_loop3A_1208 : vector<16xf32>
        %parallel_loop3A_1210 = vector.broadcast %squeeze3A_73 : f32 to vector<16xf32>
        %parallel_loop3A_1211 = arith.mulf %parallel_loop3A_1189, %parallel_loop3A_1210 : vector<16xf32>
        %parallel_loop3A_1212 = arith.addf %parallel_loop3A_1209, %parallel_loop3A_1211 : vector<16xf32>
        %parallel_loop3A_1213 = vector.broadcast %squeeze3A_89 : f32 to vector<16xf32>
        %parallel_loop3A_1214 = arith.mulf %parallel_loop3A_1192, %parallel_loop3A_1213 : vector<16xf32>
        %parallel_loop3A_1215 = arith.addf %parallel_loop3A_1212, %parallel_loop3A_1214 : vector<16xf32>
        %parallel_loop3A_1216 = vector.broadcast %squeeze3A_105 : f32 to vector<16xf32>
        %parallel_loop3A_1217 = arith.mulf %parallel_loop3A_1195, %parallel_loop3A_1216 : vector<16xf32>
        %parallel_loop3A_1218 = arith.addf %parallel_loop3A_1215, %parallel_loop3A_1217 : vector<16xf32>
        %parallel_loop3A_1219 = vector.broadcast %squeeze3A_121 : f32 to vector<16xf32>
        %parallel_loop3A_1220 = arith.mulf %parallel_loop3A_1198, %parallel_loop3A_1219 : vector<16xf32>
        %parallel_loop3A_1221 = arith.addf %parallel_loop3A_1218, %parallel_loop3A_1220 : vector<16xf32>
        %parallel_loop3A_1222 = arith.constant 0.000000e+00 : f32
        %parallel_loop3A_1223 = vector.broadcast %parallel_loop3A_1222 : f32 to vector<16xf32>
        %parallel_loop3A_1224 = arith.subf %parallel_loop3A_1223, %parallel_loop3A_1221 : vector<16xf32>
        %parallel_loop3A_1225 = math.exp %parallel_loop3A_1224 : vector<16xf32>
        %parallel_loop3A_1226 = arith.constant 1.000000e+00 : f32
        %parallel_loop3A_1227 = vector.broadcast %parallel_loop3A_1226 : f32 to vector<16xf32>
        %parallel_loop3A_1228 = arith.addf %parallel_loop3A_1227, %parallel_loop3A_1225 : vector<16xf32>
        %parallel_loop3A_1229 = arith.divf %parallel_loop3A_1221, %parallel_loop3A_1228 : vector<16xf32>
        %parallel_loop3A_1230 = arith.constant 16 : i32
        %parallel_loop3A_1231 = arith.muli %parallel_loop3A_1230, %parallel_loop3A_1169 : i32
        %parallel_loop3A_1232 = arith.constant 0 : i32
        %parallel_loop3A_1233 = arith.index_cast %parallel_loop3A_1232 : i32 to index
        %parallel_loop3A_1234 = arith.index_cast %parallel_loop3A_1231 : i32 to index
        %parallel_loop3A_1235 = tpu.vector_load %arg23[%parallel_loop3A_1233, %parallel_loop3A_1234] {strides = array<i32>} : memref<8x80xf32, #tpu.memory_space<vmem>>, vector<16xf32>,
        tpu.vector_store %arg23[%parallel_loop3A_1233, %parallel_loop3A_1234], %parallel_loop3A_1229 {strides = array<i32>} : memref<8x80xf32, #tpu.memory_space<vmem>>, vector<16xf32>,
        %parallel_loop3A_1236 = vector.broadcast %squeeze3A_11 : f32 to vector<16xf32>
        %parallel_loop3A_1237 = arith.mulf %parallel_loop3A_1177, %parallel_loop3A_1236 : vector<16xf32>
        %parallel_loop3A_1238 = vector.broadcast %squeeze3A_27 : f32 to vector<16xf32>
        %parallel_loop3A_1239 = arith.mulf %parallel_loop3A_1180, %parallel_loop3A_1238 : vector<16xf32>
        %parallel_loop3A_1240 = arith.addf %parallel_loop3A_1237, %parallel_loop3A_1239 : vector<16xf32>
        %parallel_loop3A_1241 = vector.broadcast %squeeze3A_43 : f32 to vector<16xf32>
        %parallel_loop3A_1242 = arith.mulf %parallel_loop3A_1183, %parallel_loop3A_1241 : vector<16xf32>
        %parallel_loop3A_1243 = arith.addf %parallel_loop3A_1240, %parallel_loop3A_1242 : vector<16xf32>
        %parallel_loop3A_1244 = vector.broadcast %squeeze3A_59 : f32 to vector<16xf32>
        %parallel_loop3A_1245 = arith.mulf %parallel_loop3A_1186, %parallel_loop3A_1244 : vector<16xf32>
        %parallel_loop3A_1246 = arith.addf %parallel_loop3A_1243, %parallel_loop3A_1245 : vector<16xf32>
        %parallel_loop3A_1247 = vector.broadcast %squeeze3A_75 : f32 to vector<16xf32>
        %parallel_loop3A_1248 = arith.mulf %parallel_loop3A_1189, %parallel_loop3A_1247 : vector<16xf32>
        %parallel_loop3A_1249 = arith.addf %parallel_loop3A_1246, %parallel_loop3A_1248 : vector<16xf32>
        %parallel_loop3A_1250 = vector.broadcast %squeeze3A_91 : f32 to vector<16xf32>
        %parallel_loop3A_1251 = arith.mulf %parallel_loop3A_1192, %parallel_loop3A_1250 : vector<16xf32>
        %parallel_loop3A_1252 = arith.addf %parallel_loop3A_1249, %parallel_loop3A_1251 : vector<16xf32>
        %parallel_loop3A_1253 = vector.broadcast %squeeze3A_107 : f32 to vector<16xf32>
        %parallel_loop3A_1254 = arith.mulf %parallel_loop3A_1195, %parallel_loop3A_1253 : vector<16xf32>
        %parallel_loop3A_1255 = arith.addf %parallel_loop3A_1252, %parallel_loop3A_1254 : vector<16xf32>
        %parallel_loop3A_1256 = vector.broadcast %squeeze3A_123 : f32 to vector<16xf32>
        %parallel_loop3A_1257 = arith.mulf %parallel_loop3A_1198, %parallel_loop3A_1256 : vector<16xf32>
        %parallel_loop3A_1258 = arith.addf %parallel_loop3A_1255, %parallel_loop3A_1257 : vector<16xf32>
        %parallel_loop3A_1259 = arith.constant 0.000000e+00 : f32
        %parallel_loop3A_1260 = vector.broadcast %parallel_loop3A_1259 : f32 to vector<16xf32>
        %parallel_loop3A_1261 = arith.subf %parallel_loop3A_1260, %parallel_loop3A_1258 : vector<16xf32>
        %parallel_loop3A_1262 = math.exp %parallel_loop3A_1261 : vector<16xf32>
        %parallel_loop3A_1263 = arith.constant 1.000000e+00 : f32
        %parallel_loop3A_1264 = vector.broadcast %parallel_loop3A_1263 : f32 to vector<16xf32>
        %parallel_loop3A_1265 = arith.addf %parallel_loop3A_1264, %parallel_loop3A_1262 : vector<16xf32>
        %parallel_loop3A_1266 = arith.divf %parallel_loop3A_1258, %parallel_loop3A_1265 : vector<16xf32>
        %parallel_loop3A_1267 = arith.constant 16 : i32
        %parallel_loop3A_1268 = arith.muli %parallel_loop3A_1267, %parallel_loop3A_1169 : i32
        %parallel_loop3A_1269 = arith.constant 1 : i32
        %parallel_loop3A_1270 = arith.index_cast %parallel_loop3A_1269 : i32 to index
        %parallel_loop3A_1271 = arith.index_cast %parallel_loop3A_1268 : i32 to index
        %parallel_loop3A_1272 = tpu.vector_load %arg23[%parallel_loop3A_1270, %parallel_loop3A_1271] {strides = array<i32>} : memref<8x80xf32, #tpu.memory_space<vmem>>, vector<16xf32>,
        tpu.vector_store %arg23[%parallel_loop3A_1270, %parallel_loop3A_1271], %parallel_loop3A_1266 {strides = array<i32>} : memref<8x80xf32, #tpu.memory_space<vmem>>, vector<16xf32>,
        %parallel_loop3A_1273 = vector.broadcast %squeeze3A_13 : f32 to vector<16xf32>
        %parallel_loop3A_1274 = arith.mulf %parallel_loop3A_1177, %parallel_loop3A_1273 : vector<16xf32>
        %parallel_loop3A_1275 = vector.broadcast %squeeze3A_29 : f32 to vector<16xf32>
        %parallel_loop3A_1276 = arith.mulf %parallel_loop3A_1180, %parallel_loop3A_1275 : vector<16xf32>
        %parallel_loop3A_1277 = arith.addf %parallel_loop3A_1274, %parallel_loop3A_1276 : vector<16xf32>
        %parallel_loop3A_1278 = vector.broadcast %squeeze3A_45 : f32 to vector<16xf32>
        %parallel_loop3A_1279 = arith.mulf %parallel_loop3A_1183, %parallel_loop3A_1278 : vector<16xf32>
        %parallel_loop3A_1280 = arith.addf %parallel_loop3A_1277, %parallel_loop3A_1279 : vector<16xf32>
        %parallel_loop3A_1281 = vector.broadcast %squeeze3A_61 : f32 to vector<16xf32>
        %parallel_loop3A_1282 = arith.mulf %parallel_loop3A_1186, %parallel_loop3A_1281 : vector<16xf32>
        %parallel_loop3A_1283 = arith.addf %parallel_loop3A_1280, %parallel_loop3A_1282 : vector<16xf32>
        %parallel_loop3A_1284 = vector.broadcast %squeeze3A_77 : f32 to vector<16xf32>
        %parallel_loop3A_1285 = arith.mulf %parallel_loop3A_1189, %parallel_loop3A_1284 : vector<16xf32>
        %parallel_loop3A_1286 = arith.addf %parallel_loop3A_1283, %parallel_loop3A_1285 : vector<16xf32>
        %parallel_loop3A_1287 = vector.broadcast %squeeze3A_93 : f32 to vector<16xf32>
        %parallel_loop3A_1288 = arith.mulf %parallel_loop3A_1192, %parallel_loop3A_1287 : vector<16xf32>
        %parallel_loop3A_1289 = arith.addf %parallel_loop3A_1286, %parallel_loop3A_1288 : vector<16xf32>
        %parallel_loop3A_1290 = vector.broadcast %squeeze3A_109 : f32 to vector<16xf32>
        %parallel_loop3A_1291 = arith.mulf %parallel_loop3A_1195, %parallel_loop3A_1290 : vector<16xf32>
        %parallel_loop3A_1292 = arith.addf %parallel_loop3A_1289, %parallel_loop3A_1291 : vector<16xf32>
        %parallel_loop3A_1293 = vector.broadcast %squeeze3A_125 : f32 to vector<16xf32>
        %parallel_loop3A_1294 = arith.mulf %parallel_loop3A_1198, %parallel_loop3A_1293 : vector<16xf32>
        %parallel_loop3A_1295 = arith.addf %parallel_loop3A_1292, %parallel_loop3A_1294 : vector<16xf32>
        %parallel_loop3A_1296 = arith.constant 0.000000e+00 : f32
        %parallel_loop3A_1297 = vector.broadcast %parallel_loop3A_1296 : f32 to vector<16xf32>
        %parallel_loop3A_1298 = arith.subf %parallel_loop3A_1297, %parallel_loop3A_1295 : vector<16xf32>
        %parallel_loop3A_1299 = math.exp %parallel_loop3A_1298 : vector<16xf32>
        %parallel_loop3A_1300 = arith.constant 1.000000e+00 : f32
        %parallel_loop3A_1301 = vector.broadcast %parallel_loop3A_1300 : f32 to vector<16xf32>
        %parallel_loop3A_1302 = arith.addf %parallel_loop3A_1301, %parallel_loop3A_1299 : vector<16xf32>
        %parallel_loop3A_1303 = arith.divf %parallel_loop3A_1295, %parallel_loop3A_1302 : vector<16xf32>
        %parallel_loop3A_1304 = arith.constant 16 : i32
        %parallel_loop3A_1305 = arith.muli %parallel_loop3A_1304, %parallel_loop3A_1169 : i32
        %parallel_loop3A_1306 = arith.constant 2 : i32
        %parallel_loop3A_1307 = arith.index_cast %parallel_loop3A_1306 : i32 to index
        %parallel_loop3A_1308 = arith.index_cast %parallel_loop3A_1305 : i32 to index
        %parallel_loop3A_1309 = tpu.vector_load %arg23[%parallel_loop3A_1307, %parallel_loop3A_1308] {strides = array<i32>} : memref<8x80xf32, #tpu.memory_space<vmem>>, vector<16xf32>,
        tpu.vector_store %arg23[%parallel_loop3A_1307, %parallel_loop3A_1308], %parallel_loop3A_1303 {strides = array<i32>} : memref<8x80xf32, #tpu.memory_space<vmem>>, vector<16xf32>,
        %parallel_loop3A_1310 = vector.broadcast %squeeze3A_15 : f32 to vector<16xf32>
        %parallel_loop3A_1311 = arith.mulf %parallel_loop3A_1177, %parallel_loop3A_1310 : vector<16xf32>
        %parallel_loop3A_1312 = vector.broadcast %squeeze3A_31 : f32 to vector<16xf32>
        %parallel_loop3A_1313 = arith.mulf %parallel_loop3A_1180, %parallel_loop3A_1312 : vector<16xf32>
        %parallel_loop3A_1314 = arith.addf %parallel_loop3A_1311, %parallel_loop3A_1313 : vector<16xf32>
        %parallel_loop3A_1315 = vector.broadcast %squeeze3A_47 : f32 to vector<16xf32>
        %parallel_loop3A_1316 = arith.mulf %parallel_loop3A_1183, %parallel_loop3A_1315 : vector<16xf32>
        %parallel_loop3A_1317 = arith.addf %parallel_loop3A_1314, %parallel_loop3A_1316 : vector<16xf32>
        %parallel_loop3A_1318 = vector.broadcast %squeeze3A_63 : f32 to vector<16xf32>
        %parallel_loop3A_1319 = arith.mulf %parallel_loop3A_1186, %parallel_loop3A_1318 : vector<16xf32>
        %parallel_loop3A_1320 = arith.addf %parallel_loop3A_1317, %parallel_loop3A_1319 : vector<16xf32>
        %parallel_loop3A_1321 = vector.broadcast %squeeze3A_79 : f32 to vector<16xf32>
        %parallel_loop3A_1322 = arith.mulf %parallel_loop3A_1189, %parallel_loop3A_1321 : vector<16xf32>
        %parallel_loop3A_1323 = arith.addf %parallel_loop3A_1320, %parallel_loop3A_1322 : vector<16xf32>
        %parallel_loop3A_1324 = vector.broadcast %squeeze3A_95 : f32 to vector<16xf32>
        %parallel_loop3A_1325 = arith.mulf %parallel_loop3A_1192, %parallel_loop3A_1324 : vector<16xf32>
        %parallel_loop3A_1326 = arith.addf %parallel_loop3A_1323, %parallel_loop3A_1325 : vector<16xf32>
        %parallel_loop3A_1327 = vector.broadcast %squeeze3A_111 : f32 to vector<16xf32>
        %parallel_loop3A_1328 = arith.mulf %parallel_loop3A_1195, %parallel_loop3A_1327 : vector<16xf32>
        %parallel_loop3A_1329 = arith.addf %parallel_loop3A_1326, %parallel_loop3A_1328 : vector<16xf32>
        %parallel_loop3A_1330 = vector.broadcast %squeeze3A_127 : f32 to vector<16xf32>
        %parallel_loop3A_1331 = arith.mulf %parallel_loop3A_1198, %parallel_loop3A_1330 : vector<16xf32>
        %parallel_loop3A_1332 = arith.addf %parallel_loop3A_1329, %parallel_loop3A_1331 : vector<16xf32>
        %parallel_loop3A_1333 = arith.constant 0.000000e+00 : f32
        %parallel_loop3A_1334 = vector.broadcast %parallel_loop3A_1333 : f32 to vector<16xf32>
        %parallel_loop3A_1335 = arith.subf %parallel_loop3A_1334, %parallel_loop3A_1332 : vector<16xf32>
        %parallel_loop3A_1336 = math.exp %parallel_loop3A_1335 : vector<16xf32>
        %parallel_loop3A_1337 = arith.constant 1.000000e+00 : f32
        %parallel_loop3A_1338 = vector.broadcast %parallel_loop3A_1337 : f32 to vector<16xf32>
        %parallel_loop3A_1339 = arith.addf %parallel_loop3A_1338, %parallel_loop3A_1336 : vector<16xf32>
        %parallel_loop3A_1340 = arith.divf %parallel_loop3A_1332, %parallel_loop3A_1339 : vector<16xf32>
        %parallel_loop3A_1341 = arith.constant 16 : i32
        %parallel_loop3A_1342 = arith.muli %parallel_loop3A_1341, %parallel_loop3A_1169 : i32
        %parallel_loop3A_1343 = arith.constant 3 : i32
        %parallel_loop3A_1344 = arith.index_cast %parallel_loop3A_1343 : i32 to index
        %parallel_loop3A_1345 = arith.index_cast %parallel_loop3A_1342 : i32 to index
        %parallel_loop3A_1346 = tpu.vector_load %arg23[%parallel_loop3A_1344, %parallel_loop3A_1345] {strides = array<i32>} : memref<8x80xf32, #tpu.memory_space<vmem>>, vector<16xf32>,
        tpu.vector_store %arg23[%parallel_loop3A_1344, %parallel_loop3A_1345], %parallel_loop3A_1340 {strides = array<i32>} : memref<8x80xf32, #tpu.memory_space<vmem>>, vector<16xf32>,
        %parallel_loop3A_1347 = vector.broadcast %squeeze3A_17 : f32 to vector<16xf32>
        %parallel_loop3A_1348 = arith.mulf %parallel_loop3A_1177, %parallel_loop3A_1347 : vector<16xf32>
        %parallel_loop3A_1349 = vector.broadcast %squeeze3A_33 : f32 to vector<16xf32>
        %parallel_loop3A_1350 = arith.mulf %parallel_loop3A_1180, %parallel_loop3A_1349 : vector<16xf32>
        %parallel_loop3A_1351 = arith.addf %parallel_loop3A_1348, %parallel_loop3A_1350 : vector<16xf32>
        %parallel_loop3A_1352 = vector.broadcast %squeeze3A_49 : f32 to vector<16xf32>
        %parallel_loop3A_1353 = arith.mulf %parallel_loop3A_1183, %parallel_loop3A_1352 : vector<16xf32>
        %parallel_loop3A_1354 = arith.addf %parallel_loop3A_1351, %parallel_loop3A_1353 : vector<16xf32>
        %parallel_loop3A_1355 = vector.broadcast %squeeze3A_65 : f32 to vector<16xf32>
        %parallel_loop3A_1356 = arith.mulf %parallel_loop3A_1186, %parallel_loop3A_1355 : vector<16xf32>
        %parallel_loop3A_1357 = arith.addf %parallel_loop3A_1354, %parallel_loop3A_1356 : vector<16xf32>
        %parallel_loop3A_1358 = vector.broadcast %squeeze3A_81 : f32 to vector<16xf32>
        %parallel_loop3A_1359 = arith.mulf %parallel_loop3A_1189, %parallel_loop3A_1358 : vector<16xf32>
        %parallel_loop3A_1360 = arith.addf %parallel_loop3A_1357, %parallel_loop3A_1359 : vector<16xf32>
        %parallel_loop3A_1361 = vector.broadcast %squeeze3A_97 : f32 to vector<16xf32>
        %parallel_loop3A_1362 = arith.mulf %parallel_loop3A_1192, %parallel_loop3A_1361 : vector<16xf32>
        %parallel_loop3A_1363 = arith.addf %parallel_loop3A_1360, %parallel_loop3A_1362 : vector<16xf32>
        %parallel_loop3A_1364 = vector.broadcast %squeeze3A_113 : f32 to vector<16xf32>
        %parallel_loop3A_1365 = arith.mulf %parallel_loop3A_1195, %parallel_loop3A_1364 : vector<16xf32>
        %parallel_loop3A_1366 = arith.addf %parallel_loop3A_1363, %parallel_loop3A_1365 : vector<16xf32>
        %parallel_loop3A_1367 = vector.broadcast %squeeze3A_129 : f32 to vector<16xf32>
        %parallel_loop3A_1368 = arith.mulf %parallel_loop3A_1198, %parallel_loop3A_1367 : vector<16xf32>
        %parallel_loop3A_1369 = arith.addf %parallel_loop3A_1366, %parallel_loop3A_1368 : vector<16xf32>
        %parallel_loop3A_1370 = arith.constant 0.000000e+00 : f32
        %parallel_loop3A_1371 = vector.broadcast %parallel_loop3A_1370 : f32 to vector<16xf32>
        %parallel_loop3A_1372 = arith.subf %parallel_loop3A_1371, %parallel_loop3A_1369 : vector<16xf32>
        %parallel_loop3A_1373 = math.exp %parallel_loop3A_1372 : vector<16xf32>
        %parallel_loop3A_1374 = arith.constant 1.000000e+00 : f32
        %parallel_loop3A_1375 = vector.broadcast %parallel_loop3A_1374 : f32 to vector<16xf32>
        %parallel_loop3A_1376 = arith.addf %parallel_loop3A_1375, %parallel_loop3A_1373 : vector<16xf32>
        %parallel_loop3A_1377 = arith.divf %parallel_loop3A_1369, %parallel_loop3A_1376 : vector<16xf32>
        %parallel_loop3A_1378 = arith.constant 16 : i32
        %parallel_loop3A_1379 = arith.muli %parallel_loop3A_1378, %parallel_loop3A_1169 : i32
        %parallel_loop3A_1380 = arith.constant 4 : i32
        %parallel_loop3A_1381 = arith.index_cast %parallel_loop3A_1380 : i32 to index
        %parallel_loop3A_1382 = arith.index_cast %parallel_loop3A_1379 : i32 to index
        %parallel_loop3A_1383 = tpu.vector_load %arg23[%parallel_loop3A_1381, %parallel_loop3A_1382] {strides = array<i32>} : memref<8x80xf32, #tpu.memory_space<vmem>>, vector<16xf32>,
        tpu.vector_store %arg23[%parallel_loop3A_1381, %parallel_loop3A_1382], %parallel_loop3A_1377 {strides = array<i32>} : memref<8x80xf32, #tpu.memory_space<vmem>>, vector<16xf32>,
        %parallel_loop3A_1384 = vector.broadcast %squeeze3A_19 : f32 to vector<16xf32>
        %parallel_loop3A_1385 = arith.mulf %parallel_loop3A_1177, %parallel_loop3A_1384 : vector<16xf32>
        %parallel_loop3A_1386 = vector.broadcast %squeeze3A_35 : f32 to vector<16xf32>
        %parallel_loop3A_1387 = arith.mulf %parallel_loop3A_1180, %parallel_loop3A_1386 : vector<16xf32>
        %parallel_loop3A_1388 = arith.addf %parallel_loop3A_1385, %parallel_loop3A_1387 : vector<16xf32>
        %parallel_loop3A_1389 = vector.broadcast %squeeze3A_51 : f32 to vector<16xf32>
        %parallel_loop3A_1390 = arith.mulf %parallel_loop3A_1183, %parallel_loop3A_1389 : vector<16xf32>
        %parallel_loop3A_1391 = arith.addf %parallel_loop3A_1388, %parallel_loop3A_1390 : vector<16xf32>
        %parallel_loop3A_1392 = vector.broadcast %squeeze3A_67 : f32 to vector<16xf32>
        %parallel_loop3A_1393 = arith.mulf %parallel_loop3A_1186, %parallel_loop3A_1392 : vector<16xf32>
        %parallel_loop3A_1394 = arith.addf %parallel_loop3A_1391, %parallel_loop3A_1393 : vector<16xf32>
        %parallel_loop3A_1395 = vector.broadcast %squeeze3A_83 : f32 to vector<16xf32>
        %parallel_loop3A_1396 = arith.mulf %parallel_loop3A_1189, %parallel_loop3A_1395 : vector<16xf32>
        %parallel_loop3A_1397 = arith.addf %parallel_loop3A_1394, %parallel_loop3A_1396 : vector<16xf32>
        %parallel_loop3A_1398 = vector.broadcast %squeeze3A_99 : f32 to vector<16xf32>
        %parallel_loop3A_1399 = arith.mulf %parallel_loop3A_1192, %parallel_loop3A_1398 : vector<16xf32>
        %parallel_loop3A_1400 = arith.addf %parallel_loop3A_1397, %parallel_loop3A_1399 : vector<16xf32>
        %parallel_loop3A_1401 = vector.broadcast %squeeze3A_115 : f32 to vector<16xf32>
        %parallel_loop3A_1402 = arith.mulf %parallel_loop3A_1195, %parallel_loop3A_1401 : vector<16xf32>
        %parallel_loop3A_1403 = arith.addf %parallel_loop3A_1400, %parallel_loop3A_1402 : vector<16xf32>
        %parallel_loop3A_1404 = vector.broadcast %squeeze3A_131 : f32 to vector<16xf32>
        %parallel_loop3A_1405 = arith.mulf %parallel_loop3A_1198, %parallel_loop3A_1404 : vector<16xf32>
        %parallel_loop3A_1406 = arith.addf %parallel_loop3A_1403, %parallel_loop3A_1405 : vector<16xf32>
        %parallel_loop3A_1407 = arith.constant 0.000000e+00 : f32
        %parallel_loop3A_1408 = vector.broadcast %parallel_loop3A_1407 : f32 to vector<16xf32>
        %parallel_loop3A_1409 = arith.subf %parallel_loop3A_1408, %parallel_loop3A_1406 : vector<16xf32>
        %parallel_loop3A_1410 = math.exp %parallel_loop3A_1409 : vector<16xf32>
        %parallel_loop3A_1411 = arith.constant 1.000000e+00 : f32
        %parallel_loop3A_1412 = vector.broadcast %parallel_loop3A_1411 : f32 to vector<16xf32>
        %parallel_loop3A_1413 = arith.addf %parallel_loop3A_1412, %parallel_loop3A_1410 : vector<16xf32>
        %parallel_loop3A_1414 = arith.divf %parallel_loop3A_1406, %parallel_loop3A_1413 : vector<16xf32>
        %parallel_loop3A_1415 = arith.constant 16 : i32
        %parallel_loop3A_1416 = arith.muli %parallel_loop3A_1415, %parallel_loop3A_1169 : i32
        %parallel_loop3A_1417 = arith.constant 5 : i32
        %parallel_loop3A_1418 = arith.index_cast %parallel_loop3A_1417 : i32 to index
        %parallel_loop3A_1419 = arith.index_cast %parallel_loop3A_1416 : i32 to index
        %parallel_loop3A_1420 = tpu.vector_load %arg23[%parallel_loop3A_1418, %parallel_loop3A_1419] {strides = array<i32>} : memref<8x80xf32, #tpu.memory_space<vmem>>, vector<16xf32>,
        tpu.vector_store %arg23[%parallel_loop3A_1418, %parallel_loop3A_1419], %parallel_loop3A_1414 {strides = array<i32>} : memref<8x80xf32, #tpu.memory_space<vmem>>, vector<16xf32>,
        %parallel_loop3A_1421 = vector.broadcast %squeeze3A_21 : f32 to vector<16xf32>
        %parallel_loop3A_1422 = arith.mulf %parallel_loop3A_1177, %parallel_loop3A_1421 : vector<16xf32>
        %parallel_loop3A_1423 = vector.broadcast %squeeze3A_37 : f32 to vector<16xf32>
        %parallel_loop3A_1424 = arith.mulf %parallel_loop3A_1180, %parallel_loop3A_1423 : vector<16xf32>
        %parallel_loop3A_1425 = arith.addf %parallel_loop3A_1422, %parallel_loop3A_1424 : vector<16xf32>
        %parallel_loop3A_1426 = vector.broadcast %squeeze3A_53 : f32 to vector<16xf32>
        %parallel_loop3A_1427 = arith.mulf %parallel_loop3A_1183, %parallel_loop3A_1426 : vector<16xf32>
        %parallel_loop3A_1428 = arith.addf %parallel_loop3A_1425, %parallel_loop3A_1427 : vector<16xf32>
        %parallel_loop3A_1429 = vector.broadcast %squeeze3A_69 : f32 to vector<16xf32>
        %parallel_loop3A_1430 = arith.mulf %parallel_loop3A_1186, %parallel_loop3A_1429 : vector<16xf32>
        %parallel_loop3A_1431 = arith.addf %parallel_loop3A_1428, %parallel_loop3A_1430 : vector<16xf32>
        %parallel_loop3A_1432 = vector.broadcast %squeeze3A_85 : f32 to vector<16xf32>
        %parallel_loop3A_1433 = arith.mulf %parallel_loop3A_1189, %parallel_loop3A_1432 : vector<16xf32>
        %parallel_loop3A_1434 = arith.addf %parallel_loop3A_1431, %parallel_loop3A_1433 : vector<16xf32>
        %parallel_loop3A_1435 = vector.broadcast %squeeze3A_101 : f32 to vector<16xf32>
        %parallel_loop3A_1436 = arith.mulf %parallel_loop3A_1192, %parallel_loop3A_1435 : vector<16xf32>
        %parallel_loop3A_1437 = arith.addf %parallel_loop3A_1434, %parallel_loop3A_1436 : vector<16xf32>
        %parallel_loop3A_1438 = vector.broadcast %squeeze3A_117 : f32 to vector<16xf32>
        %parallel_loop3A_1439 = arith.mulf %parallel_loop3A_1195, %parallel_loop3A_1438 : vector<16xf32>
        %parallel_loop3A_1440 = arith.addf %parallel_loop3A_1437, %parallel_loop3A_1439 : vector<16xf32>
        %parallel_loop3A_1441 = vector.broadcast %squeeze3A_133 : f32 to vector<16xf32>
        %parallel_loop3A_1442 = arith.mulf %parallel_loop3A_1198, %parallel_loop3A_1441 : vector<16xf32>
        %parallel_loop3A_1443 = arith.addf %parallel_loop3A_1440, %parallel_loop3A_1442 : vector<16xf32>
        %parallel_loop3A_1444 = arith.constant 0.000000e+00 : f32
        %parallel_loop3A_1445 = vector.broadcast %parallel_loop3A_1444 : f32 to vector<16xf32>
        %parallel_loop3A_1446 = arith.subf %parallel_loop3A_1445, %parallel_loop3A_1443 : vector<16xf32>
        %parallel_loop3A_1447 = math.exp %parallel_loop3A_1446 : vector<16xf32>
        %parallel_loop3A_1448 = arith.constant 1.000000e+00 : f32
        %parallel_loop3A_1449 = vector.broadcast %parallel_loop3A_1448 : f32 to vector<16xf32>
        %parallel_loop3A_1450 = arith.addf %parallel_loop3A_1449, %parallel_loop3A_1447 : vector<16xf32>
        %parallel_loop3A_1451 = arith.divf %parallel_loop3A_1443, %parallel_loop3A_1450 : vector<16xf32>
        %parallel_loop3A_1452 = arith.constant 16 : i32
        %parallel_loop3A_1453 = arith.muli %parallel_loop3A_1452, %parallel_loop3A_1169 : i32
        %parallel_loop3A_1454 = arith.constant 6 : i32
        %parallel_loop3A_1455 = arith.index_cast %parallel_loop3A_1454 : i32 to index
        %parallel_loop3A_1456 = arith.index_cast %parallel_loop3A_1453 : i32 to index
        %parallel_loop3A_1457 = tpu.vector_load %arg23[%parallel_loop3A_1455, %parallel_loop3A_1456] {strides = array<i32>} : memref<8x80xf32, #tpu.memory_space<vmem>>, vector<16xf32>,
        tpu.vector_store %arg23[%parallel_loop3A_1455, %parallel_loop3A_1456], %parallel_loop3A_1451 {strides = array<i32>} : memref<8x80xf32, #tpu.memory_space<vmem>>, vector<16xf32>,
        %parallel_loop3A_1458 = vector.broadcast %squeeze3A_23 : f32 to vector<16xf32>
        %parallel_loop3A_1459 = arith.mulf %parallel_loop3A_1177, %parallel_loop3A_1458 : vector<16xf32>
        %parallel_loop3A_1460 = vector.broadcast %squeeze3A_39 : f32 to vector<16xf32>
        %parallel_loop3A_1461 = arith.mulf %parallel_loop3A_1180, %parallel_loop3A_1460 : vector<16xf32>
        %parallel_loop3A_1462 = arith.addf %parallel_loop3A_1459, %parallel_loop3A_1461 : vector<16xf32>
        %parallel_loop3A_1463 = vector.broadcast %squeeze3A_55 : f32 to vector<16xf32>
        %parallel_loop3A_1464 = arith.mulf %parallel_loop3A_1183, %parallel_loop3A_1463 : vector<16xf32>
        %parallel_loop3A_1465 = arith.addf %parallel_loop3A_1462, %parallel_loop3A_1464 : vector<16xf32>
        %parallel_loop3A_1466 = vector.broadcast %squeeze3A_71 : f32 to vector<16xf32>
        %parallel_loop3A_1467 = arith.mulf %parallel_loop3A_1186, %parallel_loop3A_1466 : vector<16xf32>
        %parallel_loop3A_1468 = arith.addf %parallel_loop3A_1465, %parallel_loop3A_1467 : vector<16xf32>
        %parallel_loop3A_1469 = vector.broadcast %squeeze3A_87 : f32 to vector<16xf32>
        %parallel_loop3A_1470 = arith.mulf %parallel_loop3A_1189, %parallel_loop3A_1469 : vector<16xf32>
        %parallel_loop3A_1471 = arith.addf %parallel_loop3A_1468, %parallel_loop3A_1470 : vector<16xf32>
        %parallel_loop3A_1472 = vector.broadcast %squeeze3A_103 : f32 to vector<16xf32>
        %parallel_loop3A_1473 = arith.mulf %parallel_loop3A_1192, %parallel_loop3A_1472 : vector<16xf32>
        %parallel_loop3A_1474 = arith.addf %parallel_loop3A_1471, %parallel_loop3A_1473 : vector<16xf32>
        %parallel_loop3A_1475 = vector.broadcast %squeeze3A_119 : f32 to vector<16xf32>
        %parallel_loop3A_1476 = arith.mulf %parallel_loop3A_1195, %parallel_loop3A_1475 : vector<16xf32>
        %parallel_loop3A_1477 = arith.addf %parallel_loop3A_1474, %parallel_loop3A_1476 : vector<16xf32>
        %parallel_loop3A_1478 = vector.broadcast %squeeze3A_135 : f32 to vector<16xf32>
        %parallel_loop3A_1479 = arith.mulf %parallel_loop3A_1198, %parallel_loop3A_1478 : vector<16xf32>
        %parallel_loop3A_1480 = arith.addf %parallel_loop3A_1477, %parallel_loop3A_1479 : vector<16xf32>
        %parallel_loop3A_1481 = arith.constant 0.000000e+00 : f32
        %parallel_loop3A_1482 = vector.broadcast %parallel_loop3A_1481 : f32 to vector<16xf32>
        %parallel_loop3A_1483 = arith.subf %parallel_loop3A_1482, %parallel_loop3A_1480 : vector<16xf32>
        %parallel_loop3A_1484 = math.exp %parallel_loop3A_1483 : vector<16xf32>
        %parallel_loop3A_1485 = arith.constant 1.000000e+00 : f32
        %parallel_loop3A_1486 = vector.broadcast %parallel_loop3A_1485 : f32 to vector<16xf32>
        %parallel_loop3A_1487 = arith.addf %parallel_loop3A_1486, %parallel_loop3A_1484 : vector<16xf32>
        %parallel_loop3A_1488 = arith.divf %parallel_loop3A_1480, %parallel_loop3A_1487 : vector<16xf32>
        %parallel_loop3A_1489 = arith.constant 16 : i32
        %parallel_loop3A_1490 = arith.muli %parallel_loop3A_1489, %parallel_loop3A_1169 : i32
        %parallel_loop3A_1491 = arith.constant 7 : i32
        %parallel_loop3A_1492 = arith.index_cast %parallel_loop3A_1491 : i32 to index
        %parallel_loop3A_1493 = arith.index_cast %parallel_loop3A_1490 : i32 to index
        %parallel_loop3A_1494 = tpu.vector_load %arg23[%parallel_loop3A_1492, %parallel_loop3A_1493] {strides = array<i32>} : memref<8x80xf32, #tpu.memory_space<vmem>>, vector<16xf32>,
        tpu.vector_store %arg23[%parallel_loop3A_1492, %parallel_loop3A_1493], %parallel_loop3A_1488 {strides = array<i32>} : memref<8x80xf32, #tpu.memory_space<vmem>>, vector<16xf32>,
      } {sc.loop_unroll_factor = 1 : i64, sc.parallel_access}
      %add3A_322 = arith.constant 0 : i32
      %add3A_323 = arith.addi %mul3A_137, %add3A_322 : i32
      %get3A_324 = arith.constant 0 : i32
      %get3A_325 = arith.index_cast %get3A_324 : i32 to index
      %get3A_326 = arith.index_cast %add3A_323 : i32 to index
      %get3A_327 = tpu.vector_load %arg14[%get3A_325, %get3A_326] {strides = array<i32>} : memref<8x256xbf16, #tpu.memory_space<vmem>>, vector<32xbf16>,
      %add3A_328 = arith.constant 32 : i32
      %add3A_329 = arith.addi %mul3A_137, %add3A_328 : i32
      %get3A_330 = arith.constant 0 : i32
      %get3A_331 = arith.index_cast %get3A_330 : i32 to index
      %get3A_332 = arith.index_cast %add3A_329 : i32 to index
      %get3A_333 = tpu.vector_load %arg14[%get3A_331, %get3A_332] {strides = array<i32>} : memref<8x256xbf16, #tpu.memory_space<vmem>>, vector<32xbf16>,
      %add3A_334 = arith.constant 0 : i32
      %add3A_335 = arith.addi %mul3A_137, %add3A_334 : i32
      %get3A_336 = arith.constant 1 : i32
      %get3A_337 = arith.index_cast %get3A_336 : i32 to index
      %get3A_338 = arith.index_cast %add3A_335 : i32 to index
      %get3A_339 = tpu.vector_load %arg14[%get3A_337, %get3A_338] {strides = array<i32>} : memref<8x256xbf16, #tpu.memory_space<vmem>>, vector<32xbf16>,
      %add3A_340 = arith.constant 32 : i32
      %add3A_341 = arith.addi %mul3A_137, %add3A_340 : i32
      %get3A_342 = arith.constant 1 : i32
      %get3A_343 = arith.index_cast %get3A_342 : i32 to index
      %get3A_344 = arith.index_cast %add3A_341 : i32 to index
      %get3A_345 = tpu.vector_load %arg14[%get3A_343, %get3A_344] {strides = array<i32>} : memref<8x256xbf16, #tpu.memory_space<vmem>>, vector<32xbf16>,
      %add3A_346 = arith.constant 0 : i32
      %add3A_347 = arith.addi %mul3A_137, %add3A_346 : i32
      %get3A_348 = arith.constant 2 : i32
      %get3A_349 = arith.index_cast %get3A_348 : i32 to index
      %get3A_350 = arith.index_cast %add3A_347 : i32 to index
      %get3A_351 = tpu.vector_load %arg14[%get3A_349, %get3A_350] {strides = array<i32>} : memref<8x256xbf16, #tpu.memory_space<vmem>>, vector<32xbf16>,
      %add3A_352 = arith.constant 32 : i32
      %add3A_353 = arith.addi %mul3A_137, %add3A_352 : i32
      %get3A_354 = arith.constant 2 : i32
      %get3A_355 = arith.index_cast %get3A_354 : i32 to index
      %get3A_356 = arith.index_cast %add3A_353 : i32 to index
      %get3A_357 = tpu.vector_load %arg14[%get3A_355, %get3A_356] {strides = array<i32>} : memref<8x256xbf16, #tpu.memory_space<vmem>>, vector<32xbf16>,
      %add3A_358 = arith.constant 0 : i32
      %add3A_359 = arith.addi %mul3A_137, %add3A_358 : i32
      %get3A_360 = arith.constant 3 : i32
      %get3A_361 = arith.index_cast %get3A_360 : i32 to index
      %get3A_362 = arith.index_cast %add3A_359 : i32 to index
      %get3A_363 = tpu.vector_load %arg14[%get3A_361, %get3A_362] {strides = array<i32>} : memref<8x256xbf16, #tpu.memory_space<vmem>>, vector<32xbf16>,
      %add3A_364 = arith.constant 32 : i32
      %add3A_365 = arith.addi %mul3A_137, %add3A_364 : i32
      %get3A_366 = arith.constant 3 : i32
      %get3A_367 = arith.index_cast %get3A_366 : i32 to index
      %get3A_368 = arith.index_cast %add3A_365 : i32 to index
      %get3A_369 = tpu.vector_load %arg14[%get3A_367, %get3A_368] {strides = array<i32>} : memref<8x256xbf16, #tpu.memory_space<vmem>>, vector<32xbf16>,
      %add3A_370 = arith.constant 0 : i32
      %add3A_371 = arith.addi %mul3A_137, %add3A_370 : i32
      %get3A_372 = arith.constant 4 : i32
      %get3A_373 = arith.index_cast %get3A_372 : i32 to index
      %get3A_374 = arith.index_cast %add3A_371 : i32 to index
      %get3A_375 = tpu.vector_load %arg14[%get3A_373, %get3A_374] {strides = array<i32>} : memref<8x256xbf16, #tpu.memory_space<vmem>>, vector<32xbf16>,
      %add3A_376 = arith.constant 32 : i32
      %add3A_377 = arith.addi %mul3A_137, %add3A_376 : i32
      %get3A_378 = arith.constant 4 : i32
      %get3A_379 = arith.index_cast %get3A_378 : i32 to index
      %get3A_380 = arith.index_cast %add3A_377 : i32 to index
      %get3A_381 = tpu.vector_load %arg14[%get3A_379, %get3A_380] {strides = array<i32>} : memref<8x256xbf16, #tpu.memory_space<vmem>>, vector<32xbf16>,
      %add3A_382 = arith.constant 0 : i32
      %add3A_383 = arith.addi %mul3A_137, %add3A_382 : i32
      %get3A_384 = arith.constant 5 : i32
      %get3A_385 = arith.index_cast %get3A_384 : i32 to index
      %get3A_386 = arith.index_cast %add3A_383 : i32 to index
      %get3A_387 = tpu.vector_load %arg14[%get3A_385, %get3A_386] {strides = array<i32>} : memref<8x256xbf16, #tpu.memory_space<vmem>>, vector<32xbf16>,
      %add3A_388 = arith.constant 32 : i32
      %add3A_389 = arith.addi %mul3A_137, %add3A_388 : i32
      %get3A_390 = arith.constant 5 : i32
      %get3A_391 = arith.index_cast %get3A_390 : i32 to index
      %get3A_392 = arith.index_cast %add3A_389 : i32 to index
      %get3A_393 = tpu.vector_load %arg14[%get3A_391, %get3A_392] {strides = array<i32>} : memref<8x256xbf16, #tpu.memory_space<vmem>>, vector<32xbf16>,
      %add3A_394 = arith.constant 0 : i32
      %add3A_395 = arith.addi %mul3A_137, %add3A_394 : i32
      %get3A_396 = arith.constant 6 : i32
      %get3A_397 = arith.index_cast %get3A_396 : i32 to index
      %get3A_398 = arith.index_cast %add3A_395 : i32 to index
      %get3A_399 = tpu.vector_load %arg14[%get3A_397, %get3A_398] {strides = array<i32>} : memref<8x256xbf16, #tpu.memory_space<vmem>>, vector<32xbf16>,
      %add3A_400 = arith.constant 32 : i32
      %add3A_401 = arith.addi %mul3A_137, %add3A_400 : i32
      %get3A_402 = arith.constant 6 : i32
      %get3A_403 = arith.index_cast %get3A_402 : i32 to index
      %get3A_404 = arith.index_cast %add3A_401 : i32 to index
      %get3A_405 = tpu.vector_load %arg14[%get3A_403, %get3A_404] {strides = array<i32>} : memref<8x256xbf16, #tpu.memory_space<vmem>>, vector<32xbf16>,
      %add3A_406 = arith.constant 0 : i32
      %add3A_407 = arith.addi %mul3A_137, %add3A_406 : i32
      %get3A_408 = arith.constant 7 : i32
      %get3A_409 = arith.index_cast %get3A_408 : i32 to index
      %get3A_410 = arith.index_cast %add3A_407 : i32 to index
      %get3A_411 = tpu.vector_load %arg14[%get3A_409, %get3A_410] {strides = array<i32>} : memref<8x256xbf16, #tpu.memory_space<vmem>>, vector<32xbf16>,
      %add3A_412 = arith.constant 32 : i32
      %add3A_413 = arith.addi %mul3A_137, %add3A_412 : i32
      %get3A_414 = arith.constant 7 : i32
      %get3A_415 = arith.index_cast %get3A_414 : i32 to index
      %get3A_416 = arith.index_cast %add3A_413 : i32 to index
      %get3A_417 = tpu.vector_load %arg14[%get3A_415, %get3A_416] {strides = array<i32>} : memref<8x256xbf16, #tpu.memory_space<vmem>>, vector<32xbf16>,
      %add3A_418 = arith.constant 0 : i32
      %add3A_419 = arith.addi %add3A_140, %add3A_418 : i32
      %get3A_420 = arith.constant 0 : i32
      %get3A_421 = arith.index_cast %get3A_420 : i32 to index
      %get3A_422 = arith.index_cast %add3A_419 : i32 to index
      %get3A_423 = tpu.vector_load %arg14[%get3A_421, %get3A_422] {strides = array<i32>} : memref<8x256xbf16, #tpu.memory_space<vmem>>, vector<32xbf16>,
      %add3A_424 = arith.constant 32 : i32
      %add3A_425 = arith.addi %add3A_140, %add3A_424 : i32
      %get3A_426 = arith.constant 0 : i32
      %get3A_427 = arith.index_cast %get3A_426 : i32 to index
      %get3A_428 = arith.index_cast %add3A_425 : i32 to index
      %get3A_429 = tpu.vector_load %arg14[%get3A_427, %get3A_428] {strides = array<i32>} : memref<8x256xbf16, #tpu.memory_space<vmem>>, vector<32xbf16>,
      %add3A_430 = arith.constant 0 : i32
      %add3A_431 = arith.addi %add3A_140, %add3A_430 : i32
      %get3A_432 = arith.constant 1 : i32
      %get3A_433 = arith.index_cast %get3A_432 : i32 to index
      %get3A_434 = arith.index_cast %add3A_431 : i32 to index
      %get3A_435 = tpu.vector_load %arg14[%get3A_433, %get3A_434] {strides = array<i32>} : memref<8x256xbf16, #tpu.memory_space<vmem>>, vector<32xbf16>,
      %add3A_436 = arith.constant 32 : i32
      %add3A_437 = arith.addi %add3A_140, %add3A_436 : i32
      %get3A_438 = arith.constant 1 : i32
      %get3A_439 = arith.index_cast %get3A_438 : i32 to index
      %get3A_440 = arith.index_cast %add3A_437 : i32 to index
      %get3A_441 = tpu.vector_load %arg14[%get3A_439, %get3A_440] {strides = array<i32>} : memref<8x256xbf16, #tpu.memory_space<vmem>>, vector<32xbf16>,
      %add3A_442 = arith.constant 0 : i32
      %add3A_443 = arith.addi %add3A_140, %add3A_442 : i32
      %get3A_444 = arith.constant 2 : i32
      %get3A_445 = arith.index_cast %get3A_444 : i32 to index
      %get3A_446 = arith.index_cast %add3A_443 : i32 to index
      %get3A_447 = tpu.vector_load %arg14[%get3A_445, %get3A_446] {strides = array<i32>} : memref<8x256xbf16, #tpu.memory_space<vmem>>, vector<32xbf16>,
      %add3A_448 = arith.constant 32 : i32
      %add3A_449 = arith.addi %add3A_140, %add3A_448 : i32
      %get3A_450 = arith.constant 2 : i32
      %get3A_451 = arith.index_cast %get3A_450 : i32 to index
      %get3A_452 = arith.index_cast %add3A_449 : i32 to index
      %get3A_453 = tpu.vector_load %arg14[%get3A_451, %get3A_452] {strides = array<i32>} : memref<8x256xbf16, #tpu.memory_space<vmem>>, vector<32xbf16>,
      %add3A_454 = arith.constant 0 : i32
      %add3A_455 = arith.addi %add3A_140, %add3A_454 : i32
      %get3A_456 = arith.constant 3 : i32
      %get3A_457 = arith.index_cast %get3A_456 : i32 to index
      %get3A_458 = arith.index_cast %add3A_455 : i32 to index
      %get3A_459 = tpu.vector_load %arg14[%get3A_457, %get3A_458] {strides = array<i32>} : memref<8x256xbf16, #tpu.memory_space<vmem>>, vector<32xbf16>,
      %add3A_460 = arith.constant 32 : i32
      %add3A_461 = arith.addi %add3A_140, %add3A_460 : i32
      %get3A_462 = arith.constant 3 : i32
      %get3A_463 = arith.index_cast %get3A_462 : i32 to index
      %get3A_464 = arith.index_cast %add3A_461 : i32 to index
      %get3A_465 = tpu.vector_load %arg14[%get3A_463, %get3A_464] {strides = array<i32>} : memref<8x256xbf16, #tpu.memory_space<vmem>>, vector<32xbf16>,
      %add3A_466 = arith.constant 0 : i32
      %add3A_467 = arith.addi %add3A_140, %add3A_466 : i32
      %get3A_468 = arith.constant 4 : i32
      %get3A_469 = arith.index_cast %get3A_468 : i32 to index
      %get3A_470 = arith.index_cast %add3A_467 : i32 to index
      %get3A_471 = tpu.vector_load %arg14[%get3A_469, %get3A_470] {strides = array<i32>} : memref<8x256xbf16, #tpu.memory_space<vmem>>, vector<32xbf16>,
      %add3A_472 = arith.constant 32 : i32
      %add3A_473 = arith.addi %add3A_140, %add3A_472 : i32
      %get3A_474 = arith.constant 4 : i32
      %get3A_475 = arith.index_cast %get3A_474 : i32 to index
      %get3A_476 = arith.index_cast %add3A_473 : i32 to index
      %get3A_477 = tpu.vector_load %arg14[%get3A_475, %get3A_476] {strides = array<i32>} : memref<8x256xbf16, #tpu.memory_space<vmem>>, vector<32xbf16>,
      %add3A_478 = arith.constant 0 : i32
      %add3A_479 = arith.addi %add3A_140, %add3A_478 : i32
      %get3A_480 = arith.constant 5 : i32
      %get3A_481 = arith.index_cast %get3A_480 : i32 to index
      %get3A_482 = arith.index_cast %add3A_479 : i32 to index
      %get3A_483 = tpu.vector_load %arg14[%get3A_481, %get3A_482] {strides = array<i32>} : memref<8x256xbf16, #tpu.memory_space<vmem>>, vector<32xbf16>,
      %add3A_484 = arith.constant 32 : i32
      %add3A_485 = arith.addi %add3A_140, %add3A_484 : i32
      %get3A_486 = arith.constant 5 : i32
      %get3A_487 = arith.index_cast %get3A_486 : i32 to index
      %get3A_488 = arith.index_cast %add3A_485 : i32 to index
      %get3A_489 = tpu.vector_load %arg14[%get3A_487, %get3A_488] {strides = array<i32>} : memref<8x256xbf16, #tpu.memory_space<vmem>>, vector<32xbf16>,
      %add3A_490 = arith.constant 0 : i32
      %add3A_491 = arith.addi %add3A_140, %add3A_490 : i32
      %get3A_492 = arith.constant 6 : i32
      %get3A_493 = arith.index_cast %get3A_492 : i32 to index
      %get3A_494 = arith.index_cast %add3A_491 : i32 to index
      %get3A_495 = tpu.vector_load %arg14[%get3A_493, %get3A_494] {strides = array<i32>} : memref<8x256xbf16, #tpu.memory_space<vmem>>, vector<32xbf16>,
      %add3A_496 = arith.constant 32 : i32
      %add3A_497 = arith.addi %add3A_140, %add3A_496 : i32
      %get3A_498 = arith.constant 6 : i32
      %get3A_499 = arith.index_cast %get3A_498 : i32 to index
      %get3A_500 = arith.index_cast %add3A_497 : i32 to index
      %get3A_501 = tpu.vector_load %arg14[%get3A_499, %get3A_500] {strides = array<i32>} : memref<8x256xbf16, #tpu.memory_space<vmem>>, vector<32xbf16>,
      %add3A_502 = arith.constant 0 : i32
      %add3A_503 = arith.addi %add3A_140, %add3A_502 : i32
      %get3A_504 = arith.constant 7 : i32
      %get3A_505 = arith.index_cast %get3A_504 : i32 to index
      %get3A_506 = arith.index_cast %add3A_503 : i32 to index
      %get3A_507 = tpu.vector_load %arg14[%get3A_505, %get3A_506] {strides = array<i32>} : memref<8x256xbf16, #tpu.memory_space<vmem>>, vector<32xbf16>,
      %add3A_508 = arith.constant 32 : i32
      %add3A_509 = arith.addi %add3A_140, %add3A_508 : i32
      %get3A_510 = arith.constant 7 : i32
      %get3A_511 = arith.index_cast %get3A_510 : i32 to index
      %get3A_512 = arith.index_cast %add3A_509 : i32 to index
      %get3A_513 = tpu.vector_load %arg14[%get3A_511, %get3A_512] {strides = array<i32>} : memref<8x256xbf16, #tpu.memory_space<vmem>>, vector<32xbf16>,
      %parallel_loop3A_514 = arith.constant 0 : i32
      %parallel_loop3A_515 = arith.constant 10 : i32
      %parallel_loop3A_516 = arith.constant 1 : i32
      scf.for %parallel_loop3A_1169 = %parallel_loop3A_514 to %parallel_loop3A_515 step %parallel_loop3A_516  : i32 {
        %parallel_loop3A_1170 = arith.constant 0 : i32
        %parallel_loop3A_1171 = vector.broadcast %parallel_loop3A_1170 : i32 to vector<16xi32>
        %parallel_loop3A_1172 = vector.broadcast %parallel_loop3A_1169 : i32 to vector<16xi32>
        %parallel_loop3A_1173 = arith.addi %parallel_loop3A_1171, %parallel_loop3A_1172 : vector<16xi32>
        %parallel_loop3A_1174 = arith.constant 0 : i32
        %parallel_loop3A_1175 = vector.broadcast %parallel_loop3A_1174 : i32 to vector<16xi32>
        %parallel_loop3A_1176 = tpu.vector_load_idx %arg23[%parallel_loop3A_1175, %parallel_loop3A_1173] : memref<8x80xf32, #tpu.memory_space<vmem>>[vector<16xi32>, vector<16xi32>], vector<16xf32>,
        %parallel_loop3A_1177 = arith.constant 1 : i32
        %parallel_loop3A_1178 = vector.broadcast %parallel_loop3A_1177 : i32 to vector<16xi32>
        %parallel_loop3A_1179 = tpu.vector_load_idx %arg23[%parallel_loop3A_1178, %parallel_loop3A_1173] : memref<8x80xf32, #tpu.memory_space<vmem>>[vector<16xi32>, vector<16xi32>], vector<16xf32>,
        %parallel_loop3A_1180 = arith.constant 2 : i32
        %parallel_loop3A_1181 = vector.broadcast %parallel_loop3A_1180 : i32 to vector<16xi32>
        %parallel_loop3A_1182 = tpu.vector_load_idx %arg23[%parallel_loop3A_1181, %parallel_loop3A_1173] : memref<8x80xf32, #tpu.memory_space<vmem>>[vector<16xi32>, vector<16xi32>], vector<16xf32>,
        %parallel_loop3A_1183 = arith.constant 3 : i32
        %parallel_loop3A_1184 = vector.broadcast %parallel_loop3A_1183 : i32 to vector<16xi32>
        %parallel_loop3A_1185 = tpu.vector_load_idx %arg23[%parallel_loop3A_1184, %parallel_loop3A_1173] : memref<8x80xf32, #tpu.memory_space<vmem>>[vector<16xi32>, vector<16xi32>], vector<16xf32>,
        %parallel_loop3A_1186 = arith.constant 4 : i32
        %parallel_loop3A_1187 = vector.broadcast %parallel_loop3A_1186 : i32 to vector<16xi32>
        %parallel_loop3A_1188 = tpu.vector_load_idx %arg23[%parallel_loop3A_1187, %parallel_loop3A_1173] : memref<8x80xf32, #tpu.memory_space<vmem>>[vector<16xi32>, vector<16xi32>], vector<16xf32>,
        %parallel_loop3A_1189 = arith.constant 5 : i32
        %parallel_loop3A_1190 = vector.broadcast %parallel_loop3A_1189 : i32 to vector<16xi32>
        %parallel_loop3A_1191 = tpu.vector_load_idx %arg23[%parallel_loop3A_1190, %parallel_loop3A_1173] : memref<8x80xf32, #tpu.memory_space<vmem>>[vector<16xi32>, vector<16xi32>], vector<16xf32>,
        %parallel_loop3A_1192 = arith.constant 6 : i32
        %parallel_loop3A_1193 = vector.broadcast %parallel_loop3A_1192 : i32 to vector<16xi32>
        %parallel_loop3A_1194 = tpu.vector_load_idx %arg23[%parallel_loop3A_1193, %parallel_loop3A_1173] : memref<8x80xf32, #tpu.memory_space<vmem>>[vector<16xi32>, vector<16xi32>], vector<16xf32>,
        %parallel_loop3A_1195 = arith.constant 7 : i32
        %parallel_loop3A_1196 = vector.broadcast %parallel_loop3A_1195 : i32 to vector<16xi32>
        %parallel_loop3A_1197 = tpu.vector_load_idx %arg23[%parallel_loop3A_1196, %parallel_loop3A_1173] : memref<8x80xf32, #tpu.memory_space<vmem>>[vector<16xi32>, vector<16xi32>], vector<16xf32>,
        %parallel_loop3A_1198 = tpu.pack_subelements %parallel_loop3A_1176, %parallel_loop3A_1176 {pack_format = #tpu.pack_format<interleaved>, positions = array<i32: 0, 1>} : vector<16xf32>, vector<16xf32> -> vector<32xbf16>
        %parallel_loop3A_1199 = tpu.pack_subelements %parallel_loop3A_1179, %parallel_loop3A_1179 {pack_format = #tpu.pack_format<interleaved>, positions = array<i32: 0, 1>} : vector<16xf32>, vector<16xf32> -> vector<32xbf16>
        %parallel_loop3A_1200 = tpu.pack_subelements %parallel_loop3A_1182, %parallel_loop3A_1182 {pack_format = #tpu.pack_format<interleaved>, positions = array<i32: 0, 1>} : vector<16xf32>, vector<16xf32> -> vector<32xbf16>
        %parallel_loop3A_1201 = tpu.pack_subelements %parallel_loop3A_1185, %parallel_loop3A_1185 {pack_format = #tpu.pack_format<interleaved>, positions = array<i32: 0, 1>} : vector<16xf32>, vector<16xf32> -> vector<32xbf16>
        %parallel_loop3A_1202 = tpu.pack_subelements %parallel_loop3A_1188, %parallel_loop3A_1188 {pack_format = #tpu.pack_format<interleaved>, positions = array<i32: 0, 1>} : vector<16xf32>, vector<16xf32> -> vector<32xbf16>
        %parallel_loop3A_1203 = tpu.pack_subelements %parallel_loop3A_1191, %parallel_loop3A_1191 {pack_format = #tpu.pack_format<interleaved>, positions = array<i32: 0, 1>} : vector<16xf32>, vector<16xf32> -> vector<32xbf16>
        %parallel_loop3A_1204 = tpu.pack_subelements %parallel_loop3A_1194, %parallel_loop3A_1194 {pack_format = #tpu.pack_format<interleaved>, positions = array<i32: 0, 1>} : vector<16xf32>, vector<16xf32> -> vector<32xbf16>
        %parallel_loop3A_1205 = tpu.pack_subelements %parallel_loop3A_1197, %parallel_loop3A_1197 {pack_format = #tpu.pack_format<interleaved>, positions = array<i32: 0, 1>} : vector<16xf32>, vector<16xf32> -> vector<32xbf16>
        %parallel_loop3A_1206 = arith.index_cast %parallel_loop3A_1169 : i32 to index
        %parallel_loop3A_1207 = arith.constant 0 : index
        %parallel_loop3A_1208 = tpu.vector_load %arg24[%parallel_loop3A_1206, %parallel_loop3A_1207] {strides = array<i32>} : memref<80x64xf32, #tpu.memory_space<vmem>>, vector<16xf32>,
        %parallel_loop3A_1209 = arith.index_cast %parallel_loop3A_1169 : i32 to index
        %parallel_loop3A_1210 = arith.constant 16 : index
        %parallel_loop3A_1211 = tpu.vector_load %arg24[%parallel_loop3A_1209, %parallel_loop3A_1210] {strides = array<i32>} : memref<80x64xf32, #tpu.memory_space<vmem>>, vector<16xf32>,
        %parallel_loop3A_1212 = arith.mulf %get3A_423, %parallel_loop3A_1198 : vector<32xbf16>
        %parallel_loop3A_1213 = arith.mulf %get3A_435, %parallel_loop3A_1199 : vector<32xbf16>
        %parallel_loop3A_1214 = arith.mulf %get3A_447, %parallel_loop3A_1200 : vector<32xbf16>
        %parallel_loop3A_1215 = arith.mulf %get3A_459, %parallel_loop3A_1201 : vector<32xbf16>
        %parallel_loop3A_1216 = arith.mulf %get3A_471, %parallel_loop3A_1202 : vector<32xbf16>
        %parallel_loop3A_1217 = arith.mulf %get3A_483, %parallel_loop3A_1203 : vector<32xbf16>
        %parallel_loop3A_1218 = arith.mulf %get3A_495, %parallel_loop3A_1204 : vector<32xbf16>
        %parallel_loop3A_1219 = arith.mulf %get3A_507, %parallel_loop3A_1205 : vector<32xbf16>
        %parallel_loop3A_1220 = arith.addf %parallel_loop3A_1212, %parallel_loop3A_1213 : vector<32xbf16>
        %parallel_loop3A_1221 = arith.addf %parallel_loop3A_1214, %parallel_loop3A_1215 : vector<32xbf16>
        %parallel_loop3A_1222 = arith.addf %parallel_loop3A_1216, %parallel_loop3A_1217 : vector<32xbf16>
        %parallel_loop3A_1223 = arith.addf %parallel_loop3A_1218, %parallel_loop3A_1219 : vector<32xbf16>
        %parallel_loop3A_1224 = arith.addf %parallel_loop3A_1220, %parallel_loop3A_1221 : vector<32xbf16>
        %parallel_loop3A_1225 = arith.addf %parallel_loop3A_1222, %parallel_loop3A_1223 : vector<32xbf16>
        %parallel_loop3A_1226 = arith.addf %parallel_loop3A_1224, %parallel_loop3A_1225 : vector<32xbf16>
        %parallel_loop3A_1227 = tpu.unpack_subelements %parallel_loop3A_1226, 0 {pack_format = #tpu.pack_format<interleaved>} : vector<32xbf16> -> vector<16xf32>
        %parallel_loop3A_1228 = tpu.unpack_subelements %parallel_loop3A_1226, 1 {pack_format = #tpu.pack_format<interleaved>} : vector<32xbf16> -> vector<16xf32>
        %parallel_loop3A_1229 = arith.index_cast %parallel_loop3A_1169 : i32 to index
        %parallel_loop3A_1230 = arith.constant 0 : index
        %parallel_loop3A_1231 = tpu.vector_load %arg26[%parallel_loop3A_1229, %parallel_loop3A_1230] {strides = array<i32>} : memref<80x64xf32, #tpu.memory_space<vmem>>, vector<16xf32>,
        %parallel_loop3A_1232 = arith.mulf %parallel_loop3A_1208, %parallel_loop3A_1231 : vector<16xf32>
        %parallel_loop3A_1233 = arith.mulf %parallel_loop3A_1232, %parallel_loop3A_1227 : vector<16xf32>
        %parallel_loop3A_1234 = arith.index_cast %parallel_loop3A_1169 : i32 to index
        %parallel_loop3A_1235 = arith.constant 0 : index
        %parallel_loop3A_1236 = tpu.vector_load %arg26[%parallel_loop3A_1234, %parallel_loop3A_1235] {strides = array<i32>} : memref<80x64xf32, #tpu.memory_space<vmem>>, vector<16xf32>,
        tpu.vector_store %arg26[%parallel_loop3A_1234, %parallel_loop3A_1235], %parallel_loop3A_1233 {strides = array<i32>} : memref<80x64xf32, #tpu.memory_space<vmem>>, vector<16xf32>,
        %parallel_loop3A_1237 = arith.index_cast %parallel_loop3A_1169 : i32 to index
        %parallel_loop3A_1238 = arith.constant 16 : index
        %parallel_loop3A_1239 = tpu.vector_load %arg26[%parallel_loop3A_1237, %parallel_loop3A_1238] {strides = array<i32>} : memref<80x64xf32, #tpu.memory_space<vmem>>, vector<16xf32>,
        %parallel_loop3A_1240 = arith.mulf %parallel_loop3A_1211, %parallel_loop3A_1239 : vector<16xf32>
        %parallel_loop3A_1241 = arith.mulf %parallel_loop3A_1240, %parallel_loop3A_1228 : vector<16xf32>
        %parallel_loop3A_1242 = arith.index_cast %parallel_loop3A_1169 : i32 to index
        %parallel_loop3A_1243 = arith.constant 16 : index
        %parallel_loop3A_1244 = tpu.vector_load %arg26[%parallel_loop3A_1242, %parallel_loop3A_1243] {strides = array<i32>} : memref<80x64xf32, #tpu.memory_space<vmem>>, vector<16xf32>,
        tpu.vector_store %arg26[%parallel_loop3A_1242, %parallel_loop3A_1243], %parallel_loop3A_1241 {strides = array<i32>} : memref<80x64xf32, #tpu.memory_space<vmem>>, vector<16xf32>,
        %parallel_loop3A_1245 = arith.mulf %get3A_327, %parallel_loop3A_1198 : vector<32xbf16>
        %parallel_loop3A_1246 = arith.mulf %get3A_339, %parallel_loop3A_1199 : vector<32xbf16>
        %parallel_loop3A_1247 = arith.mulf %get3A_351, %parallel_loop3A_1200 : vector<32xbf16>
        %parallel_loop3A_1248 = arith.mulf %get3A_363, %parallel_loop3A_1201 : vector<32xbf16>
        %parallel_loop3A_1249 = arith.mulf %get3A_375, %parallel_loop3A_1202 : vector<32xbf16>
        %parallel_loop3A_1250 = arith.mulf %get3A_387, %parallel_loop3A_1203 : vector<32xbf16>
        %parallel_loop3A_1251 = arith.mulf %get3A_399, %parallel_loop3A_1204 : vector<32xbf16>
        %parallel_loop3A_1252 = arith.mulf %get3A_411, %parallel_loop3A_1205 : vector<32xbf16>
        %parallel_loop3A_1253 = arith.addf %parallel_loop3A_1245, %parallel_loop3A_1246 : vector<32xbf16>
        %parallel_loop3A_1254 = arith.addf %parallel_loop3A_1247, %parallel_loop3A_1248 : vector<32xbf16>
        %parallel_loop3A_1255 = arith.addf %parallel_loop3A_1249, %parallel_loop3A_1250 : vector<32xbf16>
        %parallel_loop3A_1256 = arith.addf %parallel_loop3A_1251, %parallel_loop3A_1252 : vector<32xbf16>
        %parallel_loop3A_1257 = arith.addf %parallel_loop3A_1253, %parallel_loop3A_1254 : vector<32xbf16>
        %parallel_loop3A_1258 = arith.addf %parallel_loop3A_1255, %parallel_loop3A_1256 : vector<32xbf16>
        %parallel_loop3A_1259 = arith.addf %parallel_loop3A_1257, %parallel_loop3A_1258 : vector<32xbf16>
        %parallel_loop3A_1260 = tpu.unpack_subelements %parallel_loop3A_1259, 0 {pack_format = #tpu.pack_format<interleaved>} : vector<32xbf16> -> vector<16xf32>
        %parallel_loop3A_1261 = tpu.unpack_subelements %parallel_loop3A_1259, 1 {pack_format = #tpu.pack_format<interleaved>} : vector<32xbf16> -> vector<16xf32>
        %parallel_loop3A_1262 = arith.mulf %parallel_loop3A_1208, %parallel_loop3A_1260 : vector<16xf32>
        %parallel_loop3A_1263 = arith.index_cast %parallel_loop3A_1169 : i32 to index
        %parallel_loop3A_1264 = arith.constant 0 : index
        %parallel_loop3A_1265 = tpu.vector_load %arg24[%parallel_loop3A_1263, %parallel_loop3A_1264] {strides = array<i32>} : memref<80x64xf32, #tpu.memory_space<vmem>>, vector<16xf32>,
        tpu.vector_store %arg24[%parallel_loop3A_1263, %parallel_loop3A_1264], %parallel_loop3A_1262 {strides = array<i32>} : memref<80x64xf32, #tpu.memory_space<vmem>>, vector<16xf32>,
        %parallel_loop3A_1266 = arith.mulf %parallel_loop3A_1211, %parallel_loop3A_1261 : vector<16xf32>
        %parallel_loop3A_1267 = arith.index_cast %parallel_loop3A_1169 : i32 to index
        %parallel_loop3A_1268 = arith.constant 16 : index
        %parallel_loop3A_1269 = tpu.vector_load %arg24[%parallel_loop3A_1267, %parallel_loop3A_1268] {strides = array<i32>} : memref<80x64xf32, #tpu.memory_space<vmem>>, vector<16xf32>,
        tpu.vector_store %arg24[%parallel_loop3A_1267, %parallel_loop3A_1268], %parallel_loop3A_1266 {strides = array<i32>} : memref<80x64xf32, #tpu.memory_space<vmem>>, vector<16xf32>,
        %parallel_loop3A_1270 = arith.index_cast %parallel_loop3A_1169 : i32 to index
        %parallel_loop3A_1271 = arith.constant 32 : index
        %parallel_loop3A_1272 = tpu.vector_load %arg24[%parallel_loop3A_1270, %parallel_loop3A_1271] {strides = array<i32>} : memref<80x64xf32, #tpu.memory_space<vmem>>, vector<16xf32>,
        %parallel_loop3A_1273 = arith.index_cast %parallel_loop3A_1169 : i32 to index
        %parallel_loop3A_1274 = arith.constant 48 : index
        %parallel_loop3A_1275 = tpu.vector_load %arg24[%parallel_loop3A_1273, %parallel_loop3A_1274] {strides = array<i32>} : memref<80x64xf32, #tpu.memory_space<vmem>>, vector<16xf32>,
        %parallel_loop3A_1276 = arith.mulf %get3A_429, %parallel_loop3A_1198 : vector<32xbf16>
        %parallel_loop3A_1277 = arith.mulf %get3A_441, %parallel_loop3A_1199 : vector<32xbf16>
        %parallel_loop3A_1278 = arith.mulf %get3A_453, %parallel_loop3A_1200 : vector<32xbf16>
        %parallel_loop3A_1279 = arith.mulf %get3A_465, %parallel_loop3A_1201 : vector<32xbf16>
        %parallel_loop3A_1280 = arith.mulf %get3A_477, %parallel_loop3A_1202 : vector<32xbf16>
        %parallel_loop3A_1281 = arith.mulf %get3A_489, %parallel_loop3A_1203 : vector<32xbf16>
        %parallel_loop3A_1282 = arith.mulf %get3A_501, %parallel_loop3A_1204 : vector<32xbf16>
        %parallel_loop3A_1283 = arith.mulf %get3A_513, %parallel_loop3A_1205 : vector<32xbf16>
        %parallel_loop3A_1284 = arith.addf %parallel_loop3A_1276, %parallel_loop3A_1277 : vector<32xbf16>
        %parallel_loop3A_1285 = arith.addf %parallel_loop3A_1278, %parallel_loop3A_1279 : vector<32xbf16>
        %parallel_loop3A_1286 = arith.addf %parallel_loop3A_1280, %parallel_loop3A_1281 : vector<32xbf16>
        %parallel_loop3A_1287 = arith.addf %parallel_loop3A_1282, %parallel_loop3A_1283 : vector<32xbf16>
        %parallel_loop3A_1288 = arith.addf %parallel_loop3A_1284, %parallel_loop3A_1285 : vector<32xbf16>
        %parallel_loop3A_1289 = arith.addf %parallel_loop3A_1286, %parallel_loop3A_1287 : vector<32xbf16>
        %parallel_loop3A_1290 = arith.addf %parallel_loop3A_1288, %parallel_loop3A_1289 : vector<32xbf16>
        %parallel_loop3A_1291 = tpu.unpack_subelements %parallel_loop3A_1290, 0 {pack_format = #tpu.pack_format<interleaved>} : vector<32xbf16> -> vector<16xf32>
        %parallel_loop3A_1292 = tpu.unpack_subelements %parallel_loop3A_1290, 1 {pack_format = #tpu.pack_format<interleaved>} : vector<32xbf16> -> vector<16xf32>
        %parallel_loop3A_1293 = arith.index_cast %parallel_loop3A_1169 : i32 to index
        %parallel_loop3A_1294 = arith.constant 32 : index
        %parallel_loop3A_1295 = tpu.vector_load %arg26[%parallel_loop3A_1293, %parallel_loop3A_1294] {strides = array<i32>} : memref<80x64xf32, #tpu.memory_space<vmem>>, vector<16xf32>,
        %parallel_loop3A_1296 = arith.mulf %parallel_loop3A_1272, %parallel_loop3A_1295 : vector<16xf32>
        %parallel_loop3A_1297 = arith.mulf %parallel_loop3A_1296, %parallel_loop3A_1291 : vector<16xf32>
        %parallel_loop3A_1298 = arith.index_cast %parallel_loop3A_1169 : i32 to index
        %parallel_loop3A_1299 = arith.constant 32 : index
        %parallel_loop3A_1300 = tpu.vector_load %arg26[%parallel_loop3A_1298, %parallel_loop3A_1299] {strides = array<i32>} : memref<80x64xf32, #tpu.memory_space<vmem>>, vector<16xf32>,
        tpu.vector_store %arg26[%parallel_loop3A_1298, %parallel_loop3A_1299], %parallel_loop3A_1297 {strides = array<i32>} : memref<80x64xf32, #tpu.memory_space<vmem>>, vector<16xf32>,
        %parallel_loop3A_1301 = arith.index_cast %parallel_loop3A_1169 : i32 to index
        %parallel_loop3A_1302 = arith.constant 48 : index
        %parallel_loop3A_1303 = tpu.vector_load %arg26[%parallel_loop3A_1301, %parallel_loop3A_1302] {strides = array<i32>} : memref<80x64xf32, #tpu.memory_space<vmem>>, vector<16xf32>,
        %parallel_loop3A_1304 = arith.mulf %parallel_loop3A_1275, %parallel_loop3A_1303 : vector<16xf32>
        %parallel_loop3A_1305 = arith.mulf %parallel_loop3A_1304, %parallel_loop3A_1292 : vector<16xf32>
        %parallel_loop3A_1306 = arith.index_cast %parallel_loop3A_1169 : i32 to index
        %parallel_loop3A_1307 = arith.constant 48 : index
        %parallel_loop3A_1308 = tpu.vector_load %arg26[%parallel_loop3A_1306, %parallel_loop3A_1307] {strides = array<i32>} : memref<80x64xf32, #tpu.memory_space<vmem>>, vector<16xf32>,
        tpu.vector_store %arg26[%parallel_loop3A_1306, %parallel_loop3A_1307], %parallel_loop3A_1305 {strides = array<i32>} : memref<80x64xf32, #tpu.memory_space<vmem>>, vector<16xf32>,
        %parallel_loop3A_1309 = arith.mulf %get3A_333, %parallel_loop3A_1198 : vector<32xbf16>
        %parallel_loop3A_1310 = arith.mulf %get3A_345, %parallel_loop3A_1199 : vector<32xbf16>
        %parallel_loop3A_1311 = arith.mulf %get3A_357, %parallel_loop3A_1200 : vector<32xbf16>
        %parallel_loop3A_1312 = arith.mulf %get3A_369, %parallel_loop3A_1201 : vector<32xbf16>
        %parallel_loop3A_1313 = arith.mulf %get3A_381, %parallel_loop3A_1202 : vector<32xbf16>
        %parallel_loop3A_1314 = arith.mulf %get3A_393, %parallel_loop3A_1203 : vector<32xbf16>
        %parallel_loop3A_1315 = arith.mulf %get3A_405, %parallel_loop3A_1204 : vector<32xbf16>
        %parallel_loop3A_1316 = arith.mulf %get3A_417, %parallel_loop3A_1205 : vector<32xbf16>
        %parallel_loop3A_1317 = arith.addf %parallel_loop3A_1309, %parallel_loop3A_1310 : vector<32xbf16>
        %parallel_loop3A_1318 = arith.addf %parallel_loop3A_1311, %parallel_loop3A_1312 : vector<32xbf16>
        %parallel_loop3A_1319 = arith.addf %parallel_loop3A_1313, %parallel_loop3A_1314 : vector<32xbf16>
        %parallel_loop3A_1320 = arith.addf %parallel_loop3A_1315, %parallel_loop3A_1316 : vector<32xbf16>
        %parallel_loop3A_1321 = arith.addf %parallel_loop3A_1317, %parallel_loop3A_1318 : vector<32xbf16>
        %parallel_loop3A_1322 = arith.addf %parallel_loop3A_1319, %parallel_loop3A_1320 : vector<32xbf16>
        %parallel_loop3A_1323 = arith.addf %parallel_loop3A_1321, %parallel_loop3A_1322 : vector<32xbf16>
        %parallel_loop3A_1324 = tpu.unpack_subelements %parallel_loop3A_1323, 0 {pack_format = #tpu.pack_format<interleaved>} : vector<32xbf16> -> vector<16xf32>
        %parallel_loop3A_1325 = tpu.unpack_subelements %parallel_loop3A_1323, 1 {pack_format = #tpu.pack_format<interleaved>} : vector<32xbf16> -> vector<16xf32>
        %parallel_loop3A_1326 = arith.mulf %parallel_loop3A_1272, %parallel_loop3A_1324 : vector<16xf32>
        %parallel_loop3A_1327 = arith.index_cast %parallel_loop3A_1169 : i32 to index
        %parallel_loop3A_1328 = arith.constant 32 : index
        %parallel_loop3A_1329 = tpu.vector_load %arg24[%parallel_loop3A_1327, %parallel_loop3A_1328] {strides = array<i32>} : memref<80x64xf32, #tpu.memory_space<vmem>>, vector<16xf32>,
        tpu.vector_store %arg24[%parallel_loop3A_1327, %parallel_loop3A_1328], %parallel_loop3A_1326 {strides = array<i32>} : memref<80x64xf32, #tpu.memory_space<vmem>>, vector<16xf32>,
        %parallel_loop3A_1330 = arith.mulf %parallel_loop3A_1275, %parallel_loop3A_1325 : vector<16xf32>
        %parallel_loop3A_1331 = arith.index_cast %parallel_loop3A_1169 : i32 to index
        %parallel_loop3A_1332 = arith.constant 48 : index
        %parallel_loop3A_1333 = tpu.vector_load %arg24[%parallel_loop3A_1331, %parallel_loop3A_1332] {strides = array<i32>} : memref<80x64xf32, #tpu.memory_space<vmem>>, vector<16xf32>,
        tpu.vector_store %arg24[%parallel_loop3A_1331, %parallel_loop3A_1332], %parallel_loop3A_1330 {strides = array<i32>} : memref<80x64xf32, #tpu.memory_space<vmem>>, vector<16xf32>,
      } {sc.loop_unroll_factor = 1 : i64, sc.parallel_access}
      %add3A_517 = arith.constant 1 : i32
      %add3A_518 = arith.addi %mul3A_313, %add3A_517 : i32
      %lt3A = arith.constant 250 : i32
      %lt3A_519 = arith.cmpi slt, %add3A_518, %lt3A : i32
      %convert_element_type3A_520 = arith.extui %lt3A_519 : i1 to i32
      %cond3A_521 = arith.constant 0 : i32
      %cond3A_522 = arith.cmpi ne, %convert_element_type3A_520, %cond3A_521 : i32
      scf.if %cond3A_522 {
        %add3A_1169 = arith.constant 1 : i32
        %add3A_1170 = arith.addi %mul3A_313, %add3A_1169 : i32
        %mul3A_1171 = arith.constant 16 : i32
        %mul3A_1172 = arith.muli %mul3A_1171, %add3A_1170 : i32
        %add3A_1173 = arith.addi %arg1, %mul3A_1172 : i32
        %mul3A_1174 = arith.constant 80 : i32
        %mul3A_1175 = arith.muli %add3A_1173, %mul3A_1174 : i32
        %dma_wait3A_1176 = tpu.memref_slice %arg5[%mul3A_1175] : memref<320000xi32, #tpu.memory_space<hbm>> -> memref<80xi32, #tpu.memory_space<hbm>>
        %dma_wait3A_1177 = tpu.memref_slice %arg5[%mul3A_1175] : memref<320000xi32, #tpu.memory_space<hbm>> -> memref<80xi32, #tpu.memory_space<hbm>>
        tpu.wait_dma2 semaphore(%arg29 : memref<!tpu.dma_semaphore, #tpu.memory_space<semaphore_mem>>) src(%dma_wait3A_1177 : memref<80xi32, #tpu.memory_space<hbm>>) dst(%arg16 : memref<80xi32, #tpu.memory_space<vmem>>)
        %dma_wait3A_1178 = arith.constant 0 : i32
        %dma_wait3A_1179 = arith.constant 0 : i32
        %dma_wait3A_1180 = tpu.memref_slice %arg22[%dma_wait3A_1178, %dma_wait3A_1179] : memref<80x8xf32, #tpu.memory_space<vmem>> -> memref<80x8xf32, #tpu.memory_space<vmem>>
        %dma_wait3A_1181 = arith.constant 0 : i32
        %dma_wait3A_1182 = tpu.memref_slice %arg4[%mul3A_1175, %dma_wait3A_1181] : memref<320000x8xf32, #tpu.memory_space<hbm>> -> memref<80x8xf32, #tpu.memory_space<hbm>>
        %dma_wait3A_1183 = arith.constant 0 : i32
        %dma_wait3A_1184 = arith.constant 0 : i32
        %dma_wait3A_1185 = tpu.memref_slice %arg22[%dma_wait3A_1183, %dma_wait3A_1184] : memref<80x8xf32, #tpu.memory_space<vmem>> -> memref<80x8xf32, #tpu.memory_space<vmem>>
        %dma_wait3A_1186 = arith.constant 0 : i32
        %dma_wait3A_1187 = tpu.memref_slice %arg4[%mul3A_1175, %dma_wait3A_1186] : memref<320000x8xf32, #tpu.memory_space<hbm>> -> memref<80x8xf32, #tpu.memory_space<hbm>>
        tpu.wait_dma2 semaphore(%arg29 : memref<!tpu.dma_semaphore, #tpu.memory_space<semaphore_mem>>) src(%dma_wait3A_1187 : memref<80x8xf32, #tpu.memory_space<hbm>>) dst(%dma_wait3A_1185 : memref<80x8xf32, #tpu.memory_space<vmem>>)
        %ge3A = arith.constant 1 : i32
        %ge3A_1188 = arith.cmpi sge, %mul3A_313, %ge3A : i32
        %convert_element_type3A_1189 = arith.extui %ge3A_1188 : i1 to i32
        %cond3A_1190 = arith.constant 0 : i32
        %cond3A_1191 = arith.cmpi ne, %convert_element_type3A_1189, %cond3A_1190 : i32
        scf.if %cond3A_1191 {
          %dma_wait3A_1287 = arith.constant 0 : i32
          %dma_wait3A_1288 = arith.constant 0 : i32
          %dma_wait3A_1289 = tpu.memref_slice %arg11[%dma_wait3A_1287, %dma_wait3A_1288] : memref<10000x64xf32, #tpu.memory_space<vmem_shared>> -> memref<10000x64xf32, #tpu.memory_space<vmem_shared>>
          tpu.wait_indirect_dma semaphore(%arg35 : memref<!tpu.dma_semaphore, #tpu.memory_space<semaphore_mem>>) src(%arg25 : memref<80x64xf32, #tpu.memory_space<vmem>>) dst(%dma_wait3A_1289 : memref<10000x64xf32, #tpu.memory_space<vmem_shared>>)
          %dma_wait3A_1290 = arith.constant 0 : i32
          %dma_wait3A_1291 = arith.constant 0 : i32
          %dma_wait3A_1292 = tpu.memref_slice %arg12[%dma_wait3A_1290, %dma_wait3A_1291] : memref<10000x64xf32, #tpu.memory_space<vmem_shared>> -> memref<10000x64xf32, #tpu.memory_space<vmem_shared>>
          tpu.wait_indirect_dma semaphore(%arg35 : memref<!tpu.dma_semaphore, #tpu.memory_space<semaphore_mem>>) src(%arg27 : memref<80x64xf32, #tpu.memory_space<vmem>>) dst(%dma_wait3A_1292 : memref<10000x64xf32, #tpu.memory_space<vmem_shared>>)
          %add3A_1293 = arith.constant 1 : i32
          %add3A_1294 = arith.addi %mul3A_313, %add3A_1293 : i32
          %mul3A_1295 = arith.constant 16 : i32
          %mul3A_1296 = arith.muli %mul3A_1295, %add3A_1294 : i32
          %add3A_1297 = arith.addi %arg1, %mul3A_1296 : i32
          %mul3A_1298 = arith.constant 80 : i32
          %mul3A_1299 = arith.muli %add3A_1297, %mul3A_1298 : i32
          %dma_start3A_1300 = tpu.memref_slice %arg6[%mul3A_1299] : memref<320000xi32, #tpu.memory_space<hbm>> -> memref<80xi32, #tpu.memory_space<hbm>>
          %dma_start3A_1301 = tpu.memref_slice %arg6[%mul3A_1299] : memref<320000xi32, #tpu.memory_space<hbm>> -> memref<80xi32, #tpu.memory_space<hbm>>
          tpu.enqueue_dma source(%dma_start3A_1301 : memref<80xi32, #tpu.memory_space<hbm>>) target(%arg20 : memref<80xi32, #tpu.memory_space<vmem>>) target_semaphore(%arg31 : memref<!tpu.dma_semaphore, #tpu.memory_space<semaphore_mem>>)
        } else {
        }
        %add3A_1192 = arith.constant 1 : i32
        %add3A_1193 = arith.addi %mul3A_313, %add3A_1192 : i32
        %mul3A_1194 = arith.constant 16 : i32
        %mul3A_1195 = arith.muli %mul3A_1194, %add3A_1193 : i32
        %add3A_1196 = arith.addi %arg1, %mul3A_1195 : i32
        %mul3A_1197 = arith.constant 80 : i32
        %mul3A_1198 = arith.muli %add3A_1196, %mul3A_1197 : i32
        %mul3A_1199 = arith.constant 2 : i32
        %mul3A_1200 = arith.muli %mul3A_1199, %mul3A_1198 : i32
        %add3A_1201 = arith.addi %mul3A_1200, %arg0 : i32
        %iota3A_1202 = tpu.iota {dimensions = array<i32: 0>} : vector<16xi32>
        %mul3A_1203 = arith.constant 2 : i32
        %mul3A_1204 = vector.broadcast %mul3A_1203 : i32 to vector<16xi32>
        %mul3A_1205 = arith.muli %iota3A_1202, %mul3A_1204 : vector<16xi32>
        %get3A_1206 = arith.constant 0 : index
        %get3A_1207 = tpu.vector_load %arg16[%get3A_1206] {strides = array<i32>} : memref<80xi32, #tpu.memory_space<vmem>>, vector<16xi32>,
        %mul3A_1208 = arith.constant 2 : i32
        %mul3A_1209 = vector.broadcast %mul3A_1208 : i32 to vector<16xi32>
        %mul3A_1210 = arith.muli %get3A_1207, %mul3A_1209 : vector<16xi32>
        %add3A_1211 = vector.broadcast %arg0 : i32 to vector<16xi32>
        %add3A_1212 = arith.addi %mul3A_1210, %add3A_1211 : vector<16xi32>
        %swap3A_1213 = arith.constant 0 : index
        %swap3A_1214 = tpu.vector_load %arg16[%swap3A_1213] {strides = array<i32>} : memref<80xi32, #tpu.memory_space<vmem>>, vector<16xi32>,
        tpu.vector_store %arg16[%swap3A_1213], %add3A_1212 {strides = array<i32>} : memref<80xi32, #tpu.memory_space<vmem>>, vector<16xi32>,
        %add3A_1215 = arith.constant 0 : i32
        %add3A_1216 = arith.addi %add3A_1201, %add3A_1215 : i32
        %add3A_1217 = vector.broadcast %add3A_1216 : i32 to vector<16xi32>
        %add3A_1218 = arith.addi %mul3A_1205, %add3A_1217 : vector<16xi32>
        %swap3A_1219 = arith.constant 0 : index
        %swap3A_1220 = tpu.vector_load %arg18[%swap3A_1219] {strides = array<i32>} : memref<80xi32, #tpu.memory_space<vmem>>, vector<16xi32>,
        tpu.vector_store %arg18[%swap3A_1219], %add3A_1218 {strides = array<i32>} : memref<80xi32, #tpu.memory_space<vmem>>, vector<16xi32>,
        %get3A_1221 = arith.constant 16 : index
        %get3A_1222 = tpu.vector_load %arg16[%get3A_1221] {strides = array<i32>} : memref<80xi32, #tpu.memory_space<vmem>>, vector<16xi32>,
        %mul3A_1223 = arith.constant 2 : i32
        %mul3A_1224 = vector.broadcast %mul3A_1223 : i32 to vector<16xi32>
        %mul3A_1225 = arith.muli %get3A_1222, %mul3A_1224 : vector<16xi32>
        %add3A_1226 = vector.broadcast %arg0 : i32 to vector<16xi32>
        %add3A_1227 = arith.addi %mul3A_1225, %add3A_1226 : vector<16xi32>
        %swap3A_1228 = arith.constant 16 : index
        %swap3A_1229 = tpu.vector_load %arg16[%swap3A_1228] {strides = array<i32>} : memref<80xi32, #tpu.memory_space<vmem>>, vector<16xi32>,
        tpu.vector_store %arg16[%swap3A_1228], %add3A_1227 {strides = array<i32>} : memref<80xi32, #tpu.memory_space<vmem>>, vector<16xi32>,
        %add3A_1230 = arith.constant 32 : i32
        %add3A_1231 = arith.addi %add3A_1201, %add3A_1230 : i32
        %add3A_1232 = vector.broadcast %add3A_1231 : i32 to vector<16xi32>
        %add3A_1233 = arith.addi %mul3A_1205, %add3A_1232 : vector<16xi32>
        %swap3A_1234 = arith.constant 16 : index
        %swap3A_1235 = tpu.vector_load %arg18[%swap3A_1234] {strides = array<i32>} : memref<80xi32, #tpu.memory_space<vmem>>, vector<16xi32>,
        tpu.vector_store %arg18[%swap3A_1234], %add3A_1233 {strides = array<i32>} : memref<80xi32, #tpu.memory_space<vmem>>, vector<16xi32>,
        %get3A_1236 = arith.constant 32 : index
        %get3A_1237 = tpu.vector_load %arg16[%get3A_1236] {strides = array<i32>} : memref<80xi32, #tpu.memory_space<vmem>>, vector<16xi32>,
        %mul3A_1238 = arith.constant 2 : i32
        %mul3A_1239 = vector.broadcast %mul3A_1238 : i32 to vector<16xi32>
        %mul3A_1240 = arith.muli %get3A_1237, %mul3A_1239 : vector<16xi32>
        %add3A_1241 = vector.broadcast %arg0 : i32 to vector<16xi32>
        %add3A_1242 = arith.addi %mul3A_1240, %add3A_1241 : vector<16xi32>
        %swap3A_1243 = arith.constant 32 : index
        %swap3A_1244 = tpu.vector_load %arg16[%swap3A_1243] {strides = array<i32>} : memref<80xi32, #tpu.memory_space<vmem>>, vector<16xi32>,
        tpu.vector_store %arg16[%swap3A_1243], %add3A_1242 {strides = array<i32>} : memref<80xi32, #tpu.memory_space<vmem>>, vector<16xi32>,
        %add3A_1245 = arith.constant 64 : i32
        %add3A_1246 = arith.addi %add3A_1201, %add3A_1245 : i32
        %add3A_1247 = vector.broadcast %add3A_1246 : i32 to vector<16xi32>
        %add3A_1248 = arith.addi %mul3A_1205, %add3A_1247 : vector<16xi32>
        %swap3A_1249 = arith.constant 32 : index
        %swap3A_1250 = tpu.vector_load %arg18[%swap3A_1249] {strides = array<i32>} : memref<80xi32, #tpu.memory_space<vmem>>, vector<16xi32>,
        tpu.vector_store %arg18[%swap3A_1249], %add3A_1248 {strides = array<i32>} : memref<80xi32, #tpu.memory_space<vmem>>, vector<16xi32>,
        %get3A_1251 = arith.constant 48 : index
        %get3A_1252 = tpu.vector_load %arg16[%get3A_1251] {strides = array<i32>} : memref<80xi32, #tpu.memory_space<vmem>>, vector<16xi32>,
        %mul3A_1253 = arith.constant 2 : i32
        %mul3A_1254 = vector.broadcast %mul3A_1253 : i32 to vector<16xi32>
        %mul3A_1255 = arith.muli %get3A_1252, %mul3A_1254 : vector<16xi32>
        %add3A_1256 = vector.broadcast %arg0 : i32 to vector<16xi32>
        %add3A_1257 = arith.addi %mul3A_1255, %add3A_1256 : vector<16xi32>
        %swap3A_1258 = arith.constant 48 : index
        %swap3A_1259 = tpu.vector_load %arg16[%swap3A_1258] {strides = array<i32>} : memref<80xi32, #tpu.memory_space<vmem>>, vector<16xi32>,
        tpu.vector_store %arg16[%swap3A_1258], %add3A_1257 {strides = array<i32>} : memref<80xi32, #tpu.memory_space<vmem>>, vector<16xi32>,
        %add3A_1260 = arith.constant 96 : i32
        %add3A_1261 = arith.addi %add3A_1201, %add3A_1260 : i32
        %add3A_1262 = vector.broadcast %add3A_1261 : i32 to vector<16xi32>
        %add3A_1263 = arith.addi %mul3A_1205, %add3A_1262 : vector<16xi32>
        %swap3A_1264 = arith.constant 48 : index
        %swap3A_1265 = tpu.vector_load %arg18[%swap3A_1264] {strides = array<i32>} : memref<80xi32, #tpu.memory_space<vmem>>, vector<16xi32>,
        tpu.vector_store %arg18[%swap3A_1264], %add3A_1263 {strides = array<i32>} : memref<80xi32, #tpu.memory_space<vmem>>, vector<16xi32>,
        %get3A_1266 = arith.constant 64 : index
        %get3A_1267 = tpu.vector_load %arg16[%get3A_1266] {strides = array<i32>} : memref<80xi32, #tpu.memory_space<vmem>>, vector<16xi32>,
        %mul3A_1268 = arith.constant 2 : i32
        %mul3A_1269 = vector.broadcast %mul3A_1268 : i32 to vector<16xi32>
        %mul3A_1270 = arith.muli %get3A_1267, %mul3A_1269 : vector<16xi32>
        %add3A_1271 = vector.broadcast %arg0 : i32 to vector<16xi32>
        %add3A_1272 = arith.addi %mul3A_1270, %add3A_1271 : vector<16xi32>
        %swap3A_1273 = arith.constant 64 : index
        %swap3A_1274 = tpu.vector_load %arg16[%swap3A_1273] {strides = array<i32>} : memref<80xi32, #tpu.memory_space<vmem>>, vector<16xi32>,
        tpu.vector_store %arg16[%swap3A_1273], %add3A_1272 {strides = array<i32>} : memref<80xi32, #tpu.memory_space<vmem>>, vector<16xi32>,
        %add3A_1275 = arith.constant 128 : i32
        %add3A_1276 = arith.addi %add3A_1201, %add3A_1275 : i32
        %add3A_1277 = vector.broadcast %add3A_1276 : i32 to vector<16xi32>
        %add3A_1278 = arith.addi %mul3A_1205, %add3A_1277 : vector<16xi32>
        %swap3A_1279 = arith.constant 64 : index
        %swap3A_1280 = tpu.vector_load %arg18[%swap3A_1279] {strides = array<i32>} : memref<80xi32, #tpu.memory_space<vmem>>, vector<16xi32>,
        tpu.vector_store %arg18[%swap3A_1279], %add3A_1278 {strides = array<i32>} : memref<80xi32, #tpu.memory_space<vmem>>, vector<16xi32>,
        %dma_start3A_1281 = arith.constant 0 : i32
        %dma_start3A_1282 = arith.constant 0 : i32
        %dma_start3A_1283 = tpu.memref_slice %arg2[%dma_start3A_1281, %dma_start3A_1282] : memref<20000x64xf32, #tpu.memory_space<hbm>> -> memref<20000x64xf32, #tpu.memory_space<hbm>>
        tpu.enqueue_indirect_dma source(%dma_start3A_1283 : memref<20000x64xf32, #tpu.memory_space<hbm>>) target(%arg25 : memref<80x64xf32, #tpu.memory_space<vmem>>) offsets(%arg16 : memref<80xi32, #tpu.memory_space<vmem>>) semaphore(%arg33 : memref<!tpu.dma_semaphore, #tpu.memory_space<semaphore_mem>>)
        %dma_start3A_1284 = arith.constant 0 : i32
        %dma_start3A_1285 = arith.constant 0 : i32
        %dma_start3A_1286 = tpu.memref_slice %arg3[%dma_start3A_1284, %dma_start3A_1285] : memref<640000x64xf32, #tpu.memory_space<hbm>> -> memref<640000x64xf32, #tpu.memory_space<hbm>>
        tpu.enqueue_indirect_dma source(%dma_start3A_1286 : memref<640000x64xf32, #tpu.memory_space<hbm>>) target(%arg27 : memref<80x64xf32, #tpu.memory_space<vmem>>) offsets(%arg18 : memref<80xi32, #tpu.memory_space<vmem>>) semaphore(%arg33 : memref<!tpu.dma_semaphore, #tpu.memory_space<semaphore_mem>>)
      } else {
      }
      %add3A_523 = arith.constant 0 : i32
      %add3A_524 = arith.addi %mul3A_137, %add3A_523 : i32
      %get3A_525 = arith.constant 0 : i32
      %get3A_526 = arith.index_cast %get3A_525 : i32 to index
      %get3A_527 = arith.index_cast %add3A_524 : i32 to index
      %get3A_528 = tpu.vector_load %arg14[%get3A_526, %get3A_527] {strides = array<i32>} : memref<8x256xbf16, #tpu.memory_space<vmem>>, vector<32xbf16>,
      %add3A_529 = arith.constant 32 : i32
      %add3A_530 = arith.addi %mul3A_137, %add3A_529 : i32
      %get3A_531 = arith.constant 0 : i32
      %get3A_532 = arith.index_cast %get3A_531 : i32 to index
      %get3A_533 = arith.index_cast %add3A_530 : i32 to index
      %get3A_534 = tpu.vector_load %arg14[%get3A_532, %get3A_533] {strides = array<i32>} : memref<8x256xbf16, #tpu.memory_space<vmem>>, vector<32xbf16>,
      %add3A_535 = arith.constant 0 : i32
      %add3A_536 = arith.addi %mul3A_137, %add3A_535 : i32
      %get3A_537 = arith.constant 1 : i32
      %get3A_538 = arith.index_cast %get3A_537 : i32 to index
      %get3A_539 = arith.index_cast %add3A_536 : i32 to index
      %get3A_540 = tpu.vector_load %arg14[%get3A_538, %get3A_539] {strides = array<i32>} : memref<8x256xbf16, #tpu.memory_space<vmem>>, vector<32xbf16>,
      %add3A_541 = arith.constant 32 : i32
      %add3A_542 = arith.addi %mul3A_137, %add3A_541 : i32
      %get3A_543 = arith.constant 1 : i32
      %get3A_544 = arith.index_cast %get3A_543 : i32 to index
      %get3A_545 = arith.index_cast %add3A_542 : i32 to index
      %get3A_546 = tpu.vector_load %arg14[%get3A_544, %get3A_545] {strides = array<i32>} : memref<8x256xbf16, #tpu.memory_space<vmem>>, vector<32xbf16>,
      %add3A_547 = arith.constant 0 : i32
      %add3A_548 = arith.addi %mul3A_137, %add3A_547 : i32
      %get3A_549 = arith.constant 2 : i32
      %get3A_550 = arith.index_cast %get3A_549 : i32 to index
      %get3A_551 = arith.index_cast %add3A_548 : i32 to index
      %get3A_552 = tpu.vector_load %arg14[%get3A_550, %get3A_551] {strides = array<i32>} : memref<8x256xbf16, #tpu.memory_space<vmem>>, vector<32xbf16>,
      %add3A_553 = arith.constant 32 : i32
      %add3A_554 = arith.addi %mul3A_137, %add3A_553 : i32
      %get3A_555 = arith.constant 2 : i32
      %get3A_556 = arith.index_cast %get3A_555 : i32 to index
      %get3A_557 = arith.index_cast %add3A_554 : i32 to index
      %get3A_558 = tpu.vector_load %arg14[%get3A_556, %get3A_557] {strides = array<i32>} : memref<8x256xbf16, #tpu.memory_space<vmem>>, vector<32xbf16>,
      %add3A_559 = arith.constant 0 : i32
      %add3A_560 = arith.addi %mul3A_137, %add3A_559 : i32
      %get3A_561 = arith.constant 3 : i32
      %get3A_562 = arith.index_cast %get3A_561 : i32 to index
      %get3A_563 = arith.index_cast %add3A_560 : i32 to index
      %get3A_564 = tpu.vector_load %arg14[%get3A_562, %get3A_563] {strides = array<i32>} : memref<8x256xbf16, #tpu.memory_space<vmem>>, vector<32xbf16>,
      %add3A_565 = arith.constant 32 : i32
      %add3A_566 = arith.addi %mul3A_137, %add3A_565 : i32
      %get3A_567 = arith.constant 3 : i32
      %get3A_568 = arith.index_cast %get3A_567 : i32 to index
      %get3A_569 = arith.index_cast %add3A_566 : i32 to index
      %get3A_570 = tpu.vector_load %arg14[%get3A_568, %get3A_569] {strides = array<i32>} : memref<8x256xbf16, #tpu.memory_space<vmem>>, vector<32xbf16>,
      %add3A_571 = arith.constant 0 : i32
      %add3A_572 = arith.addi %mul3A_137, %add3A_571 : i32
      %get3A_573 = arith.constant 4 : i32
      %get3A_574 = arith.index_cast %get3A_573 : i32 to index
      %get3A_575 = arith.index_cast %add3A_572 : i32 to index
      %get3A_576 = tpu.vector_load %arg14[%get3A_574, %get3A_575] {strides = array<i32>} : memref<8x256xbf16, #tpu.memory_space<vmem>>, vector<32xbf16>,
      %add3A_577 = arith.constant 32 : i32
      %add3A_578 = arith.addi %mul3A_137, %add3A_577 : i32
      %get3A_579 = arith.constant 4 : i32
      %get3A_580 = arith.index_cast %get3A_579 : i32 to index
      %get3A_581 = arith.index_cast %add3A_578 : i32 to index
      %get3A_582 = tpu.vector_load %arg14[%get3A_580, %get3A_581] {strides = array<i32>} : memref<8x256xbf16, #tpu.memory_space<vmem>>, vector<32xbf16>,
      %add3A_583 = arith.constant 0 : i32
      %add3A_584 = arith.addi %mul3A_137, %add3A_583 : i32
      %get3A_585 = arith.constant 5 : i32
      %get3A_586 = arith.index_cast %get3A_585 : i32 to index
      %get3A_587 = arith.index_cast %add3A_584 : i32 to index
      %get3A_588 = tpu.vector_load %arg14[%get3A_586, %get3A_587] {strides = array<i32>} : memref<8x256xbf16, #tpu.memory_space<vmem>>, vector<32xbf16>,
      %add3A_589 = arith.constant 32 : i32
      %add3A_590 = arith.addi %mul3A_137, %add3A_589 : i32
      %get3A_591 = arith.constant 5 : i32
      %get3A_592 = arith.index_cast %get3A_591 : i32 to index
      %get3A_593 = arith.index_cast %add3A_590 : i32 to index
      %get3A_594 = tpu.vector_load %arg14[%get3A_592, %get3A_593] {strides = array<i32>} : memref<8x256xbf16, #tpu.memory_space<vmem>>, vector<32xbf16>,
      %add3A_595 = arith.constant 0 : i32
      %add3A_596 = arith.addi %mul3A_137, %add3A_595 : i32
      %get3A_597 = arith.constant 6 : i32
      %get3A_598 = arith.index_cast %get3A_597 : i32 to index
      %get3A_599 = arith.index_cast %add3A_596 : i32 to index
      %get3A_600 = tpu.vector_load %arg14[%get3A_598, %get3A_599] {strides = array<i32>} : memref<8x256xbf16, #tpu.memory_space<vmem>>, vector<32xbf16>,
      %add3A_601 = arith.constant 32 : i32
      %add3A_602 = arith.addi %mul3A_137, %add3A_601 : i32
      %get3A_603 = arith.constant 6 : i32
      %get3A_604 = arith.index_cast %get3A_603 : i32 to index
      %get3A_605 = arith.index_cast %add3A_602 : i32 to index
      %get3A_606 = tpu.vector_load %arg14[%get3A_604, %get3A_605] {strides = array<i32>} : memref<8x256xbf16, #tpu.memory_space<vmem>>, vector<32xbf16>,
      %add3A_607 = arith.constant 0 : i32
      %add3A_608 = arith.addi %mul3A_137, %add3A_607 : i32
      %get3A_609 = arith.constant 7 : i32
      %get3A_610 = arith.index_cast %get3A_609 : i32 to index
      %get3A_611 = arith.index_cast %add3A_608 : i32 to index
      %get3A_612 = tpu.vector_load %arg14[%get3A_610, %get3A_611] {strides = array<i32>} : memref<8x256xbf16, #tpu.memory_space<vmem>>, vector<32xbf16>,
      %add3A_613 = arith.constant 32 : i32
      %add3A_614 = arith.addi %mul3A_137, %add3A_613 : i32
      %get3A_615 = arith.constant 7 : i32
      %get3A_616 = arith.index_cast %get3A_615 : i32 to index
      %get3A_617 = arith.index_cast %add3A_614 : i32 to index
      %get3A_618 = tpu.vector_load %arg14[%get3A_616, %get3A_617] {strides = array<i32>} : memref<8x256xbf16, #tpu.memory_space<vmem>>, vector<32xbf16>,
      %add3A_619 = arith.constant 0 : i32
      %add3A_620 = arith.addi %add3A_140, %add3A_619 : i32
      %get3A_621 = arith.constant 0 : i32
      %get3A_622 = arith.index_cast %get3A_621 : i32 to index
      %get3A_623 = arith.index_cast %add3A_620 : i32 to index
      %get3A_624 = tpu.vector_load %arg14[%get3A_622, %get3A_623] {strides = array<i32>} : memref<8x256xbf16, #tpu.memory_space<vmem>>, vector<32xbf16>,
      %add3A_625 = arith.constant 32 : i32
      %add3A_626 = arith.addi %add3A_140, %add3A_625 : i32
      %get3A_627 = arith.constant 0 : i32
      %get3A_628 = arith.index_cast %get3A_627 : i32 to index
      %get3A_629 = arith.index_cast %add3A_626 : i32 to index
      %get3A_630 = tpu.vector_load %arg14[%get3A_628, %get3A_629] {strides = array<i32>} : memref<8x256xbf16, #tpu.memory_space<vmem>>, vector<32xbf16>,
      %add3A_631 = arith.constant 0 : i32
      %add3A_632 = arith.addi %add3A_140, %add3A_631 : i32
      %get3A_633 = arith.constant 1 : i32
      %get3A_634 = arith.index_cast %get3A_633 : i32 to index
      %get3A_635 = arith.index_cast %add3A_632 : i32 to index
      %get3A_636 = tpu.vector_load %arg14[%get3A_634, %get3A_635] {strides = array<i32>} : memref<8x256xbf16, #tpu.memory_space<vmem>>, vector<32xbf16>,
      %add3A_637 = arith.constant 32 : i32
      %add3A_638 = arith.addi %add3A_140, %add3A_637 : i32
      %get3A_639 = arith.constant 1 : i32
      %get3A_640 = arith.index_cast %get3A_639 : i32 to index
      %get3A_641 = arith.index_cast %add3A_638 : i32 to index
      %get3A_642 = tpu.vector_load %arg14[%get3A_640, %get3A_641] {strides = array<i32>} : memref<8x256xbf16, #tpu.memory_space<vmem>>, vector<32xbf16>,
      %add3A_643 = arith.constant 0 : i32
      %add3A_644 = arith.addi %add3A_140, %add3A_643 : i32
      %get3A_645 = arith.constant 2 : i32
      %get3A_646 = arith.index_cast %get3A_645 : i32 to index
      %get3A_647 = arith.index_cast %add3A_644 : i32 to index
      %get3A_648 = tpu.vector_load %arg14[%get3A_646, %get3A_647] {strides = array<i32>} : memref<8x256xbf16, #tpu.memory_space<vmem>>, vector<32xbf16>,
      %add3A_649 = arith.constant 32 : i32
      %add3A_650 = arith.addi %add3A_140, %add3A_649 : i32
      %get3A_651 = arith.constant 2 : i32
      %get3A_652 = arith.index_cast %get3A_651 : i32 to index
      %get3A_653 = arith.index_cast %add3A_650 : i32 to index
      %get3A_654 = tpu.vector_load %arg14[%get3A_652, %get3A_653] {strides = array<i32>} : memref<8x256xbf16, #tpu.memory_space<vmem>>, vector<32xbf16>,
      %add3A_655 = arith.constant 0 : i32
      %add3A_656 = arith.addi %add3A_140, %add3A_655 : i32
      %get3A_657 = arith.constant 3 : i32
      %get3A_658 = arith.index_cast %get3A_657 : i32 to index
      %get3A_659 = arith.index_cast %add3A_656 : i32 to index
      %get3A_660 = tpu.vector_load %arg14[%get3A_658, %get3A_659] {strides = array<i32>} : memref<8x256xbf16, #tpu.memory_space<vmem>>, vector<32xbf16>,
      %add3A_661 = arith.constant 32 : i32
      %add3A_662 = arith.addi %add3A_140, %add3A_661 : i32
      %get3A_663 = arith.constant 3 : i32
      %get3A_664 = arith.index_cast %get3A_663 : i32 to index
      %get3A_665 = arith.index_cast %add3A_662 : i32 to index
      %get3A_666 = tpu.vector_load %arg14[%get3A_664, %get3A_665] {strides = array<i32>} : memref<8x256xbf16, #tpu.memory_space<vmem>>, vector<32xbf16>,
      %add3A_667 = arith.constant 0 : i32
      %add3A_668 = arith.addi %add3A_140, %add3A_667 : i32
      %get3A_669 = arith.constant 4 : i32
      %get3A_670 = arith.index_cast %get3A_669 : i32 to index
      %get3A_671 = arith.index_cast %add3A_668 : i32 to index
      %get3A_672 = tpu.vector_load %arg14[%get3A_670, %get3A_671] {strides = array<i32>} : memref<8x256xbf16, #tpu.memory_space<vmem>>, vector<32xbf16>,
      %add3A_673 = arith.constant 32 : i32
      %add3A_674 = arith.addi %add3A_140, %add3A_673 : i32
      %get3A_675 = arith.constant 4 : i32
      %get3A_676 = arith.index_cast %get3A_675 : i32 to index
      %get3A_677 = arith.index_cast %add3A_674 : i32 to index
      %get3A_678 = tpu.vector_load %arg14[%get3A_676, %get3A_677] {strides = array<i32>} : memref<8x256xbf16, #tpu.memory_space<vmem>>, vector<32xbf16>,
      %add3A_679 = arith.constant 0 : i32
      %add3A_680 = arith.addi %add3A_140, %add3A_679 : i32
      %get3A_681 = arith.constant 5 : i32
      %get3A_682 = arith.index_cast %get3A_681 : i32 to index
      %get3A_683 = arith.index_cast %add3A_680 : i32 to index
      %get3A_684 = tpu.vector_load %arg14[%get3A_682, %get3A_683] {strides = array<i32>} : memref<8x256xbf16, #tpu.memory_space<vmem>>, vector<32xbf16>,
      %add3A_685 = arith.constant 32 : i32
      %add3A_686 = arith.addi %add3A_140, %add3A_685 : i32
      %get3A_687 = arith.constant 5 : i32
      %get3A_688 = arith.index_cast %get3A_687 : i32 to index
      %get3A_689 = arith.index_cast %add3A_686 : i32 to index
      %get3A_690 = tpu.vector_load %arg14[%get3A_688, %get3A_689] {strides = array<i32>} : memref<8x256xbf16, #tpu.memory_space<vmem>>, vector<32xbf16>,
      %add3A_691 = arith.constant 0 : i32
      %add3A_692 = arith.addi %add3A_140, %add3A_691 : i32
      %get3A_693 = arith.constant 6 : i32
      %get3A_694 = arith.index_cast %get3A_693 : i32 to index
      %get3A_695 = arith.index_cast %add3A_692 : i32 to index
      %get3A_696 = tpu.vector_load %arg14[%get3A_694, %get3A_695] {strides = array<i32>} : memref<8x256xbf16, #tpu.memory_space<vmem>>, vector<32xbf16>,
      %add3A_697 = arith.constant 32 : i32
      %add3A_698 = arith.addi %add3A_140, %add3A_697 : i32
      %get3A_699 = arith.constant 6 : i32
      %get3A_700 = arith.index_cast %get3A_699 : i32 to index
      %get3A_701 = arith.index_cast %add3A_698 : i32 to index
      %get3A_702 = tpu.vector_load %arg14[%get3A_700, %get3A_701] {strides = array<i32>} : memref<8x256xbf16, #tpu.memory_space<vmem>>, vector<32xbf16>,
      %add3A_703 = arith.constant 0 : i32
      %add3A_704 = arith.addi %add3A_140, %add3A_703 : i32
      %get3A_705 = arith.constant 7 : i32
      %get3A_706 = arith.index_cast %get3A_705 : i32 to index
      %get3A_707 = arith.index_cast %add3A_704 : i32 to index
      %get3A_708 = tpu.vector_load %arg14[%get3A_706, %get3A_707] {strides = array<i32>} : memref<8x256xbf16, #tpu.memory_space<vmem>>, vector<32xbf16>,
      %add3A_709 = arith.constant 32 : i32
      %add3A_710 = arith.addi %add3A_140, %add3A_709 : i32
      %get3A_711 = arith.constant 7 : i32
      %get3A_712 = arith.index_cast %get3A_711 : i32 to index
      %get3A_713 = arith.index_cast %add3A_710 : i32 to index
      %get3A_714 = tpu.vector_load %arg14[%get3A_712, %get3A_713] {strides = array<i32>} : memref<8x256xbf16, #tpu.memory_space<vmem>>, vector<32xbf16>,
      %parallel_loop3A_715 = arith.constant 10 : i32
      %parallel_loop3A_716 = arith.constant 80 : i32
      %parallel_loop3A_717 = arith.constant 1 : i32
      scf.for %parallel_loop3A_1169 = %parallel_loop3A_715 to %parallel_loop3A_716 step %parallel_loop3A_717  : i32 {
        %parallel_loop3A_1170 = arith.constant 0 : i32
        %parallel_loop3A_1171 = vector.broadcast %parallel_loop3A_1170 : i32 to vector<16xi32>
        %parallel_loop3A_1172 = vector.broadcast %parallel_loop3A_1169 : i32 to vector<16xi32>
        %parallel_loop3A_1173 = arith.addi %parallel_loop3A_1171, %parallel_loop3A_1172 : vector<16xi32>
        %parallel_loop3A_1174 = arith.constant 0 : i32
        %parallel_loop3A_1175 = vector.broadcast %parallel_loop3A_1174 : i32 to vector<16xi32>
        %parallel_loop3A_1176 = tpu.vector_load_idx %arg23[%parallel_loop3A_1175, %parallel_loop3A_1173] : memref<8x80xf32, #tpu.memory_space<vmem>>[vector<16xi32>, vector<16xi32>], vector<16xf32>,
        %parallel_loop3A_1177 = arith.constant 1 : i32
        %parallel_loop3A_1178 = vector.broadcast %parallel_loop3A_1177 : i32 to vector<16xi32>
        %parallel_loop3A_1179 = tpu.vector_load_idx %arg23[%parallel_loop3A_1178, %parallel_loop3A_1173] : memref<8x80xf32, #tpu.memory_space<vmem>>[vector<16xi32>, vector<16xi32>], vector<16xf32>,
        %parallel_loop3A_1180 = arith.constant 2 : i32
        %parallel_loop3A_1181 = vector.broadcast %parallel_loop3A_1180 : i32 to vector<16xi32>
        %parallel_loop3A_1182 = tpu.vector_load_idx %arg23[%parallel_loop3A_1181, %parallel_loop3A_1173] : memref<8x80xf32, #tpu.memory_space<vmem>>[vector<16xi32>, vector<16xi32>], vector<16xf32>,
        %parallel_loop3A_1183 = arith.constant 3 : i32
        %parallel_loop3A_1184 = vector.broadcast %parallel_loop3A_1183 : i32 to vector<16xi32>
        %parallel_loop3A_1185 = tpu.vector_load_idx %arg23[%parallel_loop3A_1184, %parallel_loop3A_1173] : memref<8x80xf32, #tpu.memory_space<vmem>>[vector<16xi32>, vector<16xi32>], vector<16xf32>,
        %parallel_loop3A_1186 = arith.constant 4 : i32
        %parallel_loop3A_1187 = vector.broadcast %parallel_loop3A_1186 : i32 to vector<16xi32>
        %parallel_loop3A_1188 = tpu.vector_load_idx %arg23[%parallel_loop3A_1187, %parallel_loop3A_1173] : memref<8x80xf32, #tpu.memory_space<vmem>>[vector<16xi32>, vector<16xi32>], vector<16xf32>,
        %parallel_loop3A_1189 = arith.constant 5 : i32
        %parallel_loop3A_1190 = vector.broadcast %parallel_loop3A_1189 : i32 to vector<16xi32>
        %parallel_loop3A_1191 = tpu.vector_load_idx %arg23[%parallel_loop3A_1190, %parallel_loop3A_1173] : memref<8x80xf32, #tpu.memory_space<vmem>>[vector<16xi32>, vector<16xi32>], vector<16xf32>,
        %parallel_loop3A_1192 = arith.constant 6 : i32
        %parallel_loop3A_1193 = vector.broadcast %parallel_loop3A_1192 : i32 to vector<16xi32>
        %parallel_loop3A_1194 = tpu.vector_load_idx %arg23[%parallel_loop3A_1193, %parallel_loop3A_1173] : memref<8x80xf32, #tpu.memory_space<vmem>>[vector<16xi32>, vector<16xi32>], vector<16xf32>,
        %parallel_loop3A_1195 = arith.constant 7 : i32
        %parallel_loop3A_1196 = vector.broadcast %parallel_loop3A_1195 : i32 to vector<16xi32>
        %parallel_loop3A_1197 = tpu.vector_load_idx %arg23[%parallel_loop3A_1196, %parallel_loop3A_1173] : memref<8x80xf32, #tpu.memory_space<vmem>>[vector<16xi32>, vector<16xi32>], vector<16xf32>,
        %parallel_loop3A_1198 = tpu.pack_subelements %parallel_loop3A_1176, %parallel_loop3A_1176 {pack_format = #tpu.pack_format<interleaved>, positions = array<i32: 0, 1>} : vector<16xf32>, vector<16xf32> -> vector<32xbf16>
        %parallel_loop3A_1199 = tpu.pack_subelements %parallel_loop3A_1179, %parallel_loop3A_1179 {pack_format = #tpu.pack_format<interleaved>, positions = array<i32: 0, 1>} : vector<16xf32>, vector<16xf32> -> vector<32xbf16>
        %parallel_loop3A_1200 = tpu.pack_subelements %parallel_loop3A_1182, %parallel_loop3A_1182 {pack_format = #tpu.pack_format<interleaved>, positions = array<i32: 0, 1>} : vector<16xf32>, vector<16xf32> -> vector<32xbf16>
        %parallel_loop3A_1201 = tpu.pack_subelements %parallel_loop3A_1185, %parallel_loop3A_1185 {pack_format = #tpu.pack_format<interleaved>, positions = array<i32: 0, 1>} : vector<16xf32>, vector<16xf32> -> vector<32xbf16>
        %parallel_loop3A_1202 = tpu.pack_subelements %parallel_loop3A_1188, %parallel_loop3A_1188 {pack_format = #tpu.pack_format<interleaved>, positions = array<i32: 0, 1>} : vector<16xf32>, vector<16xf32> -> vector<32xbf16>
        %parallel_loop3A_1203 = tpu.pack_subelements %parallel_loop3A_1191, %parallel_loop3A_1191 {pack_format = #tpu.pack_format<interleaved>, positions = array<i32: 0, 1>} : vector<16xf32>, vector<16xf32> -> vector<32xbf16>
        %parallel_loop3A_1204 = tpu.pack_subelements %parallel_loop3A_1194, %parallel_loop3A_1194 {pack_format = #tpu.pack_format<interleaved>, positions = array<i32: 0, 1>} : vector<16xf32>, vector<16xf32> -> vector<32xbf16>
        %parallel_loop3A_1205 = tpu.pack_subelements %parallel_loop3A_1197, %parallel_loop3A_1197 {pack_format = #tpu.pack_format<interleaved>, positions = array<i32: 0, 1>} : vector<16xf32>, vector<16xf32> -> vector<32xbf16>
        %parallel_loop3A_1206 = arith.index_cast %parallel_loop3A_1169 : i32 to index
        %parallel_loop3A_1207 = arith.constant 0 : index
        %parallel_loop3A_1208 = tpu.vector_load %arg24[%parallel_loop3A_1206, %parallel_loop3A_1207] {strides = array<i32>} : memref<80x64xf32, #tpu.memory_space<vmem>>, vector<16xf32>,
        %parallel_loop3A_1209 = arith.index_cast %parallel_loop3A_1169 : i32 to index
        %parallel_loop3A_1210 = arith.constant 16 : index
        %parallel_loop3A_1211 = tpu.vector_load %arg24[%parallel_loop3A_1209, %parallel_loop3A_1210] {strides = array<i32>} : memref<80x64xf32, #tpu.memory_space<vmem>>, vector<16xf32>,
        %parallel_loop3A_1212 = arith.mulf %get3A_624, %parallel_loop3A_1198 : vector<32xbf16>
        %parallel_loop3A_1213 = arith.mulf %get3A_636, %parallel_loop3A_1199 : vector<32xbf16>
        %parallel_loop3A_1214 = arith.mulf %get3A_648, %parallel_loop3A_1200 : vector<32xbf16>
        %parallel_loop3A_1215 = arith.mulf %get3A_660, %parallel_loop3A_1201 : vector<32xbf16>
        %parallel_loop3A_1216 = arith.mulf %get3A_672, %parallel_loop3A_1202 : vector<32xbf16>
        %parallel_loop3A_1217 = arith.mulf %get3A_684, %parallel_loop3A_1203 : vector<32xbf16>
        %parallel_loop3A_1218 = arith.mulf %get3A_696, %parallel_loop3A_1204 : vector<32xbf16>
        %parallel_loop3A_1219 = arith.mulf %get3A_708, %parallel_loop3A_1205 : vector<32xbf16>
        %parallel_loop3A_1220 = arith.addf %parallel_loop3A_1212, %parallel_loop3A_1213 : vector<32xbf16>
        %parallel_loop3A_1221 = arith.addf %parallel_loop3A_1214, %parallel_loop3A_1215 : vector<32xbf16>
        %parallel_loop3A_1222 = arith.addf %parallel_loop3A_1216, %parallel_loop3A_1217 : vector<32xbf16>
        %parallel_loop3A_1223 = arith.addf %parallel_loop3A_1218, %parallel_loop3A_1219 : vector<32xbf16>
        %parallel_loop3A_1224 = arith.addf %parallel_loop3A_1220, %parallel_loop3A_1221 : vector<32xbf16>
        %parallel_loop3A_1225 = arith.addf %parallel_loop3A_1222, %parallel_loop3A_1223 : vector<32xbf16>
        %parallel_loop3A_1226 = arith.addf %parallel_loop3A_1224, %parallel_loop3A_1225 : vector<32xbf16>
        %parallel_loop3A_1227 = tpu.unpack_subelements %parallel_loop3A_1226, 0 {pack_format = #tpu.pack_format<interleaved>} : vector<32xbf16> -> vector<16xf32>
        %parallel_loop3A_1228 = tpu.unpack_subelements %parallel_loop3A_1226, 1 {pack_format = #tpu.pack_format<interleaved>} : vector<32xbf16> -> vector<16xf32>
        %parallel_loop3A_1229 = arith.index_cast %parallel_loop3A_1169 : i32 to index
        %parallel_loop3A_1230 = arith.constant 0 : index
        %parallel_loop3A_1231 = tpu.vector_load %arg26[%parallel_loop3A_1229, %parallel_loop3A_1230] {strides = array<i32>} : memref<80x64xf32, #tpu.memory_space<vmem>>, vector<16xf32>,
        %parallel_loop3A_1232 = arith.mulf %parallel_loop3A_1208, %parallel_loop3A_1231 : vector<16xf32>
        %parallel_loop3A_1233 = arith.mulf %parallel_loop3A_1232, %parallel_loop3A_1227 : vector<16xf32>
        %parallel_loop3A_1234 = arith.index_cast %parallel_loop3A_1169 : i32 to index
        %parallel_loop3A_1235 = arith.constant 0 : index
        %parallel_loop3A_1236 = tpu.vector_load %arg26[%parallel_loop3A_1234, %parallel_loop3A_1235] {strides = array<i32>} : memref<80x64xf32, #tpu.memory_space<vmem>>, vector<16xf32>,
        tpu.vector_store %arg26[%parallel_loop3A_1234, %parallel_loop3A_1235], %parallel_loop3A_1233 {strides = array<i32>} : memref<80x64xf32, #tpu.memory_space<vmem>>, vector<16xf32>,
        %parallel_loop3A_1237 = arith.index_cast %parallel_loop3A_1169 : i32 to index
        %parallel_loop3A_1238 = arith.constant 16 : index
        %parallel_loop3A_1239 = tpu.vector_load %arg26[%parallel_loop3A_1237, %parallel_loop3A_1238] {strides = array<i32>} : memref<80x64xf32, #tpu.memory_space<vmem>>, vector<16xf32>,
        %parallel_loop3A_1240 = arith.mulf %parallel_loop3A_1211, %parallel_loop3A_1239 : vector<16xf32>
        %parallel_loop3A_1241 = arith.mulf %parallel_loop3A_1240, %parallel_loop3A_1228 : vector<16xf32>
        %parallel_loop3A_1242 = arith.index_cast %parallel_loop3A_1169 : i32 to index
        %parallel_loop3A_1243 = arith.constant 16 : index
        %parallel_loop3A_1244 = tpu.vector_load %arg26[%parallel_loop3A_1242, %parallel_loop3A_1243] {strides = array<i32>} : memref<80x64xf32, #tpu.memory_space<vmem>>, vector<16xf32>,
        tpu.vector_store %arg26[%parallel_loop3A_1242, %parallel_loop3A_1243], %parallel_loop3A_1241 {strides = array<i32>} : memref<80x64xf32, #tpu.memory_space<vmem>>, vector<16xf32>,
        %parallel_loop3A_1245 = arith.mulf %get3A_528, %parallel_loop3A_1198 : vector<32xbf16>
        %parallel_loop3A_1246 = arith.mulf %get3A_540, %parallel_loop3A_1199 : vector<32xbf16>
        %parallel_loop3A_1247 = arith.mulf %get3A_552, %parallel_loop3A_1200 : vector<32xbf16>
        %parallel_loop3A_1248 = arith.mulf %get3A_564, %parallel_loop3A_1201 : vector<32xbf16>
        %parallel_loop3A_1249 = arith.mulf %get3A_576, %parallel_loop3A_1202 : vector<32xbf16>
        %parallel_loop3A_1250 = arith.mulf %get3A_588, %parallel_loop3A_1203 : vector<32xbf16>
        %parallel_loop3A_1251 = arith.mulf %get3A_600, %parallel_loop3A_1204 : vector<32xbf16>
        %parallel_loop3A_1252 = arith.mulf %get3A_612, %parallel_loop3A_1205 : vector<32xbf16>
        %parallel_loop3A_1253 = arith.addf %parallel_loop3A_1245, %parallel_loop3A_1246 : vector<32xbf16>
        %parallel_loop3A_1254 = arith.addf %parallel_loop3A_1247, %parallel_loop3A_1248 : vector<32xbf16>
        %parallel_loop3A_1255 = arith.addf %parallel_loop3A_1249, %parallel_loop3A_1250 : vector<32xbf16>
        %parallel_loop3A_1256 = arith.addf %parallel_loop3A_1251, %parallel_loop3A_1252 : vector<32xbf16>
        %parallel_loop3A_1257 = arith.addf %parallel_loop3A_1253, %parallel_loop3A_1254 : vector<32xbf16>
        %parallel_loop3A_1258 = arith.addf %parallel_loop3A_1255, %parallel_loop3A_1256 : vector<32xbf16>
        %parallel_loop3A_1259 = arith.addf %parallel_loop3A_1257, %parallel_loop3A_1258 : vector<32xbf16>
        %parallel_loop3A_1260 = tpu.unpack_subelements %parallel_loop3A_1259, 0 {pack_format = #tpu.pack_format<interleaved>} : vector<32xbf16> -> vector<16xf32>
        %parallel_loop3A_1261 = tpu.unpack_subelements %parallel_loop3A_1259, 1 {pack_format = #tpu.pack_format<interleaved>} : vector<32xbf16> -> vector<16xf32>
        %parallel_loop3A_1262 = arith.mulf %parallel_loop3A_1208, %parallel_loop3A_1260 : vector<16xf32>
        %parallel_loop3A_1263 = arith.index_cast %parallel_loop3A_1169 : i32 to index
        %parallel_loop3A_1264 = arith.constant 0 : index
        %parallel_loop3A_1265 = tpu.vector_load %arg24[%parallel_loop3A_1263, %parallel_loop3A_1264] {strides = array<i32>} : memref<80x64xf32, #tpu.memory_space<vmem>>, vector<16xf32>,
        tpu.vector_store %arg24[%parallel_loop3A_1263, %parallel_loop3A_1264], %parallel_loop3A_1262 {strides = array<i32>} : memref<80x64xf32, #tpu.memory_space<vmem>>, vector<16xf32>,
        %parallel_loop3A_1266 = arith.mulf %parallel_loop3A_1211, %parallel_loop3A_1261 : vector<16xf32>
        %parallel_loop3A_1267 = arith.index_cast %parallel_loop3A_1169 : i32 to index
        %parallel_loop3A_1268 = arith.constant 16 : index
        %parallel_loop3A_1269 = tpu.vector_load %arg24[%parallel_loop3A_1267, %parallel_loop3A_1268] {strides = array<i32>} : memref<80x64xf32, #tpu.memory_space<vmem>>, vector<16xf32>,
        tpu.vector_store %arg24[%parallel_loop3A_1267, %parallel_loop3A_1268], %parallel_loop3A_1266 {strides = array<i32>} : memref<80x64xf32, #tpu.memory_space<vmem>>, vector<16xf32>,
        %parallel_loop3A_1270 = arith.index_cast %parallel_loop3A_1169 : i32 to index
        %parallel_loop3A_1271 = arith.constant 32 : index
        %parallel_loop3A_1272 = tpu.vector_load %arg24[%parallel_loop3A_1270, %parallel_loop3A_1271] {strides = array<i32>} : memref<80x64xf32, #tpu.memory_space<vmem>>, vector<16xf32>,
        %parallel_loop3A_1273 = arith.index_cast %parallel_loop3A_1169 : i32 to index
        %parallel_loop3A_1274 = arith.constant 48 : index
        %parallel_loop3A_1275 = tpu.vector_load %arg24[%parallel_loop3A_1273, %parallel_loop3A_1274] {strides = array<i32>} : memref<80x64xf32, #tpu.memory_space<vmem>>, vector<16xf32>,
        %parallel_loop3A_1276 = arith.mulf %get3A_630, %parallel_loop3A_1198 : vector<32xbf16>
        %parallel_loop3A_1277 = arith.mulf %get3A_642, %parallel_loop3A_1199 : vector<32xbf16>
        %parallel_loop3A_1278 = arith.mulf %get3A_654, %parallel_loop3A_1200 : vector<32xbf16>
        %parallel_loop3A_1279 = arith.mulf %get3A_666, %parallel_loop3A_1201 : vector<32xbf16>
        %parallel_loop3A_1280 = arith.mulf %get3A_678, %parallel_loop3A_1202 : vector<32xbf16>
        %parallel_loop3A_1281 = arith.mulf %get3A_690, %parallel_loop3A_1203 : vector<32xbf16>
        %parallel_loop3A_1282 = arith.mulf %get3A_702, %parallel_loop3A_1204 : vector<32xbf16>
        %parallel_loop3A_1283 = arith.mulf %get3A_714, %parallel_loop3A_1205 : vector<32xbf16>
        %parallel_loop3A_1284 = arith.addf %parallel_loop3A_1276, %parallel_loop3A_1277 : vector<32xbf16>
        %parallel_loop3A_1285 = arith.addf %parallel_loop3A_1278, %parallel_loop3A_1279 : vector<32xbf16>
        %parallel_loop3A_1286 = arith.addf %parallel_loop3A_1280, %parallel_loop3A_1281 : vector<32xbf16>
        %parallel_loop3A_1287 = arith.addf %parallel_loop3A_1282, %parallel_loop3A_1283 : vector<32xbf16>
        %parallel_loop3A_1288 = arith.addf %parallel_loop3A_1284, %parallel_loop3A_1285 : vector<32xbf16>
        %parallel_loop3A_1289 = arith.addf %parallel_loop3A_1286, %parallel_loop3A_1287 : vector<32xbf16>
        %parallel_loop3A_1290 = arith.addf %parallel_loop3A_1288, %parallel_loop3A_1289 : vector<32xbf16>
        %parallel_loop3A_1291 = tpu.unpack_subelements %parallel_loop3A_1290, 0 {pack_format = #tpu.pack_format<interleaved>} : vector<32xbf16> -> vector<16xf32>
        %parallel_loop3A_1292 = tpu.unpack_subelements %parallel_loop3A_1290, 1 {pack_format = #tpu.pack_format<interleaved>} : vector<32xbf16> -> vector<16xf32>
        %parallel_loop3A_1293 = arith.index_cast %parallel_loop3A_1169 : i32 to index
        %parallel_loop3A_1294 = arith.constant 32 : index
        %parallel_loop3A_1295 = tpu.vector_load %arg26[%parallel_loop3A_1293, %parallel_loop3A_1294] {strides = array<i32>} : memref<80x64xf32, #tpu.memory_space<vmem>>, vector<16xf32>,
        %parallel_loop3A_1296 = arith.mulf %parallel_loop3A_1272, %parallel_loop3A_1295 : vector<16xf32>
        %parallel_loop3A_1297 = arith.mulf %parallel_loop3A_1296, %parallel_loop3A_1291 : vector<16xf32>
        %parallel_loop3A_1298 = arith.index_cast %parallel_loop3A_1169 : i32 to index
        %parallel_loop3A_1299 = arith.constant 32 : index
        %parallel_loop3A_1300 = tpu.vector_load %arg26[%parallel_loop3A_1298, %parallel_loop3A_1299] {strides = array<i32>} : memref<80x64xf32, #tpu.memory_space<vmem>>, vector<16xf32>,
        tpu.vector_store %arg26[%parallel_loop3A_1298, %parallel_loop3A_1299], %parallel_loop3A_1297 {strides = array<i32>} : memref<80x64xf32, #tpu.memory_space<vmem>>, vector<16xf32>,
        %parallel_loop3A_1301 = arith.index_cast %parallel_loop3A_1169 : i32 to index
        %parallel_loop3A_1302 = arith.constant 48 : index
        %parallel_loop3A_1303 = tpu.vector_load %arg26[%parallel_loop3A_1301, %parallel_loop3A_1302] {strides = array<i32>} : memref<80x64xf32, #tpu.memory_space<vmem>>, vector<16xf32>,
        %parallel_loop3A_1304 = arith.mulf %parallel_loop3A_1275, %parallel_loop3A_1303 : vector<16xf32>
        %parallel_loop3A_1305 = arith.mulf %parallel_loop3A_1304, %parallel_loop3A_1292 : vector<16xf32>
        %parallel_loop3A_1306 = arith.index_cast %parallel_loop3A_1169 : i32 to index
        %parallel_loop3A_1307 = arith.constant 48 : index
        %parallel_loop3A_1308 = tpu.vector_load %arg26[%parallel_loop3A_1306, %parallel_loop3A_1307] {strides = array<i32>} : memref<80x64xf32, #tpu.memory_space<vmem>>, vector<16xf32>,
        tpu.vector_store %arg26[%parallel_loop3A_1306, %parallel_loop3A_1307], %parallel_loop3A_1305 {strides = array<i32>} : memref<80x64xf32, #tpu.memory_space<vmem>>, vector<16xf32>,
        %parallel_loop3A_1309 = arith.mulf %get3A_534, %parallel_loop3A_1198 : vector<32xbf16>
        %parallel_loop3A_1310 = arith.mulf %get3A_546, %parallel_loop3A_1199 : vector<32xbf16>
        %parallel_loop3A_1311 = arith.mulf %get3A_558, %parallel_loop3A_1200 : vector<32xbf16>
        %parallel_loop3A_1312 = arith.mulf %get3A_570, %parallel_loop3A_1201 : vector<32xbf16>
        %parallel_loop3A_1313 = arith.mulf %get3A_582, %parallel_loop3A_1202 : vector<32xbf16>
        %parallel_loop3A_1314 = arith.mulf %get3A_594, %parallel_loop3A_1203 : vector<32xbf16>
        %parallel_loop3A_1315 = arith.mulf %get3A_606, %parallel_loop3A_1204 : vector<32xbf16>
        %parallel_loop3A_1316 = arith.mulf %get3A_618, %parallel_loop3A_1205 : vector<32xbf16>
        %parallel_loop3A_1317 = arith.addf %parallel_loop3A_1309, %parallel_loop3A_1310 : vector<32xbf16>
        %parallel_loop3A_1318 = arith.addf %parallel_loop3A_1311, %parallel_loop3A_1312 : vector<32xbf16>
        %parallel_loop3A_1319 = arith.addf %parallel_loop3A_1313, %parallel_loop3A_1314 : vector<32xbf16>
        %parallel_loop3A_1320 = arith.addf %parallel_loop3A_1315, %parallel_loop3A_1316 : vector<32xbf16>
        %parallel_loop3A_1321 = arith.addf %parallel_loop3A_1317, %parallel_loop3A_1318 : vector<32xbf16>
        %parallel_loop3A_1322 = arith.addf %parallel_loop3A_1319, %parallel_loop3A_1320 : vector<32xbf16>
        %parallel_loop3A_1323 = arith.addf %parallel_loop3A_1321, %parallel_loop3A_1322 : vector<32xbf16>
        %parallel_loop3A_1324 = tpu.unpack_subelements %parallel_loop3A_1323, 0 {pack_format = #tpu.pack_format<interleaved>} : vector<32xbf16> -> vector<16xf32>
        %parallel_loop3A_1325 = tpu.unpack_subelements %parallel_loop3A_1323, 1 {pack_format = #tpu.pack_format<interleaved>} : vector<32xbf16> -> vector<16xf32>
        %parallel_loop3A_1326 = arith.mulf %parallel_loop3A_1272, %parallel_loop3A_1324 : vector<16xf32>
        %parallel_loop3A_1327 = arith.index_cast %parallel_loop3A_1169 : i32 to index
        %parallel_loop3A_1328 = arith.constant 32 : index
        %parallel_loop3A_1329 = tpu.vector_load %arg24[%parallel_loop3A_1327, %parallel_loop3A_1328] {strides = array<i32>} : memref<80x64xf32, #tpu.memory_space<vmem>>, vector<16xf32>,
        tpu.vector_store %arg24[%parallel_loop3A_1327, %parallel_loop3A_1328], %parallel_loop3A_1326 {strides = array<i32>} : memref<80x64xf32, #tpu.memory_space<vmem>>, vector<16xf32>,
        %parallel_loop3A_1330 = arith.mulf %parallel_loop3A_1275, %parallel_loop3A_1325 : vector<16xf32>
        %parallel_loop3A_1331 = arith.index_cast %parallel_loop3A_1169 : i32 to index
        %parallel_loop3A_1332 = arith.constant 48 : index
        %parallel_loop3A_1333 = tpu.vector_load %arg24[%parallel_loop3A_1331, %parallel_loop3A_1332] {strides = array<i32>} : memref<80x64xf32, #tpu.memory_space<vmem>>, vector<16xf32>,
        tpu.vector_store %arg24[%parallel_loop3A_1331, %parallel_loop3A_1332], %parallel_loop3A_1330 {strides = array<i32>} : memref<80x64xf32, #tpu.memory_space<vmem>>, vector<16xf32>,
      } {sc.loop_unroll_factor = 1 : i64, sc.parallel_access}
      %mul3A_718 = arith.constant 16 : i32
      %mul3A_719 = arith.muli %mul3A_718, %mul3A_313 : i32
      %add3A_720 = arith.addi %arg1, %mul3A_719 : i32
      %mul3A_721 = arith.constant 80 : i32
      %mul3A_722 = arith.muli %add3A_720, %mul3A_721 : i32
      %dma_wait3A_723 = tpu.memref_slice %arg6[%mul3A_722] : memref<320000xi32, #tpu.memory_space<hbm>> -> memref<80xi32, #tpu.memory_space<hbm>>
      %dma_wait3A_724 = tpu.memref_slice %arg6[%mul3A_722] : memref<320000xi32, #tpu.memory_space<hbm>> -> memref<80xi32, #tpu.memory_space<hbm>>
      tpu.wait_dma2 semaphore(%arg30 : memref<!tpu.dma_semaphore, #tpu.memory_space<semaphore_mem>>) src(%dma_wait3A_724 : memref<80xi32, #tpu.memory_space<hbm>>) dst(%arg19 : memref<80xi32, #tpu.memory_space<vmem>>)
      %dma_start3A_725 = arith.constant 0 : i32
      %dma_start3A_726 = arith.constant 0 : i32
      %dma_start3A_727 = tpu.memref_slice %arg11[%dma_start3A_725, %dma_start3A_726] : memref<10000x64xf32, #tpu.memory_space<vmem_shared>> -> memref<10000x64xf32, #tpu.memory_space<vmem_shared>>
      tpu.enqueue_indirect_dma source(%arg24 : memref<80x64xf32, #tpu.memory_space<vmem>>) target(%dma_start3A_727 : memref<10000x64xf32, #tpu.memory_space<vmem_shared>>) offsets(%arg19 : memref<80xi32, #tpu.memory_space<vmem>>) semaphore(%arg34 : memref<!tpu.dma_semaphore, #tpu.memory_space<semaphore_mem>>) {add = true}
      %dma_start3A_728 = arith.constant 0 : i32
      %dma_start3A_729 = arith.constant 0 : i32
      %dma_start3A_730 = tpu.memref_slice %arg12[%dma_start3A_728, %dma_start3A_729] : memref<10000x64xf32, #tpu.memory_space<vmem_shared>> -> memref<10000x64xf32, #tpu.memory_space<vmem_shared>>
      tpu.enqueue_indirect_dma source(%arg26 : memref<80x64xf32, #tpu.memory_space<vmem>>) target(%dma_start3A_730 : memref<10000x64xf32, #tpu.memory_space<vmem_shared>>) offsets(%arg19 : memref<80xi32, #tpu.memory_space<vmem>>) semaphore(%arg34 : memref<!tpu.dma_semaphore, #tpu.memory_space<semaphore_mem>>) {add = true}
      %add3A_731 = arith.constant 2 : i32
      %add3A_732 = arith.addi %mul3A_313, %add3A_731 : i32
      %lt3A_733 = arith.constant 250 : i32
      %lt3A_734 = arith.cmpi slt, %add3A_732, %lt3A_733 : i32
      %convert_element_type3A_735 = arith.extui %lt3A_734 : i1 to i32
      %cond3A_736 = arith.constant 0 : i32
      %cond3A_737 = arith.cmpi ne, %convert_element_type3A_735, %cond3A_736 : i32
      scf.if %cond3A_737 {
        %add3A_1169 = arith.constant 2 : i32
        %add3A_1170 = arith.addi %mul3A_313, %add3A_1169 : i32
        %mul3A_1171 = arith.constant 16 : i32
        %mul3A_1172 = arith.muli %mul3A_1171, %add3A_1170 : i32
        %add3A_1173 = arith.addi %arg1, %mul3A_1172 : i32
        %mul3A_1174 = arith.constant 80 : i32
        %mul3A_1175 = arith.muli %add3A_1173, %mul3A_1174 : i32
        %dma_start3A_1176 = tpu.memref_slice %arg5[%mul3A_1175] : memref<320000xi32, #tpu.memory_space<hbm>> -> memref<80xi32, #tpu.memory_space<hbm>>
        %dma_start3A_1177 = tpu.memref_slice %arg5[%mul3A_1175] : memref<320000xi32, #tpu.memory_space<hbm>> -> memref<80xi32, #tpu.memory_space<hbm>>
        tpu.enqueue_dma source(%dma_start3A_1177 : memref<80xi32, #tpu.memory_space<hbm>>) target(%arg15 : memref<80xi32, #tpu.memory_space<vmem>>) target_semaphore(%arg28 : memref<!tpu.dma_semaphore, #tpu.memory_space<semaphore_mem>>)
        %dma_start3A_1178 = arith.constant 0 : i32
        %dma_start3A_1179 = arith.constant 0 : i32
        %dma_start3A_1180 = tpu.memref_slice %arg21[%dma_start3A_1178, %dma_start3A_1179] : memref<80x8xf32, #tpu.memory_space<vmem>> -> memref<80x8xf32, #tpu.memory_space<vmem>>
        %dma_start3A_1181 = arith.constant 0 : i32
        %dma_start3A_1182 = tpu.memref_slice %arg4[%mul3A_1175, %dma_start3A_1181] : memref<320000x8xf32, #tpu.memory_space<hbm>> -> memref<80x8xf32, #tpu.memory_space<hbm>>
        %dma_start3A_1183 = arith.constant 0 : i32
        %dma_start3A_1184 = arith.constant 0 : i32
        %dma_start3A_1185 = tpu.memref_slice %arg21[%dma_start3A_1183, %dma_start3A_1184] : memref<80x8xf32, #tpu.memory_space<vmem>> -> memref<80x8xf32, #tpu.memory_space<vmem>>
        %dma_start3A_1186 = arith.constant 0 : i32
        %dma_start3A_1187 = tpu.memref_slice %arg4[%mul3A_1175, %dma_start3A_1186] : memref<320000x8xf32, #tpu.memory_space<hbm>> -> memref<80x8xf32, #tpu.memory_space<hbm>>
        tpu.enqueue_dma source(%dma_start3A_1187 : memref<80x8xf32, #tpu.memory_space<hbm>>) target(%dma_start3A_1185 : memref<80x8xf32, #tpu.memory_space<vmem>>) target_semaphore(%arg28 : memref<!tpu.dma_semaphore, #tpu.memory_space<semaphore_mem>>)
      } else {
      }
      %mul3A_738 = arith.constant 2 : i32
      %mul3A_739 = arith.muli %mul3A_738, %scan3A_310 : i32
      %add3A_740 = arith.constant 1 : i32
      %add3A_741 = arith.addi %mul3A_739, %add3A_740 : i32
      %dma_wait3A_742 = arith.constant 0 : i32
      %dma_wait3A_743 = arith.constant 0 : i32
      %dma_wait3A_744 = tpu.memref_slice %arg2[%dma_wait3A_742, %dma_wait3A_743] : memref<20000x64xf32, #tpu.memory_space<hbm>> -> memref<20000x64xf32, #tpu.memory_space<hbm>>
      tpu.wait_indirect_dma semaphore(%arg33 : memref<!tpu.dma_semaphore, #tpu.memory_space<semaphore_mem>>) src(%dma_wait3A_744 : memref<20000x64xf32, #tpu.memory_space<hbm>>) dst(%arg25 : memref<80x64xf32, #tpu.memory_space<vmem>>)
      %dma_wait3A_745 = arith.constant 0 : i32
      %dma_wait3A_746 = arith.constant 0 : i32
      %dma_wait3A_747 = tpu.memref_slice %arg3[%dma_wait3A_745, %dma_wait3A_746] : memref<640000x64xf32, #tpu.memory_space<hbm>> -> memref<640000x64xf32, #tpu.memory_space<hbm>>
      tpu.wait_indirect_dma semaphore(%arg33 : memref<!tpu.dma_semaphore, #tpu.memory_space<semaphore_mem>>) src(%dma_wait3A_747 : memref<640000x64xf32, #tpu.memory_space<hbm>>) dst(%arg27 : memref<80x64xf32, #tpu.memory_space<vmem>>)
      %parallel_loop3A_748 = arith.constant 0 : i32
      %parallel_loop3A_749 = arith.constant 5 : i32
      %parallel_loop3A_750 = arith.constant 1 : i32
      scf.for %parallel_loop3A_1169 = %parallel_loop3A_748 to %parallel_loop3A_749 step %parallel_loop3A_750  : i32 {
        %parallel_loop3A_1170 = arith.constant 16 : i32
        %parallel_loop3A_1171 = arith.muli %parallel_loop3A_1170, %parallel_loop3A_1169 : i32
        %parallel_loop3A_1172 = tpu.iota {dimensions = array<i32: 0>} : vector<16xi32>
        %parallel_loop3A_1173 = vector.broadcast %parallel_loop3A_1171 : i32 to vector<16xi32>
        %parallel_loop3A_1174 = arith.addi %parallel_loop3A_1173, %parallel_loop3A_1172 : vector<16xi32>
        %parallel_loop3A_1175 = arith.constant 0 : i32
        %parallel_loop3A_1176 = vector.broadcast %parallel_loop3A_1175 : i32 to vector<16xi32>
        %parallel_loop3A_1177 = tpu.vector_load_idx %arg22[%parallel_loop3A_1174, %parallel_loop3A_1176] : memref<80x8xf32, #tpu.memory_space<vmem>>[vector<16xi32>, vector<16xi32>], vector<16xf32>,
        %parallel_loop3A_1178 = arith.constant 1 : i32
        %parallel_loop3A_1179 = vector.broadcast %parallel_loop3A_1178 : i32 to vector<16xi32>
        %parallel_loop3A_1180 = tpu.vector_load_idx %arg22[%parallel_loop3A_1174, %parallel_loop3A_1179] : memref<80x8xf32, #tpu.memory_space<vmem>>[vector<16xi32>, vector<16xi32>], vector<16xf32>,
        %parallel_loop3A_1181 = arith.constant 2 : i32
        %parallel_loop3A_1182 = vector.broadcast %parallel_loop3A_1181 : i32 to vector<16xi32>
        %parallel_loop3A_1183 = tpu.vector_load_idx %arg22[%parallel_loop3A_1174, %parallel_loop3A_1182] : memref<80x8xf32, #tpu.memory_space<vmem>>[vector<16xi32>, vector<16xi32>], vector<16xf32>,
        %parallel_loop3A_1184 = arith.constant 3 : i32
        %parallel_loop3A_1185 = vector.broadcast %parallel_loop3A_1184 : i32 to vector<16xi32>
        %parallel_loop3A_1186 = tpu.vector_load_idx %arg22[%parallel_loop3A_1174, %parallel_loop3A_1185] : memref<80x8xf32, #tpu.memory_space<vmem>>[vector<16xi32>, vector<16xi32>], vector<16xf32>,
        %parallel_loop3A_1187 = arith.constant 4 : i32
        %parallel_loop3A_1188 = vector.broadcast %parallel_loop3A_1187 : i32 to vector<16xi32>
        %parallel_loop3A_1189 = tpu.vector_load_idx %arg22[%parallel_loop3A_1174, %parallel_loop3A_1188] : memref<80x8xf32, #tpu.memory_space<vmem>>[vector<16xi32>, vector<16xi32>], vector<16xf32>,
        %parallel_loop3A_1190 = arith.constant 5 : i32
        %parallel_loop3A_1191 = vector.broadcast %parallel_loop3A_1190 : i32 to vector<16xi32>
        %parallel_loop3A_1192 = tpu.vector_load_idx %arg22[%parallel_loop3A_1174, %parallel_loop3A_1191] : memref<80x8xf32, #tpu.memory_space<vmem>>[vector<16xi32>, vector<16xi32>], vector<16xf32>,
        %parallel_loop3A_1193 = arith.constant 6 : i32
        %parallel_loop3A_1194 = vector.broadcast %parallel_loop3A_1193 : i32 to vector<16xi32>
        %parallel_loop3A_1195 = tpu.vector_load_idx %arg22[%parallel_loop3A_1174, %parallel_loop3A_1194] : memref<80x8xf32, #tpu.memory_space<vmem>>[vector<16xi32>, vector<16xi32>], vector<16xf32>,
        %parallel_loop3A_1196 = arith.constant 7 : i32
        %parallel_loop3A_1197 = vector.broadcast %parallel_loop3A_1196 : i32 to vector<16xi32>
        %parallel_loop3A_1198 = tpu.vector_load_idx %arg22[%parallel_loop3A_1174, %parallel_loop3A_1197] : memref<80x8xf32, #tpu.memory_space<vmem>>[vector<16xi32>, vector<16xi32>], vector<16xf32>,
        %parallel_loop3A_1199 = vector.broadcast %squeeze3A : f32 to vector<16xf32>
        %parallel_loop3A_1200 = arith.mulf %parallel_loop3A_1177, %parallel_loop3A_1199 : vector<16xf32>
        %parallel_loop3A_1201 = vector.broadcast %squeeze3A_25 : f32 to vector<16xf32>
        %parallel_loop3A_1202 = arith.mulf %parallel_loop3A_1180, %parallel_loop3A_1201 : vector<16xf32>
        %parallel_loop3A_1203 = arith.addf %parallel_loop3A_1200, %parallel_loop3A_1202 : vector<16xf32>
        %parallel_loop3A_1204 = vector.broadcast %squeeze3A_41 : f32 to vector<16xf32>
        %parallel_loop3A_1205 = arith.mulf %parallel_loop3A_1183, %parallel_loop3A_1204 : vector<16xf32>
        %parallel_loop3A_1206 = arith.addf %parallel_loop3A_1203, %parallel_loop3A_1205 : vector<16xf32>
        %parallel_loop3A_1207 = vector.broadcast %squeeze3A_57 : f32 to vector<16xf32>
        %parallel_loop3A_1208 = arith.mulf %parallel_loop3A_1186, %parallel_loop3A_1207 : vector<16xf32>
        %parallel_loop3A_1209 = arith.addf %parallel_loop3A_1206, %parallel_loop3A_1208 : vector<16xf32>
        %parallel_loop3A_1210 = vector.broadcast %squeeze3A_73 : f32 to vector<16xf32>
        %parallel_loop3A_1211 = arith.mulf %parallel_loop3A_1189, %parallel_loop3A_1210 : vector<16xf32>
        %parallel_loop3A_1212 = arith.addf %parallel_loop3A_1209, %parallel_loop3A_1211 : vector<16xf32>
        %parallel_loop3A_1213 = vector.broadcast %squeeze3A_89 : f32 to vector<16xf32>
        %parallel_loop3A_1214 = arith.mulf %parallel_loop3A_1192, %parallel_loop3A_1213 : vector<16xf32>
        %parallel_loop3A_1215 = arith.addf %parallel_loop3A_1212, %parallel_loop3A_1214 : vector<16xf32>
        %parallel_loop3A_1216 = vector.broadcast %squeeze3A_105 : f32 to vector<16xf32>
        %parallel_loop3A_1217 = arith.mulf %parallel_loop3A_1195, %parallel_loop3A_1216 : vector<16xf32>
        %parallel_loop3A_1218 = arith.addf %parallel_loop3A_1215, %parallel_loop3A_1217 : vector<16xf32>
        %parallel_loop3A_1219 = vector.broadcast %squeeze3A_121 : f32 to vector<16xf32>
        %parallel_loop3A_1220 = arith.mulf %parallel_loop3A_1198, %parallel_loop3A_1219 : vector<16xf32>
        %parallel_loop3A_1221 = arith.addf %parallel_loop3A_1218, %parallel_loop3A_1220 : vector<16xf32>
        %parallel_loop3A_1222 = arith.constant 0.000000e+00 : f32
        %parallel_loop3A_1223 = vector.broadcast %parallel_loop3A_1222 : f32 to vector<16xf32>
        %parallel_loop3A_1224 = arith.subf %parallel_loop3A_1223, %parallel_loop3A_1221 : vector<16xf32>
        %parallel_loop3A_1225 = math.exp %parallel_loop3A_1224 : vector<16xf32>
        %parallel_loop3A_1226 = arith.constant 1.000000e+00 : f32
        %parallel_loop3A_1227 = vector.broadcast %parallel_loop3A_1226 : f32 to vector<16xf32>
        %parallel_loop3A_1228 = arith.addf %parallel_loop3A_1227, %parallel_loop3A_1225 : vector<16xf32>
        %parallel_loop3A_1229 = arith.divf %parallel_loop3A_1221, %parallel_loop3A_1228 : vector<16xf32>
        %parallel_loop3A_1230 = arith.constant 16 : i32
        %parallel_loop3A_1231 = arith.muli %parallel_loop3A_1230, %parallel_loop3A_1169 : i32
        %parallel_loop3A_1232 = arith.constant 0 : i32
        %parallel_loop3A_1233 = arith.index_cast %parallel_loop3A_1232 : i32 to index
        %parallel_loop3A_1234 = arith.index_cast %parallel_loop3A_1231 : i32 to index
        %parallel_loop3A_1235 = tpu.vector_load %arg23[%parallel_loop3A_1233, %parallel_loop3A_1234] {strides = array<i32>} : memref<8x80xf32, #tpu.memory_space<vmem>>, vector<16xf32>,
        tpu.vector_store %arg23[%parallel_loop3A_1233, %parallel_loop3A_1234], %parallel_loop3A_1229 {strides = array<i32>} : memref<8x80xf32, #tpu.memory_space<vmem>>, vector<16xf32>,
        %parallel_loop3A_1236 = vector.broadcast %squeeze3A_11 : f32 to vector<16xf32>
        %parallel_loop3A_1237 = arith.mulf %parallel_loop3A_1177, %parallel_loop3A_1236 : vector<16xf32>
        %parallel_loop3A_1238 = vector.broadcast %squeeze3A_27 : f32 to vector<16xf32>
        %parallel_loop3A_1239 = arith.mulf %parallel_loop3A_1180, %parallel_loop3A_1238 : vector<16xf32>
        %parallel_loop3A_1240 = arith.addf %parallel_loop3A_1237, %parallel_loop3A_1239 : vector<16xf32>
        %parallel_loop3A_1241 = vector.broadcast %squeeze3A_43 : f32 to vector<16xf32>
        %parallel_loop3A_1242 = arith.mulf %parallel_loop3A_1183, %parallel_loop3A_1241 : vector<16xf32>
        %parallel_loop3A_1243 = arith.addf %parallel_loop3A_1240, %parallel_loop3A_1242 : vector<16xf32>
        %parallel_loop3A_1244 = vector.broadcast %squeeze3A_59 : f32 to vector<16xf32>
        %parallel_loop3A_1245 = arith.mulf %parallel_loop3A_1186, %parallel_loop3A_1244 : vector<16xf32>
        %parallel_loop3A_1246 = arith.addf %parallel_loop3A_1243, %parallel_loop3A_1245 : vector<16xf32>
        %parallel_loop3A_1247 = vector.broadcast %squeeze3A_75 : f32 to vector<16xf32>
        %parallel_loop3A_1248 = arith.mulf %parallel_loop3A_1189, %parallel_loop3A_1247 : vector<16xf32>
        %parallel_loop3A_1249 = arith.addf %parallel_loop3A_1246, %parallel_loop3A_1248 : vector<16xf32>
        %parallel_loop3A_1250 = vector.broadcast %squeeze3A_91 : f32 to vector<16xf32>
        %parallel_loop3A_1251 = arith.mulf %parallel_loop3A_1192, %parallel_loop3A_1250 : vector<16xf32>
        %parallel_loop3A_1252 = arith.addf %parallel_loop3A_1249, %parallel_loop3A_1251 : vector<16xf32>
        %parallel_loop3A_1253 = vector.broadcast %squeeze3A_107 : f32 to vector<16xf32>
        %parallel_loop3A_1254 = arith.mulf %parallel_loop3A_1195, %parallel_loop3A_1253 : vector<16xf32>
        %parallel_loop3A_1255 = arith.addf %parallel_loop3A_1252, %parallel_loop3A_1254 : vector<16xf32>
        %parallel_loop3A_1256 = vector.broadcast %squeeze3A_123 : f32 to vector<16xf32>
        %parallel_loop3A_1257 = arith.mulf %parallel_loop3A_1198, %parallel_loop3A_1256 : vector<16xf32>
        %parallel_loop3A_1258 = arith.addf %parallel_loop3A_1255, %parallel_loop3A_1257 : vector<16xf32>
        %parallel_loop3A_1259 = arith.constant 0.000000e+00 : f32
        %parallel_loop3A_1260 = vector.broadcast %parallel_loop3A_1259 : f32 to vector<16xf32>
        %parallel_loop3A_1261 = arith.subf %parallel_loop3A_1260, %parallel_loop3A_1258 : vector<16xf32>
        %parallel_loop3A_1262 = math.exp %parallel_loop3A_1261 : vector<16xf32>
        %parallel_loop3A_1263 = arith.constant 1.000000e+00 : f32
        %parallel_loop3A_1264 = vector.broadcast %parallel_loop3A_1263 : f32 to vector<16xf32>
        %parallel_loop3A_1265 = arith.addf %parallel_loop3A_1264, %parallel_loop3A_1262 : vector<16xf32>
        %parallel_loop3A_1266 = arith.divf %parallel_loop3A_1258, %parallel_loop3A_1265 : vector<16xf32>
        %parallel_loop3A_1267 = arith.constant 16 : i32
        %parallel_loop3A_1268 = arith.muli %parallel_loop3A_1267, %parallel_loop3A_1169 : i32
        %parallel_loop3A_1269 = arith.constant 1 : i32
        %parallel_loop3A_1270 = arith.index_cast %parallel_loop3A_1269 : i32 to index
        %parallel_loop3A_1271 = arith.index_cast %parallel_loop3A_1268 : i32 to index
        %parallel_loop3A_1272 = tpu.vector_load %arg23[%parallel_loop3A_1270, %parallel_loop3A_1271] {strides = array<i32>} : memref<8x80xf32, #tpu.memory_space<vmem>>, vector<16xf32>,
        tpu.vector_store %arg23[%parallel_loop3A_1270, %parallel_loop3A_1271], %parallel_loop3A_1266 {strides = array<i32>} : memref<8x80xf32, #tpu.memory_space<vmem>>, vector<16xf32>,
        %parallel_loop3A_1273 = vector.broadcast %squeeze3A_13 : f32 to vector<16xf32>
        %parallel_loop3A_1274 = arith.mulf %parallel_loop3A_1177, %parallel_loop3A_1273 : vector<16xf32>
        %parallel_loop3A_1275 = vector.broadcast %squeeze3A_29 : f32 to vector<16xf32>
        %parallel_loop3A_1276 = arith.mulf %parallel_loop3A_1180, %parallel_loop3A_1275 : vector<16xf32>
        %parallel_loop3A_1277 = arith.addf %parallel_loop3A_1274, %parallel_loop3A_1276 : vector<16xf32>
        %parallel_loop3A_1278 = vector.broadcast %squeeze3A_45 : f32 to vector<16xf32>
        %parallel_loop3A_1279 = arith.mulf %parallel_loop3A_1183, %parallel_loop3A_1278 : vector<16xf32>
        %parallel_loop3A_1280 = arith.addf %parallel_loop3A_1277, %parallel_loop3A_1279 : vector<16xf32>
        %parallel_loop3A_1281 = vector.broadcast %squeeze3A_61 : f32 to vector<16xf32>
        %parallel_loop3A_1282 = arith.mulf %parallel_loop3A_1186, %parallel_loop3A_1281 : vector<16xf32>
        %parallel_loop3A_1283 = arith.addf %parallel_loop3A_1280, %parallel_loop3A_1282 : vector<16xf32>
        %parallel_loop3A_1284 = vector.broadcast %squeeze3A_77 : f32 to vector<16xf32>
        %parallel_loop3A_1285 = arith.mulf %parallel_loop3A_1189, %parallel_loop3A_1284 : vector<16xf32>
        %parallel_loop3A_1286 = arith.addf %parallel_loop3A_1283, %parallel_loop3A_1285 : vector<16xf32>
        %parallel_loop3A_1287 = vector.broadcast %squeeze3A_93 : f32 to vector<16xf32>
        %parallel_loop3A_1288 = arith.mulf %parallel_loop3A_1192, %parallel_loop3A_1287 : vector<16xf32>
        %parallel_loop3A_1289 = arith.addf %parallel_loop3A_1286, %parallel_loop3A_1288 : vector<16xf32>
        %parallel_loop3A_1290 = vector.broadcast %squeeze3A_109 : f32 to vector<16xf32>
        %parallel_loop3A_1291 = arith.mulf %parallel_loop3A_1195, %parallel_loop3A_1290 : vector<16xf32>
        %parallel_loop3A_1292 = arith.addf %parallel_loop3A_1289, %parallel_loop3A_1291 : vector<16xf32>
        %parallel_loop3A_1293 = vector.broadcast %squeeze3A_125 : f32 to vector<16xf32>
        %parallel_loop3A_1294 = arith.mulf %parallel_loop3A_1198, %parallel_loop3A_1293 : vector<16xf32>
        %parallel_loop3A_1295 = arith.addf %parallel_loop3A_1292, %parallel_loop3A_1294 : vector<16xf32>
        %parallel_loop3A_1296 = arith.constant 0.000000e+00 : f32
        %parallel_loop3A_1297 = vector.broadcast %parallel_loop3A_1296 : f32 to vector<16xf32>
        %parallel_loop3A_1298 = arith.subf %parallel_loop3A_1297, %parallel_loop3A_1295 : vector<16xf32>
        %parallel_loop3A_1299 = math.exp %parallel_loop3A_1298 : vector<16xf32>
        %parallel_loop3A_1300 = arith.constant 1.000000e+00 : f32
        %parallel_loop3A_1301 = vector.broadcast %parallel_loop3A_1300 : f32 to vector<16xf32>
        %parallel_loop3A_1302 = arith.addf %parallel_loop3A_1301, %parallel_loop3A_1299 : vector<16xf32>
        %parallel_loop3A_1303 = arith.divf %parallel_loop3A_1295, %parallel_loop3A_1302 : vector<16xf32>
        %parallel_loop3A_1304 = arith.constant 16 : i32
        %parallel_loop3A_1305 = arith.muli %parallel_loop3A_1304, %parallel_loop3A_1169 : i32
        %parallel_loop3A_1306 = arith.constant 2 : i32
        %parallel_loop3A_1307 = arith.index_cast %parallel_loop3A_1306 : i32 to index
        %parallel_loop3A_1308 = arith.index_cast %parallel_loop3A_1305 : i32 to index
        %parallel_loop3A_1309 = tpu.vector_load %arg23[%parallel_loop3A_1307, %parallel_loop3A_1308] {strides = array<i32>} : memref<8x80xf32, #tpu.memory_space<vmem>>, vector<16xf32>,
        tpu.vector_store %arg23[%parallel_loop3A_1307, %parallel_loop3A_1308], %parallel_loop3A_1303 {strides = array<i32>} : memref<8x80xf32, #tpu.memory_space<vmem>>, vector<16xf32>,
        %parallel_loop3A_1310 = vector.broadcast %squeeze3A_15 : f32 to vector<16xf32>
        %parallel_loop3A_1311 = arith.mulf %parallel_loop3A_1177, %parallel_loop3A_1310 : vector<16xf32>
        %parallel_loop3A_1312 = vector.broadcast %squeeze3A_31 : f32 to vector<16xf32>
        %parallel_loop3A_1313 = arith.mulf %parallel_loop3A_1180, %parallel_loop3A_1312 : vector<16xf32>
        %parallel_loop3A_1314 = arith.addf %parallel_loop3A_1311, %parallel_loop3A_1313 : vector<16xf32>
        %parallel_loop3A_1315 = vector.broadcast %squeeze3A_47 : f32 to vector<16xf32>
        %parallel_loop3A_1316 = arith.mulf %parallel_loop3A_1183, %parallel_loop3A_1315 : vector<16xf32>
        %parallel_loop3A_1317 = arith.addf %parallel_loop3A_1314, %parallel_loop3A_1316 : vector<16xf32>
        %parallel_loop3A_1318 = vector.broadcast %squeeze3A_63 : f32 to vector<16xf32>
        %parallel_loop3A_1319 = arith.mulf %parallel_loop3A_1186, %parallel_loop3A_1318 : vector<16xf32>
        %parallel_loop3A_1320 = arith.addf %parallel_loop3A_1317, %parallel_loop3A_1319 : vector<16xf32>
        %parallel_loop3A_1321 = vector.broadcast %squeeze3A_79 : f32 to vector<16xf32>
        %parallel_loop3A_1322 = arith.mulf %parallel_loop3A_1189, %parallel_loop3A_1321 : vector<16xf32>
        %parallel_loop3A_1323 = arith.addf %parallel_loop3A_1320, %parallel_loop3A_1322 : vector<16xf32>
        %parallel_loop3A_1324 = vector.broadcast %squeeze3A_95 : f32 to vector<16xf32>
        %parallel_loop3A_1325 = arith.mulf %parallel_loop3A_1192, %parallel_loop3A_1324 : vector<16xf32>
        %parallel_loop3A_1326 = arith.addf %parallel_loop3A_1323, %parallel_loop3A_1325 : vector<16xf32>
        %parallel_loop3A_1327 = vector.broadcast %squeeze3A_111 : f32 to vector<16xf32>
        %parallel_loop3A_1328 = arith.mulf %parallel_loop3A_1195, %parallel_loop3A_1327 : vector<16xf32>
        %parallel_loop3A_1329 = arith.addf %parallel_loop3A_1326, %parallel_loop3A_1328 : vector<16xf32>
        %parallel_loop3A_1330 = vector.broadcast %squeeze3A_127 : f32 to vector<16xf32>
        %parallel_loop3A_1331 = arith.mulf %parallel_loop3A_1198, %parallel_loop3A_1330 : vector<16xf32>
        %parallel_loop3A_1332 = arith.addf %parallel_loop3A_1329, %parallel_loop3A_1331 : vector<16xf32>
        %parallel_loop3A_1333 = arith.constant 0.000000e+00 : f32
        %parallel_loop3A_1334 = vector.broadcast %parallel_loop3A_1333 : f32 to vector<16xf32>
        %parallel_loop3A_1335 = arith.subf %parallel_loop3A_1334, %parallel_loop3A_1332 : vector<16xf32>
        %parallel_loop3A_1336 = math.exp %parallel_loop3A_1335 : vector<16xf32>
        %parallel_loop3A_1337 = arith.constant 1.000000e+00 : f32
        %parallel_loop3A_1338 = vector.broadcast %parallel_loop3A_1337 : f32 to vector<16xf32>
        %parallel_loop3A_1339 = arith.addf %parallel_loop3A_1338, %parallel_loop3A_1336 : vector<16xf32>
        %parallel_loop3A_1340 = arith.divf %parallel_loop3A_1332, %parallel_loop3A_1339 : vector<16xf32>
        %parallel_loop3A_1341 = arith.constant 16 : i32
        %parallel_loop3A_1342 = arith.muli %parallel_loop3A_1341, %parallel_loop3A_1169 : i32
        %parallel_loop3A_1343 = arith.constant 3 : i32
        %parallel_loop3A_1344 = arith.index_cast %parallel_loop3A_1343 : i32 to index
        %parallel_loop3A_1345 = arith.index_cast %parallel_loop3A_1342 : i32 to index
        %parallel_loop3A_1346 = tpu.vector_load %arg23[%parallel_loop3A_1344, %parallel_loop3A_1345] {strides = array<i32>} : memref<8x80xf32, #tpu.memory_space<vmem>>, vector<16xf32>,
        tpu.vector_store %arg23[%parallel_loop3A_1344, %parallel_loop3A_1345], %parallel_loop3A_1340 {strides = array<i32>} : memref<8x80xf32, #tpu.memory_space<vmem>>, vector<16xf32>,
        %parallel_loop3A_1347 = vector.broadcast %squeeze3A_17 : f32 to vector<16xf32>
        %parallel_loop3A_1348 = arith.mulf %parallel_loop3A_1177, %parallel_loop3A_1347 : vector<16xf32>
        %parallel_loop3A_1349 = vector.broadcast %squeeze3A_33 : f32 to vector<16xf32>
        %parallel_loop3A_1350 = arith.mulf %parallel_loop3A_1180, %parallel_loop3A_1349 : vector<16xf32>
        %parallel_loop3A_1351 = arith.addf %parallel_loop3A_1348, %parallel_loop3A_1350 : vector<16xf32>
        %parallel_loop3A_1352 = vector.broadcast %squeeze3A_49 : f32 to vector<16xf32>
        %parallel_loop3A_1353 = arith.mulf %parallel_loop3A_1183, %parallel_loop3A_1352 : vector<16xf32>
        %parallel_loop3A_1354 = arith.addf %parallel_loop3A_1351, %parallel_loop3A_1353 : vector<16xf32>
        %parallel_loop3A_1355 = vector.broadcast %squeeze3A_65 : f32 to vector<16xf32>
        %parallel_loop3A_1356 = arith.mulf %parallel_loop3A_1186, %parallel_loop3A_1355 : vector<16xf32>
        %parallel_loop3A_1357 = arith.addf %parallel_loop3A_1354, %parallel_loop3A_1356 : vector<16xf32>
        %parallel_loop3A_1358 = vector.broadcast %squeeze3A_81 : f32 to vector<16xf32>
        %parallel_loop3A_1359 = arith.mulf %parallel_loop3A_1189, %parallel_loop3A_1358 : vector<16xf32>
        %parallel_loop3A_1360 = arith.addf %parallel_loop3A_1357, %parallel_loop3A_1359 : vector<16xf32>
        %parallel_loop3A_1361 = vector.broadcast %squeeze3A_97 : f32 to vector<16xf32>
        %parallel_loop3A_1362 = arith.mulf %parallel_loop3A_1192, %parallel_loop3A_1361 : vector<16xf32>
        %parallel_loop3A_1363 = arith.addf %parallel_loop3A_1360, %parallel_loop3A_1362 : vector<16xf32>
        %parallel_loop3A_1364 = vector.broadcast %squeeze3A_113 : f32 to vector<16xf32>
        %parallel_loop3A_1365 = arith.mulf %parallel_loop3A_1195, %parallel_loop3A_1364 : vector<16xf32>
        %parallel_loop3A_1366 = arith.addf %parallel_loop3A_1363, %parallel_loop3A_1365 : vector<16xf32>
        %parallel_loop3A_1367 = vector.broadcast %squeeze3A_129 : f32 to vector<16xf32>
        %parallel_loop3A_1368 = arith.mulf %parallel_loop3A_1198, %parallel_loop3A_1367 : vector<16xf32>
        %parallel_loop3A_1369 = arith.addf %parallel_loop3A_1366, %parallel_loop3A_1368 : vector<16xf32>
        %parallel_loop3A_1370 = arith.constant 0.000000e+00 : f32
        %parallel_loop3A_1371 = vector.broadcast %parallel_loop3A_1370 : f32 to vector<16xf32>
        %parallel_loop3A_1372 = arith.subf %parallel_loop3A_1371, %parallel_loop3A_1369 : vector<16xf32>
        %parallel_loop3A_1373 = math.exp %parallel_loop3A_1372 : vector<16xf32>
        %parallel_loop3A_1374 = arith.constant 1.000000e+00 : f32
        %parallel_loop3A_1375 = vector.broadcast %parallel_loop3A_1374 : f32 to vector<16xf32>
        %parallel_loop3A_1376 = arith.addf %parallel_loop3A_1375, %parallel_loop3A_1373 : vector<16xf32>
        %parallel_loop3A_1377 = arith.divf %parallel_loop3A_1369, %parallel_loop3A_1376 : vector<16xf32>
        %parallel_loop3A_1378 = arith.constant 16 : i32
        %parallel_loop3A_1379 = arith.muli %parallel_loop3A_1378, %parallel_loop3A_1169 : i32
        %parallel_loop3A_1380 = arith.constant 4 : i32
        %parallel_loop3A_1381 = arith.index_cast %parallel_loop3A_1380 : i32 to index
        %parallel_loop3A_1382 = arith.index_cast %parallel_loop3A_1379 : i32 to index
        %parallel_loop3A_1383 = tpu.vector_load %arg23[%parallel_loop3A_1381, %parallel_loop3A_1382] {strides = array<i32>} : memref<8x80xf32, #tpu.memory_space<vmem>>, vector<16xf32>,
        tpu.vector_store %arg23[%parallel_loop3A_1381, %parallel_loop3A_1382], %parallel_loop3A_1377 {strides = array<i32>} : memref<8x80xf32, #tpu.memory_space<vmem>>, vector<16xf32>,
        %parallel_loop3A_1384 = vector.broadcast %squeeze3A_19 : f32 to vector<16xf32>
        %parallel_loop3A_1385 = arith.mulf %parallel_loop3A_1177, %parallel_loop3A_1384 : vector<16xf32>
        %parallel_loop3A_1386 = vector.broadcast %squeeze3A_35 : f32 to vector<16xf32>
        %parallel_loop3A_1387 = arith.mulf %parallel_loop3A_1180, %parallel_loop3A_1386 : vector<16xf32>
        %parallel_loop3A_1388 = arith.addf %parallel_loop3A_1385, %parallel_loop3A_1387 : vector<16xf32>
        %parallel_loop3A_1389 = vector.broadcast %squeeze3A_51 : f32 to vector<16xf32>
        %parallel_loop3A_1390 = arith.mulf %parallel_loop3A_1183, %parallel_loop3A_1389 : vector<16xf32>
        %parallel_loop3A_1391 = arith.addf %parallel_loop3A_1388, %parallel_loop3A_1390 : vector<16xf32>
        %parallel_loop3A_1392 = vector.broadcast %squeeze3A_67 : f32 to vector<16xf32>
        %parallel_loop3A_1393 = arith.mulf %parallel_loop3A_1186, %parallel_loop3A_1392 : vector<16xf32>
        %parallel_loop3A_1394 = arith.addf %parallel_loop3A_1391, %parallel_loop3A_1393 : vector<16xf32>
        %parallel_loop3A_1395 = vector.broadcast %squeeze3A_83 : f32 to vector<16xf32>
        %parallel_loop3A_1396 = arith.mulf %parallel_loop3A_1189, %parallel_loop3A_1395 : vector<16xf32>
        %parallel_loop3A_1397 = arith.addf %parallel_loop3A_1394, %parallel_loop3A_1396 : vector<16xf32>
        %parallel_loop3A_1398 = vector.broadcast %squeeze3A_99 : f32 to vector<16xf32>
        %parallel_loop3A_1399 = arith.mulf %parallel_loop3A_1192, %parallel_loop3A_1398 : vector<16xf32>
        %parallel_loop3A_1400 = arith.addf %parallel_loop3A_1397, %parallel_loop3A_1399 : vector<16xf32>
        %parallel_loop3A_1401 = vector.broadcast %squeeze3A_115 : f32 to vector<16xf32>
        %parallel_loop3A_1402 = arith.mulf %parallel_loop3A_1195, %parallel_loop3A_1401 : vector<16xf32>
        %parallel_loop3A_1403 = arith.addf %parallel_loop3A_1400, %parallel_loop3A_1402 : vector<16xf32>
        %parallel_loop3A_1404 = vector.broadcast %squeeze3A_131 : f32 to vector<16xf32>
        %parallel_loop3A_1405 = arith.mulf %parallel_loop3A_1198, %parallel_loop3A_1404 : vector<16xf32>
        %parallel_loop3A_1406 = arith.addf %parallel_loop3A_1403, %parallel_loop3A_1405 : vector<16xf32>
        %parallel_loop3A_1407 = arith.constant 0.000000e+00 : f32
        %parallel_loop3A_1408 = vector.broadcast %parallel_loop3A_1407 : f32 to vector<16xf32>
        %parallel_loop3A_1409 = arith.subf %parallel_loop3A_1408, %parallel_loop3A_1406 : vector<16xf32>
        %parallel_loop3A_1410 = math.exp %parallel_loop3A_1409 : vector<16xf32>
        %parallel_loop3A_1411 = arith.constant 1.000000e+00 : f32
        %parallel_loop3A_1412 = vector.broadcast %parallel_loop3A_1411 : f32 to vector<16xf32>
        %parallel_loop3A_1413 = arith.addf %parallel_loop3A_1412, %parallel_loop3A_1410 : vector<16xf32>
        %parallel_loop3A_1414 = arith.divf %parallel_loop3A_1406, %parallel_loop3A_1413 : vector<16xf32>
        %parallel_loop3A_1415 = arith.constant 16 : i32
        %parallel_loop3A_1416 = arith.muli %parallel_loop3A_1415, %parallel_loop3A_1169 : i32
        %parallel_loop3A_1417 = arith.constant 5 : i32
        %parallel_loop3A_1418 = arith.index_cast %parallel_loop3A_1417 : i32 to index
        %parallel_loop3A_1419 = arith.index_cast %parallel_loop3A_1416 : i32 to index
        %parallel_loop3A_1420 = tpu.vector_load %arg23[%parallel_loop3A_1418, %parallel_loop3A_1419] {strides = array<i32>} : memref<8x80xf32, #tpu.memory_space<vmem>>, vector<16xf32>,
        tpu.vector_store %arg23[%parallel_loop3A_1418, %parallel_loop3A_1419], %parallel_loop3A_1414 {strides = array<i32>} : memref<8x80xf32, #tpu.memory_space<vmem>>, vector<16xf32>,
        %parallel_loop3A_1421 = vector.broadcast %squeeze3A_21 : f32 to vector<16xf32>
        %parallel_loop3A_1422 = arith.mulf %parallel_loop3A_1177, %parallel_loop3A_1421 : vector<16xf32>
        %parallel_loop3A_1423 = vector.broadcast %squeeze3A_37 : f32 to vector<16xf32>
        %parallel_loop3A_1424 = arith.mulf %parallel_loop3A_1180, %parallel_loop3A_1423 : vector<16xf32>
        %parallel_loop3A_1425 = arith.addf %parallel_loop3A_1422, %parallel_loop3A_1424 : vector<16xf32>
        %parallel_loop3A_1426 = vector.broadcast %squeeze3A_53 : f32 to vector<16xf32>
        %parallel_loop3A_1427 = arith.mulf %parallel_loop3A_1183, %parallel_loop3A_1426 : vector<16xf32>
        %parallel_loop3A_1428 = arith.addf %parallel_loop3A_1425, %parallel_loop3A_1427 : vector<16xf32>
        %parallel_loop3A_1429 = vector.broadcast %squeeze3A_69 : f32 to vector<16xf32>
        %parallel_loop3A_1430 = arith.mulf %parallel_loop3A_1186, %parallel_loop3A_1429 : vector<16xf32>
        %parallel_loop3A_1431 = arith.addf %parallel_loop3A_1428, %parallel_loop3A_1430 : vector<16xf32>
        %parallel_loop3A_1432 = vector.broadcast %squeeze3A_85 : f32 to vector<16xf32>
        %parallel_loop3A_1433 = arith.mulf %parallel_loop3A_1189, %parallel_loop3A_1432 : vector<16xf32>
        %parallel_loop3A_1434 = arith.addf %parallel_loop3A_1431, %parallel_loop3A_1433 : vector<16xf32>
        %parallel_loop3A_1435 = vector.broadcast %squeeze3A_101 : f32 to vector<16xf32>
        %parallel_loop3A_1436 = arith.mulf %parallel_loop3A_1192, %parallel_loop3A_1435 : vector<16xf32>
        %parallel_loop3A_1437 = arith.addf %parallel_loop3A_1434, %parallel_loop3A_1436 : vector<16xf32>
        %parallel_loop3A_1438 = vector.broadcast %squeeze3A_117 : f32 to vector<16xf32>
        %parallel_loop3A_1439 = arith.mulf %parallel_loop3A_1195, %parallel_loop3A_1438 : vector<16xf32>
        %parallel_loop3A_1440 = arith.addf %parallel_loop3A_1437, %parallel_loop3A_1439 : vector<16xf32>
        %parallel_loop3A_1441 = vector.broadcast %squeeze3A_133 : f32 to vector<16xf32>
        %parallel_loop3A_1442 = arith.mulf %parallel_loop3A_1198, %parallel_loop3A_1441 : vector<16xf32>
        %parallel_loop3A_1443 = arith.addf %parallel_loop3A_1440, %parallel_loop3A_1442 : vector<16xf32>
        %parallel_loop3A_1444 = arith.constant 0.000000e+00 : f32
        %parallel_loop3A_1445 = vector.broadcast %parallel_loop3A_1444 : f32 to vector<16xf32>
        %parallel_loop3A_1446 = arith.subf %parallel_loop3A_1445, %parallel_loop3A_1443 : vector<16xf32>
        %parallel_loop3A_1447 = math.exp %parallel_loop3A_1446 : vector<16xf32>
        %parallel_loop3A_1448 = arith.constant 1.000000e+00 : f32
        %parallel_loop3A_1449 = vector.broadcast %parallel_loop3A_1448 : f32 to vector<16xf32>
        %parallel_loop3A_1450 = arith.addf %parallel_loop3A_1449, %parallel_loop3A_1447 : vector<16xf32>
        %parallel_loop3A_1451 = arith.divf %parallel_loop3A_1443, %parallel_loop3A_1450 : vector<16xf32>
        %parallel_loop3A_1452 = arith.constant 16 : i32
        %parallel_loop3A_1453 = arith.muli %parallel_loop3A_1452, %parallel_loop3A_1169 : i32
        %parallel_loop3A_1454 = arith.constant 6 : i32
        %parallel_loop3A_1455 = arith.index_cast %parallel_loop3A_1454 : i32 to index
        %parallel_loop3A_1456 = arith.index_cast %parallel_loop3A_1453 : i32 to index
        %parallel_loop3A_1457 = tpu.vector_load %arg23[%parallel_loop3A_1455, %parallel_loop3A_1456] {strides = array<i32>} : memref<8x80xf32, #tpu.memory_space<vmem>>, vector<16xf32>,
        tpu.vector_store %arg23[%parallel_loop3A_1455, %parallel_loop3A_1456], %parallel_loop3A_1451 {strides = array<i32>} : memref<8x80xf32, #tpu.memory_space<vmem>>, vector<16xf32>,
        %parallel_loop3A_1458 = vector.broadcast %squeeze3A_23 : f32 to vector<16xf32>
        %parallel_loop3A_1459 = arith.mulf %parallel_loop3A_1177, %parallel_loop3A_1458 : vector<16xf32>
        %parallel_loop3A_1460 = vector.broadcast %squeeze3A_39 : f32 to vector<16xf32>
        %parallel_loop3A_1461 = arith.mulf %parallel_loop3A_1180, %parallel_loop3A_1460 : vector<16xf32>
        %parallel_loop3A_1462 = arith.addf %parallel_loop3A_1459, %parallel_loop3A_1461 : vector<16xf32>
        %parallel_loop3A_1463 = vector.broadcast %squeeze3A_55 : f32 to vector<16xf32>
        %parallel_loop3A_1464 = arith.mulf %parallel_loop3A_1183, %parallel_loop3A_1463 : vector<16xf32>
        %parallel_loop3A_1465 = arith.addf %parallel_loop3A_1462, %parallel_loop3A_1464 : vector<16xf32>
        %parallel_loop3A_1466 = vector.broadcast %squeeze3A_71 : f32 to vector<16xf32>
        %parallel_loop3A_1467 = arith.mulf %parallel_loop3A_1186, %parallel_loop3A_1466 : vector<16xf32>
        %parallel_loop3A_1468 = arith.addf %parallel_loop3A_1465, %parallel_loop3A_1467 : vector<16xf32>
        %parallel_loop3A_1469 = vector.broadcast %squeeze3A_87 : f32 to vector<16xf32>
        %parallel_loop3A_1470 = arith.mulf %parallel_loop3A_1189, %parallel_loop3A_1469 : vector<16xf32>
        %parallel_loop3A_1471 = arith.addf %parallel_loop3A_1468, %parallel_loop3A_1470 : vector<16xf32>
        %parallel_loop3A_1472 = vector.broadcast %squeeze3A_103 : f32 to vector<16xf32>
        %parallel_loop3A_1473 = arith.mulf %parallel_loop3A_1192, %parallel_loop3A_1472 : vector<16xf32>
        %parallel_loop3A_1474 = arith.addf %parallel_loop3A_1471, %parallel_loop3A_1473 : vector<16xf32>
        %parallel_loop3A_1475 = vector.broadcast %squeeze3A_119 : f32 to vector<16xf32>
        %parallel_loop3A_1476 = arith.mulf %parallel_loop3A_1195, %parallel_loop3A_1475 : vector<16xf32>
        %parallel_loop3A_1477 = arith.addf %parallel_loop3A_1474, %parallel_loop3A_1476 : vector<16xf32>
        %parallel_loop3A_1478 = vector.broadcast %squeeze3A_135 : f32 to vector<16xf32>
        %parallel_loop3A_1479 = arith.mulf %parallel_loop3A_1198, %parallel_loop3A_1478 : vector<16xf32>
        %parallel_loop3A_1480 = arith.addf %parallel_loop3A_1477, %parallel_loop3A_1479 : vector<16xf32>
        %parallel_loop3A_1481 = arith.constant 0.000000e+00 : f32
        %parallel_loop3A_1482 = vector.broadcast %parallel_loop3A_1481 : f32 to vector<16xf32>
        %parallel_loop3A_1483 = arith.subf %parallel_loop3A_1482, %parallel_loop3A_1480 : vector<16xf32>
        %parallel_loop3A_1484 = math.exp %parallel_loop3A_1483 : vector<16xf32>
        %parallel_loop3A_1485 = arith.constant 1.000000e+00 : f32
        %parallel_loop3A_1486 = vector.broadcast %parallel_loop3A_1485 : f32 to vector<16xf32>
        %parallel_loop3A_1487 = arith.addf %parallel_loop3A_1486, %parallel_loop3A_1484 : vector<16xf32>
        %parallel_loop3A_1488 = arith.divf %parallel_loop3A_1480, %parallel_loop3A_1487 : vector<16xf32>
        %parallel_loop3A_1489 = arith.constant 16 : i32
        %parallel_loop3A_1490 = arith.muli %parallel_loop3A_1489, %parallel_loop3A_1169 : i32
        %parallel_loop3A_1491 = arith.constant 7 : i32
        %parallel_loop3A_1492 = arith.index_cast %parallel_loop3A_1491 : i32 to index
        %parallel_loop3A_1493 = arith.index_cast %parallel_loop3A_1490 : i32 to index
        %parallel_loop3A_1494 = tpu.vector_load %arg23[%parallel_loop3A_1492, %parallel_loop3A_1493] {strides = array<i32>} : memref<8x80xf32, #tpu.memory_space<vmem>>, vector<16xf32>,
        tpu.vector_store %arg23[%parallel_loop3A_1492, %parallel_loop3A_1493], %parallel_loop3A_1488 {strides = array<i32>} : memref<8x80xf32, #tpu.memory_space<vmem>>, vector<16xf32>,
      } {sc.loop_unroll_factor = 1 : i64, sc.parallel_access}
      %add3A_751 = arith.constant 0 : i32
      %add3A_752 = arith.addi %mul3A_137, %add3A_751 : i32
      %get3A_753 = arith.constant 0 : i32
      %get3A_754 = arith.index_cast %get3A_753 : i32 to index
      %get3A_755 = arith.index_cast %add3A_752 : i32 to index
      %get3A_756 = tpu.vector_load %arg14[%get3A_754, %get3A_755] {strides = array<i32>} : memref<8x256xbf16, #tpu.memory_space<vmem>>, vector<32xbf16>,
      %add3A_757 = arith.constant 32 : i32
      %add3A_758 = arith.addi %mul3A_137, %add3A_757 : i32
      %get3A_759 = arith.constant 0 : i32
      %get3A_760 = arith.index_cast %get3A_759 : i32 to index
      %get3A_761 = arith.index_cast %add3A_758 : i32 to index
      %get3A_762 = tpu.vector_load %arg14[%get3A_760, %get3A_761] {strides = array<i32>} : memref<8x256xbf16, #tpu.memory_space<vmem>>, vector<32xbf16>,
      %add3A_763 = arith.constant 0 : i32
      %add3A_764 = arith.addi %mul3A_137, %add3A_763 : i32
      %get3A_765 = arith.constant 1 : i32
      %get3A_766 = arith.index_cast %get3A_765 : i32 to index
      %get3A_767 = arith.index_cast %add3A_764 : i32 to index
      %get3A_768 = tpu.vector_load %arg14[%get3A_766, %get3A_767] {strides = array<i32>} : memref<8x256xbf16, #tpu.memory_space<vmem>>, vector<32xbf16>,
      %add3A_769 = arith.constant 32 : i32
      %add3A_770 = arith.addi %mul3A_137, %add3A_769 : i32
      %get3A_771 = arith.constant 1 : i32
      %get3A_772 = arith.index_cast %get3A_771 : i32 to index
      %get3A_773 = arith.index_cast %add3A_770 : i32 to index
      %get3A_774 = tpu.vector_load %arg14[%get3A_772, %get3A_773] {strides = array<i32>} : memref<8x256xbf16, #tpu.memory_space<vmem>>, vector<32xbf16>,
      %add3A_775 = arith.constant 0 : i32
      %add3A_776 = arith.addi %mul3A_137, %add3A_775 : i32
      %get3A_777 = arith.constant 2 : i32
      %get3A_778 = arith.index_cast %get3A_777 : i32 to index
      %get3A_779 = arith.index_cast %add3A_776 : i32 to index
      %get3A_780 = tpu.vector_load %arg14[%get3A_778, %get3A_779] {strides = array<i32>} : memref<8x256xbf16, #tpu.memory_space<vmem>>, vector<32xbf16>,
      %add3A_781 = arith.constant 32 : i32
      %add3A_782 = arith.addi %mul3A_137, %add3A_781 : i32
      %get3A_783 = arith.constant 2 : i32
      %get3A_784 = arith.index_cast %get3A_783 : i32 to index
      %get3A_785 = arith.index_cast %add3A_782 : i32 to index
      %get3A_786 = tpu.vector_load %arg14[%get3A_784, %get3A_785] {strides = array<i32>} : memref<8x256xbf16, #tpu.memory_space<vmem>>, vector<32xbf16>,
      %add3A_787 = arith.constant 0 : i32
      %add3A_788 = arith.addi %mul3A_137, %add3A_787 : i32
      %get3A_789 = arith.constant 3 : i32
      %get3A_790 = arith.index_cast %get3A_789 : i32 to index
      %get3A_791 = arith.index_cast %add3A_788 : i32 to index
      %get3A_792 = tpu.vector_load %arg14[%get3A_790, %get3A_791] {strides = array<i32>} : memref<8x256xbf16, #tpu.memory_space<vmem>>, vector<32xbf16>,
      %add3A_793 = arith.constant 32 : i32
      %add3A_794 = arith.addi %mul3A_137, %add3A_793 : i32
      %get3A_795 = arith.constant 3 : i32
      %get3A_796 = arith.index_cast %get3A_795 : i32 to index
      %get3A_797 = arith.index_cast %add3A_794 : i32 to index
      %get3A_798 = tpu.vector_load %arg14[%get3A_796, %get3A_797] {strides = array<i32>} : memref<8x256xbf16, #tpu.memory_space<vmem>>, vector<32xbf16>,
      %add3A_799 = arith.constant 0 : i32
      %add3A_800 = arith.addi %mul3A_137, %add3A_799 : i32
      %get3A_801 = arith.constant 4 : i32
      %get3A_802 = arith.index_cast %get3A_801 : i32 to index
      %get3A_803 = arith.index_cast %add3A_800 : i32 to index
      %get3A_804 = tpu.vector_load %arg14[%get3A_802, %get3A_803] {strides = array<i32>} : memref<8x256xbf16, #tpu.memory_space<vmem>>, vector<32xbf16>,
      %add3A_805 = arith.constant 32 : i32
      %add3A_806 = arith.addi %mul3A_137, %add3A_805 : i32
      %get3A_807 = arith.constant 4 : i32
      %get3A_808 = arith.index_cast %get3A_807 : i32 to index
      %get3A_809 = arith.index_cast %add3A_806 : i32 to index
      %get3A_810 = tpu.vector_load %arg14[%get3A_808, %get3A_809] {strides = array<i32>} : memref<8x256xbf16, #tpu.memory_space<vmem>>, vector<32xbf16>,
      %add3A_811 = arith.constant 0 : i32
      %add3A_812 = arith.addi %mul3A_137, %add3A_811 : i32
      %get3A_813 = arith.constant 5 : i32
      %get3A_814 = arith.index_cast %get3A_813 : i32 to index
      %get3A_815 = arith.index_cast %add3A_812 : i32 to index
      %get3A_816 = tpu.vector_load %arg14[%get3A_814, %get3A_815] {strides = array<i32>} : memref<8x256xbf16, #tpu.memory_space<vmem>>, vector<32xbf16>,
      %add3A_817 = arith.constant 32 : i32
      %add3A_818 = arith.addi %mul3A_137, %add3A_817 : i32
      %get3A_819 = arith.constant 5 : i32
      %get3A_820 = arith.index_cast %get3A_819 : i32 to index
      %get3A_821 = arith.index_cast %add3A_818 : i32 to index
      %get3A_822 = tpu.vector_load %arg14[%get3A_820, %get3A_821] {strides = array<i32>} : memref<8x256xbf16, #tpu.memory_space<vmem>>, vector<32xbf16>,
      %add3A_823 = arith.constant 0 : i32
      %add3A_824 = arith.addi %mul3A_137, %add3A_823 : i32
      %get3A_825 = arith.constant 6 : i32
      %get3A_826 = arith.index_cast %get3A_825 : i32 to index
      %get3A_827 = arith.index_cast %add3A_824 : i32 to index
      %get3A_828 = tpu.vector_load %arg14[%get3A_826, %get3A_827] {strides = array<i32>} : memref<8x256xbf16, #tpu.memory_space<vmem>>, vector<32xbf16>,
      %add3A_829 = arith.constant 32 : i32
      %add3A_830 = arith.addi %mul3A_137, %add3A_829 : i32
      %get3A_831 = arith.constant 6 : i32
      %get3A_832 = arith.index_cast %get3A_831 : i32 to index
      %get3A_833 = arith.index_cast %add3A_830 : i32 to index
      %get3A_834 = tpu.vector_load %arg14[%get3A_832, %get3A_833] {strides = array<i32>} : memref<8x256xbf16, #tpu.memory_space<vmem>>, vector<32xbf16>,
      %add3A_835 = arith.constant 0 : i32
      %add3A_836 = arith.addi %mul3A_137, %add3A_835 : i32
      %get3A_837 = arith.constant 7 : i32
      %get3A_838 = arith.index_cast %get3A_837 : i32 to index
      %get3A_839 = arith.index_cast %add3A_836 : i32 to index
      %get3A_840 = tpu.vector_load %arg14[%get3A_838, %get3A_839] {strides = array<i32>} : memref<8x256xbf16, #tpu.memory_space<vmem>>, vector<32xbf16>,
      %add3A_841 = arith.constant 32 : i32
      %add3A_842 = arith.addi %mul3A_137, %add3A_841 : i32
      %get3A_843 = arith.constant 7 : i32
      %get3A_844 = arith.index_cast %get3A_843 : i32 to index
      %get3A_845 = arith.index_cast %add3A_842 : i32 to index
      %get3A_846 = tpu.vector_load %arg14[%get3A_844, %get3A_845] {strides = array<i32>} : memref<8x256xbf16, #tpu.memory_space<vmem>>, vector<32xbf16>,
      %add3A_847 = arith.constant 0 : i32
      %add3A_848 = arith.addi %add3A_140, %add3A_847 : i32
      %get3A_849 = arith.constant 0 : i32
      %get3A_850 = arith.index_cast %get3A_849 : i32 to index
      %get3A_851 = arith.index_cast %add3A_848 : i32 to index
      %get3A_852 = tpu.vector_load %arg14[%get3A_850, %get3A_851] {strides = array<i32>} : memref<8x256xbf16, #tpu.memory_space<vmem>>, vector<32xbf16>,
      %add3A_853 = arith.constant 32 : i32
      %add3A_854 = arith.addi %add3A_140, %add3A_853 : i32
      %get3A_855 = arith.constant 0 : i32
      %get3A_856 = arith.index_cast %get3A_855 : i32 to index
      %get3A_857 = arith.index_cast %add3A_854 : i32 to index
      %get3A_858 = tpu.vector_load %arg14[%get3A_856, %get3A_857] {strides = array<i32>} : memref<8x256xbf16, #tpu.memory_space<vmem>>, vector<32xbf16>,
      %add3A_859 = arith.constant 0 : i32
      %add3A_860 = arith.addi %add3A_140, %add3A_859 : i32
      %get3A_861 = arith.constant 1 : i32
      %get3A_862 = arith.index_cast %get3A_861 : i32 to index
      %get3A_863 = arith.index_cast %add3A_860 : i32 to index
      %get3A_864 = tpu.vector_load %arg14[%get3A_862, %get3A_863] {strides = array<i32>} : memref<8x256xbf16, #tpu.memory_space<vmem>>, vector<32xbf16>,
      %add3A_865 = arith.constant 32 : i32
      %add3A_866 = arith.addi %add3A_140, %add3A_865 : i32
      %get3A_867 = arith.constant 1 : i32
      %get3A_868 = arith.index_cast %get3A_867 : i32 to index
      %get3A_869 = arith.index_cast %add3A_866 : i32 to index
      %get3A_870 = tpu.vector_load %arg14[%get3A_868, %get3A_869] {strides = array<i32>} : memref<8x256xbf16, #tpu.memory_space<vmem>>, vector<32xbf16>,
      %add3A_871 = arith.constant 0 : i32
      %add3A_872 = arith.addi %add3A_140, %add3A_871 : i32
      %get3A_873 = arith.constant 2 : i32
      %get3A_874 = arith.index_cast %get3A_873 : i32 to index
      %get3A_875 = arith.index_cast %add3A_872 : i32 to index
      %get3A_876 = tpu.vector_load %arg14[%get3A_874, %get3A_875] {strides = array<i32>} : memref<8x256xbf16, #tpu.memory_space<vmem>>, vector<32xbf16>,
      %add3A_877 = arith.constant 32 : i32
      %add3A_878 = arith.addi %add3A_140, %add3A_877 : i32
      %get3A_879 = arith.constant 2 : i32
      %get3A_880 = arith.index_cast %get3A_879 : i32 to index
      %get3A_881 = arith.index_cast %add3A_878 : i32 to index
      %get3A_882 = tpu.vector_load %arg14[%get3A_880, %get3A_881] {strides = array<i32>} : memref<8x256xbf16, #tpu.memory_space<vmem>>, vector<32xbf16>,
      %add3A_883 = arith.constant 0 : i32
      %add3A_884 = arith.addi %add3A_140, %add3A_883 : i32
      %get3A_885 = arith.constant 3 : i32
      %get3A_886 = arith.index_cast %get3A_885 : i32 to index
      %get3A_887 = arith.index_cast %add3A_884 : i32 to index
      %get3A_888 = tpu.vector_load %arg14[%get3A_886, %get3A_887] {strides = array<i32>} : memref<8x256xbf16, #tpu.memory_space<vmem>>, vector<32xbf16>,
      %add3A_889 = arith.constant 32 : i32
      %add3A_890 = arith.addi %add3A_140, %add3A_889 : i32
      %get3A_891 = arith.constant 3 : i32
      %get3A_892 = arith.index_cast %get3A_891 : i32 to index
      %get3A_893 = arith.index_cast %add3A_890 : i32 to index
      %get3A_894 = tpu.vector_load %arg14[%get3A_892, %get3A_893] {strides = array<i32>} : memref<8x256xbf16, #tpu.memory_space<vmem>>, vector<32xbf16>,
      %add3A_895 = arith.constant 0 : i32
      %add3A_896 = arith.addi %add3A_140, %add3A_895 : i32
      %get3A_897 = arith.constant 4 : i32
      %get3A_898 = arith.index_cast %get3A_897 : i32 to index
      %get3A_899 = arith.index_cast %add3A_896 : i32 to index
      %get3A_900 = tpu.vector_load %arg14[%get3A_898, %get3A_899] {strides = array<i32>} : memref<8x256xbf16, #tpu.memory_space<vmem>>, vector<32xbf16>,
      %add3A_901 = arith.constant 32 : i32
      %add3A_902 = arith.addi %add3A_140, %add3A_901 : i32
      %get3A_903 = arith.constant 4 : i32
      %get3A_904 = arith.index_cast %get3A_903 : i32 to index
      %get3A_905 = arith.index_cast %add3A_902 : i32 to index
      %get3A_906 = tpu.vector_load %arg14[%get3A_904, %get3A_905] {strides = array<i32>} : memref<8x256xbf16, #tpu.memory_space<vmem>>, vector<32xbf16>,
      %add3A_907 = arith.constant 0 : i32
      %add3A_908 = arith.addi %add3A_140, %add3A_907 : i32
      %get3A_909 = arith.constant 5 : i32
      %get3A_910 = arith.index_cast %get3A_909 : i32 to index
      %get3A_911 = arith.index_cast %add3A_908 : i32 to index
      %get3A_912 = tpu.vector_load %arg14[%get3A_910, %get3A_911] {strides = array<i32>} : memref<8x256xbf16, #tpu.memory_space<vmem>>, vector<32xbf16>,
      %add3A_913 = arith.constant 32 : i32
      %add3A_914 = arith.addi %add3A_140, %add3A_913 : i32
      %get3A_915 = arith.constant 5 : i32
      %get3A_916 = arith.index_cast %get3A_915 : i32 to index
      %get3A_917 = arith.index_cast %add3A_914 : i32 to index
      %get3A_918 = tpu.vector_load %arg14[%get3A_916, %get3A_917] {strides = array<i32>} : memref<8x256xbf16, #tpu.memory_space<vmem>>, vector<32xbf16>,
      %add3A_919 = arith.constant 0 : i32
      %add3A_920 = arith.addi %add3A_140, %add3A_919 : i32
      %get3A_921 = arith.constant 6 : i32
      %get3A_922 = arith.index_cast %get3A_921 : i32 to index
      %get3A_923 = arith.index_cast %add3A_920 : i32 to index
      %get3A_924 = tpu.vector_load %arg14[%get3A_922, %get3A_923] {strides = array<i32>} : memref<8x256xbf16, #tpu.memory_space<vmem>>, vector<32xbf16>,
      %add3A_925 = arith.constant 32 : i32
      %add3A_926 = arith.addi %add3A_140, %add3A_925 : i32
      %get3A_927 = arith.constant 6 : i32
      %get3A_928 = arith.index_cast %get3A_927 : i32 to index
      %get3A_929 = arith.index_cast %add3A_926 : i32 to index
      %get3A_930 = tpu.vector_load %arg14[%get3A_928, %get3A_929] {strides = array<i32>} : memref<8x256xbf16, #tpu.memory_space<vmem>>, vector<32xbf16>,
      %add3A_931 = arith.constant 0 : i32
      %add3A_932 = arith.addi %add3A_140, %add3A_931 : i32
      %get3A_933 = arith.constant 7 : i32
      %get3A_934 = arith.index_cast %get3A_933 : i32 to index
      %get3A_935 = arith.index_cast %add3A_932 : i32 to index
      %get3A_936 = tpu.vector_load %arg14[%get3A_934, %get3A_935] {strides = array<i32>} : memref<8x256xbf16, #tpu.memory_space<vmem>>, vector<32xbf16>,
      %add3A_937 = arith.constant 32 : i32
      %add3A_938 = arith.addi %add3A_140, %add3A_937 : i32
      %get3A_939 = arith.constant 7 : i32
      %get3A_940 = arith.index_cast %get3A_939 : i32 to index
      %get3A_941 = arith.index_cast %add3A_938 : i32 to index
      %get3A_942 = tpu.vector_load %arg14[%get3A_940, %get3A_941] {strides = array<i32>} : memref<8x256xbf16, #tpu.memory_space<vmem>>, vector<32xbf16>,
      %parallel_loop3A_943 = arith.constant 0 : i32
      %parallel_loop3A_944 = arith.constant 10 : i32
      %parallel_loop3A_945 = arith.constant 1 : i32
      scf.for %parallel_loop3A_1169 = %parallel_loop3A_943 to %parallel_loop3A_944 step %parallel_loop3A_945  : i32 {
        %parallel_loop3A_1170 = arith.constant 0 : i32
        %parallel_loop3A_1171 = vector.broadcast %parallel_loop3A_1170 : i32 to vector<16xi32>
        %parallel_loop3A_1172 = vector.broadcast %parallel_loop3A_1169 : i32 to vector<16xi32>
        %parallel_loop3A_1173 = arith.addi %parallel_loop3A_1171, %parallel_loop3A_1172 : vector<16xi32>
        %parallel_loop3A_1174 = arith.constant 0 : i32
        %parallel_loop3A_1175 = vector.broadcast %parallel_loop3A_1174 : i32 to vector<16xi32>
        %parallel_loop3A_1176 = tpu.vector_load_idx %arg23[%parallel_loop3A_1175, %parallel_loop3A_1173] : memref<8x80xf32, #tpu.memory_space<vmem>>[vector<16xi32>, vector<16xi32>], vector<16xf32>,
        %parallel_loop3A_1177 = arith.constant 1 : i32
        %parallel_loop3A_1178 = vector.broadcast %parallel_loop3A_1177 : i32 to vector<16xi32>
        %parallel_loop3A_1179 = tpu.vector_load_idx %arg23[%parallel_loop3A_1178, %parallel_loop3A_1173] : memref<8x80xf32, #tpu.memory_space<vmem>>[vector<16xi32>, vector<16xi32>], vector<16xf32>,
        %parallel_loop3A_1180 = arith.constant 2 : i32
        %parallel_loop3A_1181 = vector.broadcast %parallel_loop3A_1180 : i32 to vector<16xi32>
        %parallel_loop3A_1182 = tpu.vector_load_idx %arg23[%parallel_loop3A_1181, %parallel_loop3A_1173] : memref<8x80xf32, #tpu.memory_space<vmem>>[vector<16xi32>, vector<16xi32>], vector<16xf32>,
        %parallel_loop3A_1183 = arith.constant 3 : i32
        %parallel_loop3A_1184 = vector.broadcast %parallel_loop3A_1183 : i32 to vector<16xi32>
        %parallel_loop3A_1185 = tpu.vector_load_idx %arg23[%parallel_loop3A_1184, %parallel_loop3A_1173] : memref<8x80xf32, #tpu.memory_space<vmem>>[vector<16xi32>, vector<16xi32>], vector<16xf32>,
        %parallel_loop3A_1186 = arith.constant 4 : i32
        %parallel_loop3A_1187 = vector.broadcast %parallel_loop3A_1186 : i32 to vector<16xi32>
        %parallel_loop3A_1188 = tpu.vector_load_idx %arg23[%parallel_loop3A_1187, %parallel_loop3A_1173] : memref<8x80xf32, #tpu.memory_space<vmem>>[vector<16xi32>, vector<16xi32>], vector<16xf32>,
        %parallel_loop3A_1189 = arith.constant 5 : i32
        %parallel_loop3A_1190 = vector.broadcast %parallel_loop3A_1189 : i32 to vector<16xi32>
        %parallel_loop3A_1191 = tpu.vector_load_idx %arg23[%parallel_loop3A_1190, %parallel_loop3A_1173] : memref<8x80xf32, #tpu.memory_space<vmem>>[vector<16xi32>, vector<16xi32>], vector<16xf32>,
        %parallel_loop3A_1192 = arith.constant 6 : i32
        %parallel_loop3A_1193 = vector.broadcast %parallel_loop3A_1192 : i32 to vector<16xi32>
        %parallel_loop3A_1194 = tpu.vector_load_idx %arg23[%parallel_loop3A_1193, %parallel_loop3A_1173] : memref<8x80xf32, #tpu.memory_space<vmem>>[vector<16xi32>, vector<16xi32>], vector<16xf32>,
        %parallel_loop3A_1195 = arith.constant 7 : i32
        %parallel_loop3A_1196 = vector.broadcast %parallel_loop3A_1195 : i32 to vector<16xi32>
        %parallel_loop3A_1197 = tpu.vector_load_idx %arg23[%parallel_loop3A_1196, %parallel_loop3A_1173] : memref<8x80xf32, #tpu.memory_space<vmem>>[vector<16xi32>, vector<16xi32>], vector<16xf32>,
        %parallel_loop3A_1198 = tpu.pack_subelements %parallel_loop3A_1176, %parallel_loop3A_1176 {pack_format = #tpu.pack_format<interleaved>, positions = array<i32: 0, 1>} : vector<16xf32>, vector<16xf32> -> vector<32xbf16>
        %parallel_loop3A_1199 = tpu.pack_subelements %parallel_loop3A_1179, %parallel_loop3A_1179 {pack_format = #tpu.pack_format<interleaved>, positions = array<i32: 0, 1>} : vector<16xf32>, vector<16xf32> -> vector<32xbf16>
        %parallel_loop3A_1200 = tpu.pack_subelements %parallel_loop3A_1182, %parallel_loop3A_1182 {pack_format = #tpu.pack_format<interleaved>, positions = array<i32: 0, 1>} : vector<16xf32>, vector<16xf32> -> vector<32xbf16>
        %parallel_loop3A_1201 = tpu.pack_subelements %parallel_loop3A_1185, %parallel_loop3A_1185 {pack_format = #tpu.pack_format<interleaved>, positions = array<i32: 0, 1>} : vector<16xf32>, vector<16xf32> -> vector<32xbf16>
        %parallel_loop3A_1202 = tpu.pack_subelements %parallel_loop3A_1188, %parallel_loop3A_1188 {pack_format = #tpu.pack_format<interleaved>, positions = array<i32: 0, 1>} : vector<16xf32>, vector<16xf32> -> vector<32xbf16>
        %parallel_loop3A_1203 = tpu.pack_subelements %parallel_loop3A_1191, %parallel_loop3A_1191 {pack_format = #tpu.pack_format<interleaved>, positions = array<i32: 0, 1>} : vector<16xf32>, vector<16xf32> -> vector<32xbf16>
        %parallel_loop3A_1204 = tpu.pack_subelements %parallel_loop3A_1194, %parallel_loop3A_1194 {pack_format = #tpu.pack_format<interleaved>, positions = array<i32: 0, 1>} : vector<16xf32>, vector<16xf32> -> vector<32xbf16>
        %parallel_loop3A_1205 = tpu.pack_subelements %parallel_loop3A_1197, %parallel_loop3A_1197 {pack_format = #tpu.pack_format<interleaved>, positions = array<i32: 0, 1>} : vector<16xf32>, vector<16xf32> -> vector<32xbf16>
        %parallel_loop3A_1206 = arith.index_cast %parallel_loop3A_1169 : i32 to index
        %parallel_loop3A_1207 = arith.constant 0 : index
        %parallel_loop3A_1208 = tpu.vector_load %arg25[%parallel_loop3A_1206, %parallel_loop3A_1207] {strides = array<i32>} : memref<80x64xf32, #tpu.memory_space<vmem>>, vector<16xf32>,
        %parallel_loop3A_1209 = arith.index_cast %parallel_loop3A_1169 : i32 to index
        %parallel_loop3A_1210 = arith.constant 16 : index
        %parallel_loop3A_1211 = tpu.vector_load %arg25[%parallel_loop3A_1209, %parallel_loop3A_1210] {strides = array<i32>} : memref<80x64xf32, #tpu.memory_space<vmem>>, vector<16xf32>,
        %parallel_loop3A_1212 = arith.mulf %get3A_852, %parallel_loop3A_1198 : vector<32xbf16>
        %parallel_loop3A_1213 = arith.mulf %get3A_864, %parallel_loop3A_1199 : vector<32xbf16>
        %parallel_loop3A_1214 = arith.mulf %get3A_876, %parallel_loop3A_1200 : vector<32xbf16>
        %parallel_loop3A_1215 = arith.mulf %get3A_888, %parallel_loop3A_1201 : vector<32xbf16>
        %parallel_loop3A_1216 = arith.mulf %get3A_900, %parallel_loop3A_1202 : vector<32xbf16>
        %parallel_loop3A_1217 = arith.mulf %get3A_912, %parallel_loop3A_1203 : vector<32xbf16>
        %parallel_loop3A_1218 = arith.mulf %get3A_924, %parallel_loop3A_1204 : vector<32xbf16>
        %parallel_loop3A_1219 = arith.mulf %get3A_936, %parallel_loop3A_1205 : vector<32xbf16>
        %parallel_loop3A_1220 = arith.addf %parallel_loop3A_1212, %parallel_loop3A_1213 : vector<32xbf16>
        %parallel_loop3A_1221 = arith.addf %parallel_loop3A_1214, %parallel_loop3A_1215 : vector<32xbf16>
        %parallel_loop3A_1222 = arith.addf %parallel_loop3A_1216, %parallel_loop3A_1217 : vector<32xbf16>
        %parallel_loop3A_1223 = arith.addf %parallel_loop3A_1218, %parallel_loop3A_1219 : vector<32xbf16>
        %parallel_loop3A_1224 = arith.addf %parallel_loop3A_1220, %parallel_loop3A_1221 : vector<32xbf16>
        %parallel_loop3A_1225 = arith.addf %parallel_loop3A_1222, %parallel_loop3A_1223 : vector<32xbf16>
        %parallel_loop3A_1226 = arith.addf %parallel_loop3A_1224, %parallel_loop3A_1225 : vector<32xbf16>
        %parallel_loop3A_1227 = tpu.unpack_subelements %parallel_loop3A_1226, 0 {pack_format = #tpu.pack_format<interleaved>} : vector<32xbf16> -> vector<16xf32>
        %parallel_loop3A_1228 = tpu.unpack_subelements %parallel_loop3A_1226, 1 {pack_format = #tpu.pack_format<interleaved>} : vector<32xbf16> -> vector<16xf32>
        %parallel_loop3A_1229 = arith.index_cast %parallel_loop3A_1169 : i32 to index
        %parallel_loop3A_1230 = arith.constant 0 : index
        %parallel_loop3A_1231 = tpu.vector_load %arg27[%parallel_loop3A_1229, %parallel_loop3A_1230] {strides = array<i32>} : memref<80x64xf32, #tpu.memory_space<vmem>>, vector<16xf32>,
        %parallel_loop3A_1232 = arith.mulf %parallel_loop3A_1208, %parallel_loop3A_1231 : vector<16xf32>
        %parallel_loop3A_1233 = arith.mulf %parallel_loop3A_1232, %parallel_loop3A_1227 : vector<16xf32>
        %parallel_loop3A_1234 = arith.index_cast %parallel_loop3A_1169 : i32 to index
        %parallel_loop3A_1235 = arith.constant 0 : index
        %parallel_loop3A_1236 = tpu.vector_load %arg27[%parallel_loop3A_1234, %parallel_loop3A_1235] {strides = array<i32>} : memref<80x64xf32, #tpu.memory_space<vmem>>, vector<16xf32>,
        tpu.vector_store %arg27[%parallel_loop3A_1234, %parallel_loop3A_1235], %parallel_loop3A_1233 {strides = array<i32>} : memref<80x64xf32, #tpu.memory_space<vmem>>, vector<16xf32>,
        %parallel_loop3A_1237 = arith.index_cast %parallel_loop3A_1169 : i32 to index
        %parallel_loop3A_1238 = arith.constant 16 : index
        %parallel_loop3A_1239 = tpu.vector_load %arg27[%parallel_loop3A_1237, %parallel_loop3A_1238] {strides = array<i32>} : memref<80x64xf32, #tpu.memory_space<vmem>>, vector<16xf32>,
        %parallel_loop3A_1240 = arith.mulf %parallel_loop3A_1211, %parallel_loop3A_1239 : vector<16xf32>
        %parallel_loop3A_1241 = arith.mulf %parallel_loop3A_1240, %parallel_loop3A_1228 : vector<16xf32>
        %parallel_loop3A_1242 = arith.index_cast %parallel_loop3A_1169 : i32 to index
        %parallel_loop3A_1243 = arith.constant 16 : index
        %parallel_loop3A_1244 = tpu.vector_load %arg27[%parallel_loop3A_1242, %parallel_loop3A_1243] {strides = array<i32>} : memref<80x64xf32, #tpu.memory_space<vmem>>, vector<16xf32>,
        tpu.vector_store %arg27[%parallel_loop3A_1242, %parallel_loop3A_1243], %parallel_loop3A_1241 {strides = array<i32>} : memref<80x64xf32, #tpu.memory_space<vmem>>, vector<16xf32>,
        %parallel_loop3A_1245 = arith.mulf %get3A_756, %parallel_loop3A_1198 : vector<32xbf16>
        %parallel_loop3A_1246 = arith.mulf %get3A_768, %parallel_loop3A_1199 : vector<32xbf16>
        %parallel_loop3A_1247 = arith.mulf %get3A_780, %parallel_loop3A_1200 : vector<32xbf16>
        %parallel_loop3A_1248 = arith.mulf %get3A_792, %parallel_loop3A_1201 : vector<32xbf16>
        %parallel_loop3A_1249 = arith.mulf %get3A_804, %parallel_loop3A_1202 : vector<32xbf16>
        %parallel_loop3A_1250 = arith.mulf %get3A_816, %parallel_loop3A_1203 : vector<32xbf16>
        %parallel_loop3A_1251 = arith.mulf %get3A_828, %parallel_loop3A_1204 : vector<32xbf16>
        %parallel_loop3A_1252 = arith.mulf %get3A_840, %parallel_loop3A_1205 : vector<32xbf16>
        %parallel_loop3A_1253 = arith.addf %parallel_loop3A_1245, %parallel_loop3A_1246 : vector<32xbf16>
        %parallel_loop3A_1254 = arith.addf %parallel_loop3A_1247, %parallel_loop3A_1248 : vector<32xbf16>
        %parallel_loop3A_1255 = arith.addf %parallel_loop3A_1249, %parallel_loop3A_1250 : vector<32xbf16>
        %parallel_loop3A_1256 = arith.addf %parallel_loop3A_1251, %parallel_loop3A_1252 : vector<32xbf16>
        %parallel_loop3A_1257 = arith.addf %parallel_loop3A_1253, %parallel_loop3A_1254 : vector<32xbf16>
        %parallel_loop3A_1258 = arith.addf %parallel_loop3A_1255, %parallel_loop3A_1256 : vector<32xbf16>
        %parallel_loop3A_1259 = arith.addf %parallel_loop3A_1257, %parallel_loop3A_1258 : vector<32xbf16>
        %parallel_loop3A_1260 = tpu.unpack_subelements %parallel_loop3A_1259, 0 {pack_format = #tpu.pack_format<interleaved>} : vector<32xbf16> -> vector<16xf32>
        %parallel_loop3A_1261 = tpu.unpack_subelements %parallel_loop3A_1259, 1 {pack_format = #tpu.pack_format<interleaved>} : vector<32xbf16> -> vector<16xf32>
        %parallel_loop3A_1262 = arith.mulf %parallel_loop3A_1208, %parallel_loop3A_1260 : vector<16xf32>
        %parallel_loop3A_1263 = arith.index_cast %parallel_loop3A_1169 : i32 to index
        %parallel_loop3A_1264 = arith.constant 0 : index
        %parallel_loop3A_1265 = tpu.vector_load %arg25[%parallel_loop3A_1263, %parallel_loop3A_1264] {strides = array<i32>} : memref<80x64xf32, #tpu.memory_space<vmem>>, vector<16xf32>,
        tpu.vector_store %arg25[%parallel_loop3A_1263, %parallel_loop3A_1264], %parallel_loop3A_1262 {strides = array<i32>} : memref<80x64xf32, #tpu.memory_space<vmem>>, vector<16xf32>,
        %parallel_loop3A_1266 = arith.mulf %parallel_loop3A_1211, %parallel_loop3A_1261 : vector<16xf32>
        %parallel_loop3A_1267 = arith.index_cast %parallel_loop3A_1169 : i32 to index
        %parallel_loop3A_1268 = arith.constant 16 : index
        %parallel_loop3A_1269 = tpu.vector_load %arg25[%parallel_loop3A_1267, %parallel_loop3A_1268] {strides = array<i32>} : memref<80x64xf32, #tpu.memory_space<vmem>>, vector<16xf32>,
        tpu.vector_store %arg25[%parallel_loop3A_1267, %parallel_loop3A_1268], %parallel_loop3A_1266 {strides = array<i32>} : memref<80x64xf32, #tpu.memory_space<vmem>>, vector<16xf32>,
        %parallel_loop3A_1270 = arith.index_cast %parallel_loop3A_1169 : i32 to index
        %parallel_loop3A_1271 = arith.constant 32 : index
        %parallel_loop3A_1272 = tpu.vector_load %arg25[%parallel_loop3A_1270, %parallel_loop3A_1271] {strides = array<i32>} : memref<80x64xf32, #tpu.memory_space<vmem>>, vector<16xf32>,
        %parallel_loop3A_1273 = arith.index_cast %parallel_loop3A_1169 : i32 to index
        %parallel_loop3A_1274 = arith.constant 48 : index
        %parallel_loop3A_1275 = tpu.vector_load %arg25[%parallel_loop3A_1273, %parallel_loop3A_1274] {strides = array<i32>} : memref<80x64xf32, #tpu.memory_space<vmem>>, vector<16xf32>,
        %parallel_loop3A_1276 = arith.mulf %get3A_858, %parallel_loop3A_1198 : vector<32xbf16>
        %parallel_loop3A_1277 = arith.mulf %get3A_870, %parallel_loop3A_1199 : vector<32xbf16>
        %parallel_loop3A_1278 = arith.mulf %get3A_882, %parallel_loop3A_1200 : vector<32xbf16>
        %parallel_loop3A_1279 = arith.mulf %get3A_894, %parallel_loop3A_1201 : vector<32xbf16>
        %parallel_loop3A_1280 = arith.mulf %get3A_906, %parallel_loop3A_1202 : vector<32xbf16>
        %parallel_loop3A_1281 = arith.mulf %get3A_918, %parallel_loop3A_1203 : vector<32xbf16>
        %parallel_loop3A_1282 = arith.mulf %get3A_930, %parallel_loop3A_1204 : vector<32xbf16>
        %parallel_loop3A_1283 = arith.mulf %get3A_942, %parallel_loop3A_1205 : vector<32xbf16>
        %parallel_loop3A_1284 = arith.addf %parallel_loop3A_1276, %parallel_loop3A_1277 : vector<32xbf16>
        %parallel_loop3A_1285 = arith.addf %parallel_loop3A_1278, %parallel_loop3A_1279 : vector<32xbf16>
        %parallel_loop3A_1286 = arith.addf %parallel_loop3A_1280, %parallel_loop3A_1281 : vector<32xbf16>
        %parallel_loop3A_1287 = arith.addf %parallel_loop3A_1282, %parallel_loop3A_1283 : vector<32xbf16>
        %parallel_loop3A_1288 = arith.addf %parallel_loop3A_1284, %parallel_loop3A_1285 : vector<32xbf16>
        %parallel_loop3A_1289 = arith.addf %parallel_loop3A_1286, %parallel_loop3A_1287 : vector<32xbf16>
        %parallel_loop3A_1290 = arith.addf %parallel_loop3A_1288, %parallel_loop3A_1289 : vector<32xbf16>
        %parallel_loop3A_1291 = tpu.unpack_subelements %parallel_loop3A_1290, 0 {pack_format = #tpu.pack_format<interleaved>} : vector<32xbf16> -> vector<16xf32>
        %parallel_loop3A_1292 = tpu.unpack_subelements %parallel_loop3A_1290, 1 {pack_format = #tpu.pack_format<interleaved>} : vector<32xbf16> -> vector<16xf32>
        %parallel_loop3A_1293 = arith.index_cast %parallel_loop3A_1169 : i32 to index
        %parallel_loop3A_1294 = arith.constant 32 : index
        %parallel_loop3A_1295 = tpu.vector_load %arg27[%parallel_loop3A_1293, %parallel_loop3A_1294] {strides = array<i32>} : memref<80x64xf32, #tpu.memory_space<vmem>>, vector<16xf32>,
        %parallel_loop3A_1296 = arith.mulf %parallel_loop3A_1272, %parallel_loop3A_1295 : vector<16xf32>
        %parallel_loop3A_1297 = arith.mulf %parallel_loop3A_1296, %parallel_loop3A_1291 : vector<16xf32>
        %parallel_loop3A_1298 = arith.index_cast %parallel_loop3A_1169 : i32 to index
        %parallel_loop3A_1299 = arith.constant 32 : index
        %parallel_loop3A_1300 = tpu.vector_load %arg27[%parallel_loop3A_1298, %parallel_loop3A_1299] {strides = array<i32>} : memref<80x64xf32, #tpu.memory_space<vmem>>, vector<16xf32>,
        tpu.vector_store %arg27[%parallel_loop3A_1298, %parallel_loop3A_1299], %parallel_loop3A_1297 {strides = array<i32>} : memref<80x64xf32, #tpu.memory_space<vmem>>, vector<16xf32>,
        %parallel_loop3A_1301 = arith.index_cast %parallel_loop3A_1169 : i32 to index
        %parallel_loop3A_1302 = arith.constant 48 : index
        %parallel_loop3A_1303 = tpu.vector_load %arg27[%parallel_loop3A_1301, %parallel_loop3A_1302] {strides = array<i32>} : memref<80x64xf32, #tpu.memory_space<vmem>>, vector<16xf32>,
        %parallel_loop3A_1304 = arith.mulf %parallel_loop3A_1275, %parallel_loop3A_1303 : vector<16xf32>
        %parallel_loop3A_1305 = arith.mulf %parallel_loop3A_1304, %parallel_loop3A_1292 : vector<16xf32>
        %parallel_loop3A_1306 = arith.index_cast %parallel_loop3A_1169 : i32 to index
        %parallel_loop3A_1307 = arith.constant 48 : index
        %parallel_loop3A_1308 = tpu.vector_load %arg27[%parallel_loop3A_1306, %parallel_loop3A_1307] {strides = array<i32>} : memref<80x64xf32, #tpu.memory_space<vmem>>, vector<16xf32>,
        tpu.vector_store %arg27[%parallel_loop3A_1306, %parallel_loop3A_1307], %parallel_loop3A_1305 {strides = array<i32>} : memref<80x64xf32, #tpu.memory_space<vmem>>, vector<16xf32>,
        %parallel_loop3A_1309 = arith.mulf %get3A_762, %parallel_loop3A_1198 : vector<32xbf16>
        %parallel_loop3A_1310 = arith.mulf %get3A_774, %parallel_loop3A_1199 : vector<32xbf16>
        %parallel_loop3A_1311 = arith.mulf %get3A_786, %parallel_loop3A_1200 : vector<32xbf16>
        %parallel_loop3A_1312 = arith.mulf %get3A_798, %parallel_loop3A_1201 : vector<32xbf16>
        %parallel_loop3A_1313 = arith.mulf %get3A_810, %parallel_loop3A_1202 : vector<32xbf16>
        %parallel_loop3A_1314 = arith.mulf %get3A_822, %parallel_loop3A_1203 : vector<32xbf16>
        %parallel_loop3A_1315 = arith.mulf %get3A_834, %parallel_loop3A_1204 : vector<32xbf16>
        %parallel_loop3A_1316 = arith.mulf %get3A_846, %parallel_loop3A_1205 : vector<32xbf16>
        %parallel_loop3A_1317 = arith.addf %parallel_loop3A_1309, %parallel_loop3A_1310 : vector<32xbf16>
        %parallel_loop3A_1318 = arith.addf %parallel_loop3A_1311, %parallel_loop3A_1312 : vector<32xbf16>
        %parallel_loop3A_1319 = arith.addf %parallel_loop3A_1313, %parallel_loop3A_1314 : vector<32xbf16>
        %parallel_loop3A_1320 = arith.addf %parallel_loop3A_1315, %parallel_loop3A_1316 : vector<32xbf16>
        %parallel_loop3A_1321 = arith.addf %parallel_loop3A_1317, %parallel_loop3A_1318 : vector<32xbf16>
        %parallel_loop3A_1322 = arith.addf %parallel_loop3A_1319, %parallel_loop3A_1320 : vector<32xbf16>
        %parallel_loop3A_1323 = arith.addf %parallel_loop3A_1321, %parallel_loop3A_1322 : vector<32xbf16>
        %parallel_loop3A_1324 = tpu.unpack_subelements %parallel_loop3A_1323, 0 {pack_format = #tpu.pack_format<interleaved>} : vector<32xbf16> -> vector<16xf32>
        %parallel_loop3A_1325 = tpu.unpack_subelements %parallel_loop3A_1323, 1 {pack_format = #tpu.pack_format<interleaved>} : vector<32xbf16> -> vector<16xf32>
        %parallel_loop3A_1326 = arith.mulf %parallel_loop3A_1272, %parallel_loop3A_1324 : vector<16xf32>
        %parallel_loop3A_1327 = arith.index_cast %parallel_loop3A_1169 : i32 to index
        %parallel_loop3A_1328 = arith.constant 32 : index
        %parallel_loop3A_1329 = tpu.vector_load %arg25[%parallel_loop3A_1327, %parallel_loop3A_1328] {strides = array<i32>} : memref<80x64xf32, #tpu.memory_space<vmem>>, vector<16xf32>,
        tpu.vector_store %arg25[%parallel_loop3A_1327, %parallel_loop3A_1328], %parallel_loop3A_1326 {strides = array<i32>} : memref<80x64xf32, #tpu.memory_space<vmem>>, vector<16xf32>,
        %parallel_loop3A_1330 = arith.mulf %parallel_loop3A_1275, %parallel_loop3A_1325 : vector<16xf32>
        %parallel_loop3A_1331 = arith.index_cast %parallel_loop3A_1169 : i32 to index
        %parallel_loop3A_1332 = arith.constant 48 : index
        %parallel_loop3A_1333 = tpu.vector_load %arg25[%parallel_loop3A_1331, %parallel_loop3A_1332] {strides = array<i32>} : memref<80x64xf32, #tpu.memory_space<vmem>>, vector<16xf32>,
        tpu.vector_store %arg25[%parallel_loop3A_1331, %parallel_loop3A_1332], %parallel_loop3A_1330 {strides = array<i32>} : memref<80x64xf32, #tpu.memory_space<vmem>>, vector<16xf32>,
      } {sc.loop_unroll_factor = 1 : i64, sc.parallel_access}
      %add3A_946 = arith.constant 1 : i32
      %add3A_947 = arith.addi %add3A_741, %add3A_946 : i32
      %lt3A_948 = arith.constant 250 : i32
      %lt3A_949 = arith.cmpi slt, %add3A_947, %lt3A_948 : i32
      %convert_element_type3A_950 = arith.extui %lt3A_949 : i1 to i32
      %cond3A_951 = arith.constant 0 : i32
      %cond3A_952 = arith.cmpi ne, %convert_element_type3A_950, %cond3A_951 : i32
      scf.if %cond3A_952 {
        %add3A_1169 = arith.constant 1 : i32
        %add3A_1170 = arith.addi %add3A_741, %add3A_1169 : i32
        %mul3A_1171 = arith.constant 16 : i32
        %mul3A_1172 = arith.muli %mul3A_1171, %add3A_1170 : i32
        %add3A_1173 = arith.addi %arg1, %mul3A_1172 : i32
        %mul3A_1174 = arith.constant 80 : i32
        %mul3A_1175 = arith.muli %add3A_1173, %mul3A_1174 : i32
        %dma_wait3A_1176 = tpu.memref_slice %arg5[%mul3A_1175] : memref<320000xi32, #tpu.memory_space<hbm>> -> memref<80xi32, #tpu.memory_space<hbm>>
        %dma_wait3A_1177 = tpu.memref_slice %arg5[%mul3A_1175] : memref<320000xi32, #tpu.memory_space<hbm>> -> memref<80xi32, #tpu.memory_space<hbm>>
        tpu.wait_dma2 semaphore(%arg28 : memref<!tpu.dma_semaphore, #tpu.memory_space<semaphore_mem>>) src(%dma_wait3A_1177 : memref<80xi32, #tpu.memory_space<hbm>>) dst(%arg15 : memref<80xi32, #tpu.memory_space<vmem>>)
        %dma_wait3A_1178 = arith.constant 0 : i32
        %dma_wait3A_1179 = arith.constant 0 : i32
        %dma_wait3A_1180 = tpu.memref_slice %arg21[%dma_wait3A_1178, %dma_wait3A_1179] : memref<80x8xf32, #tpu.memory_space<vmem>> -> memref<80x8xf32, #tpu.memory_space<vmem>>
        %dma_wait3A_1181 = arith.constant 0 : i32
        %dma_wait3A_1182 = tpu.memref_slice %arg4[%mul3A_1175, %dma_wait3A_1181] : memref<320000x8xf32, #tpu.memory_space<hbm>> -> memref<80x8xf32, #tpu.memory_space<hbm>>
        %dma_wait3A_1183 = arith.constant 0 : i32
        %dma_wait3A_1184 = arith.constant 0 : i32
        %dma_wait3A_1185 = tpu.memref_slice %arg21[%dma_wait3A_1183, %dma_wait3A_1184] : memref<80x8xf32, #tpu.memory_space<vmem>> -> memref<80x8xf32, #tpu.memory_space<vmem>>
        %dma_wait3A_1186 = arith.constant 0 : i32
        %dma_wait3A_1187 = tpu.memref_slice %arg4[%mul3A_1175, %dma_wait3A_1186] : memref<320000x8xf32, #tpu.memory_space<hbm>> -> memref<80x8xf32, #tpu.memory_space<hbm>>
        tpu.wait_dma2 semaphore(%arg28 : memref<!tpu.dma_semaphore, #tpu.memory_space<semaphore_mem>>) src(%dma_wait3A_1187 : memref<80x8xf32, #tpu.memory_space<hbm>>) dst(%dma_wait3A_1185 : memref<80x8xf32, #tpu.memory_space<vmem>>)
        %ge3A = arith.constant 1 : i32
        %ge3A_1188 = arith.cmpi sge, %add3A_741, %ge3A : i32
        %convert_element_type3A_1189 = arith.extui %ge3A_1188 : i1 to i32
        %cond3A_1190 = arith.constant 0 : i32
        %cond3A_1191 = arith.cmpi ne, %convert_element_type3A_1189, %cond3A_1190 : i32
        scf.if %cond3A_1191 {
          %dma_wait3A_1287 = arith.constant 0 : i32
          %dma_wait3A_1288 = arith.constant 0 : i32
          %dma_wait3A_1289 = tpu.memref_slice %arg11[%dma_wait3A_1287, %dma_wait3A_1288] : memref<10000x64xf32, #tpu.memory_space<vmem_shared>> -> memref<10000x64xf32, #tpu.memory_space<vmem_shared>>
          tpu.wait_indirect_dma semaphore(%arg34 : memref<!tpu.dma_semaphore, #tpu.memory_space<semaphore_mem>>) src(%arg24 : memref<80x64xf32, #tpu.memory_space<vmem>>) dst(%dma_wait3A_1289 : memref<10000x64xf32, #tpu.memory_space<vmem_shared>>)
          %dma_wait3A_1290 = arith.constant 0 : i32
          %dma_wait3A_1291 = arith.constant 0 : i32
          %dma_wait3A_1292 = tpu.memref_slice %arg12[%dma_wait3A_1290, %dma_wait3A_1291] : memref<10000x64xf32, #tpu.memory_space<vmem_shared>> -> memref<10000x64xf32, #tpu.memory_space<vmem_shared>>
          tpu.wait_indirect_dma semaphore(%arg34 : memref<!tpu.dma_semaphore, #tpu.memory_space<semaphore_mem>>) src(%arg26 : memref<80x64xf32, #tpu.memory_space<vmem>>) dst(%dma_wait3A_1292 : memref<10000x64xf32, #tpu.memory_space<vmem_shared>>)
          %add3A_1293 = arith.constant 1 : i32
          %add3A_1294 = arith.addi %add3A_741, %add3A_1293 : i32
          %mul3A_1295 = arith.constant 16 : i32
          %mul3A_1296 = arith.muli %mul3A_1295, %add3A_1294 : i32
          %add3A_1297 = arith.addi %arg1, %mul3A_1296 : i32
          %mul3A_1298 = arith.constant 80 : i32
          %mul3A_1299 = arith.muli %add3A_1297, %mul3A_1298 : i32
          %dma_start3A_1300 = tpu.memref_slice %arg6[%mul3A_1299] : memref<320000xi32, #tpu.memory_space<hbm>> -> memref<80xi32, #tpu.memory_space<hbm>>
          %dma_start3A_1301 = tpu.memref_slice %arg6[%mul3A_1299] : memref<320000xi32, #tpu.memory_space<hbm>> -> memref<80xi32, #tpu.memory_space<hbm>>
          tpu.enqueue_dma source(%dma_start3A_1301 : memref<80xi32, #tpu.memory_space<hbm>>) target(%arg19 : memref<80xi32, #tpu.memory_space<vmem>>) target_semaphore(%arg30 : memref<!tpu.dma_semaphore, #tpu.memory_space<semaphore_mem>>)
        } else {
        }
        %add3A_1192 = arith.constant 1 : i32
        %add3A_1193 = arith.addi %add3A_741, %add3A_1192 : i32
        %mul3A_1194 = arith.constant 16 : i32
        %mul3A_1195 = arith.muli %mul3A_1194, %add3A_1193 : i32
        %add3A_1196 = arith.addi %arg1, %mul3A_1195 : i32
        %mul3A_1197 = arith.constant 80 : i32
        %mul3A_1198 = arith.muli %add3A_1196, %mul3A_1197 : i32
        %mul3A_1199 = arith.constant 2 : i32
        %mul3A_1200 = arith.muli %mul3A_1199, %mul3A_1198 : i32
        %add3A_1201 = arith.addi %mul3A_1200, %arg0 : i32
        %iota3A_1202 = tpu.iota {dimensions = array<i32: 0>} : vector<16xi32>
        %mul3A_1203 = arith.constant 2 : i32
        %mul3A_1204 = vector.broadcast %mul3A_1203 : i32 to vector<16xi32>
        %mul3A_1205 = arith.muli %iota3A_1202, %mul3A_1204 : vector<16xi32>
        %get3A_1206 = arith.constant 0 : index
        %get3A_1207 = tpu.vector_load %arg15[%get3A_1206] {strides = array<i32>} : memref<80xi32, #tpu.memory_space<vmem>>, vector<16xi32>,
        %mul3A_1208 = arith.constant 2 : i32
        %mul3A_1209 = vector.broadcast %mul3A_1208 : i32 to vector<16xi32>
        %mul3A_1210 = arith.muli %get3A_1207, %mul3A_1209 : vector<16xi32>
        %add3A_1211 = vector.broadcast %arg0 : i32 to vector<16xi32>
        %add3A_1212 = arith.addi %mul3A_1210, %add3A_1211 : vector<16xi32>
        %swap3A_1213 = arith.constant 0 : index
        %swap3A_1214 = tpu.vector_load %arg15[%swap3A_1213] {strides = array<i32>} : memref<80xi32, #tpu.memory_space<vmem>>, vector<16xi32>,
        tpu.vector_store %arg15[%swap3A_1213], %add3A_1212 {strides = array<i32>} : memref<80xi32, #tpu.memory_space<vmem>>, vector<16xi32>,
        %add3A_1215 = arith.constant 0 : i32
        %add3A_1216 = arith.addi %add3A_1201, %add3A_1215 : i32
        %add3A_1217 = vector.broadcast %add3A_1216 : i32 to vector<16xi32>
        %add3A_1218 = arith.addi %mul3A_1205, %add3A_1217 : vector<16xi32>
        %swap3A_1219 = arith.constant 0 : index
        %swap3A_1220 = tpu.vector_load %arg17[%swap3A_1219] {strides = array<i32>} : memref<80xi32, #tpu.memory_space<vmem>>, vector<16xi32>,
        tpu.vector_store %arg17[%swap3A_1219], %add3A_1218 {strides = array<i32>} : memref<80xi32, #tpu.memory_space<vmem>>, vector<16xi32>,
        %get3A_1221 = arith.constant 16 : index
        %get3A_1222 = tpu.vector_load %arg15[%get3A_1221] {strides = array<i32>} : memref<80xi32, #tpu.memory_space<vmem>>, vector<16xi32>,
        %mul3A_1223 = arith.constant 2 : i32
        %mul3A_1224 = vector.broadcast %mul3A_1223 : i32 to vector<16xi32>
        %mul3A_1225 = arith.muli %get3A_1222, %mul3A_1224 : vector<16xi32>
        %add3A_1226 = vector.broadcast %arg0 : i32 to vector<16xi32>
        %add3A_1227 = arith.addi %mul3A_1225, %add3A_1226 : vector<16xi32>
        %swap3A_1228 = arith.constant 16 : index
        %swap3A_1229 = tpu.vector_load %arg15[%swap3A_1228] {strides = array<i32>} : memref<80xi32, #tpu.memory_space<vmem>>, vector<16xi32>,
        tpu.vector_store %arg15[%swap3A_1228], %add3A_1227 {strides = array<i32>} : memref<80xi32, #tpu.memory_space<vmem>>, vector<16xi32>,
        %add3A_1230 = arith.constant 32 : i32
        %add3A_1231 = arith.addi %add3A_1201, %add3A_1230 : i32
        %add3A_1232 = vector.broadcast %add3A_1231 : i32 to vector<16xi32>
        %add3A_1233 = arith.addi %mul3A_1205, %add3A_1232 : vector<16xi32>
        %swap3A_1234 = arith.constant 16 : index
        %swap3A_1235 = tpu.vector_load %arg17[%swap3A_1234] {strides = array<i32>} : memref<80xi32, #tpu.memory_space<vmem>>, vector<16xi32>,
        tpu.vector_store %arg17[%swap3A_1234], %add3A_1233 {strides = array<i32>} : memref<80xi32, #tpu.memory_space<vmem>>, vector<16xi32>,
        %get3A_1236 = arith.constant 32 : index
        %get3A_1237 = tpu.vector_load %arg15[%get3A_1236] {strides = array<i32>} : memref<80xi32, #tpu.memory_space<vmem>>, vector<16xi32>,
        %mul3A_1238 = arith.constant 2 : i32
        %mul3A_1239 = vector.broadcast %mul3A_1238 : i32 to vector<16xi32>
        %mul3A_1240 = arith.muli %get3A_1237, %mul3A_1239 : vector<16xi32>
        %add3A_1241 = vector.broadcast %arg0 : i32 to vector<16xi32>
        %add3A_1242 = arith.addi %mul3A_1240, %add3A_1241 : vector<16xi32>
        %swap3A_1243 = arith.constant 32 : index
        %swap3A_1244 = tpu.vector_load %arg15[%swap3A_1243] {strides = array<i32>} : memref<80xi32, #tpu.memory_space<vmem>>, vector<16xi32>,
        tpu.vector_store %arg15[%swap3A_1243], %add3A_1242 {strides = array<i32>} : memref<80xi32, #tpu.memory_space<vmem>>, vector<16xi32>,
        %add3A_1245 = arith.constant 64 : i32
        %add3A_1246 = arith.addi %add3A_1201, %add3A_1245 : i32
        %add3A_1247 = vector.broadcast %add3A_1246 : i32 to vector<16xi32>
        %add3A_1248 = arith.addi %mul3A_1205, %add3A_1247 : vector<16xi32>
        %swap3A_1249 = arith.constant 32 : index
        %swap3A_1250 = tpu.vector_load %arg17[%swap3A_1249] {strides = array<i32>} : memref<80xi32, #tpu.memory_space<vmem>>, vector<16xi32>,
        tpu.vector_store %arg17[%swap3A_1249], %add3A_1248 {strides = array<i32>} : memref<80xi32, #tpu.memory_space<vmem>>, vector<16xi32>,
        %get3A_1251 = arith.constant 48 : index
        %get3A_1252 = tpu.vector_load %arg15[%get3A_1251] {strides = array<i32>} : memref<80xi32, #tpu.memory_space<vmem>>, vector<16xi32>,
        %mul3A_1253 = arith.constant 2 : i32
        %mul3A_1254 = vector.broadcast %mul3A_1253 : i32 to vector<16xi32>
        %mul3A_1255 = arith.muli %get3A_1252, %mul3A_1254 : vector<16xi32>
        %add3A_1256 = vector.broadcast %arg0 : i32 to vector<16xi32>
        %add3A_1257 = arith.addi %mul3A_1255, %add3A_1256 : vector<16xi32>
        %swap3A_1258 = arith.constant 48 : index
        %swap3A_1259 = tpu.vector_load %arg15[%swap3A_1258] {strides = array<i32>} : memref<80xi32, #tpu.memory_space<vmem>>, vector<16xi32>,
        tpu.vector_store %arg15[%swap3A_1258], %add3A_1257 {strides = array<i32>} : memref<80xi32, #tpu.memory_space<vmem>>, vector<16xi32>,
        %add3A_1260 = arith.constant 96 : i32
        %add3A_1261 = arith.addi %add3A_1201, %add3A_1260 : i32
        %add3A_1262 = vector.broadcast %add3A_1261 : i32 to vector<16xi32>
        %add3A_1263 = arith.addi %mul3A_1205, %add3A_1262 : vector<16xi32>
        %swap3A_1264 = arith.constant 48 : index
        %swap3A_1265 = tpu.vector_load %arg17[%swap3A_1264] {strides = array<i32>} : memref<80xi32, #tpu.memory_space<vmem>>, vector<16xi32>,
        tpu.vector_store %arg17[%swap3A_1264], %add3A_1263 {strides = array<i32>} : memref<80xi32, #tpu.memory_space<vmem>>, vector<16xi32>,
        %get3A_1266 = arith.constant 64 : index
        %get3A_1267 = tpu.vector_load %arg15[%get3A_1266] {strides = array<i32>} : memref<80xi32, #tpu.memory_space<vmem>>, vector<16xi32>,
        %mul3A_1268 = arith.constant 2 : i32
        %mul3A_1269 = vector.broadcast %mul3A_1268 : i32 to vector<16xi32>
        %mul3A_1270 = arith.muli %get3A_1267, %mul3A_1269 : vector<16xi32>
        %add3A_1271 = vector.broadcast %arg0 : i32 to vector<16xi32>
        %add3A_1272 = arith.addi %mul3A_1270, %add3A_1271 : vector<16xi32>
        %swap3A_1273 = arith.constant 64 : index
        %swap3A_1274 = tpu.vector_load %arg15[%swap3A_1273] {strides = array<i32>} : memref<80xi32, #tpu.memory_space<vmem>>, vector<16xi32>,
        tpu.vector_store %arg15[%swap3A_1273], %add3A_1272 {strides = array<i32>} : memref<80xi32, #tpu.memory_space<vmem>>, vector<16xi32>,
        %add3A_1275 = arith.constant 128 : i32
        %add3A_1276 = arith.addi %add3A_1201, %add3A_1275 : i32
        %add3A_1277 = vector.broadcast %add3A_1276 : i32 to vector<16xi32>
        %add3A_1278 = arith.addi %mul3A_1205, %add3A_1277 : vector<16xi32>
        %swap3A_1279 = arith.constant 64 : index
        %swap3A_1280 = tpu.vector_load %arg17[%swap3A_1279] {strides = array<i32>} : memref<80xi32, #tpu.memory_space<vmem>>, vector<16xi32>,
        tpu.vector_store %arg17[%swap3A_1279], %add3A_1278 {strides = array<i32>} : memref<80xi32, #tpu.memory_space<vmem>>, vector<16xi32>,
        %dma_start3A_1281 = arith.constant 0 : i32
        %dma_start3A_1282 = arith.constant 0 : i32
        %dma_start3A_1283 = tpu.memref_slice %arg2[%dma_start3A_1281, %dma_start3A_1282] : memref<20000x64xf32, #tpu.memory_space<hbm>> -> memref<20000x64xf32, #tpu.memory_space<hbm>>
        tpu.enqueue_indirect_dma source(%dma_start3A_1283 : memref<20000x64xf32, #tpu.memory_space<hbm>>) target(%arg24 : memref<80x64xf32, #tpu.memory_space<vmem>>) offsets(%arg15 : memref<80xi32, #tpu.memory_space<vmem>>) semaphore(%arg32 : memref<!tpu.dma_semaphore, #tpu.memory_space<semaphore_mem>>)
        %dma_start3A_1284 = arith.constant 0 : i32
        %dma_start3A_1285 = arith.constant 0 : i32
        %dma_start3A_1286 = tpu.memref_slice %arg3[%dma_start3A_1284, %dma_start3A_1285] : memref<640000x64xf32, #tpu.memory_space<hbm>> -> memref<640000x64xf32, #tpu.memory_space<hbm>>
        tpu.enqueue_indirect_dma source(%dma_start3A_1286 : memref<640000x64xf32, #tpu.memory_space<hbm>>) target(%arg26 : memref<80x64xf32, #tpu.memory_space<vmem>>) offsets(%arg17 : memref<80xi32, #tpu.memory_space<vmem>>) semaphore(%arg32 : memref<!tpu.dma_semaphore, #tpu.memory_space<semaphore_mem>>)
      } else {
      }
      %add3A_953 = arith.constant 0 : i32
      %add3A_954 = arith.addi %mul3A_137, %add3A_953 : i32
      %get3A_955 = arith.constant 0 : i32
      %get3A_956 = arith.index_cast %get3A_955 : i32 to index
      %get3A_957 = arith.index_cast %add3A_954 : i32 to index
      %get3A_958 = tpu.vector_load %arg14[%get3A_956, %get3A_957] {strides = array<i32>} : memref<8x256xbf16, #tpu.memory_space<vmem>>, vector<32xbf16>,
      %add3A_959 = arith.constant 32 : i32
      %add3A_960 = arith.addi %mul3A_137, %add3A_959 : i32
      %get3A_961 = arith.constant 0 : i32
      %get3A_962 = arith.index_cast %get3A_961 : i32 to index
      %get3A_963 = arith.index_cast %add3A_960 : i32 to index
      %get3A_964 = tpu.vector_load %arg14[%get3A_962, %get3A_963] {strides = array<i32>} : memref<8x256xbf16, #tpu.memory_space<vmem>>, vector<32xbf16>,
      %add3A_965 = arith.constant 0 : i32
      %add3A_966 = arith.addi %mul3A_137, %add3A_965 : i32
      %get3A_967 = arith.constant 1 : i32
      %get3A_968 = arith.index_cast %get3A_967 : i32 to index
      %get3A_969 = arith.index_cast %add3A_966 : i32 to index
      %get3A_970 = tpu.vector_load %arg14[%get3A_968, %get3A_969] {strides = array<i32>} : memref<8x256xbf16, #tpu.memory_space<vmem>>, vector<32xbf16>,
      %add3A_971 = arith.constant 32 : i32
      %add3A_972 = arith.addi %mul3A_137, %add3A_971 : i32
      %get3A_973 = arith.constant 1 : i32
      %get3A_974 = arith.index_cast %get3A_973 : i32 to index
      %get3A_975 = arith.index_cast %add3A_972 : i32 to index
      %get3A_976 = tpu.vector_load %arg14[%get3A_974, %get3A_975] {strides = array<i32>} : memref<8x256xbf16, #tpu.memory_space<vmem>>, vector<32xbf16>,
      %add3A_977 = arith.constant 0 : i32
      %add3A_978 = arith.addi %mul3A_137, %add3A_977 : i32
      %get3A_979 = arith.constant 2 : i32
      %get3A_980 = arith.index_cast %get3A_979 : i32 to index
      %get3A_981 = arith.index_cast %add3A_978 : i32 to index
      %get3A_982 = tpu.vector_load %arg14[%get3A_980, %get3A_981] {strides = array<i32>} : memref<8x256xbf16, #tpu.memory_space<vmem>>, vector<32xbf16>,
      %add3A_983 = arith.constant 32 : i32
      %add3A_984 = arith.addi %mul3A_137, %add3A_983 : i32
      %get3A_985 = arith.constant 2 : i32
      %get3A_986 = arith.index_cast %get3A_985 : i32 to index
      %get3A_987 = arith.index_cast %add3A_984 : i32 to index
      %get3A_988 = tpu.vector_load %arg14[%get3A_986, %get3A_987] {strides = array<i32>} : memref<8x256xbf16, #tpu.memory_space<vmem>>, vector<32xbf16>,
      %add3A_989 = arith.constant 0 : i32
      %add3A_990 = arith.addi %mul3A_137, %add3A_989 : i32
      %get3A_991 = arith.constant 3 : i32
      %get3A_992 = arith.index_cast %get3A_991 : i32 to index
      %get3A_993 = arith.index_cast %add3A_990 : i32 to index
      %get3A_994 = tpu.vector_load %arg14[%get3A_992, %get3A_993] {strides = array<i32>} : memref<8x256xbf16, #tpu.memory_space<vmem>>, vector<32xbf16>,
      %add3A_995 = arith.constant 32 : i32
      %add3A_996 = arith.addi %mul3A_137, %add3A_995 : i32
      %get3A_997 = arith.constant 3 : i32
      %get3A_998 = arith.index_cast %get3A_997 : i32 to index
      %get3A_999 = arith.index_cast %add3A_996 : i32 to index
      %get3A_1000 = tpu.vector_load %arg14[%get3A_998, %get3A_999] {strides = array<i32>} : memref<8x256xbf16, #tpu.memory_space<vmem>>, vector<32xbf16>,
      %add3A_1001 = arith.constant 0 : i32
      %add3A_1002 = arith.addi %mul3A_137, %add3A_1001 : i32
      %get3A_1003 = arith.constant 4 : i32
      %get3A_1004 = arith.index_cast %get3A_1003 : i32 to index
      %get3A_1005 = arith.index_cast %add3A_1002 : i32 to index
      %get3A_1006 = tpu.vector_load %arg14[%get3A_1004, %get3A_1005] {strides = array<i32>} : memref<8x256xbf16, #tpu.memory_space<vmem>>, vector<32xbf16>,
      %add3A_1007 = arith.constant 32 : i32
      %add3A_1008 = arith.addi %mul3A_137, %add3A_1007 : i32
      %get3A_1009 = arith.constant 4 : i32
      %get3A_1010 = arith.index_cast %get3A_1009 : i32 to index
      %get3A_1011 = arith.index_cast %add3A_1008 : i32 to index
      %get3A_1012 = tpu.vector_load %arg14[%get3A_1010, %get3A_1011] {strides = array<i32>} : memref<8x256xbf16, #tpu.memory_space<vmem>>, vector<32xbf16>,
      %add3A_1013 = arith.constant 0 : i32
      %add3A_1014 = arith.addi %mul3A_137, %add3A_1013 : i32
      %get3A_1015 = arith.constant 5 : i32
      %get3A_1016 = arith.index_cast %get3A_1015 : i32 to index
      %get3A_1017 = arith.index_cast %add3A_1014 : i32 to index
      %get3A_1018 = tpu.vector_load %arg14[%get3A_1016, %get3A_1017] {strides = array<i32>} : memref<8x256xbf16, #tpu.memory_space<vmem>>, vector<32xbf16>,
      %add3A_1019 = arith.constant 32 : i32
      %add3A_1020 = arith.addi %mul3A_137, %add3A_1019 : i32
      %get3A_1021 = arith.constant 5 : i32
      %get3A_1022 = arith.index_cast %get3A_1021 : i32 to index
      %get3A_1023 = arith.index_cast %add3A_1020 : i32 to index
      %get3A_1024 = tpu.vector_load %arg14[%get3A_1022, %get3A_1023] {strides = array<i32>} : memref<8x256xbf16, #tpu.memory_space<vmem>>, vector<32xbf16>,
      %add3A_1025 = arith.constant 0 : i32
      %add3A_1026 = arith.addi %mul3A_137, %add3A_1025 : i32
      %get3A_1027 = arith.constant 6 : i32
      %get3A_1028 = arith.index_cast %get3A_1027 : i32 to index
      %get3A_1029 = arith.index_cast %add3A_1026 : i32 to index
      %get3A_1030 = tpu.vector_load %arg14[%get3A_1028, %get3A_1029] {strides = array<i32>} : memref<8x256xbf16, #tpu.memory_space<vmem>>, vector<32xbf16>,
      %add3A_1031 = arith.constant 32 : i32
      %add3A_1032 = arith.addi %mul3A_137, %add3A_1031 : i32
      %get3A_1033 = arith.constant 6 : i32
      %get3A_1034 = arith.index_cast %get3A_1033 : i32 to index
      %get3A_1035 = arith.index_cast %add3A_1032 : i32 to index
      %get3A_1036 = tpu.vector_load %arg14[%get3A_1034, %get3A_1035] {strides = array<i32>} : memref<8x256xbf16, #tpu.memory_space<vmem>>, vector<32xbf16>,
      %add3A_1037 = arith.constant 0 : i32
      %add3A_1038 = arith.addi %mul3A_137, %add3A_1037 : i32
      %get3A_1039 = arith.constant 7 : i32
      %get3A_1040 = arith.index_cast %get3A_1039 : i32 to index
      %get3A_1041 = arith.index_cast %add3A_1038 : i32 to index
      %get3A_1042 = tpu.vector_load %arg14[%get3A_1040, %get3A_1041] {strides = array<i32>} : memref<8x256xbf16, #tpu.memory_space<vmem>>, vector<32xbf16>,
      %add3A_1043 = arith.constant 32 : i32
      %add3A_1044 = arith.addi %mul3A_137, %add3A_1043 : i32
      %get3A_1045 = arith.constant 7 : i32
      %get3A_1046 = arith.index_cast %get3A_1045 : i32 to index
      %get3A_1047 = arith.index_cast %add3A_1044 : i32 to index
      %get3A_1048 = tpu.vector_load %arg14[%get3A_1046, %get3A_1047] {strides = array<i32>} : memref<8x256xbf16, #tpu.memory_space<vmem>>, vector<32xbf16>,
      %add3A_1049 = arith.constant 0 : i32
      %add3A_1050 = arith.addi %add3A_140, %add3A_1049 : i32
      %get3A_1051 = arith.constant 0 : i32
      %get3A_1052 = arith.index_cast %get3A_1051 : i32 to index
      %get3A_1053 = arith.index_cast %add3A_1050 : i32 to index
      %get3A_1054 = tpu.vector_load %arg14[%get3A_1052, %get3A_1053] {strides = array<i32>} : memref<8x256xbf16, #tpu.memory_space<vmem>>, vector<32xbf16>,
      %add3A_1055 = arith.constant 32 : i32
      %add3A_1056 = arith.addi %add3A_140, %add3A_1055 : i32
      %get3A_1057 = arith.constant 0 : i32
      %get3A_1058 = arith.index_cast %get3A_1057 : i32 to index
      %get3A_1059 = arith.index_cast %add3A_1056 : i32 to index
      %get3A_1060 = tpu.vector_load %arg14[%get3A_1058, %get3A_1059] {strides = array<i32>} : memref<8x256xbf16, #tpu.memory_space<vmem>>, vector<32xbf16>,
      %add3A_1061 = arith.constant 0 : i32
      %add3A_1062 = arith.addi %add3A_140, %add3A_1061 : i32
      %get3A_1063 = arith.constant 1 : i32
      %get3A_1064 = arith.index_cast %get3A_1063 : i32 to index
      %get3A_1065 = arith.index_cast %add3A_1062 : i32 to index
      %get3A_1066 = tpu.vector_load %arg14[%get3A_1064, %get3A_1065] {strides = array<i32>} : memref<8x256xbf16, #tpu.memory_space<vmem>>, vector<32xbf16>,
      %add3A_1067 = arith.constant 32 : i32
      %add3A_1068 = arith.addi %add3A_140, %add3A_1067 : i32
      %get3A_1069 = arith.constant 1 : i32
      %get3A_1070 = arith.index_cast %get3A_1069 : i32 to index
      %get3A_1071 = arith.index_cast %add3A_1068 : i32 to index
      %get3A_1072 = tpu.vector_load %arg14[%get3A_1070, %get3A_1071] {strides = array<i32>} : memref<8x256xbf16, #tpu.memory_space<vmem>>, vector<32xbf16>,
      %add3A_1073 = arith.constant 0 : i32
      %add3A_1074 = arith.addi %add3A_140, %add3A_1073 : i32
      %get3A_1075 = arith.constant 2 : i32
      %get3A_1076 = arith.index_cast %get3A_1075 : i32 to index
      %get3A_1077 = arith.index_cast %add3A_1074 : i32 to index
      %get3A_1078 = tpu.vector_load %arg14[%get3A_1076, %get3A_1077] {strides = array<i32>} : memref<8x256xbf16, #tpu.memory_space<vmem>>, vector<32xbf16>,
      %add3A_1079 = arith.constant 32 : i32
      %add3A_1080 = arith.addi %add3A_140, %add3A_1079 : i32
      %get3A_1081 = arith.constant 2 : i32
      %get3A_1082 = arith.index_cast %get3A_1081 : i32 to index
      %get3A_1083 = arith.index_cast %add3A_1080 : i32 to index
      %get3A_1084 = tpu.vector_load %arg14[%get3A_1082, %get3A_1083] {strides = array<i32>} : memref<8x256xbf16, #tpu.memory_space<vmem>>, vector<32xbf16>,
      %add3A_1085 = arith.constant 0 : i32
      %add3A_1086 = arith.addi %add3A_140, %add3A_1085 : i32
      %get3A_1087 = arith.constant 3 : i32
      %get3A_1088 = arith.index_cast %get3A_1087 : i32 to index
      %get3A_1089 = arith.index_cast %add3A_1086 : i32 to index
      %get3A_1090 = tpu.vector_load %arg14[%get3A_1088, %get3A_1089] {strides = array<i32>} : memref<8x256xbf16, #tpu.memory_space<vmem>>, vector<32xbf16>,
      %add3A_1091 = arith.constant 32 : i32
      %add3A_1092 = arith.addi %add3A_140, %add3A_1091 : i32
      %get3A_1093 = arith.constant 3 : i32
      %get3A_1094 = arith.index_cast %get3A_1093 : i32 to index
      %get3A_1095 = arith.index_cast %add3A_1092 : i32 to index
      %get3A_1096 = tpu.vector_load %arg14[%get3A_1094, %get3A_1095] {strides = array<i32>} : memref<8x256xbf16, #tpu.memory_space<vmem>>, vector<32xbf16>,
      %add3A_1097 = arith.constant 0 : i32
      %add3A_1098 = arith.addi %add3A_140, %add3A_1097 : i32
      %get3A_1099 = arith.constant 4 : i32
      %get3A_1100 = arith.index_cast %get3A_1099 : i32 to index
      %get3A_1101 = arith.index_cast %add3A_1098 : i32 to index
      %get3A_1102 = tpu.vector_load %arg14[%get3A_1100, %get3A_1101] {strides = array<i32>} : memref<8x256xbf16, #tpu.memory_space<vmem>>, vector<32xbf16>,
      %add3A_1103 = arith.constant 32 : i32
      %add3A_1104 = arith.addi %add3A_140, %add3A_1103 : i32
      %get3A_1105 = arith.constant 4 : i32
      %get3A_1106 = arith.index_cast %get3A_1105 : i32 to index
      %get3A_1107 = arith.index_cast %add3A_1104 : i32 to index
      %get3A_1108 = tpu.vector_load %arg14[%get3A_1106, %get3A_1107] {strides = array<i32>} : memref<8x256xbf16, #tpu.memory_space<vmem>>, vector<32xbf16>,
      %add3A_1109 = arith.constant 0 : i32
      %add3A_1110 = arith.addi %add3A_140, %add3A_1109 : i32
      %get3A_1111 = arith.constant 5 : i32
      %get3A_1112 = arith.index_cast %get3A_1111 : i32 to index
      %get3A_1113 = arith.index_cast %add3A_1110 : i32 to index
      %get3A_1114 = tpu.vector_load %arg14[%get3A_1112, %get3A_1113] {strides = array<i32>} : memref<8x256xbf16, #tpu.memory_space<vmem>>, vector<32xbf16>,
      %add3A_1115 = arith.constant 32 : i32
      %add3A_1116 = arith.addi %add3A_140, %add3A_1115 : i32
      %get3A_1117 = arith.constant 5 : i32
      %get3A_1118 = arith.index_cast %get3A_1117 : i32 to index
      %get3A_1119 = arith.index_cast %add3A_1116 : i32 to index
      %get3A_1120 = tpu.vector_load %arg14[%get3A_1118, %get3A_1119] {strides = array<i32>} : memref<8x256xbf16, #tpu.memory_space<vmem>>, vector<32xbf16>,
      %add3A_1121 = arith.constant 0 : i32
      %add3A_1122 = arith.addi %add3A_140, %add3A_1121 : i32
      %get3A_1123 = arith.constant 6 : i32
      %get3A_1124 = arith.index_cast %get3A_1123 : i32 to index
      %get3A_1125 = arith.index_cast %add3A_1122 : i32 to index
      %get3A_1126 = tpu.vector_load %arg14[%get3A_1124, %get3A_1125] {strides = array<i32>} : memref<8x256xbf16, #tpu.memory_space<vmem>>, vector<32xbf16>,
      %add3A_1127 = arith.constant 32 : i32
      %add3A_1128 = arith.addi %add3A_140, %add3A_1127 : i32
      %get3A_1129 = arith.constant 6 : i32
      %get3A_1130 = arith.index_cast %get3A_1129 : i32 to index
      %get3A_1131 = arith.index_cast %add3A_1128 : i32 to index
      %get3A_1132 = tpu.vector_load %arg14[%get3A_1130, %get3A_1131] {strides = array<i32>} : memref<8x256xbf16, #tpu.memory_space<vmem>>, vector<32xbf16>,
      %add3A_1133 = arith.constant 0 : i32
      %add3A_1134 = arith.addi %add3A_140, %add3A_1133 : i32
      %get3A_1135 = arith.constant 7 : i32
      %get3A_1136 = arith.index_cast %get3A_1135 : i32 to index
      %get3A_1137 = arith.index_cast %add3A_1134 : i32 to index
      %get3A_1138 = tpu.vector_load %arg14[%get3A_1136, %get3A_1137] {strides = array<i32>} : memref<8x256xbf16, #tpu.memory_space<vmem>>, vector<32xbf16>,
      %add3A_1139 = arith.constant 32 : i32
      %add3A_1140 = arith.addi %add3A_140, %add3A_1139 : i32
      %get3A_1141 = arith.constant 7 : i32
      %get3A_1142 = arith.index_cast %get3A_1141 : i32 to index
      %get3A_1143 = arith.index_cast %add3A_1140 : i32 to index
      %get3A_1144 = tpu.vector_load %arg14[%get3A_1142, %get3A_1143] {strides = array<i32>} : memref<8x256xbf16, #tpu.memory_space<vmem>>, vector<32xbf16>,
      %parallel_loop3A_1145 = arith.constant 10 : i32
      %parallel_loop3A_1146 = arith.constant 80 : i32
      %parallel_loop3A_1147 = arith.constant 1 : i32
      scf.for %parallel_loop3A_1169 = %parallel_loop3A_1145 to %parallel_loop3A_1146 step %parallel_loop3A_1147  : i32 {
        %parallel_loop3A_1170 = arith.constant 0 : i32
        %parallel_loop3A_1171 = vector.broadcast %parallel_loop3A_1170 : i32 to vector<16xi32>
        %parallel_loop3A_1172 = vector.broadcast %parallel_loop3A_1169 : i32 to vector<16xi32>
        %parallel_loop3A_1173 = arith.addi %parallel_loop3A_1171, %parallel_loop3A_1172 : vector<16xi32>
        %parallel_loop3A_1174 = arith.constant 0 : i32
        %parallel_loop3A_1175 = vector.broadcast %parallel_loop3A_1174 : i32 to vector<16xi32>
        %parallel_loop3A_1176 = tpu.vector_load_idx %arg23[%parallel_loop3A_1175, %parallel_loop3A_1173] : memref<8x80xf32, #tpu.memory_space<vmem>>[vector<16xi32>, vector<16xi32>], vector<16xf32>,
        %parallel_loop3A_1177 = arith.constant 1 : i32
        %parallel_loop3A_1178 = vector.broadcast %parallel_loop3A_1177 : i32 to vector<16xi32>
        %parallel_loop3A_1179 = tpu.vector_load_idx %arg23[%parallel_loop3A_1178, %parallel_loop3A_1173] : memref<8x80xf32, #tpu.memory_space<vmem>>[vector<16xi32>, vector<16xi32>], vector<16xf32>,
        %parallel_loop3A_1180 = arith.constant 2 : i32
        %parallel_loop3A_1181 = vector.broadcast %parallel_loop3A_1180 : i32 to vector<16xi32>
        %parallel_loop3A_1182 = tpu.vector_load_idx %arg23[%parallel_loop3A_1181, %parallel_loop3A_1173] : memref<8x80xf32, #tpu.memory_space<vmem>>[vector<16xi32>, vector<16xi32>], vector<16xf32>,
        %parallel_loop3A_1183 = arith.constant 3 : i32
        %parallel_loop3A_1184 = vector.broadcast %parallel_loop3A_1183 : i32 to vector<16xi32>
        %parallel_loop3A_1185 = tpu.vector_load_idx %arg23[%parallel_loop3A_1184, %parallel_loop3A_1173] : memref<8x80xf32, #tpu.memory_space<vmem>>[vector<16xi32>, vector<16xi32>], vector<16xf32>,
        %parallel_loop3A_1186 = arith.constant 4 : i32
        %parallel_loop3A_1187 = vector.broadcast %parallel_loop3A_1186 : i32 to vector<16xi32>
        %parallel_loop3A_1188 = tpu.vector_load_idx %arg23[%parallel_loop3A_1187, %parallel_loop3A_1173] : memref<8x80xf32, #tpu.memory_space<vmem>>[vector<16xi32>, vector<16xi32>], vector<16xf32>,
        %parallel_loop3A_1189 = arith.constant 5 : i32
        %parallel_loop3A_1190 = vector.broadcast %parallel_loop3A_1189 : i32 to vector<16xi32>
        %parallel_loop3A_1191 = tpu.vector_load_idx %arg23[%parallel_loop3A_1190, %parallel_loop3A_1173] : memref<8x80xf32, #tpu.memory_space<vmem>>[vector<16xi32>, vector<16xi32>], vector<16xf32>,
        %parallel_loop3A_1192 = arith.constant 6 : i32
        %parallel_loop3A_1193 = vector.broadcast %parallel_loop3A_1192 : i32 to vector<16xi32>
        %parallel_loop3A_1194 = tpu.vector_load_idx %arg23[%parallel_loop3A_1193, %parallel_loop3A_1173] : memref<8x80xf32, #tpu.memory_space<vmem>>[vector<16xi32>, vector<16xi32>], vector<16xf32>,
        %parallel_loop3A_1195 = arith.constant 7 : i32
        %parallel_loop3A_1196 = vector.broadcast %parallel_loop3A_1195 : i32 to vector<16xi32>
        %parallel_loop3A_1197 = tpu.vector_load_idx %arg23[%parallel_loop3A_1196, %parallel_loop3A_1173] : memref<8x80xf32, #tpu.memory_space<vmem>>[vector<16xi32>, vector<16xi32>], vector<16xf32>,
        %parallel_loop3A_1198 = tpu.pack_subelements %parallel_loop3A_1176, %parallel_loop3A_1176 {pack_format = #tpu.pack_format<interleaved>, positions = array<i32: 0, 1>} : vector<16xf32>, vector<16xf32> -> vector<32xbf16>
        %parallel_loop3A_1199 = tpu.pack_subelements %parallel_loop3A_1179, %parallel_loop3A_1179 {pack_format = #tpu.pack_format<interleaved>, positions = array<i32: 0, 1>} : vector<16xf32>, vector<16xf32> -> vector<32xbf16>
        %parallel_loop3A_1200 = tpu.pack_subelements %parallel_loop3A_1182, %parallel_loop3A_1182 {pack_format = #tpu.pack_format<interleaved>, positions = array<i32: 0, 1>} : vector<16xf32>, vector<16xf32> -> vector<32xbf16>
        %parallel_loop3A_1201 = tpu.pack_subelements %parallel_loop3A_1185, %parallel_loop3A_1185 {pack_format = #tpu.pack_format<interleaved>, positions = array<i32: 0, 1>} : vector<16xf32>, vector<16xf32> -> vector<32xbf16>
        %parallel_loop3A_1202 = tpu.pack_subelements %parallel_loop3A_1188, %parallel_loop3A_1188 {pack_format = #tpu.pack_format<interleaved>, positions = array<i32: 0, 1>} : vector<16xf32>, vector<16xf32> -> vector<32xbf16>
        %parallel_loop3A_1203 = tpu.pack_subelements %parallel_loop3A_1191, %parallel_loop3A_1191 {pack_format = #tpu.pack_format<interleaved>, positions = array<i32: 0, 1>} : vector<16xf32>, vector<16xf32> -> vector<32xbf16>
        %parallel_loop3A_1204 = tpu.pack_subelements %parallel_loop3A_1194, %parallel_loop3A_1194 {pack_format = #tpu.pack_format<interleaved>, positions = array<i32: 0, 1>} : vector<16xf32>, vector<16xf32> -> vector<32xbf16>
        %parallel_loop3A_1205 = tpu.pack_subelements %parallel_loop3A_1197, %parallel_loop3A_1197 {pack_format = #tpu.pack_format<interleaved>, positions = array<i32: 0, 1>} : vector<16xf32>, vector<16xf32> -> vector<32xbf16>
        %parallel_loop3A_1206 = arith.index_cast %parallel_loop3A_1169 : i32 to index
        %parallel_loop3A_1207 = arith.constant 0 : index
        %parallel_loop3A_1208 = tpu.vector_load %arg25[%parallel_loop3A_1206, %parallel_loop3A_1207] {strides = array<i32>} : memref<80x64xf32, #tpu.memory_space<vmem>>, vector<16xf32>,
        %parallel_loop3A_1209 = arith.index_cast %parallel_loop3A_1169 : i32 to index
        %parallel_loop3A_1210 = arith.constant 16 : index
        %parallel_loop3A_1211 = tpu.vector_load %arg25[%parallel_loop3A_1209, %parallel_loop3A_1210] {strides = array<i32>} : memref<80x64xf32, #tpu.memory_space<vmem>>, vector<16xf32>,
        %parallel_loop3A_1212 = arith.mulf %get3A_1054, %parallel_loop3A_1198 : vector<32xbf16>
        %parallel_loop3A_1213 = arith.mulf %get3A_1066, %parallel_loop3A_1199 : vector<32xbf16>
        %parallel_loop3A_1214 = arith.mulf %get3A_1078, %parallel_loop3A_1200 : vector<32xbf16>
        %parallel_loop3A_1215 = arith.mulf %get3A_1090, %parallel_loop3A_1201 : vector<32xbf16>
        %parallel_loop3A_1216 = arith.mulf %get3A_1102, %parallel_loop3A_1202 : vector<32xbf16>
        %parallel_loop3A_1217 = arith.mulf %get3A_1114, %parallel_loop3A_1203 : vector<32xbf16>
        %parallel_loop3A_1218 = arith.mulf %get3A_1126, %parallel_loop3A_1204 : vector<32xbf16>
        %parallel_loop3A_1219 = arith.mulf %get3A_1138, %parallel_loop3A_1205 : vector<32xbf16>
        %parallel_loop3A_1220 = arith.addf %parallel_loop3A_1212, %parallel_loop3A_1213 : vector<32xbf16>
        %parallel_loop3A_1221 = arith.addf %parallel_loop3A_1214, %parallel_loop3A_1215 : vector<32xbf16>
        %parallel_loop3A_1222 = arith.addf %parallel_loop3A_1216, %parallel_loop3A_1217 : vector<32xbf16>
        %parallel_loop3A_1223 = arith.addf %parallel_loop3A_1218, %parallel_loop3A_1219 : vector<32xbf16>
        %parallel_loop3A_1224 = arith.addf %parallel_loop3A_1220, %parallel_loop3A_1221 : vector<32xbf16>
        %parallel_loop3A_1225 = arith.addf %parallel_loop3A_1222, %parallel_loop3A_1223 : vector<32xbf16>
        %parallel_loop3A_1226 = arith.addf %parallel_loop3A_1224, %parallel_loop3A_1225 : vector<32xbf16>
        %parallel_loop3A_1227 = tpu.unpack_subelements %parallel_loop3A_1226, 0 {pack_format = #tpu.pack_format<interleaved>} : vector<32xbf16> -> vector<16xf32>
        %parallel_loop3A_1228 = tpu.unpack_subelements %parallel_loop3A_1226, 1 {pack_format = #tpu.pack_format<interleaved>} : vector<32xbf16> -> vector<16xf32>
        %parallel_loop3A_1229 = arith.index_cast %parallel_loop3A_1169 : i32 to index
        %parallel_loop3A_1230 = arith.constant 0 : index
        %parallel_loop3A_1231 = tpu.vector_load %arg27[%parallel_loop3A_1229, %parallel_loop3A_1230] {strides = array<i32>} : memref<80x64xf32, #tpu.memory_space<vmem>>, vector<16xf32>,
        %parallel_loop3A_1232 = arith.mulf %parallel_loop3A_1208, %parallel_loop3A_1231 : vector<16xf32>
        %parallel_loop3A_1233 = arith.mulf %parallel_loop3A_1232, %parallel_loop3A_1227 : vector<16xf32>
        %parallel_loop3A_1234 = arith.index_cast %parallel_loop3A_1169 : i32 to index
        %parallel_loop3A_1235 = arith.constant 0 : index
        %parallel_loop3A_1236 = tpu.vector_load %arg27[%parallel_loop3A_1234, %parallel_loop3A_1235] {strides = array<i32>} : memref<80x64xf32, #tpu.memory_space<vmem>>, vector<16xf32>,
        tpu.vector_store %arg27[%parallel_loop3A_1234, %parallel_loop3A_1235], %parallel_loop3A_1233 {strides = array<i32>} : memref<80x64xf32, #tpu.memory_space<vmem>>, vector<16xf32>,
        %parallel_loop3A_1237 = arith.index_cast %parallel_loop3A_1169 : i32 to index
        %parallel_loop3A_1238 = arith.constant 16 : index
        %parallel_loop3A_1239 = tpu.vector_load %arg27[%parallel_loop3A_1237, %parallel_loop3A_1238] {strides = array<i32>} : memref<80x64xf32, #tpu.memory_space<vmem>>, vector<16xf32>,
        %parallel_loop3A_1240 = arith.mulf %parallel_loop3A_1211, %parallel_loop3A_1239 : vector<16xf32>
        %parallel_loop3A_1241 = arith.mulf %parallel_loop3A_1240, %parallel_loop3A_1228 : vector<16xf32>
        %parallel_loop3A_1242 = arith.index_cast %parallel_loop3A_1169 : i32 to index
        %parallel_loop3A_1243 = arith.constant 16 : index
        %parallel_loop3A_1244 = tpu.vector_load %arg27[%parallel_loop3A_1242, %parallel_loop3A_1243] {strides = array<i32>} : memref<80x64xf32, #tpu.memory_space<vmem>>, vector<16xf32>,
        tpu.vector_store %arg27[%parallel_loop3A_1242, %parallel_loop3A_1243], %parallel_loop3A_1241 {strides = array<i32>} : memref<80x64xf32, #tpu.memory_space<vmem>>, vector<16xf32>,
        %parallel_loop3A_1245 = arith.mulf %get3A_958, %parallel_loop3A_1198 : vector<32xbf16>
        %parallel_loop3A_1246 = arith.mulf %get3A_970, %parallel_loop3A_1199 : vector<32xbf16>
        %parallel_loop3A_1247 = arith.mulf %get3A_982, %parallel_loop3A_1200 : vector<32xbf16>
        %parallel_loop3A_1248 = arith.mulf %get3A_994, %parallel_loop3A_1201 : vector<32xbf16>
        %parallel_loop3A_1249 = arith.mulf %get3A_1006, %parallel_loop3A_1202 : vector<32xbf16>
        %parallel_loop3A_1250 = arith.mulf %get3A_1018, %parallel_loop3A_1203 : vector<32xbf16>
        %parallel_loop3A_1251 = arith.mulf %get3A_1030, %parallel_loop3A_1204 : vector<32xbf16>
        %parallel_loop3A_1252 = arith.mulf %get3A_1042, %parallel_loop3A_1205 : vector<32xbf16>
        %parallel_loop3A_1253 = arith.addf %parallel_loop3A_1245, %parallel_loop3A_1246 : vector<32xbf16>
        %parallel_loop3A_1254 = arith.addf %parallel_loop3A_1247, %parallel_loop3A_1248 : vector<32xbf16>
        %parallel_loop3A_1255 = arith.addf %parallel_loop3A_1249, %parallel_loop3A_1250 : vector<32xbf16>
        %parallel_loop3A_1256 = arith.addf %parallel_loop3A_1251, %parallel_loop3A_1252 : vector<32xbf16>
        %parallel_loop3A_1257 = arith.addf %parallel_loop3A_1253, %parallel_loop3A_1254 : vector<32xbf16>
        %parallel_loop3A_1258 = arith.addf %parallel_loop3A_1255, %parallel_loop3A_1256 : vector<32xbf16>
        %parallel_loop3A_1259 = arith.addf %parallel_loop3A_1257, %parallel_loop3A_1258 : vector<32xbf16>
        %parallel_loop3A_1260 = tpu.unpack_subelements %parallel_loop3A_1259, 0 {pack_format = #tpu.pack_format<interleaved>} : vector<32xbf16> -> vector<16xf32>
        %parallel_loop3A_1261 = tpu.unpack_subelements %parallel_loop3A_1259, 1 {pack_format = #tpu.pack_format<interleaved>} : vector<32xbf16> -> vector<16xf32>
        %parallel_loop3A_1262 = arith.mulf %parallel_loop3A_1208, %parallel_loop3A_1260 : vector<16xf32>
        %parallel_loop3A_1263 = arith.index_cast %parallel_loop3A_1169 : i32 to index
        %parallel_loop3A_1264 = arith.constant 0 : index
        %parallel_loop3A_1265 = tpu.vector_load %arg25[%parallel_loop3A_1263, %parallel_loop3A_1264] {strides = array<i32>} : memref<80x64xf32, #tpu.memory_space<vmem>>, vector<16xf32>,
        tpu.vector_store %arg25[%parallel_loop3A_1263, %parallel_loop3A_1264], %parallel_loop3A_1262 {strides = array<i32>} : memref<80x64xf32, #tpu.memory_space<vmem>>, vector<16xf32>,
        %parallel_loop3A_1266 = arith.mulf %parallel_loop3A_1211, %parallel_loop3A_1261 : vector<16xf32>
        %parallel_loop3A_1267 = arith.index_cast %parallel_loop3A_1169 : i32 to index
        %parallel_loop3A_1268 = arith.constant 16 : index
        %parallel_loop3A_1269 = tpu.vector_load %arg25[%parallel_loop3A_1267, %parallel_loop3A_1268] {strides = array<i32>} : memref<80x64xf32, #tpu.memory_space<vmem>>, vector<16xf32>,
        tpu.vector_store %arg25[%parallel_loop3A_1267, %parallel_loop3A_1268], %parallel_loop3A_1266 {strides = array<i32>} : memref<80x64xf32, #tpu.memory_space<vmem>>, vector<16xf32>,
        %parallel_loop3A_1270 = arith.index_cast %parallel_loop3A_1169 : i32 to index
        %parallel_loop3A_1271 = arith.constant 32 : index
        %parallel_loop3A_1272 = tpu.vector_load %arg25[%parallel_loop3A_1270, %parallel_loop3A_1271] {strides = array<i32>} : memref<80x64xf32, #tpu.memory_space<vmem>>, vector<16xf32>,
        %parallel_loop3A_1273 = arith.index_cast %parallel_loop3A_1169 : i32 to index
        %parallel_loop3A_1274 = arith.constant 48 : index
        %parallel_loop3A_1275 = tpu.vector_load %arg25[%parallel_loop3A_1273, %parallel_loop3A_1274] {strides = array<i32>} : memref<80x64xf32, #tpu.memory_space<vmem>>, vector<16xf32>,
        %parallel_loop3A_1276 = arith.mulf %get3A_1060, %parallel_loop3A_1198 : vector<32xbf16>
        %parallel_loop3A_1277 = arith.mulf %get3A_1072, %parallel_loop3A_1199 : vector<32xbf16>
        %parallel_loop3A_1278 = arith.mulf %get3A_1084, %parallel_loop3A_1200 : vector<32xbf16>
        %parallel_loop3A_1279 = arith.mulf %get3A_1096, %parallel_loop3A_1201 : vector<32xbf16>
        %parallel_loop3A_1280 = arith.mulf %get3A_1108, %parallel_loop3A_1202 : vector<32xbf16>
        %parallel_loop3A_1281 = arith.mulf %get3A_1120, %parallel_loop3A_1203 : vector<32xbf16>
        %parallel_loop3A_1282 = arith.mulf %get3A_1132, %parallel_loop3A_1204 : vector<32xbf16>
        %parallel_loop3A_1283 = arith.mulf %get3A_1144, %parallel_loop3A_1205 : vector<32xbf16>
        %parallel_loop3A_1284 = arith.addf %parallel_loop3A_1276, %parallel_loop3A_1277 : vector<32xbf16>
        %parallel_loop3A_1285 = arith.addf %parallel_loop3A_1278, %parallel_loop3A_1279 : vector<32xbf16>
        %parallel_loop3A_1286 = arith.addf %parallel_loop3A_1280, %parallel_loop3A_1281 : vector<32xbf16>
        %parallel_loop3A_1287 = arith.addf %parallel_loop3A_1282, %parallel_loop3A_1283 : vector<32xbf16>
        %parallel_loop3A_1288 = arith.addf %parallel_loop3A_1284, %parallel_loop3A_1285 : vector<32xbf16>
        %parallel_loop3A_1289 = arith.addf %parallel_loop3A_1286, %parallel_loop3A_1287 : vector<32xbf16>
        %parallel_loop3A_1290 = arith.addf %parallel_loop3A_1288, %parallel_loop3A_1289 : vector<32xbf16>
        %parallel_loop3A_1291 = tpu.unpack_subelements %parallel_loop3A_1290, 0 {pack_format = #tpu.pack_format<interleaved>} : vector<32xbf16> -> vector<16xf32>
        %parallel_loop3A_1292 = tpu.unpack_subelements %parallel_loop3A_1290, 1 {pack_format = #tpu.pack_format<interleaved>} : vector<32xbf16> -> vector<16xf32>
        %parallel_loop3A_1293 = arith.index_cast %parallel_loop3A_1169 : i32 to index
        %parallel_loop3A_1294 = arith.constant 32 : index
        %parallel_loop3A_1295 = tpu.vector_load %arg27[%parallel_loop3A_1293, %parallel_loop3A_1294] {strides = array<i32>} : memref<80x64xf32, #tpu.memory_space<vmem>>, vector<16xf32>,
        %parallel_loop3A_1296 = arith.mulf %parallel_loop3A_1272, %parallel_loop3A_1295 : vector<16xf32>
        %parallel_loop3A_1297 = arith.mulf %parallel_loop3A_1296, %parallel_loop3A_1291 : vector<16xf32>
        %parallel_loop3A_1298 = arith.index_cast %parallel_loop3A_1169 : i32 to index
        %parallel_loop3A_1299 = arith.constant 32 : index
        %parallel_loop3A_1300 = tpu.vector_load %arg27[%parallel_loop3A_1298, %parallel_loop3A_1299] {strides = array<i32>} : memref<80x64xf32, #tpu.memory_space<vmem>>, vector<16xf32>,
        tpu.vector_store %arg27[%parallel_loop3A_1298, %parallel_loop3A_1299], %parallel_loop3A_1297 {strides = array<i32>} : memref<80x64xf32, #tpu.memory_space<vmem>>, vector<16xf32>,
        %parallel_loop3A_1301 = arith.index_cast %parallel_loop3A_1169 : i32 to index
        %parallel_loop3A_1302 = arith.constant 48 : index
        %parallel_loop3A_1303 = tpu.vector_load %arg27[%parallel_loop3A_1301, %parallel_loop3A_1302] {strides = array<i32>} : memref<80x64xf32, #tpu.memory_space<vmem>>, vector<16xf32>,
        %parallel_loop3A_1304 = arith.mulf %parallel_loop3A_1275, %parallel_loop3A_1303 : vector<16xf32>
        %parallel_loop3A_1305 = arith.mulf %parallel_loop3A_1304, %parallel_loop3A_1292 : vector<16xf32>
        %parallel_loop3A_1306 = arith.index_cast %parallel_loop3A_1169 : i32 to index
        %parallel_loop3A_1307 = arith.constant 48 : index
        %parallel_loop3A_1308 = tpu.vector_load %arg27[%parallel_loop3A_1306, %parallel_loop3A_1307] {strides = array<i32>} : memref<80x64xf32, #tpu.memory_space<vmem>>, vector<16xf32>,
        tpu.vector_store %arg27[%parallel_loop3A_1306, %parallel_loop3A_1307], %parallel_loop3A_1305 {strides = array<i32>} : memref<80x64xf32, #tpu.memory_space<vmem>>, vector<16xf32>,
        %parallel_loop3A_1309 = arith.mulf %get3A_964, %parallel_loop3A_1198 : vector<32xbf16>
        %parallel_loop3A_1310 = arith.mulf %get3A_976, %parallel_loop3A_1199 : vector<32xbf16>
        %parallel_loop3A_1311 = arith.mulf %get3A_988, %parallel_loop3A_1200 : vector<32xbf16>
        %parallel_loop3A_1312 = arith.mulf %get3A_1000, %parallel_loop3A_1201 : vector<32xbf16>
        %parallel_loop3A_1313 = arith.mulf %get3A_1012, %parallel_loop3A_1202 : vector<32xbf16>
        %parallel_loop3A_1314 = arith.mulf %get3A_1024, %parallel_loop3A_1203 : vector<32xbf16>
        %parallel_loop3A_1315 = arith.mulf %get3A_1036, %parallel_loop3A_1204 : vector<32xbf16>
        %parallel_loop3A_1316 = arith.mulf %get3A_1048, %parallel_loop3A_1205 : vector<32xbf16>
        %parallel_loop3A_1317 = arith.addf %parallel_loop3A_1309, %parallel_loop3A_1310 : vector<32xbf16>
        %parallel_loop3A_1318 = arith.addf %parallel_loop3A_1311, %parallel_loop3A_1312 : vector<32xbf16>
        %parallel_loop3A_1319 = arith.addf %parallel_loop3A_1313, %parallel_loop3A_1314 : vector<32xbf16>
        %parallel_loop3A_1320 = arith.addf %parallel_loop3A_1315, %parallel_loop3A_1316 : vector<32xbf16>
        %parallel_loop3A_1321 = arith.addf %parallel_loop3A_1317, %parallel_loop3A_1318 : vector<32xbf16>
        %parallel_loop3A_1322 = arith.addf %parallel_loop3A_1319, %parallel_loop3A_1320 : vector<32xbf16>
        %parallel_loop3A_1323 = arith.addf %parallel_loop3A_1321, %parallel_loop3A_1322 : vector<32xbf16>
        %parallel_loop3A_1324 = tpu.unpack_subelements %parallel_loop3A_1323, 0 {pack_format = #tpu.pack_format<interleaved>} : vector<32xbf16> -> vector<16xf32>
        %parallel_loop3A_1325 = tpu.unpack_subelements %parallel_loop3A_1323, 1 {pack_format = #tpu.pack_format<interleaved>} : vector<32xbf16> -> vector<16xf32>
        %parallel_loop3A_1326 = arith.mulf %parallel_loop3A_1272, %parallel_loop3A_1324 : vector<16xf32>
        %parallel_loop3A_1327 = arith.index_cast %parallel_loop3A_1169 : i32 to index
        %parallel_loop3A_1328 = arith.constant 32 : index
        %parallel_loop3A_1329 = tpu.vector_load %arg25[%parallel_loop3A_1327, %parallel_loop3A_1328] {strides = array<i32>} : memref<80x64xf32, #tpu.memory_space<vmem>>, vector<16xf32>,
        tpu.vector_store %arg25[%parallel_loop3A_1327, %parallel_loop3A_1328], %parallel_loop3A_1326 {strides = array<i32>} : memref<80x64xf32, #tpu.memory_space<vmem>>, vector<16xf32>,
        %parallel_loop3A_1330 = arith.mulf %parallel_loop3A_1275, %parallel_loop3A_1325 : vector<16xf32>
        %parallel_loop3A_1331 = arith.index_cast %parallel_loop3A_1169 : i32 to index
        %parallel_loop3A_1332 = arith.constant 48 : index
        %parallel_loop3A_1333 = tpu.vector_load %arg25[%parallel_loop3A_1331, %parallel_loop3A_1332] {strides = array<i32>} : memref<80x64xf32, #tpu.memory_space<vmem>>, vector<16xf32>,
        tpu.vector_store %arg25[%parallel_loop3A_1331, %parallel_loop3A_1332], %parallel_loop3A_1330 {strides = array<i32>} : memref<80x64xf32, #tpu.memory_space<vmem>>, vector<16xf32>,
      } {sc.loop_unroll_factor = 1 : i64, sc.parallel_access}
      %mul3A_1148 = arith.constant 16 : i32
      %mul3A_1149 = arith.muli %mul3A_1148, %add3A_741 : i32
      %add3A_1150 = arith.addi %arg1, %mul3A_1149 : i32
      %mul3A_1151 = arith.constant 80 : i32
      %mul3A_1152 = arith.muli %add3A_1150, %mul3A_1151 : i32
      %dma_wait3A_1153 = tpu.memref_slice %arg6[%mul3A_1152] : memref<320000xi32, #tpu.memory_space<hbm>> -> memref<80xi32, #tpu.memory_space<hbm>>
      %dma_wait3A_1154 = tpu.memref_slice %arg6[%mul3A_1152] : memref<320000xi32, #tpu.memory_space<hbm>> -> memref<80xi32, #tpu.memory_space<hbm>>
      tpu.wait_dma2 semaphore(%arg31 : memref<!tpu.dma_semaphore, #tpu.memory_space<semaphore_mem>>) src(%dma_wait3A_1154 : memref<80xi32, #tpu.memory_space<hbm>>) dst(%arg20 : memref<80xi32, #tpu.memory_space<vmem>>)
      %dma_start3A_1155 = arith.constant 0 : i32
      %dma_start3A_1156 = arith.constant 0 : i32
      %dma_start3A_1157 = tpu.memref_slice %arg11[%dma_start3A_1155, %dma_start3A_1156] : memref<10000x64xf32, #tpu.memory_space<vmem_shared>> -> memref<10000x64xf32, #tpu.memory_space<vmem_shared>>
      tpu.enqueue_indirect_dma source(%arg25 : memref<80x64xf32, #tpu.memory_space<vmem>>) target(%dma_start3A_1157 : memref<10000x64xf32, #tpu.memory_space<vmem_shared>>) offsets(%arg20 : memref<80xi32, #tpu.memory_space<vmem>>) semaphore(%arg35 : memref<!tpu.dma_semaphore, #tpu.memory_space<semaphore_mem>>) {add = true}
      %dma_start3A_1158 = arith.constant 0 : i32
      %dma_start3A_1159 = arith.constant 0 : i32
      %dma_start3A_1160 = tpu.memref_slice %arg12[%dma_start3A_1158, %dma_start3A_1159] : memref<10000x64xf32, #tpu.memory_space<vmem_shared>> -> memref<10000x64xf32, #tpu.memory_space<vmem_shared>>
      tpu.enqueue_indirect_dma source(%arg27 : memref<80x64xf32, #tpu.memory_space<vmem>>) target(%dma_start3A_1160 : memref<10000x64xf32, #tpu.memory_space<vmem_shared>>) offsets(%arg20 : memref<80xi32, #tpu.memory_space<vmem>>) semaphore(%arg35 : memref<!tpu.dma_semaphore, #tpu.memory_space<semaphore_mem>>) {add = true}
      %add3A_1161 = arith.constant 2 : i32
      %add3A_1162 = arith.addi %add3A_741, %add3A_1161 : i32
      %lt3A_1163 = arith.constant 250 : i32
      %lt3A_1164 = arith.cmpi slt, %add3A_1162, %lt3A_1163 : i32
      %convert_element_type3A_1165 = arith.extui %lt3A_1164 : i1 to i32
      %cond3A_1166 = arith.constant 0 : i32
      %cond3A_1167 = arith.cmpi ne, %convert_element_type3A_1165, %cond3A_1166 : i32
      scf.if %cond3A_1167 {
        %add3A_1169 = arith.constant 2 : i32
        %add3A_1170 = arith.addi %add3A_741, %add3A_1169 : i32
        %mul3A_1171 = arith.constant 16 : i32
        %mul3A_1172 = arith.muli %mul3A_1171, %add3A_1170 : i32
        %add3A_1173 = arith.addi %arg1, %mul3A_1172 : i32
        %mul3A_1174 = arith.constant 80 : i32
        %mul3A_1175 = arith.muli %add3A_1173, %mul3A_1174 : i32
        %dma_start3A_1176 = tpu.memref_slice %arg5[%mul3A_1175] : memref<320000xi32, #tpu.memory_space<hbm>> -> memref<80xi32, #tpu.memory_space<hbm>>
        %dma_start3A_1177 = tpu.memref_slice %arg5[%mul3A_1175] : memref<320000xi32, #tpu.memory_space<hbm>> -> memref<80xi32, #tpu.memory_space<hbm>>
        tpu.enqueue_dma source(%dma_start3A_1177 : memref<80xi32, #tpu.memory_space<hbm>>) target(%arg16 : memref<80xi32, #tpu.memory_space<vmem>>) target_semaphore(%arg29 : memref<!tpu.dma_semaphore, #tpu.memory_space<semaphore_mem>>)
        %dma_start3A_1178 = arith.constant 0 : i32
        %dma_start3A_1179 = arith.constant 0 : i32
        %dma_start3A_1180 = tpu.memref_slice %arg22[%dma_start3A_1178, %dma_start3A_1179] : memref<80x8xf32, #tpu.memory_space<vmem>> -> memref<80x8xf32, #tpu.memory_space<vmem>>
        %dma_start3A_1181 = arith.constant 0 : i32
        %dma_start3A_1182 = tpu.memref_slice %arg4[%mul3A_1175, %dma_start3A_1181] : memref<320000x8xf32, #tpu.memory_space<hbm>> -> memref<80x8xf32, #tpu.memory_space<hbm>>
        %dma_start3A_1183 = arith.constant 0 : i32
        %dma_start3A_1184 = arith.constant 0 : i32
        %dma_start3A_1185 = tpu.memref_slice %arg22[%dma_start3A_1183, %dma_start3A_1184] : memref<80x8xf32, #tpu.memory_space<vmem>> -> memref<80x8xf32, #tpu.memory_space<vmem>>
        %dma_start3A_1186 = arith.constant 0 : i32
        %dma_start3A_1187 = tpu.memref_slice %arg4[%mul3A_1175, %dma_start3A_1186] : memref<320000x8xf32, #tpu.memory_space<hbm>> -> memref<80x8xf32, #tpu.memory_space<hbm>>
        tpu.enqueue_dma source(%dma_start3A_1187 : memref<80x8xf32, #tpu.memory_space<hbm>>) target(%dma_start3A_1185 : memref<80x8xf32, #tpu.memory_space<vmem>>) target_semaphore(%arg29 : memref<!tpu.dma_semaphore, #tpu.memory_space<semaphore_mem>>)
      } else {
      }
      %scan3A_1168 = arith.constant 0 : i32
      scf.yield %scan3A_1168 : i32
    }
    %scan3A_294 = arith.constant 125 : i32
    %dma_wait3A_295 = arith.constant 0 : i32
    %dma_wait3A_296 = arith.constant 0 : i32
    %dma_wait3A_297 = tpu.memref_slice %arg11[%dma_wait3A_295, %dma_wait3A_296] : memref<10000x64xf32, #tpu.memory_space<vmem_shared>> -> memref<10000x64xf32, #tpu.memory_space<vmem_shared>>
    tpu.wait_indirect_dma semaphore(%arg34 : memref<!tpu.dma_semaphore, #tpu.memory_space<semaphore_mem>>) src(%arg24 : memref<80x64xf32, #tpu.memory_space<vmem>>) dst(%dma_wait3A_297 : memref<10000x64xf32, #tpu.memory_space<vmem_shared>>)
    %dma_wait3A_298 = arith.constant 0 : i32
    %dma_wait3A_299 = arith.constant 0 : i32
    %dma_wait3A_300 = tpu.memref_slice %arg12[%dma_wait3A_298, %dma_wait3A_299] : memref<10000x64xf32, #tpu.memory_space<vmem_shared>> -> memref<10000x64xf32, #tpu.memory_space<vmem_shared>>
    tpu.wait_indirect_dma semaphore(%arg34 : memref<!tpu.dma_semaphore, #tpu.memory_space<semaphore_mem>>) src(%arg26 : memref<80x64xf32, #tpu.memory_space<vmem>>) dst(%dma_wait3A_300 : memref<10000x64xf32, #tpu.memory_space<vmem_shared>>)
    %dma_wait3A_301 = arith.constant 0 : i32
    %dma_wait3A_302 = arith.constant 0 : i32
    %dma_wait3A_303 = tpu.memref_slice %arg11[%dma_wait3A_301, %dma_wait3A_302] : memref<10000x64xf32, #tpu.memory_space<vmem_shared>> -> memref<10000x64xf32, #tpu.memory_space<vmem_shared>>
    tpu.wait_indirect_dma semaphore(%arg35 : memref<!tpu.dma_semaphore, #tpu.memory_space<semaphore_mem>>) src(%arg25 : memref<80x64xf32, #tpu.memory_space<vmem>>) dst(%dma_wait3A_303 : memref<10000x64xf32, #tpu.memory_space<vmem_shared>>)
    %dma_wait3A_304 = arith.constant 0 : i32
    %dma_wait3A_305 = arith.constant 0 : i32
    %dma_wait3A_306 = tpu.memref_slice %arg12[%dma_wait3A_304, %dma_wait3A_305] : memref<10000x64xf32, #tpu.memory_space<vmem_shared>> -> memref<10000x64xf32, #tpu.memory_space<vmem_shared>>
    tpu.wait_indirect_dma semaphore(%arg35 : memref<!tpu.dma_semaphore, #tpu.memory_space<semaphore_mem>>) src(%arg27 : memref<80x64xf32, #tpu.memory_space<vmem>>) dst(%dma_wait3A_306 : memref<10000x64xf32, #tpu.memory_space<vmem_shared>>)
    %barrier3A_307 = arith.constant 0 : index
    tpu.barrier barrier_id(%barrier3A_307)
    %eq3A = arith.constant 0 : i32
    %eq3A_308 = arith.cmpi eq, %arg1, %eq3A : i32
    %convert_element_type3A = arith.extui %eq3A_308 : i1 to i32
    %cond3A = arith.constant 0 : i32
    %cond3A_309 = arith.cmpi ne, %convert_element_type3A, %cond3A : i32
    scf.if %cond3A_309 {
      %run_scoped3A = arith.constant 0 : i32
      "tpu.region"() ({
        %run_scoped3A_311 = tpu.sem_alloc : memref<!tpu.dma_semaphore, #tpu.memory_space<semaphore_mem>>
        %dma_start3A_312 = arith.constant 0 : i32
        %dma_start3A_313 = arith.constant 0 : i32
        %dma_start3A_314 = tpu.memref_slice %arg10[%arg0, %run_scoped3A, %dma_start3A_312, %dma_start3A_313] : memref<2x2x10000x64xf32, #tpu.memory_space<hbm>> -> memref<1x1x10000x64xf32, #tpu.memory_space<hbm>>
        %dma_start3A_315 = tpu.memref_squeeze %dma_start3A_314 : memref<1x1x10000x64xf32, #tpu.memory_space<hbm>> -> memref<10000x64xf32, #tpu.memory_space<hbm>>
        tpu.enqueue_dma source(%arg11 : memref<10000x64xf32, #tpu.memory_space<vmem_shared>>) target(%dma_start3A_315 : memref<10000x64xf32, #tpu.memory_space<hbm>>) target_semaphore(%run_scoped3A_311 : memref<!tpu.dma_semaphore, #tpu.memory_space<semaphore_mem>>)
        %dma_wait3A_316 = arith.constant 0 : i32
        %dma_wait3A_317 = arith.constant 0 : i32
        %dma_wait3A_318 = tpu.memref_slice %arg10[%arg0, %run_scoped3A, %dma_wait3A_316, %dma_wait3A_317] : memref<2x2x10000x64xf32, #tpu.memory_space<hbm>> -> memref<1x1x10000x64xf32, #tpu.memory_space<hbm>>
        %dma_wait3A_319 = tpu.memref_squeeze %dma_wait3A_318 : memref<1x1x10000x64xf32, #tpu.memory_space<hbm>> -> memref<10000x64xf32, #tpu.memory_space<hbm>>
        tpu.wait_dma2 semaphore(%run_scoped3A_311 : memref<!tpu.dma_semaphore, #tpu.memory_space<semaphore_mem>>) src(%arg11 : memref<10000x64xf32, #tpu.memory_space<vmem_shared>>) dst(%dma_wait3A_319 : memref<10000x64xf32, #tpu.memory_space<hbm>>)
        tpu.yield
      }) : () -> ()
      %run_scoped3A_310 = arith.constant 1 : i32
      "tpu.region"() ({
        %run_scoped3A_311 = tpu.sem_alloc : memref<!tpu.dma_semaphore, #tpu.memory_space<semaphore_mem>>
        %dma_start3A_312 = arith.constant 0 : i32
        %dma_start3A_313 = arith.constant 0 : i32
        %dma_start3A_314 = tpu.memref_slice %arg10[%arg0, %run_scoped3A_310, %dma_start3A_312, %dma_start3A_313] : memref<2x2x10000x64xf32, #tpu.memory_space<hbm>> -> memref<1x1x10000x64xf32, #tpu.memory_space<hbm>>
        %dma_start3A_315 = tpu.memref_squeeze %dma_start3A_314 : memref<1x1x10000x64xf32, #tpu.memory_space<hbm>> -> memref<10000x64xf32, #tpu.memory_space<hbm>>
        tpu.enqueue_dma source(%arg12 : memref<10000x64xf32, #tpu.memory_space<vmem_shared>>) target(%dma_start3A_315 : memref<10000x64xf32, #tpu.memory_space<hbm>>) target_semaphore(%run_scoped3A_311 : memref<!tpu.dma_semaphore, #tpu.memory_space<semaphore_mem>>)
        %dma_wait3A_316 = arith.constant 0 : i32
        %dma_wait3A_317 = arith.constant 0 : i32
        %dma_wait3A_318 = tpu.memref_slice %arg10[%arg0, %run_scoped3A_310, %dma_wait3A_316, %dma_wait3A_317] : memref<2x2x10000x64xf32, #tpu.memory_space<hbm>> -> memref<1x1x10000x64xf32, #tpu.memory_space<hbm>>
        %dma_wait3A_319 = tpu.memref_squeeze %dma_wait3A_318 : memref<1x1x10000x64xf32, #tpu.memory_space<hbm>> -> memref<10000x64xf32, #tpu.memory_space<hbm>>
        tpu.wait_dma2 semaphore(%run_scoped3A_311 : memref<!tpu.dma_semaphore, #tpu.memory_space<semaphore_mem>>) src(%arg12 : memref<10000x64xf32, #tpu.memory_space<vmem_shared>>) dst(%dma_wait3A_319 : memref<10000x64xf32, #tpu.memory_space<hbm>>)
        tpu.yield
      }) : () -> ()
    } else {
    }
    return
  }
}

</mosaic_0001>

<sc_bundles>
// kernel: kernel.3.cloned.1.call-start
scs
__scs_entry_jumppad:
0x0: {  	(pc) =	sbr.rel $0x88, $3  }
0x1: {  	(tag) =	ssettag $0x0;
	lr =	simm.s32 $0x1  }
0x2: {  	[smem:$0x3F9A] =	sst lr;
	_ =	strace $0xD0000000  }
0x3: {  	_ = 	snop  }
0x4: {  	_ = 	snop  }
0x5: {  	_ = 	snop  }
0x6: {  	_ = 	snop  }
0x7: {  	_ = 	snop  }
__scs_overlays_trampoline_lowered:
0x8: {  	[smem:$0x3FA9] =	sst s0  }
0x9: {  	[smem:$0x3FAA] =	sst s1  }
0xa: {  	[smem:$0x3FAB] =	sst s2  }
0xb: {  	[smem:$0x3FAC] =	sst s3  }
0xc: {  	[smem:$0x3FAD] =	sst s4  }
0xd: {  	[smem:$0x3FAE] =	sst s5  }
0xe: {  	[smem:$0x3FAF] =	sst s6  }
0xf: {  	[smem:$0x3FB0] =	sst s7  }
0x10: {  	[smem:$0x3FB1] =	sst s8  }
0x11: {  	[smem:$0x3FB2] =	sst s9;
	s0 =	simm.s32 @!p0 $0x0  }
0x12: {  	s1 =	sld [smem:$0x3F98];
	s0 =	simm.s32 @p0 $0x1  }
0x13: {  	[smem:$0x3FB3] =	sst s0;
	s0 =	simm.s32 @!p1 $0x0  }
0x14: {  	s2 =	sld [smem:$0x3F97];
	s0 =	simm.s32 @p1 $0x1  }
0x15: {  	[smem:$0x3FB4] =	sst s0;
	s0 =	simm.s32 @!p2 $0x0  }
0x16: {  	s3 =	sld [smem:$0x3FDB];
	s0 =	simm.s32 @p2 $0x1  }
0x17: {  	s4 =	simm.s32 $0x1BF5;
	[smem:$0x3FB6] =	sst s0  }
0x18: {  	s0 =	sld [smem:$0x3F99];
	_ =	swait.ge [sflag:s4], $0x0  }
0x19: {  	s7 =	sld [smem:$0x3F9A]  }
0x1a: {  	s8 =	sadd.s32 $0xFFFFE003, lr  }
0x1b: {  	s9 =	sadd.s32 $0xFFFFFEF7, lr;
	s5 =	simm.s32 $0xFFFFFFFF;
	p2 =	slt.u32 s8, $0xFFFFF086  }
0x1c: {  	p1 =	slt.u32 s9, $0xF7A;
	s5 =	simm.s32 @!p2 $0x0  }
0x1d: {  	s5 =	simm.s32 @p1 $0x1;
	p0 =	seq.s32 s7, s2  }
0x1e: {  	s7 =	smul.u32 @!p0 $0xF7A, s2;
	p2 =	seq.s32 @!p0 s5, $0x0  }
0x1f: {  	s9 =	smul.u32 $0xF7A, s1;
	s8 =	simm.s32 @!p0 $0x1BF5;
	p2 =	por !p2, p0  }
0x20: {  	[sflag:s8] =	ssyncset.s32 @!p0 $0xFFFFF086;
	s6 =	sadd.s32 @!p0 s3, s7;
	s7 =	simm.s32 @!p0 $0x108  }
0x21: {  	s3 =	sadd.s32 s3, s9;
	s6 =	sadd.s32 @!p0 $0x88, s6;
	s7 =	simm.s32 @p2 $0x1082  }
0x22: {  	[simem:s7], [sflag:s8] =	dma.local @!p0 [hbm:s6], $0xF7A  }
0x23: {  	s9 =	sor.u32 $0xD0000000, s2;
	s6 =	simm.s32 $0x108;
	_ =	swait.ge @!p0 [sflag:s8], $0x0  }
0x24: {  	s3 =	sadd.s32 $0x88, s3;
	s6 =	simm.s32 @!p1 $0x1082;
	[sflag:s4] =	ssyncset.s32 $0xFFFFF086  }
0x25: {  	[simem:s6], [sflag:s4] =	dma.local [hbm:s3], $0xF7A  }
0x26: {  	[smem:$0x3F9A] =	sst s1;
	(tag) =	ssettag s2;
	_ =	strace s9  }
0x27: {  	s1 =	sld [smem:$0x3FAA]  }
0x28: {  	s2 =	sld [smem:$0x3FAB]  }
0x29: {  	s4 =	sld [smem:$0x3FAD]  }
0x2a: {  	p0 =	seq.s32 s5, $0x0;
	s5 =	sld [smem:$0x3FAE]  }
0x2b: {  	s6 =	sld [smem:$0x3FAF]  }
0x2c: {  	s7 =	sld [smem:$0x3FB0]  }
0x2d: {  	s3 =	simm.s32 $0x108;
	s8 =	sld [smem:$0x3FB1]  }
0x2e: {  	s3 =	simm.s32 @!p0 $0x1082;
	s9 =	sld [smem:$0x3FB2]  }
0x2f: {  	lr =	sadd.s32 s0, s3;
	s0 =	sld [smem:$0x3FA9]  }
0x30: {  	s3 =	sld [smem:$0x3FAC]  }
0x31: {  	[smem:$0x3FB5] =	sst s10  }
0x32: {  	s10 =	sld [smem:$0x3FB3];
	_ =	sdelay $0x3  }
0x33: {  	p0 =	seq.s32 s10, $0x1;
	s10 =	sld [smem:$0x3FB5];
	_ =	sdelay $0x3  }
0x34: {  	[smem:$0x3FB5] =	sst s10  }
0x35: {  	s10 =	sld [smem:$0x3FB4];
	_ =	sdelay $0x3  }
0x36: {  	p1 =	seq.s32 s10, $0x1;
	s10 =	sld [smem:$0x3FB5];
	_ =	sdelay $0x3  }
0x37: {  	[smem:$0x3FB5] =	sst s10  }
0x38: {  	s10 =	sld [smem:$0x3FB6]  }
0x39: {  	_ = 	snop;
	(pc) =	sbr.ind lr, $3  }
0x3a: {  	_ = 	snop  }
0x3b: {  	_ = 	snop  }
0x3c: {  	p2 =	seq.s32 s10, $0x1;
	s10 =	sld [smem:$0x3FB5]  }
0x3d: {  	_ =	shalt  }
0x3e: {  	_ =	shalt  }
0x3f: {  	_ =	shalt  }
0x40: {  	_ =	shalt  }
0x41: {  	_ =	shalt  }
0x42: {  	_ =	shalt  }
0x43: {  	_ =	shalt  }
0x44: {  	_ =	shalt  }
0x45: {  	_ =	shalt  }
0x46: {  	_ =	shalt  }
0x47: {  	_ =	shalt  }
0x48: {  	_ =	shalt  }
0x49: {  	_ =	shalt  }
0x4a: {  	_ =	shalt  }
0x4b: {  	_ =	shalt  }
0x4c: {  	_ =	shalt  }
0x4d: {  	_ =	shalt  }
0x4e: {  	_ =	shalt  }
0x4f: {  	_ =	shalt  }
0x50: {  	_ =	shalt  }
0x51: {  	_ =	shalt  }
0x52: {  	_ =	shalt  }
0x53: {  	_ =	shalt  }
0x54: {  	_ =	shalt  }
0x55: {  	_ =	shalt  }
0x56: {  	_ =	shalt  }
0x57: {  	_ =	shalt  }
0x58: {  	_ =	shalt  }
0x59: {  	_ =	shalt  }
0x5a: {  	_ =	shalt  }
0x5b: {  	_ =	shalt  }
0x5c: {  	_ =	shalt  }
0x5d: {  	_ =	shalt  }
0x5e: {  	_ =	shalt  }
0x5f: {  	_ =	shalt  }
0x60: {  	_ =	shalt  }
0x61: {  	_ =	shalt  }
0x62: {  	_ =	shalt  }
0x63: {  	_ =	shalt  }
0x64: {  	_ =	shalt  }
0x65: {  	_ =	shalt  }
0x66: {  	_ =	shalt  }
0x67: {  	_ =	shalt  }
0x68: {  	_ =	shalt  }
0x69: {  	_ =	shalt  }
0x6a: {  	_ =	shalt  }
0x6b: {  	_ =	shalt  }
0x6c: {  	_ =	shalt  }
0x6d: {  	_ =	shalt  }
0x6e: {  	_ =	shalt  }
0x6f: {  	_ =	shalt  }
0x70: {  	_ =	shalt  }
0x71: {  	_ =	shalt  }
0x72: {  	_ =	shalt  }
0x73: {  	_ =	shalt  }
0x74: {  	_ =	shalt  }
0x75: {  	_ =	shalt  }
0x76: {  	_ =	shalt  }
0x77: {  	_ =	shalt  }
0x78: {  	_ =	shalt  }
0x79: {  	_ =	shalt  }
0x7a: {  	_ =	shalt  }
0x7b: {  	_ =	shalt  }
0x7c: {  	_ =	shalt  }
0x7d: {  	_ =	shalt  }
0x7e: {  	_ =	shalt  }
0x7f: {  	_ =	shalt  }
0x80: {  	_ =	shalt  }
0x81: {  	_ =	shalt  }
0x82: {  	_ =	shalt  }
0x83: {  	_ =	shalt  }
0x84: {  	_ =	shalt  }
0x85: {  	_ =	shalt  }
0x86: {  	_ =	shalt  }
0x87: {  	_ =	shalt  }
.Lfunc_end0:
.L_simem_size_0:
called_computation_lowered:
.L_overlay_start_0:
0x88: {  	s2 =	sld [smem:$0x3FD9]  }
0x89: {  	s3 =	sld [smem:$0x3FFE];
	_ =	sdelay $0x1  }
0x8a: {  	s1 =	srdreg.scid  }
0x8b: {  	s0 =	sand.u32 $0x1, s1  }
0x8c: {  	s17 =	sshll.u32 s0, $0xA;
	s2 =	sadd.s32 s3, s2  }
0x8d: {  	s2 =	sadd.s32 s2, s17  }
0x8e: {  	[smem:$0x3FC1] =	sst s2  }
0x8f: {  	_ = 	snop  }
0x90: {  	s2 =	sld [smem:$0x3FC9]  }
0x91: {  	s18 =	sld [smem:$0x3FC8]  }
0x92: {  	s4 =	sld [smem:$0x3FC6]  }
0x93: {  	s5 =	sld [smem:$0x3FC5]  }
0x94: {  	s6 =	sld [smem:$0x3FD0];
	(tm) =	ssettm $0x1  }
0x95: {  	s7 =	sld [smem:$0x3FFB];
	_ =	sdelay $0x3  }
0x96: {  	_ =	strace s7  }
0x97: {  	s7 =	sld [smem:$0x3FFC];
	_ =	sdelay $0x3  }
0x98: {  	_ =	strace s7  }
0x99: {  	s7 =	sld [smem:$0x3FFD];
	_ =	sdelay $0x3  }
0x9a: {  	_ =	strace s7  }
0x9b: {  	_ =	strace $0x8FFFFFFF  }
0x9c: {  	s19 =	sld [smem:$0x3FDB];
	_ =	sdelay $0x1  }
0x9d: {  	s8 =	simm.s32 $_scs_section_size  }
0x9e: {  	s9 =	simm.s32 $_size__tile_overlayer_lowered;
	s10 =	simm.s32 $_tile_overlayer_lowered  }
0x9f: {  	s22 =	simm.s32 $0x1BFF;
	s21 =	sshll.u32 s10, $0x1;
	s7 =	sadd.s32 s8, s19  }
0xa0: {  	s11 =	simm.s32 $0x0;
	s20 =	sshll.u32 s9, $0x1;
	s9 =	sadd.s32 s21, s7  }
0xa1: {  	[timem:s11], [sflag:s22] =	dma.local [hbm:s9], s20  }
0xa2: {  	_ =	swait.ge [sflag:s22], s20  }
0xa3: {  	s8 =	ssub.s32 $0x0, s20;
	[sflag:s22] =	ssyncset.done $0x0  }
0xa4: {  	[sflag:s22] =	ssyncadd.s32 s8;
	_ =	sdelay $0x1  }
0xa5: {  	s23 =	simm.s32 $0x1B8B  }
0xa6: {  	_ =	swait.ge [sflag:s23], $0x1  }
0xa7: {  	[sflag:s23] =	ssyncset.done $0x0  }
0xa8: {  	s25 =	simm.s32 $0x1B8E;
	s24 =	sld [smem:$0x3FFE];
	[sflag:s23] =	ssyncadd.s32 $0xFFFFFFFF  }
0xa9: {  	s26 =	simm.s32 $execute0_lowered;
	[smem:$0x3FD2] =	sst s25  }
0xaa: {  	s9 =	sshll.u32 s26, $0x1;
	_ =	strace $0x80000046;
	[dreg:$0x1] =	wrdreg $0xFFFFFFFF  }
0xab: {  	s28 =	simm.s32 $_size_execute0_lowered;
	s7 =	sadd.s32 s7, s9;
	[dreg:$0x0] =	wrdreg $0x0  }
0xac: {  	s9 =	sshll.u32 s28, $0x1;
	[dreg:$0x2] =	wrdreg s7  }
0xad: {  	[dreg:$0x3] =	wrdreg s9  }
0xae: {  	[dreg:$0x4] =	wrdreg $0xC0  }
0xaf: {  	_ =	task [dreg:s11], $0x5FFFF  }
0xb0: {  	[dreg:$0x1] =	wrdreg $0xFFFFFFFF  }
0xb1: {  	[dreg:$0x0] =	wrdreg $0x60  }
0xb2: {  	[dreg:$0x2] =	wrdreg s2  }
0xb3: {  	[dreg:$0x3] =	wrdreg s18  }
0xb4: {  	[dreg:$0x4] =	wrdreg s6  }
0xb5: {  	[dreg:$0x5] =	wrdreg s4  }
0xb6: {  	[dreg:$0x6] =	wrdreg s5  }
0xb7: {  	[dreg:$0x7] =	wrdreg s24  }
0xb8: {  	[dreg:$0x8] =	wrdreg $0x0  }
0xb9: {  	[dreg:$0x9] =	wrdreg $0x9C400  }
0xba: {  	[dreg:$0xa] =	wrdreg $0x9  }
0xbb: {  	_ =	task.clear_ibuf [dreg:s11], $0xBFFFF;
	_ =	strace $0x90000046  }
0xbc: {  	s29 =	simm.s32 $0x9;
	_ =	strace $0x80000048  }
0xbd: {  	_ =	swait.ge [sflag:s29], $0x1  }
0xbe: {  	[sflag:s29] =	ssyncadd.s32 $0xFFFFFFFF  }
0xbf: {  	_ =	strace $0x90000048  }
0xc0: {  	_ =	sfence  }
0xc1: {  	s30 =	sld [smem:$0x0];
	_ =	sdelay $0x2  }
0xc2: {  	s31 =	sshll.u32 s1, $0xD;
	s1 =	sshrl.u32 s1, $0x2  }
0xc3: {  	s3 =	sand.u32 $0x4000, s31;
	s1 =	sadd.s32 s1, s30  }
0xc4: {  	s0 =	sor.u32 s3, s0;
	s1 =	sshll.u32 s1, $0x11  }
0xc5: {  	s0 =	sor.u32 s1, s0  }
0xc6: {  	s0 =	sadd.s32 $0x8F2B, s0  }
0xc7: {  	[sflag:s0] =	ssyncadd.remote.s32 $0x1  }
0xc8: {  	_ =	sfence.sel $0xFFFF  }
0xc9: {  	[dreg:$0x0] =	wrdreg $0xFFFFFFFF;
	(pc) =	sbr.abs _section_cstart, $3  }
0xca: {  	[dreg:$0x1] =	wrdreg $0xFFFFFFFF  }
0xcb: {  	_ =	task.clear_ibuf [dreg:s11], $0x2FFFF;
	_ =	strace $0x9FFFFFFF  }
0xcc: {  	(tm) =	ssettm $0x7FFFFFFF  }
0xcd: {  	_ =	shalt  }
tec
execute0_lowered:
.L_overlay_start_1:
0x0: {  	(tag) =	ssettag $0x1  }
0x1: {  	s13 =	rddreg [dreg:$0x2]  }
0x2: {  	s14 =	rddreg [dreg:$0x3]  }
0x3: {  	s15 =	rddreg [dreg:$0x4]  }
0x4: {  	s0 =	rddreg [dreg:$0x5]  }
0x5: {  	s6 =	rddreg [dreg:$0x6]  }
0x6: {  	s7 =	rddreg [dreg:$0x7];
	s8 =	simm.s32 $0x0;
	s1 =	srdreg.scid  }
0x7: {  	s16 =	stileid.u32;
	s30 =	simm.s32 $0x3;
	s31 =	simm.s32 $0x4  }
0x8: {  	[smem:$0x7FF] =	sst s8;
	s9 =	sand.u32 $0x1, s1;
	s4 =	smul.u32 $0x9C40, s16  }
0x9: {  	s18 =	sadd.s32 $0xC00, s0;
	s19 =	sadd.s32 $0xA00, s0;
	s23 =	smul.u32 $0x50, s16  }
0xa: {  	s2 =	sadd.s32 $0xE00, s0;
	s5 =	sshll.u32 s16, $0x6;
	s10 =	smul.u32 $0xA, s16  }
0xb: {  	s12 =	smul.u32 $0xA0, s16;
	_ =	strace $0x80000047;
	[dreg:$0x9] =	wrdreg s18  }
0xc: {  	p0 =	sne.s32 s16, $0x0;
	s29 =	sor.u32 $0x10, s16;
	[dreg:$0xa] =	wrdreg s19  }
0xd: {  	s20 =	smul.u32 $0x138800, s9;
	[dreg:$0xb] =	wrdreg s2;
	s21 =	ssub.s32 $0x2, s9  }
0xe: {  	s19 =	sor.u32 $0x1C09, s5;
	s28 =	sshll.u32 s9, $0x5;
	s3 =	sshrl.u32 s21, $0x1  }
0xf: {  	s24 =	sadd.s32 s4, s6;
	s4 =	sadd.s32 s4, s7;
	s25 =	sadd.s32 $0x500, s23  }
0x10: {  	s11 =	sadd.s32 s14, s10;
	s2 =	sadd.s32 s13, s23;
	s10 =	sadd.s32 s15, s10  }
0x11: {  	s23 =	simm.s32 $0x143A0;
	s1 =	sshrl.u32 s20, $0x3;
	[dreg:$0xd] =	wrdreg s11  }
0x12: {  	s22 =	ssub.s32 s21, s3;
	s26 =	sshrl.u32 s25, $0x3;
	[dreg:$0xe] =	wrdreg s2  }
0x13: {  	[dreg:$0xf] =	wrdreg s10;
	s17 =	sadd.s32 s13, s25;
	s20 =	sor.u32 s9, s12  }
0x14: {  	s3 =	sshrl.u32 s24, $0x3;
	s4 =	sshrl.u32 s4, $0x3;
	s10 =	simm.s32 $0x13E00  }
0x15: {  	s11 =	simm.s32 $0x13D10;
	s24 =	simm.s32 $0x2;
	s25 =	simm.s32 $0x15A20  }
0x16: {  	s2 =	smov.u32 s19;
	s0 =	sadd.s32 s1, s0;
	[dreg:$0x11] =	wrdreg s17  }
0x17: {  	v0 =	vlaneseq.u32;
	s14 =	sadd.s32 s14, s26;
	s18 =	sadd.s32 s15, s26;
	[dreg:$0x16] =	wrdreg s3  }
0x18: {  	v0 =	vmul.u32 $0x2, v0;
	s1 =	smax.u32 s22, $0x1;
	[dreg:$0x17] =	wrdreg s4;
	s5 =	sadd.s32 $0x20, s20  }
0x19: {  	s12 =	sadd.s32 $0x40, s20;
	s13 =	sadd.s32 $0x60, s20;
	s21 =	sadd.s32 $0x80, s20  }
0x1a: {  	v63 =	vmov s9;
	[tilespmem:$0x1FFD0] =	vst v0;
	s3 =	simm.s32 $0x13EA0;
	s15 =	simm.s32 $0x14120;
	[dreg:$0xc] =	wrdreg s2  }
0x1b: {  	[tilespmem:$0x1FFF0] =	vst v63;
	s17 =	simm.s32 $0x1;
	s22 =	simm.s32 $0x5;
	v1 =	vor.u32 s20, v0;
	[dreg:$0x10] =	wrdreg s14  }
.Ltmp0:
0x1c: {  	s20 =	simm.s32 $0x6;
	[dreg:$0x12] =	wrdreg s18;
	[tilespmem:$0x1FF90] =	vst v1;
	v60 =	vor.u32 s5, v0;
	(pc) =	sbr.rel .LBB2_1-.Ltmp0, $4  }
0x1d: {  	s4 =	simm.s32 $0x0;
	s26 =	sadd.s32 $0x2200, s0;
	[dreg:$0x15] =	wrdreg s1;
	v61 =	vor.u32 s12, v0;
	[tilespmem:$0x1FFA0] =	vst v60  }
0x1e: {  	s0 =	sadd.s32 $0x15A80, s0;
	s18 =	simm.s32 $0x50;
	v62 =	vor.u32 s13, v0;
	[dreg:$0x13] =	wrdreg s26;
	[tilespmem:$0x1FFB0] =	vst v61  }
0x1f: {  	s14 =	simm.s32 $0x18220;
	v0 =	vor.u32 s21, v0;
	[dreg:$0x14] =	wrdreg s0;
	s26 =	sor.u32 $0x30, s16;
	[tilespmem:$0x1FFC0] =	vst v62  }
0x20: {  	s12 =	simm.s32 $0x7;
	s16 =	simm.s32 $0x13E50;
	[tilespmem:$0x1FFE0] =	vst v0;
	[dreg:$0x18] =	wrdreg s26  }
.LBB2_18:
0x21: {  	_ =	swait.ge [sflag:s12], $0x1400  }
0x22: {  	[sflag:s12] =	ssyncset.done $0x0  }
0x23: {  	[sflag:s12] =	ssyncadd.s32 $0xFFFFEC00  }
0x24: {  	_ =	swait.ge [sflag:s12], $0x1400  }
0x25: {  	[sflag:s12] =	ssyncset.done $0x0  }
0x26: {  	s0 =	simm.s32 $0x8;
	[sflag:s12] =	ssyncadd.s32 $0xFFFFEC00  }
0x27: {  	_ =	swait.ge [sflag:s0], $0x1400  }
0x28: {  	[sflag:s0] =	ssyncset.done $0x0  }
0x29: {  	[sflag:s0] =	ssyncadd.s32 $0xFFFFEC00  }
0x2a: {  	_ =	swait.ge [sflag:s0], $0x1400  }
0x2b: {  	[sflag:s0] =	ssyncset.done $0x0  }
0x2c: {  	[sflag:s0] =	ssyncadd.s32 $0xFFFFEC00  }
0x2d: {  	[bflag:$0x0] =	sbarrier.arrive $0xFFFF  }
0x2e: {  	s2 =	rddreg [dreg:$0xc]  }
0x2f: {  	s0 =	sshrl.u32 @!p0 s6, $0x3;
	s1 =	rddreg [dreg:$0x13]  }
0x30: {  	[hbm:s1], [sflag:s2] =	dma.local @!p0 [spmem:s0], $0x13880  }
0x31: {  	s0 =	simm.s32 @!p0 $0x9  }
0x32: {  	_ =	swait.ge @!p0 [sflag:s0], $0x13880  }
0x33: {  	[sflag:s0] =	ssyncset.done @!p0 $0x0  }
0x34: {  	s1 =	sshrl.u32 @!p0 s7, $0x3;
	s4 =	rddreg [dreg:$0x14];
	[sflag:s0] =	ssyncadd.s32 @!p0 $0xFFFEC780  }
0x35: {  	[hbm:s4], [sflag:s2] =	dma.local @!p0 [spmem:s1], $0x13880  }
0x36: {  	_ =	swait.ge @!p0 [sflag:s0], $0x13880  }
0x37: {  	s21 =	rddreg [dreg:$0x19]  }
0x38: {  	s26 =	rddreg [dreg:$0x15];
	s4 =	sadd.s32 $0x1, s21  }
0x39: {  	p1 =	sne.s32 s4, s26  }
.Ltmp1:
0x3a: {  	_ = 	snop;
	(pc) =	sbr.rel @!p1 .LBB2_19-.Ltmp1, $3  }
0x3b: {  	_ =	sdelay $0x1  }
0x3c: {  	[sflag:s0] =	ssyncset.done @!p0 $0x0  }
0x3d: {  	[sflag:s0] =	ssyncadd.s32 @!p0 $0xFFFEC780  }
.LBB2_1:
0x3e: {  	[dreg:$0x19] =	wrdreg s4  }
0x3f: {  	s0 =	rddreg [dreg:$0xb]  }
0x40: {  	s1 =	rddreg [dreg:$0x16];
	s13 =	simm.s32 $0x9  }
0x41: {  	[spmem:s1], [sflag:s2] =	dma.local [hbm:s0], $0x1388  }
0x42: {  	_ =	swait.ge [sflag:s13], $0x1388  }
0x43: {  	[sflag:s13] =	ssyncset.done $0x0  }
0x44: {  	s19 =	rddreg [dreg:$0x17];
	[sflag:s13] =	ssyncadd.s32 $0xFFFFEC78  }
0x45: {  	[spmem:s19], [sflag:s2] =	dma.local [hbm:s0], $0x1388  }
0x46: {  	_ =	swait.ge [sflag:s13], $0x1388  }
0x47: {  	[sflag:s13] =	ssyncset.done $0x0  }
0x48: {  	s26 =	simm.s32 $0x13880;
	s21 =	rddreg [dreg:$0x9];
	[sflag:s13] =	ssyncadd.s32 $0xFFFFEC78  }
0x49: {  	[tilespmem:s26], [sflag:$0x9] =	stream.linear.gather [hbm4b:s21+s8], $0x40, $0x38;
	[tilespmem:$0x19620] =	vst v63  }
0x4a: {  	_ =	swait.ge [sflag:s13], $0x40  }
0x4b: {  	[sflag:s13] =	ssyncset.done $0x0  }
0x4c: {  	s5 =	simm.s32 $0x138C0;
	s2 =	rddreg [dreg:$0xa];
	[sflag:s13] =	ssyncadd.s32 $0xFFFFFFC0  }
0x4d: {  	[tilespmem:s5], [sflag:$0x9] =	stream.linear.gather [hbm4b:s2+s8], $0x400, $0x38;
	[tilespmem:$0x19620] =	vst v63  }
0x4e: {  	_ =	swait.ge [sflag:s13], $0x400  }
0x4f: {  	[sflag:s13] =	ssyncset.done $0x0  }
0x50: {  	[sflag:s13] =	ssyncadd.s32 $0xFFFFFC00  }
0x51: {  	[bflag:$0x0] =	sbarrier.arrive $0xFFFF  }
0x52: {  	v0 =	vld [tilespmem:$0x13880];
	_ =	sdelay $0x1  }
0x53: {  	v1 =	vld [tilespmem:$0x13890];
	_ =	sdelay $0x2  }
0x54: {  	s1 =	simm.s32 $0x13CC0;
	v7 =	vld [tilespmem:$0x138A0];
	s13 =	rddreg [dreg:$0xd];
	v2 =	vbroadcast v0, $0x0  }
0x55: {  	v8 =	vld [tilespmem:$0x138B0];
	[tilespmem:s1], [sflag:$0x1] =	stream.linear.gather [hbm4b:s13+s8], $0x50, $0x38  }
0x56: {  	s19 =	rddreg [dreg:$0xe];
	[tilespmem:$0x1FB90] =	vst v2;
	v2 =	vbroadcast v1, $0x0  }
0x57: {  	[tilespmem:s3], [sflag:$0x1] =	stream.linear.gather [hbm4b:s19+s8], $0x280, $0x38;
	[tilespmem:$0x19620] =	vst v63  }
0x58: {  	s21 =	rddreg [dreg:$0xf];
	[tilespmem:$0x1FBA0] =	vst v2;
	v2 =	vbroadcast v1, $0x8  }
0x59: {  	[tilespmem:s10], [sflag:$0x3] =	stream.linear.gather [hbm4b:s21+s8], $0x50, $0x38;
	[tilespmem:$0x19620] =	vst v63  }
0x5a: {  	s26 =	rddreg [dreg:$0x10];
	[tilespmem:$0x1FBB0] =	vst v2;
	v2 =	vbroadcast v7, $0x0  }
0x5b: {  	[tilespmem:s11], [sflag:$0x2] =	stream.linear.gather [hbm4b:s26+s8], $0x50, $0x38;
	[tilespmem:$0x19620] =	vst v63  }
0x5c: {  	s2 =	rddreg [dreg:$0x11];
	[tilespmem:$0x1FBC0] =	vst v2;
	v2 =	vbroadcast v8, $0x0  }
0x5d: {  	[tilespmem:s15], [sflag:$0x2] =	stream.linear.gather [hbm4b:s2+s8], $0x280, $0x38;
	[tilespmem:$0x19620] =	vst v63  }
0x5e: {  	s4 =	rddreg [dreg:$0x12];
	[tilespmem:$0x1FBD0] =	vst v2;
	v2 =	vbroadcast v8, $0x8  }
0x5f: {  	[tilespmem:s16], [sflag:$0x4] =	stream.linear.gather [hbm4b:s4+s8], $0x50, $0x38;
	[tilespmem:$0x19620] =	vst v63  }
0x60: {  	[tilespmem:$0x1FBE0] =	vst v2;
	v2 =	vbroadcast v0, $0x1  }
0x61: {  	_ =	swait.ge [sflag:s17], $0x50  }
0x62: {  	[tilespmem:$0x1FBF0] =	vst v2;
	v2 =	vbroadcast v0, $0x9;
	_ =	sdelay $0x1  }
0x63: {  	[tilespmem:$0x1FC00] =	vst v2;
	v2 =	vbroadcast v1, $0x1;
	_ =	sdelay $0x1  }
0x64: {  	[tilespmem:$0x1FC10] =	vst v2;
	v2 =	vbroadcast v1, $0x9;
	_ =	sdelay $0x1  }
0x65: {  	[tilespmem:$0x1FC20] =	vst v2;
	v2 =	vbroadcast v7, $0x1;
	_ =	sdelay $0x1  }
0x66: {  	[tilespmem:$0x1FC30] =	vst v2;
	v2 =	vbroadcast v7, $0x9  }
0x67: {  	[sflag:s17] =	ssyncset.done $0x0  }
0x68: {  	[sflag:s17] =	ssyncadd.s32 $0xFFFFFFB0;
	[tilespmem:$0x1FC40] =	vst v2;
	v2 =	vbroadcast v8, $0x1  }
0x69: {  	v9 =	vbroadcast v0, $0x8;
	_ =	swait.ge [sflag:s17], $0x280  }
0x6a: {  	v22 =	vbroadcast v7, $0x8;
	[tilespmem:$0x1FC50] =	vst v2  }
0x6b: {  	v58 =	vbroadcast v0, $0x2;
	[tilespmem:$0x1FC90] =	vst v9  }
0x6c: {  	v62 =	vbroadcast v0, $0xA;
	[tilespmem:$0x1FCA0] =	vst v22  }
0x6d: {  	v63 =	vbroadcast v1, $0x2;
	[tilespmem:$0x1FCB0] =	vst v58  }
0x6e: {  	v57 =	vbroadcast v1, $0xA;
	[tilespmem:$0x1FCC0] =	vst v62  }
0x6f: {  	v59 =	vbroadcast v7, $0x2;
	[tilespmem:$0x1FCD0] =	vst v63  }
0x70: {  	v60 =	vbroadcast v7, $0xA;
	[tilespmem:$0x1FCE0] =	vst v57  }
0x71: {  	v61 =	vbroadcast v8, $0x2;
	[tilespmem:$0x1FCF0] =	vst v59  }
0x72: {  	v36 =	vbroadcast v8, $0xA;
	[tilespmem:$0x1FD00] =	vst v60  }
0x73: {  	v32 =	vbroadcast v0, $0x3;
	[tilespmem:$0x1FD10] =	vst v61  }
0x74: {  	v29 =	vbroadcast v0, $0xB;
	[tilespmem:$0x1FD20] =	vst v36  }
0x75: {  	v33 =	vbroadcast v1, $0x3;
	[tilespmem:$0x1FD30] =	vst v32  }
0x76: {  	v34 =	vbroadcast v1, $0xB;
	[tilespmem:$0x1FD40] =	vst v29  }
0x77: {  	v37 =	vbroadcast v7, $0x3;
	[tilespmem:$0x1FD50] =	vst v33  }
0x78: {  	v38 =	vbroadcast v7, $0xB;
	[tilespmem:$0x1FD60] =	vst v34  }
0x79: {  	v39 =	vbroadcast v8, $0x3;
	[tilespmem:$0x1FD70] =	vst v37  }
0x7a: {  	v40 =	vbroadcast v8, $0xB;
	[tilespmem:$0x1FD80] =	vst v38  }
0x7b: {  	v19 =	vbroadcast v0, $0x4;
	[tilespmem:$0x1FD90] =	vst v39  }
0x7c: {  	v35 =	vbroadcast v0, $0xC;
	[tilespmem:$0x1FDA0] =	vst v40  }
0x7d: {  	v41 =	vbroadcast v1, $0x4;
	[tilespmem:$0x1FDB0] =	vst v19  }
0x7e: {  	v42 =	vbroadcast v1, $0xC;
	[tilespmem:$0x1FDC0] =	vst v35  }
0x7f: {  	v43 =	vbroadcast v7, $0x4;
	[tilespmem:$0x1FDD0] =	vst v41  }
0x80: {  	v44 =	vbroadcast v7, $0xC;
	[tilespmem:$0x1FDE0] =	vst v42  }
0x81: {  	v24 =	vbroadcast v8, $0x4;
	[tilespmem:$0x1FDF0] =	vst v43  }
0x82: {  	v45 =	vbroadcast v8, $0xC;
	[tilespmem:$0x1FE00] =	vst v44  }
0x83: {  	v18 =	vbroadcast v0, $0x5;
	[tilespmem:$0x1FE10] =	vst v24  }
0x84: {  	v46 =	vbroadcast v0, $0xD;
	[tilespmem:$0x1FE20] =	vst v45  }
0x85: {  	v47 =	vbroadcast v1, $0xD;
	[tilespmem:$0x1FE30] =	vst v18  }
0x86: {  	v48 =	vbroadcast v7, $0xD;
	[tilespmem:$0x1FE40] =	vst v46  }
0x87: {  	v49 =	vbroadcast v8, $0x5;
	[tilespmem:$0x1FE60] =	vst v47  }
0x88: {  	v2 =	vbroadcast v8, $0x9;
	[sflag:s17] =	ssyncset.done $0x0;
	[tilespmem:$0x1FE80] =	vst v48  }
0x89: {  	v30 =	vbroadcast v1, $0x6;
	[tilespmem:$0x1FE90] =	vst v49;
	[sflag:s17] =	ssyncadd.s32 $0xFFFFFD80  }
0x8a: {  	v50 =	vbroadcast v1, $0xE;
	[tilespmem:$0x1FC60] =	vst v2;
	v2 =	vld [tilespmem:$0x13CC0]  }
0x8b: {  	v51 =	vbroadcast v7, $0xE;
	v6 =	vld [tilespmem:$0x1FFF0];
	[tilespmem:$0x1FEC0] =	vst v30  }
0x8c: {  	v52 =	vbroadcast v8, $0x6;
	[tilespmem:$0x1FED0] =	vst v50;
	v3 =	vld [tilespmem:$0x13CD0]  }
0x8d: {  	v53 =	vbroadcast v8, $0xE;
	[tilespmem:$0x1FEF0] =	vst v51  }
0x8e: {  	v20 =	vbroadcast v0, $0x7;
	[tilespmem:$0x1FF00] =	vst v52  }
0x8f: {  	[tilespmem:$0x1FF10] =	vst v53;
	v2 =	vshll.u32 v2, $0x1  }
0x90: {  	v31 =	vbroadcast v0, $0xF;
	[tilespmem:$0x1FF20] =	vst v20;
	v4 =	vld [tilespmem:$0x13CE0];
	v2 =	vor.u32 v6, v2  }
0x91: {  	v54 =	vbroadcast v1, $0x7;
	[tilespmem:$0x13CC0] =	vst v2;
	v2 =	vshll.u32 v3, $0x1;
	v3 =	vld [tilespmem:$0x1FF90]  }
0x92: {  	v55 =	vbroadcast v7, $0x7;
	[tilespmem:$0x1FF30] =	vst v31;
	v5 =	vld [tilespmem:$0x13CF0]  }
0x93: {  	[tilespmem:$0x1FF40] =	vst v54  }
0x94: {  	[tilespmem:$0x1FF60] =	vst v55;
	v2 =	vor.u32 v6, v2  }
0x95: {  	[tilespmem:$0x13CD0] =	vst v2;
	v2 =	vshll.u32 v4, $0x1;
	v4 =	vld [tilespmem:$0x1FFA0]  }
0x96: {  	v56 =	vbroadcast v8, $0x7;
	v2 =	vor.u32 v6, v2;
	[tilespmem:$0x13D60] =	vst v3;
	v3 =	vld [tilespmem:$0x13D00]  }
0x97: {  	[tilespmem:$0x13CE0] =	vst v2;
	v2 =	vshll.u32 v5, $0x1  }
0x98: {  	[tilespmem:$0x1FF80] =	vst v56;
	v2 =	vor.u32 v6, v2  }
0x99: {  	v5 =	vbroadcast v1, $0x5;
	[tilespmem:$0x13CF0] =	vst v2  }
0x9a: {  	v1 =	vbroadcast v1, $0xF;
	[tilespmem:$0x13D70] =	vst v4;
	v4 =	vld [tilespmem:$0x1FFB0]  }
0x9b: {  	[tilespmem:$0x1FE50] =	vst v5;
	v2 =	vshll.u32 v3, $0x1;
	v3 =	vbroadcast v8, $0xD  }
0x9c: {  	[tilespmem:$0x1FF50] =	vst v1  }
0x9d: {  	v2 =	vor.u32 v6, v2;
	[tilespmem:$0x1FC70] =	vst v3;
	v3 =	vld [tilespmem:$0x1FFC0]  }
0x9e: {  	v6 =	vbroadcast v0, $0xE;
	[tilespmem:$0x13D00] =	vst v2;
	v2 =	vld [tilespmem:$0x1FFE0]  }
0x9f: {  	[tilespmem:$0x13D80] =	vst v4;
	v4 =	vbroadcast v7, $0x5  }
0xa0: {  	[tilespmem:$0x1FEB0] =	vst v6  }
0xa1: {  	[tilespmem:$0x1FE70] =	vst v4  }
0xa2: {  	[tilespmem:$0x13D90] =	vst v3  }
0xa3: {  	s13 =	simm.s32 $0x14620;
	s5 =	rddreg [dreg:$0x0];
	v3 =	vbroadcast v0, $0x6;
	[tilespmem:$0x13DA0] =	vst v2;
	v0 =	vbroadcast v8, $0xF  }
0xa4: {  	[tilespmem:s13], [sflag:$0x5] =	stream.indirect.gather [hbm4b:s5+s18], $0x40, s1, s18, $0xb8;
	[tilespmem:$0x19620] =	vst v63  }
0xa5: {  	v2 =	vbroadcast v7, $0x6;
	[tilespmem:$0x1FC80] =	vst v0  }
0xa6: {  	v7 =	vbroadcast v7, $0xF;
	[tilespmem:$0x1FEA0] =	vst v3  }
0xa7: {  	s21 =	simm.s32 $0x13D60;
	[tilespmem:$0x1FEE0] =	vst v2  }
0xa8: {  	s26 =	simm.s32 $0x16E20;
	s19 =	rddreg [dreg:$0x1];
	s5 =	simm.s32 $0x0;
	[tilespmem:$0x1FF70] =	vst v7  }
0xa9: {  	v8 =	vmov v9;
	[tilespmem:s26], [sflag:$0x5] =	stream.indirect.gather [hbm4b:s19+s18], $0x40, s21, s18, $0xb8;
	[tilespmem:$0x19620] =	vst v63  }
.LBB2_2:
0xaa: {  	s0 =	simm.s32 $0x0;
	v0 =	vlaneseq.u32  }
0xab: {  	v9 =	vmov s0;
	v0 =	vmul.u32 $0x8, v0  }
0xac: {  	_ =	swait.ge [sflag:s22], $0x1400;
	v9 =	vshll.u32 v9, $0x3  }
0xad: {  	[sflag:s22] =	ssyncset.done $0x0;
	v11 =	vor.u32 v0, v9  }
0xae: {  	[sflag:s22] =	ssyncadd.s32 $0xFFFFEC00;
	[tilespmem:$0x1FB80] =	vst v0  }
0xaf: {  	_ =	swait.ge [sflag:s22], $0x1400  }
0xb0: {  	v9 =	vor.u32 $0x5, v11;
	[sflag:s22] =	ssyncset.done $0x0  }
0xb1: {  	v13 =	vor.u32 $0x1, v11;
	v0 =	vld [tilespmem:$0x1FB90];
	[sflag:s22] =	ssyncadd.s32 $0xFFFFEC00  }
0xb2: {  	v15 =	vld.idx.msk [tilespmem:v11+s3+$0x0], $0xffff  }
0xb3: {  	v14 =	vor.u32 $0x2, v11;
	_ =	sdelay $0x1  }
0xb4: {  	v12 =	vor.u32 $0x6, v11;
	v10 =	vld.idx.msk [tilespmem:v9+s3+$0x0], $0xffff  }
0xb5: {  	v16 =	vor.u32 $0x3, v11;
	v13 =	vld.idx.msk [tilespmem:v13+s3+$0x0], $0xffff  }
0xb6: {  	v17 =	vmul.f32 v15, v0;
	v0 =	vld [tilespmem:$0x1FBF0]  }
0xb7: {  	v21 =	vld.idx.msk [tilespmem:v14+s3+$0x0], $0xffff  }
0xb8: {  	v18 =	vmul.f32 v15, v18;
	v19 =	vmul.f32 v15, v19  }
0xb9: {  	v9 =	vld.idx.msk [tilespmem:v12+s3+$0x0], $0xffff;
	v20 =	vmul.f32 v15, v20;
	v25 =	vmul.f32 v15, v3  }
0xba: {  	v28 =	vld.idx.msk [tilespmem:v16+s3+$0x0], $0xffff;
	v16 =	vor.u32 $0x4, v11;
	v12 =	vmul.f32 v10, v22;
	v26 =	vmul.f32 v13, v6  }
0xbb: {  	v22 =	vmul.f32 v15, v58;
	v23 =	vmul.f32 v15, v0;
	v0 =	vld [tilespmem:$0x1FBD0]  }
0xbc: {  	v25 =	vadd.f32 v26, v25;
	v26 =	vmul.f32 v21, v30;
	v30 =	vmul.f32 v13, v62  }
0xbd: {  	v29 =	vmul.f32 v13, v29;
	v15 =	vmul.f32 v15, v32  }
0xbe: {  	v25 =	vadd.f32 v26, v25;
	v22 =	vadd.f32 v30, v22  }
0xbf: {  	v62 =	vld.idx.msk [tilespmem:v16+s3+$0x0], $0xffff;
	v30 =	vmul.f32 v21, v33;
	v15 =	vadd.f32 v29, v15;
	v29 =	vmul.f32 v28, v50  }
0xc0: {  	v16 =	vmul.f32 v28, v34;
	v14 =	vmul.f32 v9, v0;
	v0 =	vld [tilespmem:$0x1FC10]  }
0xc1: {  	v15 =	vadd.f32 v30, v15;
	v25 =	vadd.f32 v29, v25;
	v29 =	vmul.f32 v13, v35  }
0xc2: {  	v31 =	vmul.f32 v13, v31  }
0xc3: {  	v30 =	vadd.f32 v16, v15;
	v15 =	vadd.f32 v29, v19;
	v19 =	vmul.f32 v13, v46  }
0xc4: {  	v26 =	vmul.f32 v21, v63  }
0xc5: {  	v20 =	vadd.f32 v31, v20;
	v18 =	vadd.f32 v19, v18;
	v19 =	vmul.f32 v21, v0;
	v0 =	vld [tilespmem:$0x1FC00]  }
0xc6: {  	v31 =	vmul.f32 v21, v54;
	v22 =	vadd.f32 v26, v22;
	v26 =	vmul.f32 v28, v57;
	_ =	sdelay $0x1  }
0xc7: {  	v20 =	vadd.f32 v31, v20;
	v22 =	vadd.f32 v26, v22;
	v26 =	vmul.f32 v28, v1;
	_ =	sdelay $0x1  }
0xc8: {  	v20 =	vadd.f32 v26, v20;
	v26 =	vmul.f32 v13, v8;
	v13 =	vmul.f32 v13, v0;
	v0 =	vld [tilespmem:$0x1FBC0];
	_ =	sdelay $0x3  }
0xc9: {  	v11 =	vor.u32 $0x7, v11  }
0xca: {  	v63 =	vmul.f32 v62, v0;
	v0 =	vld [tilespmem:$0x1FBA0]  }
0xcb: {  	v16 =	vmul.f32 v21, v41;
	_ =	sdelay $0x1  }
0xcc: {  	v15 =	vadd.f32 v16, v15;
	v16 =	vmul.f32 v62, v2  }
0xcd: {  	v11 =	vld.idx.msk [tilespmem:v11+s3+$0x0], $0xffff;
	v29 =	vmul.f32 v21, v5  }
0xce: {  	v31 =	vadd.f32 v26, v17;
	v26 =	vadd.f32 v16, v25;
	v21 =	vmul.f32 v21, v0;
	v0 =	vld [tilespmem:$0x1FC80]  }
0xcf: {  	v16 =	vmul.f32 v28, v47;
	v18 =	vadd.f32 v29, v18;
	v25 =	vmul.f32 v62, v55;
	_ =	sdelay $0x1  }
0xd0: {  	v16 =	vadd.f32 v16, v18;
	v25 =	vadd.f32 v25, v20;
	v20 =	vmul.f32 v62, v4;
	_ =	sdelay $0x1  }
0xd1: {  	v20 =	vadd.f32 v20, v16;
	v16 =	vmul.f32 v11, v0;
	v0 =	vld [tilespmem:$0x1FC30]  }
0xd2: {  	v17 =	vmul.f32 v62, v59;
	_ =	sdelay $0x1  }
0xd3: {  	v17 =	vadd.f32 v17, v22;
	v13 =	vadd.f32 v13, v23;
	v23 =	vmul.f32 v10, v60  }
0xd4: {  	v22 =	vmul.f32 v28, v42  }
0xd5: {  	v23 =	vadd.f32 v23, v17;
	v17 =	vmul.f32 v62, v0;
	v0 =	vld [tilespmem:$0x1FC20]  }
0xd6: {  	v18 =	vmul.f32 v62, v43;
	v15 =	vadd.f32 v22, v15;
	_ =	sdelay $0x1  }
0xd7: {  	v22 =	vmul.f32 v10, v44;
	v18 =	vadd.f32 v18, v15  }
0xd8: {  	v27 =	vmul.f32 v10, v7  }
0xd9: {  	v3 =	vmovc v52;
	v24 =	vmul.f32 v9, v24;
	v22 =	vadd.f32 v22, v18;
	v18 =	vmul.f32 v28, v0;
	v0 =	vld [tilespmem:$0x1FBB0]  }
0xda: {  	v58 =	vmovc v50;
	v34 =	vmul.f32 v9, v52;
	v29 =	vadd.f32 v27, v25;
	v25 =	vmul.f32 v62, v37  }
0xdb: {  	v33 =	vmul.f32 v11, v53;
	v57 =	vmovc v46;
	v8 =	vmovc v1;
	v1 =	vmov v6;
	v27 =	vmul.f32 v9, v61  }
0xdc: {  	v5 =	vmovc v7;
	v7 =	vmovc v54;
	v6 =	vmov v56;
	v15 =	vmul.f32 v9, v56;
	v25 =	vadd.f32 v25, v30  }
0xdd: {  	v2 =	vmovc v51;
	v22 =	vadd.f32 v24, v22;
	v23 =	vadd.f32 v27, v23;
	v27 =	vmul.f32 v10, v38  }
0xde: {  	v59 =	vmovc v55;
	v24 =	vmul.f32 v11, v45;
	v21 =	vadd.f32 v21, v31;
	v28 =	vmul.f32 v28, v0  }
0xdf: {  	v61 =	vmovc v4;
	v19 =	vadd.f32 v19, v13;
	v27 =	vadd.f32 v27, v25;
	v31 =	vmul.f32 v9, v39  }
0xe0: {  	v4 =	vmovc v44;
	v30 =	vmul.f32 v11, v36;
	v13 =	vadd.f32 v24, v22;
	v28 =	vadd.f32 v28, v21  }
0xe1: {  	v60 =	vmovc v47;
	v24 =	vmul.f32 v11, v40;
	v22 =	vmul.f32 v10, v51;
	v27 =	vadd.f32 v31, v27  }
0xe2: {  	s1 =	simm.s32 $0x144E0;
	s13 =	simm.s32 $0x10;
	s0 =	simm.s32 $0x144E0;
	v62 =	vmovc v48;
	v0 =	vmovc v53;
	v21 =	vmul.f32 v10, v48;
	v25 =	vadd.f32 v63, v28;
	v63 =	vmov v45  }
.LBB2_3:
0xe3: {  	_ = 	snop  }
0xe4: {  	v20 =	vadd.f32 v21, v20;
	v21 =	vadd.f32 v24, v27;
	v24 =	vld [tilespmem:$0x1FC70]  }
0xe5: {  	v22 =	vadd.f32 v22, v26;
	v26 =	vld [tilespmem:$0x1FBE0];
	_ =	sdelay $0x1  }
0xe6: {  	v12 =	vadd.f32 v12, v25  }
0xe7: {  	v31 =	vmul.f32 v9, v49  }
0xe8: {  	v12 =	vadd.f32 v14, v12  }
0xe9: {  	v24 =	vmul.f32 v11, v24;
	v20 =	vadd.f32 v31, v20;
	v27 =	vmul.f32 v11, v26  }
0xea: {  	v28 =	vsub.f32 $0.0e+00, v13  }
0xeb: {  	v26 =	vadd.f32 v24, v20;
	v20 =	vadd.f32 v27, v12;
	v12 =	vld [tilespmem:$0x1FB80]  }
0xec: {  	v25 =	vmul.f32 $1.442695020e+00, v28  }
0xed: {  	s2 =	smov.u32 s13;
	v22 =	vadd.f32 v34, v22  }
0xee: {  	v28 =	vsub.f32 $0.0e+00, v21;
	v14 =	vmov s2;
	(erf) = vpow2.f32 v25  }
0xef: {  	v14 =	vshll.u32 v14, $0x3;
	v22 =	vadd.f32 v33, v22  }
0xf0: {  	v24 =	vmul.f32 $1.442695020e+00, v28;
	v32 =	vsub.f32 $0.0e+00, v20;
	v12 =	vor.u32 v12, v14  }
0xf1: {  	v35 =	vsub.f32 $0.0e+00, v22  }
0xf2: {  	(erf) = vpow2.f32 v24;
	v32 =	vmul.f32 $1.442695020e+00, v32;
	v14 =	vsub.f32 $0.0e+00, v26  }
0xf3: {  	v24 =	vor.u32 $0x1, v12;
	v25 =	vor.u32 $0x2, v12;
	v27 =	vor.u32 $0x7, v12  }
0xf4: {  	v28 =	vor.u32 $0x4, v12;
	v31 =	vor.u32 $0x5, v12;
	v54 =	vor.u32 $0x3, v12  }
0xf5: {  	v55 =	vor.u32 $0x6, v12;
	(erf) = vpow2.f32 v32;
	v14 =	vmul.f32 $1.442695020e+00, v14;
	v36 =	vld.idx.msk [tilespmem:v12+s3+$0x0], $0xffff  }
0xf6: {  	v12 =	vadd.f32 v18, v19;
	v19 =	vadd.f32 v30, v23;
	v18 =	vmul.f32 $1.442695020e+00, v35;
	v23 =	vld [tilespmem:$0x1FC40]  }
0xf7: {  	v37 =	vadd.f32 v15, v29;
	v15 =	vpop (erf);
	(erf) = vpow2.f32 v14  }
0xf8: {  	(erf) = vpow2.f32 v18;
	v18 =	vld [tilespmem:$0x1FC50];
	_ =	sdelay $0x2  }
0xf9: {  	v12 =	vadd.f32 v17, v12;
	v29 =	vmul.f32 v10, v23;
	_ =	sdelay $0x1  }
0xfa: {  	v12 =	vadd.f32 v29, v12;
	v18 =	vmul.f32 v9, v18;
	_ =	sdelay $0x1  }
0xfb: {  	v12 =	vadd.f32 v18, v12;
	v18 =	vld [tilespmem:$0x1FC60]  }
0xfc: {  	v29 =	vld.idx.msk [tilespmem:v24+s3+$0x0], $0xffff  }
0xfd: {  	v24 =	vld [tilespmem:$0x1FB90];
	_ =	sdelay $0x2  }
0xfe: {  	v11 =	vmul.f32 v11, v18  }
0xff: {  	v10 =	vld.idx.msk [tilespmem:v31+s3+$0x0], $0xffff  }
0x100: {  	v35 =	vmul.f32 v36, v24;
	v24 =	vadd.f32 v11, v12;
	v11 =	vld [tilespmem:$0x1FCA0]  }
0x101: {  	v23 =	vadd.f32 v16, v37  }
0x102: {  	v16 =	vadd.f32 $1.000000000e+00, v15;
	v15 =	vsub.f32 $0.0e+00, v19  }
0x103: {  	v14 =	vld.idx.msk [tilespmem:v27+s3+$0x0], $0xffff  }
0x104: {  	v15 =	vmul.f32 $1.442695020e+00, v15;
	v18 =	vld [tilespmem:$0x1FE30]  }
0x105: {  	v12 =	vmul.f32 v10, v11;
	v11 =	vld [tilespmem:$0x1FCB0]  }
0x106: {  	v27 =	vpop (erf);
	(erf) = vpow2.f32 v15;
	v15 =	vld [tilespmem:$0x1FDB0];
	_ =	sdelay $0x3  }
0x107: {  	v38 =	vmul.f32 v36, v18;
	v18 =	vmul.f32 v36, v11;
	v11 =	vmov v14;
	v14 =	vld [tilespmem:$0x1FBF0]  }
0x108: {  	v40 =	vmul.f32 v36, v15;
	v15 =	vld [tilespmem:$0x1FF20];
	_ =	sdelay $0x2  }
0x109: {  	v9 =	vld.idx.msk [tilespmem:v55+s3+$0x0], $0xffff  }
0x10a: {  	v30 =	vmul.f32 v36, v14;
	v14 =	vld [tilespmem:$0x1FE10]  }
0x10b: {  	v41 =	vmul.f32 v36, v15;
	v15 =	vld [tilespmem:$0x1FEA0];
	_ =	sdelay $0x3  }
0x10c: {  	v33 =	vld.idx.msk [tilespmem:v25+s3+$0x0], $0xffff;
	v17 =	vsub.f32 $0.0e+00, v23;
	v25 =	vmul.f32 v9, v14;
	v14 =	vpop (erf)  }
0x10d: {  	v43 =	vmul.f32 v36, v15;
	v15 =	vpop (erf)  }
0x10e: {  	v17 =	vmul.f32 $1.442695020e+00, v17;
	v47 =	vpop (erf);
	(erf) = vrcp.f32 v16;
	v16 =	vld [tilespmem:$0x1FEC0]  }
0x10f: {  	v48 =	vld [tilespmem:$0x1FD40]  }
0x110: {  	v51 =	vld [tilespmem:$0x1FF30];
	v55 =	vpop (erf);
	(erf) = vpow2.f32 v17  }
0x111: {  	v52 =	vld [tilespmem:$0x1FD70];
	v45 =	vmul.f32 v29, v1  }
0x112: {  	v39 =	vld.idx.msk [tilespmem:v28+s3+$0x0], $0xffff;
	v42 =	vsub.f32 $0.0e+00, v24  }
0x113: {  	v50 =	vld.idx.msk [tilespmem:v54+s3+$0x0], $0xffff;
	v43 =	vadd.f32 v45, v43;
	v46 =	vadd.f32 $1.000000000e+00, v15;
	v56 =	vmul.f32 v33, v16  }
0x114: {  	v54 =	vld [tilespmem:$0x1FCD0];
	v37 =	vadd.f32 $1.000000000e+00, v27;
	v42 =	vmul.f32 $1.442695020e+00, v42  }
0x115: {  	v44 =	vadd.f32 $1.000000000e+00, v14;
	(erf) = vrcp.f32 v46;
	v43 =	vadd.f32 v56, v43;
	v56 =	vld [tilespmem:$0x1FCC0]  }
0x116: {  	v15 =	vld [tilespmem:$0x1FC10];
	(erf) = vpow2.f32 v42  }
0x117: {  	v17 =	vld [tilespmem:$0x1FC30];
	v49 =	vadd.f32 $1.000000000e+00, v55;
	(erf) = vrcp.f32 v44  }
0x118: {  	v55 =	vld [tilespmem:$0x1FD30];
	v44 =	vadd.f32 $1.000000000e+00, v47;
	v47 =	vpop (erf);
	(erf) = vrcp.f32 v37  }
0x119: {  	v37 =	vpop (erf);
	(erf) = vrcp.f32 v49;
	v49 =	vld [tilespmem:$0x1FCE0]  }
0x11a: {  	v45 =	vmul.f32 v29, v56;
	v56 =	vld [tilespmem:$0x1FD60]  }
0x11b: {  	v51 =	vmul.f32 v29, v51;
	v46 =	vmul.f32 v33, v54;
	v54 =	vld [tilespmem:$0x1FDF0]  }
0x11c: {  	v48 =	vmul.f32 v29, v48;
	v16 =	vld [tilespmem:$0x1FD50];
	v42 =	vadd.f32 v45, v18;
	v45 =	vmul.f32 v50, v58  }
0x11d: {  	v41 =	vadd.f32 v51, v41;
	v28 =	vmul.f32 v33, v15;
	v15 =	vld [tilespmem:$0x1FBC0];
	v36 =	vmul.f32 v36, v55  }
0x11e: {  	v51 =	vmul.f32 v33, v7;
	v43 =	vadd.f32 v45, v43;
	v45 =	vmul.f32 v50, v49;
	v49 =	vld [tilespmem:$0x1FEE0]  }
0x11f: {  	v36 =	vadd.f32 v48, v36;
	v48 =	vmul.f32 v50, v56;
	v56 =	vld [tilespmem:$0x1FCF0]  }
0x120: {  	v52 =	vmul.f32 v39, v52;
	v41 =	vadd.f32 v51, v41;
	v51 =	vld [tilespmem:$0x1FDC0];
	v17 =	vmul.f32 v39, v17  }
0x121: {  	v54 =	vmul.f32 v39, v54;
	v34 =	vmul.f32 v33, v16  }
0x122: {  	v55 =	vmul.f32 v39, v61;
	v27 =	vmul.f32 v39, v15  }
0x123: {  	v34 =	vadd.f32 v34, v36;
	v36 =	vmul.f32 v39, v59;
	v42 =	vadd.f32 v46, v42  }
0x124: {  	v46 =	vmul.f32 v39, v49;
	v49 =	vpop (erf);
	v56 =	vmul.f32 v39, v56  }
0x125: {  	v26 =	vmul.f32 v49, v26;
	v39 =	vadd.f32 v45, v42;
	v42 =	vmul.f32 v29, v51;
	_ =	sdelay $0x1  }
0x126: {  	[tilespmem:s0+$0x50] =	vst v26;
	v26 =	vadd.f32 v42, v40;
	v42 =	vld [tilespmem:$0x1FDD0];
	_ =	sdelay $0x3  }
0x127: {  	(erf) = vrcp.f32 v44;
	v44 =	vmul.f32 v50, v8  }
0x128: {  	v48 =	vadd.f32 v48, v34;
	v34 =	vmul.f32 v33, v42  }
0x129: {  	v49 =	vld [tilespmem:$0x1FC90];
	v41 =	vadd.f32 v44, v41  }
0x12a: {  	v44 =	vadd.f32 v34, v26;
	v26 =	vadd.f32 v46, v43;
	v46 =	vld [tilespmem:$0x1FC00];
	_ =	sdelay $0x1  }
0x12b: {  	v37 =	vadd.f32 $1.000000000e+00, v37  }
0x12c: {  	v53 =	vld [tilespmem:$0x1FE50];
	v13 =	vmul.f32 v47, v13;
	v45 =	vpop (erf)  }
0x12d: {  	v51 =	vpop (erf);
	(erf) = vrcp.f32 v37;
	v37 =	vmul.f32 v29, v57  }
0x12e: {  	v47 =	vld [tilespmem:$0x1FDE0];
	v49 =	vmul.f32 v29, v49;
	v29 =	vmul.f32 v29, v46;
	_ =	sdelay $0x1  }
0x12f: {  	v43 =	vadd.f32 v29, v30;
	v29 =	vld [tilespmem:$0x1FD20]  }
0x130: {  	v53 =	vmul.f32 v33, v53;
	v14 =	vld [tilespmem:$0x1FBD0];
	v45 =	vadd.f32 $1.000000000e+00, v45;
	v42 =	vpop (erf)  }
0x131: {  	v31 =	vmul.f32 v10, v5;
	[tilespmem:s0+$0x0] =	vst v13;
	v13 =	vld [tilespmem:$0x1FBA0];
	v37 =	vadd.f32 v37, v38;
	v21 =	vmul.f32 v42, v21  }
0x132: {  	v36 =	vadd.f32 v36, v41;
	v38 =	vpop (erf);
	v42 =	vmul.f32 v50, v47;
	(erf) = vrcp.f32 v45;
	v47 =	vld [tilespmem:$0x1FD00]  }
0x133: {  	v32 =	vmul.f32 v10, v4;
	v18 =	vld [tilespmem:$0x1FC20];
	v40 =	vmul.f32 v50, v60;
	v39 =	vadd.f32 v56, v39  }
0x134: {  	v37 =	vadd.f32 v53, v37;
	v53 =	vpop (erf);
	v30 =	vmul.f32 v11, v29;
	v29 =	vadd.f32 v31, v36;
	v31 =	vld [tilespmem:$0x1FBB0]  }
0x135: {  	v56 =	vmul.f32 v53, v22;
	v53 =	vmul.f32 v51, v20;
	v20 =	vld [tilespmem:$0x1FD10];
	v41 =	vadd.f32 v42, v44  }
0x136: {  	v14 =	vmul.f32 v9, v14;
	v13 =	vmul.f32 v33, v13;
	v35 =	vadd.f32 v49, v35  }
0x137: {  	v16 =	vld [tilespmem:$0x1FC80];
	v37 =	vadd.f32 v40, v37;
	v40 =	vmul.f32 v10, v47;
	v47 =	vadd.f32 v54, v41  }
0x138: {  	v15 =	vmul.f32 v9, v6;
	v18 =	vmul.f32 v50, v18;
	v13 =	vadd.f32 v13, v35;
	v22 =	vpop (erf);
	v54 =	vld [tilespmem:$0x1FD80]  }
0x139: {  	v22 =	vmul.f32 v22, v23;
	v32 =	vadd.f32 v32, v47;
	v31 =	vmul.f32 v50, v31  }
0x13a: {  	[tilespmem:s0+$0xA0] =	vst v56;
	v56 =	vmul.f32 v9, v20;
	v20 =	vadd.f32 v55, v37;
	v55 =	vld [tilespmem:$0x1FD90];
	v50 =	vadd.f32 v40, v39  }
0x13b: {  	[tilespmem:s0+$0xF0] =	vst v22;
	v22 =	vadd.f32 v31, v13;
	v13 =	vadd.f32 v25, v32;
	v25 =	vmul.f32 v38, v19;
	v19 =	vpop (erf)  }
0x13c: {  	p1 =	sne.s32 s13, $0x40;
	v16 =	vmul.f32 v11, v16;
	v23 =	vadd.f32 v56, v50;
	v56 =	vmul.f32 v19, v24;
	v24 =	vld [tilespmem:$0x1FDA0]  }
.Ltmp2:
0x13d: {  	v33 =	vmul.f32 v11, v0;
	[tilespmem:s0+$0xFFFFFEC0] =	vst v53;
	v53 =	vadd.f32 v52, v48;
	v37 =	vmul.f32 v10, v54;
	(pc) =	sbr.rel @p1 .LBB2_3-.Ltmp2, $4  }
0x13e: {  	v34 =	vmul.f32 v9, v3;
	v51 =	vmul.f32 v11, v63  }
0x13f: {  	[tilespmem:s0+$0xFFFFFFB0] =	vst v21;
	v31 =	vadd.f32 v37, v53;
	v32 =	vmul.f32 v9, v55;
	v19 =	vadd.f32 v28, v43  }
0x140: {  	s1 =	sadd.s32 $0x10, s1;
	v21 =	vmul.f32 v10, v62;
	v13 =	vadd.f32 v51, v13;
	[tilespmem:s0+$0xFFFFFF60] =	vst v25;
	v25 =	vadd.f32 v27, v22  }
0x141: {  	s13 =	sadd.s32 $0x10, s13;
	v49 =	vld [tilespmem:$0x1FE90];
	v27 =	vadd.f32 v32, v31;
	v22 =	vmul.f32 v10, v2;
	[tilespmem:s0+$0xFFFFFF10] =	vst v56;
	s0 =	smov.u32 s1;
	v24 =	vmul.f32 v11, v24  }
0x142: {  	v0 =	vld [tilespmem:$0x1FBE0]  }
0x143: {  	v56 =	vld [tilespmem:$0x1FC70];
	_ =	sdelay $0x1  }
0x144: {  	v12 =	vadd.f32 v12, v25  }
0x145: {  	v20 =	vadd.f32 v21, v20;
	v21 =	vmul.f32 v9, v49  }
0x146: {  	v12 =	vadd.f32 v14, v12;
	v25 =	vmul.f32 v11, v0  }
0x147: {  	v14 =	vadd.f32 v24, v27;
	v24 =	vmul.f32 v11, v56;
	v20 =	vadd.f32 v21, v20  }
0x148: {  	v21 =	vsub.f32 $0.0e+00, v13;
	v12 =	vadd.f32 v25, v12  }
0x149: {  	v25 =	vsub.f32 $0.0e+00, v14;
	v20 =	vadd.f32 v24, v20  }
0x14a: {  	v22 =	vadd.f32 v22, v26;
	v21 =	vmul.f32 $1.442695020e+00, v21;
	v24 =	vsub.f32 $0.0e+00, v12  }
0x14b: {  	v57 =	vld [tilespmem:$0x1FC40];
	v25 =	vmul.f32 $1.442695020e+00, v25;
	v26 =	vsub.f32 $0.0e+00, v20  }
0x14c: {  	v58 =	vld [tilespmem:$0x1FC50];
	v22 =	vadd.f32 v34, v22;
	(erf) = vpow2.f32 v21;
	v21 =	vmul.f32 $1.442695020e+00, v24  }
0x14d: {  	v18 =	vadd.f32 v18, v19;
	(erf) = vpow2.f32 v25;
	v24 =	vmul.f32 $1.442695020e+00, v26  }
0x14e: {  	v19 =	vadd.f32 v33, v22;
	(erf) = vpow2.f32 v21  }
0x14f: {  	v59 =	vld [tilespmem:$0x1FC60];
	v17 =	vadd.f32 v17, v18;
	(erf) = vpow2.f32 v24  }
0x150: {  	v10 =	vmul.f32 v10, v57;
	v18 =	vsub.f32 $0.0e+00, v19;
	v21 =	vadd.f32 v30, v23  }
0x151: {  	v15 =	vadd.f32 v15, v29;
	v9 =	vmul.f32 v9, v58  }
0x152: {  	v10 =	vadd.f32 v10, v17;
	v17 =	vmul.f32 $1.442695020e+00, v18;
	v18 =	vsub.f32 $0.0e+00, v21  }
0x153: {  	v15 =	vadd.f32 v16, v15  }
0x154: {  	v9 =	vadd.f32 v9, v10;
	v10 =	vmul.f32 v11, v59;
	v16 =	vmul.f32 $1.442695020e+00, v18  }
0x155: {  	v11 =	vpop (erf);
	(erf) = vpow2.f32 v17  }
0x156: {  	v9 =	vadd.f32 v10, v9;
	v18 =	vsub.f32 $0.0e+00, v15;
	v17 =	vpop (erf);
	(erf) = vpow2.f32 v16  }
0x157: {  	v10 =	vadd.f32 $1.000000000e+00, v11;
	v11 =	vpop (erf)  }
0x158: {  	v16 =	vmul.f32 $1.442695020e+00, v18;
	v18 =	vsub.f32 $0.0e+00, v9;
	v22 =	vpop (erf)  }
0x159: {  	(erf) = vrcp.f32 v10;
	v22 =	vadd.f32 $1.000000000e+00, v22  }
0x15a: {  	v10 =	vmul.f32 $1.442695020e+00, v18;
	(erf) = vpow2.f32 v16  }
0x15b: {  	(erf) = vrcp.f32 v22  }
0x15c: {  	(erf) = vpow2.f32 v10;
	_ =	sdelay $0x1  }
0x15d: {  	v10 =	vadd.f32 $1.000000000e+00, v11;
	v11 =	vpop (erf)  }
0x15e: {  	v16 =	vadd.f32 $1.000000000e+00, v17;
	v17 =	vpop (erf)  }
0x15f: {  	v17 =	vadd.f32 $1.000000000e+00, v17  }
0x160: {  	(erf) = vrcp.f32 v10;
	v10 =	vadd.f32 $1.000000000e+00, v11  }
0x161: {  	v11 =	vpop (erf)  }
0x162: {  	(erf) = vrcp.f32 v16;
	v16 =	vpop (erf)  }
0x163: {  	(erf) = vrcp.f32 v17;
	v17 =	vpop (erf)  }
0x164: {  	v16 =	vadd.f32 $1.000000000e+00, v16;
	(erf) = vrcp.f32 v10;
	v10 =	vpop (erf)  }
0x165: {  	v10 =	vadd.f32 $1.000000000e+00, v10  }
0x166: {  	(erf) = vrcp.f32 v16  }
0x167: {  	(erf) = vrcp.f32 v10;
	_ =	sdelay $0x1  }
0x168: {  	v16 =	vmul.f32 v17, v20  }
0x169: {  	v11 =	vmul.f32 v11, v13;
	v10 =	vpop (erf)  }
0x16a: {  	v17 =	vpop (erf)  }
0x16b: {  	[tilespmem:s0+$0x0] =	vst v11;
	v10 =	vmul.f32 v10, v12;
	v13 =	vpop (erf)  }
0x16c: {  	[tilespmem:s0+$0x50] =	vst v16;
	v14 =	vmul.f32 v17, v14;
	v16 =	vpop (erf)  }
0x16d: {  	[tilespmem:s0+$0xFFFFFEC0] =	vst v10;
	v11 =	vmul.f32 v16, v19  }
0x16e: {  	v10 =	vmul.f32 v13, v21;
	[tilespmem:s0+$0xFFFFFFB0] =	vst v14;
	v12 =	vpop (erf)  }
0x16f: {  	[tilespmem:s0+$0xA0] =	vst v11;
	v11 =	vmul.f32 v12, v15;
	v12 =	vpop (erf)  }
0x170: {  	[tilespmem:s0+$0xFFFFFF60] =	vst v10;
	v9 =	vmul.f32 v12, v9  }
0x171: {  	[tilespmem:s0+$0xF0] =	vst v11  }
0x172: {  	[tilespmem:s0+$0xFFFFFF10] =	vst v9  }
0x173: {  	v18 =	vld [tilespmem:s28+$0x138C0]  }
0x174: {  	v13 =	vld [tilespmem:s28+$0x138D0]  }
0x175: {  	v14 =	vld [tilespmem:s28+$0x13940]  }
0x176: {  	v10 =	vld [tilespmem:s28+$0x13950]  }
0x177: {  	v15 =	vld [tilespmem:s28+$0x139C0]  }
0x178: {  	v12 =	vld [tilespmem:s28+$0x139D0]  }
0x179: {  	s26 =	simm.s32 $0x0;
	v25 =	vld [tilespmem:s28+$0x13900]  }
0x17a: {  	v26 =	vmov s26;
	v19 =	vld [tilespmem:s28+$0x13980]  }
0x17b: {  	v27 =	vand.u32 $0xF, v26;
	v20 =	vld [tilespmem:s28+$0x13A00]  }
0x17c: {  	v28 =	vor.u32 $0x50, v27;
	v21 =	vld [tilespmem:s28+$0x13A80]  }
0x17d: {  	v29 =	vor.u32 $0xA0, v27;
	v22 =	vld [tilespmem:s28+$0x13B00]  }
0x17e: {  	v30 =	vor.u32 $0xF0, v27;
	v23 =	vld [tilespmem:s28+$0x13B80]  }
0x17f: {  	v31 =	vor.u32 $0x140, v27;
	v24 =	vld [tilespmem:s28+$0x13C00]  }
0x180: {  	v26 =	vld.idx.msk [tilespmem:v26+s23+$0x0], $0xffff  }
0x181: {  	v28 =	vld.idx.msk [tilespmem:v28+s23+$0x0], $0xffff  }
0x182: {  	v61 =	vld.idx.msk [tilespmem:v29+s23+$0x0], $0xffff  }
0x183: {  	v30 =	vld.idx.msk [tilespmem:v30+s23+$0x0], $0xffff  }
0x184: {  	v32 =	vor.u32 $0x190, v27;
	s0 =	simm.s32 $0x14640;
	v31 =	vld.idx.msk [tilespmem:v31+s23+$0x0], $0xffff  }
0x185: {  	v60 =	vor.u32 $0x1E0, v27;
	v4 =	vld [tilespmem:s0+$0xFFFFFFE0]  }
0x186: {  	s1 =	simm.s32 $0x16E40;
	v27 =	vor.u32 $0x230, v27;
	v5 =	vld [tilespmem:s0+$0xFFFFFFF0]  }
0x187: {  	v51 =	vld [tilespmem:s1+$0xFFFFFFE0]  }
0x188: {  	v54 =	vld [tilespmem:s1+$0xFFFFFFF0]  }
0x189: {  	v32 =	vld.idx.msk [tilespmem:v32+s23+$0x0], $0xffff  }
0x18a: {  	v33 =	vld.idx.msk [tilespmem:v60+s23+$0x0], $0xffff  }
0x18b: {  	v35 =	vld.idx.msk [tilespmem:v27+s23+$0x0], $0xffff;
	v39 =	vpack.i.f32.bf16 v26, v26;
	v48 =	vpack.i.f32.bf16 v28, v28  }
0x18c: {  	v29 =	vld [tilespmem:s28+$0x13C80];
	v46 =	vpack.i.f32.bf16 v61, v61;
	v47 =	vpack.i.f32.bf16 v30, v30;
	v44 =	vmul.f32 v51, v4  }
0x18d: {  	v16 =	vld [tilespmem:s28+$0x13A40];
	v1 =	vpack.i.f32.bf16 v31, v31;
	v54 =	vmul.f32 v54, v5;
	v26 =	vmul.bf16 v39, v25  }
0x18e: {  	v17 =	vld [tilespmem:s28+$0x13AC0];
	v0 =	vpack.i.f32.bf16 v32, v32;
	v6 =	vmul.bf16 v39, v18;
	v31 =	vmul.bf16 v48, v19  }
0x18f: {  	v27 =	vld [tilespmem:s28+$0x13B40];
	v2 =	vpack.i.f32.bf16 v33, v33;
	v62 =	vmul.bf16 v46, v20;
	v63 =	vmul.bf16 v47, v21  }
0x190: {  	v41 =	vld [tilespmem:s28+$0x13910];
	v3 =	vpack.i.f32.bf16 v35, v35;
	v45 =	vmul.bf16 v1, v22;
	v60 =	vmul.bf16 v0, v23  }
0x191: {  	v28 =	vld [tilespmem:s28+$0x13BC0];
	v37 =	vmul.bf16 v2, v24;
	v38 =	vmul.bf16 v3, v29  }
0x192: {  	v30 =	vld [tilespmem:s28+$0x13C40];
	v43 =	vmul.bf16 v48, v14;
	v52 =	vmul.bf16 v46, v15  }
0x193: {  	v9 =	vld [tilespmem:s28+$0x13AD0];
	v53 =	vmul.bf16 v47, v16;
	v55 =	vmul.bf16 v1, v17  }
0x194: {  	v34 =	vld [tilespmem:s28+$0x13A10];
	v56 =	vmul.bf16 v0, v27;
	v36 =	vadd.bf16 v31, v26;
	v32 =	vadd.bf16 v63, v62  }
0x195: {  	v33 =	vld [tilespmem:s28+$0x13990];
	v49 =	vmul.bf16 v39, v41;
	v31 =	vadd.bf16 v60, v45;
	v37 =	vadd.bf16 v38, v37  }
0x196: {  	v35 =	vld [tilespmem:s28+$0x13A90];
	v8 =	vmul.bf16 v39, v13;
	v62 =	vadd.bf16 v43, v6;
	v63 =	vadd.bf16 v53, v52  }
0x197: {  	v11 =	vld [tilespmem:s28+$0x13A50];
	v45 =	vadd.bf16 v56, v55;
	v57 =	vmul.bf16 v2, v28;
	v61 =	vmul.bf16 v3, v30  }
0x198: {  	s2 =	simm.s32 $0x1;
	v39 =	vld [tilespmem:s28+$0x13C90];
	v51 =	vmul.bf16 v1, v9;
	v32 =	vadd.bf16 v32, v36;
	v31 =	vadd.bf16 v37, v31  }
0x199: {  	v6 =	vmov s2;
	v55 =	vmul.bf16 v46, v34;
	v36 =	vld [tilespmem:s28+$0x13B10];
	v60 =	vadd.bf16 v61, v57  }
0x19a: {  	v43 =	vadd.bf16 v63, v62;
	v37 =	vld [tilespmem:s28+$0x13B90];
	v53 =	vmul.bf16 v48, v33;
	v31 =	vadd.bf16 v31, v32  }
0x19b: {  	v38 =	vld [tilespmem:s28+$0x13C10];
	v52 =	vmul.bf16 v47, v35;
	v57 =	vand.u32 $0xF, v6;
	v61 =	vadd.bf16 v60, v45  }
0x19c: {  	v26 =	vld [tilespmem:s28+$0x13B50];
	v48 =	vmul.bf16 v48, v10;
	v7 =	vor.u32 $0x50, v57;
	v42 =	vunpack.i.l.bf16.f32 v31  }
0x19d: {  	v32 =	vld [tilespmem:s28+$0x13BD0];
	v62 =	vunpack.i.u.bf16.f32 v31;
	v44 =	vmul.f32 v44, v42;
	v40 =	vadd.bf16 v61, v43  }
0x19e: {  	s2 =	simm.s32 $0x14680;
	v53 =	vadd.bf16 v53, v49;
	v52 =	vadd.bf16 v52, v55;
	v31 =	vld [tilespmem:s28+$0x13C50];
	v54 =	vmul.f32 v54, v62  }
0x19f: {  	v63 =	vmul.bf16 v1, v36;
	v50 =	vmul.bf16 v0, v37;
	v42 =	vld [tilespmem:s2+$0xFFFFFFF0];
	[tilespmem:s1+$0xFFFFFFE0] =	vst v44;
	v58 =	vunpack.i.l.bf16.f32 v40  }
0x1a0: {  	v60 =	vmul.bf16 v2, v38;
	v43 =	vld [tilespmem:s2+$0xFFFFFFE0];
	[tilespmem:s1+$0xFFFFFFF0] =	vst v54;
	v40 =	vunpack.i.u.bf16.f32 v40;
	v59 =	vmul.f32 v58, v4  }
0x1a1: {  	v49 =	vadd.bf16 v50, v63;
	v63 =	vmul.bf16 v0, v26;
	v0 =	vld [tilespmem:s0+$0x10];
	v45 =	vmul.f32 v40, v5  }
0x1a2: {  	v53 =	vadd.bf16 v52, v53;
	v61 =	vmul.bf16 v3, v39;
	v52 =	vld.idx.msk [tilespmem:v7+s23+$0x0], $0xffff;
	[tilespmem:s0+$0xFFFFFFE0] =	vst v59  }
0x1a3: {  	v46 =	vmul.bf16 v46, v12;
	v47 =	vmul.bf16 v47, v11;
	v40 =	vld [tilespmem:s0+$0x0];
	[tilespmem:s0+$0xFFFFFFF0] =	vst v45  }
0x1a4: {  	s13 =	simm.s32 $0x16E80;
	v48 =	vadd.bf16 v48, v8;
	v1 =	vor.u32 $0xF0, v57;
	v62 =	vadd.bf16 v61, v60;
	v54 =	vld [tilespmem:s1+$0x0]  }
0x1a5: {  	v60 =	vmul.bf16 v2, v32;
	v4 =	vor.u32 $0xA0, v57;
	v58 =	vld [tilespmem:s13+$0xFFFFFFF0];
	v61 =	vmul.bf16 v3, v31  }
0x1a6: {  	v46 =	vadd.bf16 v47, v46;
	v3 =	vor.u32 $0x140, v57;
	v45 =	vadd.bf16 v62, v49;
	v62 =	vld [tilespmem:s1+$0x10]  }
0x1a7: {  	v55 =	vadd.bf16 v63, v51;
	v63 =	vld.idx.msk [tilespmem:v6+s23+$0x0], $0xffff;
	v6 =	vor.u32 $0x190, v57;
	v44 =	vadd.bf16 v61, v60  }
0x1a8: {  	v46 =	vadd.bf16 v46, v48;
	v7 =	vor.u32 $0x1E0, v57;
	v5 =	vld [tilespmem:s13+$0xFFFFFFE0];
	v45 =	vadd.bf16 v45, v53  }
0x1a9: {  	v57 =	vor.u32 $0x230, v57;
	v44 =	vadd.bf16 v44, v55;
	v53 =	vld.idx.msk [tilespmem:v1+s23+$0x0], $0xffff;
	v54 =	vmul.f32 v54, v40  }
0x1aa: {  	v51 =	vld.idx.msk [tilespmem:v4+s23+$0x0], $0xffff;
	v60 =	vunpack.i.l.bf16.f32 v45  }
0x1ab: {  	v44 =	vadd.bf16 v44, v46;
	v62 =	vmul.f32 v62, v0;
	v61 =	vmul.f32 v54, v60;
	v54 =	vld.idx.msk [tilespmem:v3+s23+$0x0], $0xffff  }
0x1ac: {  	v55 =	vld.idx.msk [tilespmem:v6+s23+$0x0], $0xffff;
	v47 =	vmul.f32 v58, v42;
	v50 =	vpack.i.f32.bf16 v63, v63;
	v45 =	vunpack.i.u.bf16.f32 v45  }
0x1ad: {  	v56 =	vld.idx.msk [tilespmem:v7+s23+$0x0], $0xffff;
	v46 =	vmul.f32 v5, v43;
	v63 =	vunpack.i.u.bf16.f32 v44;
	v48 =	vmul.f32 v62, v45  }
0x1ae: {  	s4 =	simm.s32 $0x2;
	s19 =	simm.s32 $0x14680;
	v57 =	vld.idx.msk [tilespmem:v57+s23+$0x0], $0xffff;
	v44 =	vunpack.i.l.bf16.f32 v44;
	v49 =	vmul.f32 v63, v0;
	v45 =	vmul.bf16 v50, v41;
	[tilespmem:s1+$0x0] =	vst v61  }
.LBB2_5:
0x1af: {  	p1 =	sne.s32 s4, $0x9;
	v52 =	vpack.i.f32.bf16 v52, v52;
	v58 =	vmul.bf16 v50, v25;
	v59 =	vmul.bf16 v50, v18;
	[tilespmem:s1+$0x10] =	vst v48;
	s1 =	smov.u32 s13  }
0x1b0: {  	v48 =	vpack.i.f32.bf16 v51, v51;
	v51 =	vpack.i.f32.bf16 v53, v53;
	v53 =	vpack.i.f32.bf16 v54, v54;
	[tilespmem:s0+$0x10] =	vst v49  }
0x1b1: {  	v49 =	vpack.i.f32.bf16 v55, v55;
	v54 =	vmul.bf16 v52, v19;
	v55 =	vmul.bf16 v48, v20  }
0x1b2: {  	v60 =	vmul.bf16 v51, v21;
	v61 =	vmul.bf16 v53, v22;
	v56 =	vpack.i.f32.bf16 v56, v56  }
0x1b3: {  	v62 =	vmul.bf16 v49, v23;
	v57 =	vpack.i.f32.bf16 v57, v57;
	v63 =	vmul.bf16 v56, v24  }
0x1b4: {  	v2 =	vmov s4;
	v4 =	vmul.bf16 v52, v14;
	v3 =	vmul.bf16 v57, v29  }
0x1b5: {  	v5 =	vand.u32 $0xF, v2;
	v6 =	vmul.bf16 v48, v15;
	v0 =	vmul.bf16 v51, v16  }
0x1b6: {  	v7 =	vmul.bf16 v53, v17;
	v1 =	vor.u32 $0x50, v5;
	v8 =	vmul.bf16 v49, v27  }
0x1b7: {  	v54 =	vadd.bf16 v54, v58;
	v55 =	vadd.bf16 v60, v55;
	v58 =	vmul.bf16 v56, v28  }
0x1b8: {  	v60 =	vadd.bf16 v62, v61;
	v61 =	vmul.bf16 v57, v30;
	v3 =	vadd.bf16 v3, v63  }
0x1b9: {  	v4 =	vadd.bf16 v4, v59;
	v0 =	vadd.bf16 v0, v6;
	v6 =	vmul.bf16 v50, v13  }
0x1ba: {  	v50 =	vmul.bf16 v52, v33;
	v7 =	vadd.bf16 v8, v7;
	v8 =	vadd.bf16 v61, v58  }
0x1bb: {  	v54 =	vadd.bf16 v55, v54;
	v55 =	vmul.bf16 v48, v34;
	v3 =	vadd.bf16 v3, v60  }
0x1bc: {  	v0 =	vadd.bf16 v0, v4;
	v4 =	vmul.bf16 v51, v35;
	v58 =	vmul.bf16 v53, v36  }
0x1bd: {  	v7 =	vadd.bf16 v8, v7;
	v8 =	vmul.bf16 v49, v37;
	v3 =	vadd.bf16 v3, v54  }
0x1be: {  	s2 =	sadd.s32 $0x40, s2;
	v59 =	vmul.bf16 v56, v38;
	v60 =	vmul.bf16 v57, v39;
	v54 =	vor.u32 $0xA0, v5  }
0x1bf: {  	v0 =	vadd.bf16 v7, v0;
	v7 =	vmul.bf16 v52, v10;
	v62 =	vunpack.i.l.bf16.f32 v3;
	v61 =	vld [tilespmem:s2+$0xFFFFFFE0]  }
0x1c0: {  	s13 =	sadd.s32 $0x40, s13;
	v48 =	vmul.bf16 v48, v12;
	v3 =	vunpack.i.u.bf16.f32 v3;
	v46 =	vmul.f32 v46, v62;
	v52 =	vld [tilespmem:s2+$0xFFFFFFF0]  }
0x1c1: {  	v51 =	vmul.bf16 v51, v11;
	v3 =	vmul.f32 v47, v3;
	v47 =	vunpack.i.l.bf16.f32 v0;
	v62 =	vld [tilespmem:s13+$0xFFFFFFE0]  }
0x1c2: {  	v0 =	vunpack.i.u.bf16.f32 v0;
	v43 =	vmul.f32 v47, v43;
	v63 =	vld [tilespmem:s13+$0xFFFFFFF0];
	[tilespmem:s1+$0xFFFFFFE0] =	vst v46;
	v46 =	vmul.bf16 v53, v9  }
0x1c3: {  	v47 =	vor.u32 $0xF0, v5;
	v0 =	vmul.f32 v0, v42;
	v2 =	vld.idx.msk [tilespmem:v2+s23+$0x0], $0xffff;
	[tilespmem:s1+$0xFFFFFFF0] =	vst v3;
	v3 =	vmul.bf16 v49, v26  }
0x1c4: {  	v45 =	vadd.bf16 v50, v45;
	v50 =	vmul.bf16 v56, v32;
	v4 =	vadd.bf16 v4, v55;
	[tilespmem:s19+$0xFFFFFFE0] =	vst v43;
	v49 =	vld [tilespmem:s19+$0x0]  }
0x1c5: {  	v55 =	vmul.bf16 v57, v31;
	v8 =	vadd.bf16 v8, v58;
	v53 =	vadd.bf16 v60, v59;
	[tilespmem:s19+$0xFFFFFFF0] =	vst v0;
	v0 =	vld [tilespmem:s19+$0x10]  }
0x1c6: {  	v56 =	vor.u32 $0x140, v5;
	v6 =	vadd.bf16 v7, v6;
	v7 =	vadd.bf16 v51, v48;
	v43 =	vmovc v61;
	v42 =	vmovc v52;
	v57 =	vld [tilespmem:s1+$0x0]  }
0x1c7: {  	v48 =	vor.u32 $0x190, v5;
	v3 =	vadd.bf16 v3, v46;
	v46 =	vadd.bf16 v55, v50;
	v58 =	vld [tilespmem:s1+$0x10]  }
0x1c8: {  	v4 =	vadd.bf16 v4, v45;
	v8 =	vadd.bf16 v53, v8;
	v52 =	vld.idx.msk [tilespmem:v1+s23+$0x0], $0xffff;
	v1 =	vor.u32 $0x1E0, v5  }
0x1c9: {  	v6 =	vadd.bf16 v7, v6;
	v7 =	vmul.f32 v44, v40;
	v5 =	vor.u32 $0x230, v5;
	v51 =	vld.idx.msk [tilespmem:v54+s23+$0x0], $0xffff;
	v40 =	vmovc v49  }
0x1ca: {  	v4 =	vadd.bf16 v8, v4;
	v3 =	vadd.bf16 v46, v3;
	v53 =	vld.idx.msk [tilespmem:v47+s23+$0x0], $0xffff  }
.Ltmp3:
0x1cb: {  	v46 =	vmul.f32 v62, v43;
	v54 =	vld.idx.msk [tilespmem:v56+s23+$0x0], $0xffff;
	v8 =	vmul.f32 v57, v40;
	[tilespmem:s0+$0x0] =	vst v7;
	s0 =	smov.u32 s19;
	s19 =	smov.u32 s2;
	(pc) =	sbr.rel @p1 .LBB2_5-.Ltmp3, $4  }
0x1cc: {  	v3 =	vadd.bf16 v3, v6;
	v7 =	vunpack.i.l.bf16.f32 v4;
	v55 =	vld.idx.msk [tilespmem:v48+s23+$0x0], $0xffff;
	v44 =	vmul.f32 v58, v0  }
0x1cd: {  	v47 =	vmul.f32 v63, v42;
	v56 =	vld.idx.msk [tilespmem:v1+s23+$0x0], $0xffff;
	v1 =	vunpack.i.u.bf16.f32 v4;
	v4 =	vmul.f32 v8, v7  }
0x1ce: {  	v50 =	vpack.i.f32.bf16 v2, v2;
	v57 =	vld.idx.msk [tilespmem:v5+s23+$0x0], $0xffff;
	v48 =	vmul.f32 v44, v1;
	v1 =	vunpack.i.u.bf16.f32 v3  }
0x1cf: {  	s4 =	sadd.s32 $0x1, s4;
	v45 =	vmul.bf16 v50, v41;
	v44 =	vunpack.i.l.bf16.f32 v3;
	[tilespmem:s1+$0x0] =	vst v4;
	v49 =	vmul.f32 v1, v0  }
0x1d0: {  	v0 =	vpack.i.f32.bf16 v52, v52;
	v1 =	vmul.bf16 v50, v25;
	v2 =	vmul.bf16 v50, v18  }
0x1d1: {  	v3 =	vpack.i.f32.bf16 v51, v51;
	v4 =	vpack.i.f32.bf16 v53, v53;
	v7 =	vmul.bf16 v0, v19  }
0x1d2: {  	v5 =	vpack.i.f32.bf16 v54, v54;
	v8 =	vmul.bf16 v3, v20;
	v19 =	vmul.bf16 v4, v21  }
0x1d3: {  	v20 =	vmul.bf16 v5, v22;
	v14 =	vmul.bf16 v0, v14  }
0x1d4: {  	v6 =	vpack.i.f32.bf16 v55, v55;
	v15 =	vmul.bf16 v3, v15;
	v16 =	vmul.bf16 v4, v16  }
0x1d5: {  	v17 =	vmul.bf16 v5, v17;
	v18 =	vpack.i.f32.bf16 v56, v56;
	v22 =	vmul.bf16 v6, v23  }
0x1d6: {  	v25 =	vmul.bf16 v6, v27;
	v21 =	vpack.i.f32.bf16 v57, v57;
	v23 =	vmul.bf16 v18, v24  }
0x1d7: {  	v1 =	vadd.bf16 v7, v1;
	v41 =	vadd.bf16 v19, v8;
	v24 =	vmul.bf16 v21, v29  }
0x1d8: {  	v8 =	vmul.bf16 v18, v28;
	v2 =	vadd.bf16 v14, v2;
	v14 =	vadd.bf16 v16, v15  }
0x1d9: {  	v19 =	vadd.bf16 v22, v20;
	v22 =	vmul.bf16 v21, v30;
	v20 =	vadd.bf16 v24, v23  }
0x1da: {  	v13 =	vmul.bf16 v50, v13;
	v15 =	vadd.bf16 v25, v17;
	v1 =	vadd.bf16 v41, v1  }
0x1db: {  	v55 =	vmul.bf16 v5, v9;
	v8 =	vadd.bf16 v22, v8;
	v51 =	vadd.bf16 v20, v19  }
0x1dc: {  	v53 =	vmul.bf16 v6, v37;
	v56 =	vmul.bf16 v6, v26;
	v2 =	vadd.bf16 v14, v2  }
0x1dd: {  	v16 =	vmul.bf16 v5, v36;
	v52 =	vadd.bf16 v8, v15;
	v1 =	vadd.bf16 v51, v1  }
0x1de: {  	v14 =	vmul.bf16 v0, v33;
	v0 =	vmul.bf16 v0, v10  }
0x1df: {  	v10 =	vmul.bf16 v18, v32;
	v2 =	vadd.bf16 v52, v2;
	v17 =	vunpack.i.l.bf16.f32 v1  }
0x1e0: {  	v22 =	vmul.bf16 v21, v39;
	v1 =	vunpack.i.u.bf16.f32 v1;
	v17 =	vmul.f32 v46, v17  }
0x1e1: {  	v20 =	vunpack.i.l.bf16.f32 v2;
	v2 =	vunpack.i.u.bf16.f32 v2;
	v1 =	vmul.f32 v47, v1  }
0x1e2: {  	v8 =	vmul.bf16 v3, v34;
	v2 =	vmul.f32 v2, v42;
	[tilespmem:s13+$0xFFFFFFE0] =	vst v17  }
0x1e3: {  	v7 =	vadd.bf16 v53, v16;
	v15 =	vmul.bf16 v4, v35;
	v17 =	vmul.f32 v20, v43;
	[tilespmem:s13+$0xFFFFFFF0] =	vst v1  }
0x1e4: {  	v9 =	vadd.bf16 v14, v45;
	v0 =	vadd.bf16 v0, v13;
	v19 =	vmul.bf16 v18, v38;
	v57 =	vld [tilespmem:s19+$0x0];
	[tilespmem:s19+$0xFFFFFFF0] =	vst v2  }
0x1e5: {  	v3 =	vmul.bf16 v3, v12;
	v12 =	vmul.bf16 v21, v31;
	v8 =	vadd.bf16 v15, v8;
	v58 =	vld [tilespmem:s19+$0x10];
	[tilespmem:s19+$0xFFFFFFE0] =	vst v17  }
0x1e6: {  	v54 =	vmul.bf16 v4, v11;
	v4 =	vadd.bf16 v56, v55;
	v11 =	vadd.bf16 v22, v19;
	v14 =	vld [tilespmem:s13+$0x0]  }
0x1e7: {  	v60 =	vadd.bf16 v12, v10;
	v8 =	vadd.bf16 v8, v9;
	v59 =	vld [tilespmem:s13+$0x10]  }
0x1e8: {  	v7 =	vadd.bf16 v11, v7;
	v1 =	vadd.bf16 v54, v3  }
0x1e9: {  	v4 =	vadd.bf16 v60, v4  }
0x1ea: {  	v61 =	vadd.bf16 v7, v8;
	v0 =	vadd.bf16 v1, v0  }
0x1eb: {  	v62 =	vmul.f32 v44, v40;
	v63 =	vmul.f32 v14, v57  }
0x1ec: {  	[tilespmem:s1+$0x10] =	vst v48;
	v8 =	vunpack.i.l.bf16.f32 v61;
	v0 =	vadd.bf16 v4, v0;
	v3 =	vmul.f32 v59, v58  }
0x1ed: {  	[tilespmem:s0+$0x10] =	vst v49;
	v1 =	vunpack.i.u.bf16.f32 v61;
	v32 =	vmul.f32 v63, v8  }
0x1ee: {  	[tilespmem:s0+$0x0] =	vst v62;
	v33 =	vunpack.i.u.bf16.f32 v0;
	v1 =	vmul.f32 v3, v1  }
0x1ef: {  	v0 =	vunpack.i.l.bf16.f32 v0;
	v2 =	vmul.f32 v33, v58;
	[tilespmem:s13+$0x0] =	vst v32  }
0x1f0: {  	v0 =	vmul.f32 v0, v57;
	[tilespmem:s13+$0x10] =	vst v1  }
0x1f1: {  	[tilespmem:s19+$0x10] =	vst v2  }
0x1f2: {  	[tilespmem:s19+$0x0] =	vst v0  }
0x1f3: {  	_ =	swait.ge [sflag:s24], $0x50  }
0x1f4: {  	[sflag:s24] =	ssyncset.done $0x0  }
0x1f5: {  	[sflag:s24] =	ssyncadd.s32 $0xFFFFFFB0  }
0x1f6: {  	_ =	swait.ge [sflag:s24], $0x280  }
0x1f7: {  	p1 =	seq.s32 s5, $0x0;
	[sflag:s24] =	ssyncset.done $0x0  }
0x1f8: {  	s0 =	simm.s32 @!p1 $0x8;
	[sflag:s24] =	ssyncadd.s32 $0xFFFFFD80  }
0x1f9: {  	_ =	swait.ge @!p1 [sflag:s0], $0x1400  }
0x1fa: {  	[sflag:s0] =	ssyncset.done @!p1 $0x0  }
0x1fb: {  	[sflag:s0] =	ssyncadd.s32 @!p1 $0xFFFFEC00  }
0x1fc: {  	s13 =	sshll.u32 s5, $0x5;
	_ =	swait.ge @!p1 [sflag:s0], $0x1400  }
0x1fd: {  	s1 =	sor.u32 s29, s13;
	[sflag:s0] =	ssyncset.done @!p1 $0x0  }
0x1fe: {  	s2 =	smul.u32 @!p1 $0xA, s1;
	[sflag:s0] =	ssyncadd.s32 @!p1 $0xFFFFEC00  }
0x1ff: {  	s0 =	rddreg [dreg:$0x4]  }
0x200: {  	s4 =	simm.s32 @!p1 $0x13E50;
	v39 =	vld [tilespmem:$0x1FFD0];
	s0 =	sadd.s32 @!p1 s0, s2;
	s2 =	simm.s32 @!p1 $0x0  }
0x201: {  	[tilespmem:s4], [sflag:$0x4] =	stream.linear.gather @!p1 [hbm4b:s0+s2], $0x50, $0x38;
	[tilespmem:$0x19620] =	vst v63  }
0x202: {  	s4 =	smul.u32 $0xA0, s1  }
0x203: {  	v37 =	vld [tilespmem:$0x1FFF0]  }
0x204: {  	v34 =	vld [tilespmem:$0x13D10];
	s0 =	sor.u32 s9, s4  }
0x205: {  	v35 =	vld [tilespmem:$0x13D20];
	v40 =	vor.u32 s0, v39;
	s19 =	sadd.s32 $0x20, s0  }
0x206: {  	v36 =	vld [tilespmem:$0x13D30];
	s21 =	sadd.s32 $0x40, s0;
	[tilespmem:$0x13DB0] =	vst v40;
	v43 =	vor.u32 s19, v39  }
0x207: {  	v38 =	vld [tilespmem:$0x13D40];
	s26 =	sadd.s32 $0x60, s0;
	v45 =	vor.u32 s21, v39;
	[tilespmem:$0x13DC0] =	vst v43  }
0x208: {  	v42 =	vld [tilespmem:$0x13D50];
	s0 =	sadd.s32 $0x80, s0;
	v48 =	vor.u32 s26, v39;
	[tilespmem:$0x13DD0] =	vst v45  }
0x209: {  	v50 =	vor.u32 s0, v39;
	[tilespmem:$0x13DE0] =	vst v48;
	v0 =	vshll.u32 v34, $0x1  }
0x20a: {  	[tilespmem:$0x13DF0] =	vst v50;
	v1 =	vshll.u32 v35, $0x1;
	v0 =	vor.u32 v37, v0  }
0x20b: {  	v2 =	vshll.u32 v36, $0x1;
	v41 =	vor.u32 v37, v1;
	[tilespmem:$0x13D10] =	vst v0  }
0x20c: {  	v46 =	vshll.u32 v38, $0x1;
	v44 =	vor.u32 v37, v2;
	[tilespmem:$0x13D20] =	vst v41  }
0x20d: {  	v47 =	vor.u32 v37, v46;
	v1 =	vshll.u32 v42, $0x1;
	[tilespmem:$0x13D30] =	vst v44  }
0x20e: {  	[tilespmem:$0x13D40] =	vst v47;
	v49 =	vor.u32 v37, v1  }
0x20f: {  	s2 =	rddreg [dreg:$0x0];
	[tilespmem:$0x13D50] =	vst v49  }
0x210: {  	[tilespmem:s25], [sflag:$0x6] =	stream.indirect.gather [hbm4b:s2+s18], $0x40, s11, s18, $0xb8;
	[tilespmem:$0x19620] =	vst v63  }
0x211: {  	s4 =	rddreg [dreg:$0x1];
	s19 =	simm.s32 $0x13DB0  }
0x212: {  	[tilespmem:s14], [sflag:$0x6] =	stream.indirect.gather [hbm4b:s4+s18], $0x40, s19, s18, $0xb8;
	[tilespmem:$0x19620] =	vst v63  }
0x213: {  	v14 =	vld [tilespmem:s28+$0x138C0]  }
0x214: {  	v10 =	vld [tilespmem:s28+$0x138D0]  }
0x215: {  	v12 =	vld [tilespmem:s28+$0x13940]  }
0x216: {  	v9 =	vld [tilespmem:s28+$0x13950]  }
0x217: {  	v13 =	vld [tilespmem:s28+$0x139C0]  }
0x218: {  	v11 =	vld [tilespmem:s28+$0x139D0]  }
0x219: {  	v27 =	vld [tilespmem:s28+$0x13A40]  }
0x21a: {  	v58 =	vld [tilespmem:s28+$0x13A50]  }
0x21b: {  	v46 =	vld [tilespmem:s28+$0x13AC0]  }
0x21c: {  	v47 =	vld [tilespmem:s28+$0x13B40]  }
0x21d: {  	s21 =	simm.s32 $0xA;
	v8 =	vld [tilespmem:s28+$0x13900]  }
0x21e: {  	v51 =	vmov s21;
	v15 =	vld [tilespmem:s28+$0x13980]  }
0x21f: {  	v52 =	vand.u32 $0x7F, v51;
	v16 =	vld [tilespmem:s28+$0x13A00]  }
0x220: {  	v53 =	vadd.s32 $0x50, v52;
	v17 =	vld [tilespmem:s28+$0x13A80]  }
0x221: {  	v54 =	vadd.s32 $0xA0, v52;
	v18 =	vld [tilespmem:s28+$0x13B00]  }
0x222: {  	v56 =	vadd.s32 $0xF0, v52;
	v55 =	vld [tilespmem:s28+$0x13B80]  }
0x223: {  	v59 =	vadd.s32 $0x140, v52;
	v57 =	vld [tilespmem:s28+$0x13C00]  }
0x224: {  	v60 =	vadd.s32 $0x190, v52;
	v0 =	vld.idx.msk [tilespmem:v51+s23+$0x0], $0xffff  }
0x225: {  	v61 =	vadd.s32 $0x1E0, v52;
	v2 =	vld.idx.msk [tilespmem:v53+s23+$0x0], $0xffff  }
0x226: {  	v1 =	vadd.s32 $0x230, v52;
	v3 =	vld.idx.msk [tilespmem:v54+s23+$0x0], $0xffff  }
0x227: {  	v4 =	vld.idx.msk [tilespmem:v56+s23+$0x0], $0xffff  }
0x228: {  	v5 =	vld.idx.msk [tilespmem:v59+s23+$0x0], $0xffff  }
0x229: {  	v6 =	vld.idx.msk [tilespmem:v60+s23+$0x0], $0xffff  }
0x22a: {  	v7 =	vld.idx.msk [tilespmem:v61+s23+$0x0], $0xffff  }
0x22b: {  	v1 =	vld.idx.msk [tilespmem:v1+s23+$0x0], $0xffff;
	v0 =	vpack.i.f32.bf16 v0, v0  }
0x22c: {  	v28 =	vld [tilespmem:s28+$0x13C80];
	v2 =	vpack.i.f32.bf16 v2, v2;
	v3 =	vpack.i.f32.bf16 v3, v3;
	v4 =	vpack.i.f32.bf16 v4, v4  }
0x22d: {  	v62 =	vld [tilespmem:s28+$0x13BC0];
	v26 =	vmovc v8;
	v5 =	vpack.i.f32.bf16 v5, v5;
	v8 =	vmul.bf16 v0, v8;
	v31 =	vmul.bf16 v0, v14  }
0x22e: {  	v63 =	vld [tilespmem:s28+$0x13C40];
	v6 =	vpack.i.f32.bf16 v6, v6;
	v30 =	vmul.bf16 v2, v15;
	v51 =	vmul.bf16 v3, v16  }
0x22f: {  	v40 =	vld [tilespmem:s28+$0x13910];
	v7 =	vpack.i.f32.bf16 v7, v7;
	v52 =	vmul.bf16 v4, v17;
	v53 =	vmul.bf16 v5, v18  }
0x230: {  	v61 =	vld [tilespmem:s28+$0x13A10];
	v1 =	vpack.i.f32.bf16 v1, v1;
	v35 =	vmul.bf16 v6, v55;
	v36 =	vmul.bf16 v7, v57  }
0x231: {  	s0 =	simm.s32 $0x148D0;
	v37 =	vld [tilespmem:s28+$0x13B90];
	[tilespmem:$0x1FB70] =	vst v14;
	v24 =	vmov v55;
	v54 =	vmul.bf16 v1, v28;
	v55 =	vmul.bf16 v2, v12  }
0x232: {  	v21 =	vmovc v16;
	v22 =	vmovc v17;
	v25 =	vmov v57;
	v41 =	vld [tilespmem:s0+$0xFFFFFFD0];
	v57 =	vmul.bf16 v3, v13;
	v59 =	vmul.bf16 v4, v27  }
0x233: {  	s1 =	simm.s32 $0x170D0;
	v23 =	vmovc v18;
	v44 =	vld [tilespmem:s0+$0xFFFFFFE0];
	v17 =	vmovc v46;
	v46 =	vmul.bf16 v5, v46;
	v18 =	vmov v47;
	v47 =	vmul.bf16 v6, v47  }
0x234: {  	v56 =	vld [tilespmem:s1+$0xFFFFFFD0];
	v16 =	vmovc v27;
	v48 =	vmul.bf16 v7, v62;
	v8 =	vadd.bf16 v30, v8;
	v33 =	vadd.bf16 v52, v51  }
0x235: {  	v60 =	vld [tilespmem:s1+$0xFFFFFFE0];
	v27 =	vmovc v62;
	v62 =	vmul.bf16 v1, v63;
	v35 =	vadd.bf16 v35, v53;
	v36 =	vadd.bf16 v54, v36  }
0x236: {  	v29 =	vmovc v28;
	v14 =	vmov v12;
	v12 =	vld [tilespmem:s28+$0x13990];
	v31 =	vadd.bf16 v55, v31;
	v42 =	vadd.bf16 v59, v57  }
0x237: {  	v28 =	vmovc v63;
	v63 =	vld [tilespmem:s28+$0x13A90];
	v46 =	vadd.bf16 v47, v46;
	v53 =	vadd.bf16 v62, v48;
	v48 =	vmul.bf16 v0, v40  }
0x238: {  	v38 =	vld [tilespmem:s28+$0x13C10];
	v20 =	vmovc v15;
	v0 =	vmul.bf16 v0, v10;
	v47 =	vmul.bf16 v3, v61;
	v8 =	vadd.bf16 v33, v8  }
0x239: {  	v34 =	vld [tilespmem:s28+$0x13BD0];
	v15 =	vmovc v13;
	v3 =	vmul.bf16 v3, v11;
	v54 =	vadd.bf16 v36, v35;
	v55 =	vadd.bf16 v42, v31  }
0x23a: {  	s26 =	simm.s32 $0xB;
	v13 =	vmovc v10;
	v52 =	vld [tilespmem:s28+$0x13B10];
	v10 =	vadd.bf16 v53, v46;
	v53 =	vmul.bf16 v6, v37;
	v43 =	vmul.f32 v56, v41  }
0x23b: {  	v39 =	vld [tilespmem:s28+$0x13C90];
	v46 =	vmov s26;
	v45 =	vmul.f32 v60, v44;
	v49 =	vmul.bf16 v2, v12  }
0x23c: {  	s19 =	simm.s32 $0x17110;
	v59 =	vld [tilespmem:s28+$0x13AD0];
	v50 =	vmul.bf16 v4, v63;
	v2 =	vmul.bf16 v2, v9;
	v8 =	vadd.bf16 v54, v8  }
0x23d: {  	v57 =	vld [tilespmem:s19+$0xFFFFFFD0];
	v4 =	vmul.bf16 v4, v58;
	v36 =	vadd.bf16 v10, v55;
	v54 =	vmul.bf16 v7, v38  }
0x23e: {  	v60 =	vld [tilespmem:s28+$0x13C50];
	v33 =	vmovc v63;
	v55 =	vand.u32 $0x7F, v46;
	v7 =	vmul.bf16 v7, v34;
	v63 =	vunpack.i.l.bf16.f32 v8  }
0x23f: {  	v30 =	vmovc v12;
	v31 =	vmovc v61;
	v61 =	vld [tilespmem:s28+$0x13B50];
	v51 =	vmul.bf16 v5, v52;
	v8 =	vunpack.i.u.bf16.f32 v8;
	v42 =	vmul.f32 v43, v63  }
0x240: {  	s2 =	simm.s32 $0x14910;
	v12 =	vmovc v11;
	v11 =	vmovc v58;
	v58 =	vld [tilespmem:s19+$0xFFFFFFE0];
	v48 =	vadd.bf16 v49, v48;
	v62 =	vunpack.i.l.bf16.f32 v36;
	v8 =	vmul.f32 v45, v8  }
0x241: {  	v35 =	vmovc v52;
	v47 =	vadd.bf16 v50, v47;
	v52 =	vunpack.i.u.bf16.f32 v36;
	v43 =	vld [tilespmem:s2+$0xFFFFFFD0];
	v41 =	vmul.f32 v62, v41;
	[tilespmem:s1+$0xFFFFFFD0] =	vst v42  }
0x242: {  	v5 =	vmul.bf16 v5, v59;
	v0 =	vadd.bf16 v2, v0;
	v44 =	vmul.f32 v52, v44;
	v42 =	vld [tilespmem:s2+$0xFFFFFFE0];
	[tilespmem:s1+$0xFFFFFFE0] =	vst v8  }
0x243: {  	v32 =	vmovc v59;
	v63 =	vmul.bf16 v1, v39;
	v45 =	vadd.s32 $0xA0, v55;
	v59 =	vadd.bf16 v47, v48;
	[tilespmem:s0+$0xFFFFFFD0] =	vst v41;
	v41 =	vld [tilespmem:s0+$0xFFFFFFF0]  }
0x244: {  	v1 =	vmul.bf16 v1, v60;
	v8 =	vadd.s32 $0x50, v55;
	v6 =	vmul.bf16 v6, v61;
	[tilespmem:s0+$0xFFFFFFE0] =	vst v44;
	v49 =	vld [tilespmem:s0+$0x0]  }
0x245: {  	v19 =	vmovc v37;
	v37 =	vmovc v34;
	v50 =	vadd.bf16 v63, v54;
	v44 =	vadd.bf16 v53, v51;
	v53 =	vadd.s32 $0xF0, v55;
	v54 =	vld [tilespmem:s1+$0xFFFFFFF0]  }
0x246: {  	v34 =	vmovc v60;
	v60 =	vadd.bf16 v4, v3;
	v36 =	vmovc v61;
	v61 =	vadd.s32 $0x140, v55;
	v1 =	vadd.bf16 v1, v7;
	v62 =	vld [tilespmem:s1+$0x0]  }
0x247: {  	v2 =	vadd.s32 $0x230, v55;
	v5 =	vadd.bf16 v6, v5;
	v6 =	vld.idx.msk [tilespmem:v46+s23+$0x0], $0xffff;
	v44 =	vadd.bf16 v50, v44  }
0x248: {  	v63 =	vadd.s32 $0x190, v55;
	v0 =	vadd.bf16 v60, v0;
	v51 =	vld.idx.msk [tilespmem:v45+s23+$0x0], $0xffff  }
0x249: {  	v1 =	vadd.bf16 v1, v5;
	v52 =	vld.idx.msk [tilespmem:v8+s23+$0x0], $0xffff;
	v8 =	vadd.s32 $0x1E0, v55;
	v44 =	vadd.bf16 v44, v59  }
0x24a: {  	v46 =	vmul.f32 v57, v43;
	v53 =	vld.idx.msk [tilespmem:v53+s23+$0x0], $0xffff;
	v60 =	vmul.f32 v54, v41  }
0x24b: {  	v47 =	vmul.f32 v58, v42;
	v0 =	vadd.bf16 v1, v0;
	v54 =	vld.idx.msk [tilespmem:v61+s23+$0x0], $0xffff;
	v61 =	vunpack.i.l.bf16.f32 v44  }
0x24c: {  	v57 =	vld.idx.msk [tilespmem:v2+s23+$0x0], $0xffff;
	v4 =	vmul.f32 v62, v49;
	v50 =	vpack.i.f32.bf16 v6, v6;
	v3 =	vmul.f32 v60, v61  }
0x24d: {  	v10 =	vmovc v9;
	v55 =	vld.idx.msk [tilespmem:v63+s23+$0x0], $0xffff;
	v62 =	vunpack.i.u.bf16.f32 v44;
	v63 =	vunpack.i.u.bf16.f32 v0;
	v45 =	vmul.bf16 v50, v40  }
0x24e: {  	s21 =	sshll.u32 s5, $0x1;
	s4 =	simm.s32 $0xC;
	s26 =	simm.s32 $0x14910;
	v44 =	vunpack.i.l.bf16.f32 v0;
	v48 =	vmul.f32 v4, v62;
	v49 =	vmul.f32 v63, v49;
	v56 =	vld.idx.msk [tilespmem:v8+s23+$0x0], $0xffff;
	[tilespmem:s1+$0xFFFFFFF0] =	vst v3  }
.LBB2_7:
0x24f: {  	v0 =	vpack.i.f32.bf16 v52, v52  }
0x250: {  	v1 =	vmul.bf16 v50, v26;
	v3 =	vpack.i.f32.bf16 v51, v51;
	v4 =	vpack.i.f32.bf16 v53, v53  }
0x251: {  	v5 =	vpack.i.f32.bf16 v54, v54;
	v7 =	vmul.bf16 v0, v20;
	v8 =	vmul.bf16 v3, v21  }
0x252: {  	v2 =	vld [tilespmem:$0x1FB70];
	v6 =	vpack.i.f32.bf16 v55, v55;
	v51 =	vmul.bf16 v5, v23;
	v59 =	vmul.bf16 v3, v15  }
0x253: {  	[tilespmem:s1+$0x0] =	vst v48;
	v55 =	vmov s4;
	v60 =	vmul.bf16 v4, v16;
	v62 =	vmul.bf16 v5, v17  }
0x254: {  	[tilespmem:s0+$0x0] =	vst v49;
	v49 =	vmul.bf16 v4, v22;
	v53 =	vmul.bf16 v6, v24;
	v58 =	vand.u32 $0x7F, v55  }
0x255: {  	v63 =	vmul.bf16 v6, v18;
	v1 =	vadd.bf16 v7, v1;
	v60 =	vadd.bf16 v60, v59  }
0x256: {  	v48 =	vpack.i.f32.bf16 v56, v56;
	v52 =	vpack.i.f32.bf16 v57, v57;
	v57 =	vmul.bf16 v0, v14  }
0x257: {  	v7 =	vadd.bf16 v49, v8;
	v2 =	vmul.bf16 v50, v2;
	v54 =	vmul.bf16 v48, v25  }
0x258: {  	v49 =	vadd.bf16 v53, v51;
	v56 =	vmul.bf16 v52, v29;
	v8 =	vmul.bf16 v48, v27  }
0x259: {  	v62 =	vadd.bf16 v63, v62;
	v53 =	vmul.bf16 v52, v28;
	v50 =	vmul.bf16 v50, v13  }
0x25a: {  	v59 =	vmul.bf16 v52, v39;
	v1 =	vadd.bf16 v7, v1;
	v51 =	vadd.bf16 v56, v54  }
0x25b: {  	v2 =	vadd.bf16 v57, v2;
	v8 =	vadd.bf16 v53, v8;
	v53 =	vmul.bf16 v0, v30  }
0x25c: {  	v54 =	vmul.bf16 v5, v35;
	v57 =	vmul.bf16 v48, v38;
	v63 =	vadd.bf16 v51, v49  }
0x25d: {  	v0 =	vmul.bf16 v0, v10;
	v5 =	vmul.bf16 v5, v32;
	v2 =	vadd.bf16 v60, v2  }
0x25e: {  	v48 =	vmul.bf16 v48, v37;
	v7 =	vadd.bf16 v8, v62;
	v1 =	vadd.bf16 v63, v1  }
0x25f: {  	s2 =	sadd.s32 $0x40, s2;
	v61 =	vadd.s32 $0x50, v58;
	v49 =	vmul.bf16 v3, v31;
	v51 =	vmul.bf16 v4, v33  }
0x260: {  	v8 =	vmul.bf16 v6, v19;
	v60 =	vld [tilespmem:s2+$0xFFFFFFD0];
	v2 =	vadd.bf16 v7, v2;
	v62 =	vunpack.i.l.bf16.f32 v1  }
0x261: {  	s1 =	smov.u32 s19;
	s19 =	sadd.s32 $0x40, s19;
	v3 =	vmul.bf16 v3, v12;
	v7 =	vld [tilespmem:s2+$0xFFFFFFE0];
	v1 =	vunpack.i.u.bf16.f32 v1;
	v46 =	vmul.f32 v46, v62  }
0x262: {  	v4 =	vmul.bf16 v4, v11;
	v63 =	vld [tilespmem:s19+$0xFFFFFFE0];
	v1 =	vmul.f32 v47, v1;
	v47 =	vunpack.i.l.bf16.f32 v2  }
0x263: {  	v0 =	vadd.bf16 v0, v50;
	v62 =	vld [tilespmem:s19+$0xFFFFFFD0];
	v2 =	vunpack.i.u.bf16.f32 v2;
	v43 =	vmul.f32 v47, v43;
	[tilespmem:s1+$0xFFFFFFD0] =	vst v46  }
0x264: {  	v56 =	vadd.s32 $0xA0, v58;
	v8 =	vadd.bf16 v8, v54;
	v9 =	vld.idx.msk [tilespmem:v55+s23+$0x0], $0xffff;
	[tilespmem:s1+$0xFFFFFFE0] =	vst v1;
	v55 =	vmul.f32 v2, v42  }
0x265: {  	v54 =	vadd.s32 $0x140, v58;
	v3 =	vadd.bf16 v4, v3;
	v2 =	vmul.bf16 v6, v36;
	[tilespmem:s26+$0xFFFFFFD0] =	vst v43;
	v6 =	vld [tilespmem:s26+$0xFFFFFFF0]  }
0x266: {  	v47 =	vadd.bf16 v51, v49;
	v49 =	vadd.bf16 v59, v57;
	v59 =	vmul.bf16 v52, v34;
	v1 =	vld [tilespmem:s26+$0x0];
	[tilespmem:s26+$0xFFFFFFE0] =	vst v55  }
0x267: {  	v45 =	vadd.bf16 v53, v45;
	v0 =	vadd.bf16 v3, v0;
	v46 =	vadd.s32 $0xF0, v58;
	v55 =	vld [tilespmem:s1+$0xFFFFFFF0]  }
0x268: {  	v42 =	vmovc v7;
	v57 =	vadd.bf16 v59, v48;
	v43 =	vmovc v60;
	v60 =	vadd.s32 $0x190, v58;
	v2 =	vadd.bf16 v2, v5;
	v7 =	vld [tilespmem:s1+$0x0]  }
0x269: {  	v45 =	vadd.bf16 v47, v45;
	v8 =	vadd.bf16 v49, v8;
	v52 =	vld.idx.msk [tilespmem:v61+s23+$0x0], $0xffff  }
0x26a: {  	v49 =	vadd.s32 $0x230, v58;
	v51 =	vld.idx.msk [tilespmem:v56+s23+$0x0], $0xffff;
	v61 =	vmul.f32 v44, v41;
	v2 =	vadd.bf16 v57, v2  }
0x26b: {  	p1 =	sne.s32 s4, $0x4F;
	v59 =	vadd.s32 $0x1E0, v58;
	v54 =	vld.idx.msk [tilespmem:v54+s23+$0x0], $0xffff;
	v41 =	vmov v6;
	v6 =	vadd.bf16 v8, v45  }
.Ltmp4:
0x26c: {  	v53 =	vld.idx.msk [tilespmem:v46+s23+$0x0], $0xffff;
	[tilespmem:s0+$0xFFFFFFF0] =	vst v61;
	v0 =	vadd.bf16 v2, v0;
	v50 =	vmul.f32 v55, v41;
	(pc) =	sbr.rel @p1 .LBB2_7-.Ltmp4, $4  }
0x26d: {  	v47 =	vmul.f32 v63, v42;
	v46 =	vmul.f32 v62, v43;
	v55 =	vld.idx.msk [tilespmem:v60+s23+$0x0], $0xffff;
	v60 =	vunpack.i.l.bf16.f32 v6  }
0x26e: {  	v61 =	vmul.f32 v7, v1;
	v63 =	vunpack.i.u.bf16.f32 v0;
	v3 =	vmul.f32 v50, v60  }
0x26f: {  	v57 =	vld.idx.msk [tilespmem:v49+s23+$0x0], $0xffff;
	v62 =	vunpack.i.u.bf16.f32 v6;
	v49 =	vmul.f32 v63, v1;
	v50 =	vpack.i.f32.bf16 v9, v9  }
0x270: {  	s4 =	sadd.s32 $0x1, s4;
	s0 =	smov.u32 s26;
	s26 =	smov.u32 s2;
	v56 =	vld.idx.msk [tilespmem:v59+s23+$0x0], $0xffff;
	v44 =	vunpack.i.l.bf16.f32 v0;
	v48 =	vmul.f32 v61, v62;
	v45 =	vmul.bf16 v50, v40;
	[tilespmem:s1+$0xFFFFFFF0] =	vst v3  }
0x271: {  	v0 =	vpack.i.f32.bf16 v52, v52  }
0x272: {  	v1 =	vmul.bf16 v50, v26;
	v3 =	vpack.i.f32.bf16 v51, v51;
	v4 =	vpack.i.f32.bf16 v53, v53  }
0x273: {  	v5 =	vpack.i.f32.bf16 v54, v54;
	v7 =	vmul.bf16 v0, v20;
	v8 =	vmul.bf16 v3, v21  }
0x274: {  	v40 =	vmul.bf16 v4, v22;
	v26 =	vmul.bf16 v5, v23  }
0x275: {  	v2 =	vld [tilespmem:$0x1FB70];
	v23 =	vmul.bf16 v0, v14;
	v14 =	vmul.bf16 v3, v15  }
0x276: {  	v6 =	vpack.i.f32.bf16 v55, v55;
	v15 =	vmul.bf16 v4, v16;
	v16 =	vmul.bf16 v5, v17  }
0x277: {  	v21 =	vmul.bf16 v6, v24;
	v17 =	vmul.bf16 v6, v18  }
0x278: {  	v63 =	vmul.bf16 v6, v19;
	v20 =	vpack.i.f32.bf16 v57, v57;
	v1 =	vadd.bf16 v7, v1  }
0x279: {  	v8 =	vadd.bf16 v40, v8;
	v9 =	vpack.i.f32.bf16 v56, v56;
	v61 =	vmul.bf16 v20, v29  }
0x27a: {  	v2 =	vmul.bf16 v50, v2;
	v22 =	vmul.bf16 v9, v25  }
0x27b: {  	v24 =	vadd.bf16 v21, v26;
	v21 =	vmul.bf16 v20, v28;
	v1 =	vadd.bf16 v8, v1  }
0x27c: {  	v18 =	vmul.bf16 v9, v27;
	v7 =	vadd.bf16 v61, v22;
	v2 =	vadd.bf16 v23, v2  }
0x27d: {  	v19 =	vmul.bf16 v20, v39;
	v22 =	vadd.bf16 v15, v14;
	v14 =	vadd.bf16 v17, v16  }
0x27e: {  	v8 =	vmul.bf16 v50, v13;
	v15 =	vadd.bf16 v21, v18;
	v7 =	vadd.bf16 v7, v24  }
0x27f: {  	v13 =	vmul.bf16 v3, v31;
	v3 =	vmul.bf16 v3, v12;
	v2 =	vadd.bf16 v22, v2  }
0x280: {  	v21 =	vmul.bf16 v0, v30;
	v62 =	vadd.bf16 v15, v14;
	v1 =	vadd.bf16 v7, v1  }
0x281: {  	v17 =	vmul.bf16 v9, v38;
	v0 =	vmul.bf16 v0, v10  }
0x282: {  	v38 =	vmul.bf16 v6, v36;
	v2 =	vadd.bf16 v62, v2;
	v16 =	vunpack.i.l.bf16.f32 v1  }
0x283: {  	v9 =	vmul.bf16 v9, v37;
	v1 =	vunpack.i.u.bf16.f32 v1;
	v16 =	vmul.f32 v46, v16  }
0x284: {  	v18 =	vunpack.i.l.bf16.f32 v2;
	v2 =	vunpack.i.u.bf16.f32 v2;
	v1 =	vmul.f32 v47, v1  }
0x285: {  	v14 =	vmul.bf16 v4, v33;
	v2 =	vmul.f32 v2, v42;
	[tilespmem:s19+$0xFFFFFFD0] =	vst v16  }
0x286: {  	v15 =	vmul.bf16 v5, v35;
	v16 =	vmul.f32 v18, v43;
	[tilespmem:s19+$0xFFFFFFE0] =	vst v1  }
0x287: {  	v35 =	vmul.bf16 v5, v32;
	v10 =	vadd.bf16 v21, v45;
	v12 =	vadd.bf16 v19, v17;
	v39 =	vld [tilespmem:s26+$0xFFFFFFF0];
	[tilespmem:s26+$0xFFFFFFE0] =	vst v2  }
0x288: {  	v33 =	vmul.bf16 v4, v11;
	v11 =	vadd.bf16 v14, v13;
	v7 =	vadd.bf16 v63, v15;
	v40 =	vld [tilespmem:s26+$0x0];
	[tilespmem:s26+$0xFFFFFFD0] =	vst v16  }
0x289: {  	v0 =	vadd.bf16 v0, v8;
	v13 =	vmul.bf16 v20, v34;
	v4 =	vadd.bf16 v38, v35;
	v14 =	vld [tilespmem:s19+$0xFFFFFFF0]  }
0x28a: {  	v8 =	vadd.bf16 v11, v10;
	v7 =	vadd.bf16 v12, v7;
	v42 =	vld [tilespmem:s19+$0x0]  }
0x28b: {  	v1 =	vadd.bf16 v33, v3;
	v43 =	vadd.bf16 v13, v9  }
0x28c: {  	v45 =	vadd.bf16 v7, v8  }
0x28d: {  	v0 =	vadd.bf16 v1, v0;
	v4 =	vadd.bf16 v43, v4  }
0x28e: {  	v46 =	vmul.f32 v44, v41;
	v47 =	vmul.f32 v14, v39  }
0x28f: {  	[tilespmem:s1+$0x0] =	vst v48;
	v8 =	vunpack.i.l.bf16.f32 v45;
	v0 =	vadd.bf16 v4, v0;
	v3 =	vmul.f32 v42, v40  }
0x290: {  	[tilespmem:s0+$0x0] =	vst v49;
	v1 =	vunpack.i.u.bf16.f32 v45;
	v50 =	vmul.f32 v47, v8  }
0x291: {  	[tilespmem:s0+$0xFFFFFFF0] =	vst v46;
	v51 =	vunpack.i.u.bf16.f32 v0;
	v1 =	vmul.f32 v3, v1  }
0x292: {  	v0 =	vunpack.i.l.bf16.f32 v0;
	v2 =	vmul.f32 v51, v40;
	[tilespmem:s19+$0xFFFFFFF0] =	vst v50  }
0x293: {  	v0 =	vmul.f32 v0, v39;
	[tilespmem:s19+$0x0] =	vst v1  }
0x294: {  	[tilespmem:s26+$0x0] =	vst v2  }
0x295: {  	[tilespmem:s26+$0xFFFFFFF0] =	vst v0  }
0x296: {  	p1 =	seq.s32 s5, $0x7C;
	s0 =	sadd.s32 $0x2, s21;
	_ =	swait.ge [sflag:s30], $0x50  }
0x297: {  	s2 =	stileid.u32;
	s1 =	sshll.u32 @!p1 s0, $0x4;
	[sflag:s30] =	ssyncset.done $0x0  }
0x298: {  	s1 =	sor.u32 @!p1 s2, s1;
	s19 =	simm.s32 $0x14620;
	[sflag:s30] =	ssyncadd.s32 $0xFFFFFFB0  }
0x299: {  	[spmem:s6] =	stream.indirect.scatter.add.f32 [tilespmem:s19], [sflag:$0x7], $0x40, s10, s18, $0xb8;
	[tilespmem:$0x19620] =	vst v63  }
0x29a: {  	s4 =	simm.s32 $0x16E20;
	s2 =	smul.u32 @!p1 $0xA, s1  }
0x29b: {  	[spmem:s7] =	stream.indirect.scatter.add.f32 [tilespmem:s4], [sflag:$0x7], $0x40, s10, s18, $0xb8;
	[tilespmem:$0x19620] =	vst v63  }
0x29c: {  	s1 =	smul.u32 @!p1 $0x50, s1;
	s4 =	rddreg [dreg:$0x3]  }
0x29d: {  	s19 =	simm.s32 @!p1 $0x13CC0;
	s2 =	sadd.s32 @!p1 s4, s2;
	s4 =	simm.s32 @!p1 $0x0  }
0x29e: {  	[tilespmem:s19], [sflag:$0x1] =	stream.linear.gather @!p1 [hbm4b:s2+s4], $0x50, $0x38;
	[tilespmem:$0x19620] =	vst v63  }
0x29f: {  	s2 =	rddreg [dreg:$0x2]  }
0x2a0: {  	s1 =	sadd.s32 @!p1 s2, s1;
	s2 =	simm.s32 @!p1 $0x13EA0  }
0x2a1: {  	[tilespmem:s2], [sflag:$0x1] =	stream.linear.gather @!p1 [hbm4b:s1+s4], $0x280, $0x38;
	[tilespmem:$0x19620] =	vst v63  }
0x2a2: {  	_ =	swait.ge [sflag:s20], $0x1400  }
0x2a3: {  	v41 =	vld [tilespmem:$0x1FB80];
	_ =	sdelay $0x1  }
0x2a4: {  	s21 =	simm.s32 $0x0  }
0x2a5: {  	v52 =	vmov s21  }
0x2a6: {  	v0 =	vshll.u32 v52, $0x3  }
0x2a7: {  	[sflag:s20] =	ssyncset.done $0x0;
	v0 =	vor.u32 v41, v0  }
0x2a8: {  	[sflag:s20] =	ssyncadd.s32 $0xFFFFEC00;
	v55 =	vor.u32 $0x1, v0  }
0x2a9: {  	_ =	swait.ge [sflag:s20], $0x1400  }
0x2aa: {  	[sflag:s20] =	ssyncset.done $0x0;
	v11 =	vld [tilespmem:$0x1FEA0]  }
0x2ab: {  	v34 =	vld [tilespmem:$0x1FEB0];
	[sflag:s20] =	ssyncadd.s32 $0xFFFFEC00  }
0x2ac: {  	v5 =	vld.idx.msk [tilespmem:v0+s15+$0x0], $0xffff  }
0x2ad: {  	v2 =	vld.idx.msk [tilespmem:v55+s15+$0x0], $0xffff  }
0x2ae: {  	v56 =	vor.u32 $0x2, v0;
	_ =	sdelay $0x3  }
0x2af: {  	v35 =	vld [tilespmem:$0x1FB90];
	v17 =	vmul.f32 v5, v11;
	v18 =	vmul.f32 v2, v34  }
0x2b0: {  	v3 =	vld.idx.msk [tilespmem:v56+s15+$0x0], $0xffff  }
0x2b1: {  	v17 =	vadd.f32 v18, v17;
	v18 =	vld [tilespmem:$0x1FEC0]  }
0x2b2: {  	v36 =	vld [tilespmem:$0x1FE30];
	v58 =	vor.u32 $0x3, v0  }
0x2b3: {  	v37 =	vld [tilespmem:$0x1FDB0]  }
0x2b4: {  	v42 =	vld [tilespmem:$0x1FF20]  }
0x2b5: {  	v45 =	vld [tilespmem:$0x1FCB0];
	v57 =	vor.u32 $0x4, v0  }
0x2b6: {  	v46 =	vld [tilespmem:$0x1FBF0];
	v18 =	vmul.f32 v3, v18  }
0x2b7: {  	v1 =	vld.idx.msk [tilespmem:v58+s15+$0x0], $0xffff  }
0x2b8: {  	v17 =	vadd.f32 v18, v17;
	v18 =	vld [tilespmem:$0x1FED0]  }
0x2b9: {  	v63 =	vld [tilespmem:$0x1FEE0]  }
0x2ba: {  	v6 =	vld.idx.msk [tilespmem:v57+s15+$0x0], $0xffff  }
0x2bb: {  	v47 =	vld [tilespmem:$0x1FE00];
	v53 =	vor.u32 $0x5, v0  }
0x2bc: {  	v49 =	vld [tilespmem:$0x1FE10]  }
0x2bd: {  	v19 =	vld [tilespmem:$0x1FC10];
	v18 =	vmul.f32 v1, v18  }
0x2be: {  	v21 =	vld [tilespmem:$0x1FBC0]  }
0x2bf: {  	v50 =	vld [tilespmem:$0x1FF30];
	v17 =	vadd.f32 v18, v17;
	v18 =	vmul.f32 v6, v63  }
0x2c0: {  	v9 =	vld.idx.msk [tilespmem:v53+s15+$0x0], $0xffff  }
0x2c1: {  	v17 =	vadd.f32 v18, v17;
	v18 =	vld [tilespmem:$0x1FEF0]  }
0x2c2: {  	v24 =	vld [tilespmem:$0x1FCD0];
	v54 =	vor.u32 $0x6, v0  }
0x2c3: {  	v25 =	vld [tilespmem:$0x1FD50]  }
0x2c4: {  	v26 =	vld [tilespmem:$0x1FC30]  }
0x2c5: {  	v51 =	vld [tilespmem:$0x1FCC0]  }
0x2c6: {  	v31 =	vld [tilespmem:$0x1FDF0];
	v18 =	vmul.f32 v9, v18  }
0x2c7: {  	v10 =	vld.idx.msk [tilespmem:v54+s15+$0x0], $0xffff  }
0x2c8: {  	v17 =	vadd.f32 v18, v17;
	v18 =	vld [tilespmem:$0x1FF00]  }
0x2c9: {  	v61 =	vld [tilespmem:$0x1FE70];
	v0 =	vor.u32 $0x7, v0  }
0x2ca: {  	v53 =	vld [tilespmem:$0x1FD40]  }
0x2cb: {  	v58 =	vld [tilespmem:$0x1FDC0];
	v21 =	vmul.f32 v6, v21  }
0x2cc: {  	v54 =	vld [tilespmem:$0x1FD30];
	v4 =	vmul.f32 v5, v35  }
0x2cd: {  	v57 =	vld [tilespmem:$0x1FDD0];
	v7 =	vmul.f32 v5, v36;
	[tilespmem:$0x1FB40] =	vst v21;
	v18 =	vmul.f32 v10, v18  }
0x2ce: {  	v8 =	vmul.f32 v5, v37;
	v12 =	vmul.f32 v5, v42;
	v0 =	vld.idx.msk [tilespmem:v0+s15+$0x0], $0xffff  }
0x2cf: {  	v13 =	vmul.f32 v5, v45;
	v14 =	vmul.f32 v5, v46;
	v17 =	vadd.f32 v18, v17;
	v18 =	vld [tilespmem:$0x1FF10]  }
0x2d0: {  	v60 =	vld [tilespmem:$0x1FC20];
	v22 =	vmul.f32 v2, v53;
	v29 =	vmul.f32 v2, v51  }
0x2d1: {  	v5 =	vmul.f32 v5, v54;
	v38 =	vmul.f32 v6, v61;
	v61 =	vld [tilespmem:$0x1FDE0]  }
0x2d2: {  	v56 =	vld [tilespmem:$0x1FC00];
	v15 =	vmul.f32 v9, v47;
	v13 =	vadd.f32 v29, v13;
	v29 =	vmul.f32 v2, v58  }
0x2d3: {  	v59 =	vld [tilespmem:$0x1FD60];
	v16 =	vmul.f32 v10, v49;
	v25 =	vmul.f32 v3, v25;
	v5 =	vadd.f32 v22, v5  }
0x2d4: {  	v62 =	vld [tilespmem:$0x1FD70];
	v8 =	vadd.f32 v29, v8;
	v29 =	vmul.f32 v3, v57;
	v18 =	vmul.f32 v0, v18  }
0x2d5: {  	v52 =	vld [tilespmem:$0x1FCF0];
	v19 =	vmul.f32 v3, v19;
	v23 =	vmul.f32 v2, v50;
	v5 =	vadd.f32 v25, v5  }
0x2d6: {  	v25 =	vld [tilespmem:$0x1FF60];
	v8 =	vadd.f32 v29, v8;
	v17 =	vadd.f32 v18, v17;
	v18 =	vmul.f32 v1, v61  }
0x2d7: {  	v30 =	vmul.f32 v2, v56;
	v33 =	vmul.f32 v1, v60;
	v60 =	vld [tilespmem:$0x1FCE0]  }
0x2d8: {  	v31 =	vmul.f32 v6, v31;
	v32 =	vmul.f32 v1, v59;
	v59 =	vld [tilespmem:$0x1FF40];
	v8 =	vadd.f32 v18, v8  }
0x2d9: {  	v24 =	vmul.f32 v3, v24;
	v26 =	vmul.f32 v6, v26  }
0x2da: {  	v28 =	vld [tilespmem:$0x1FF50];
	v27 =	vmul.f32 v6, v62;
	v14 =	vadd.f32 v30, v14;
	v8 =	vadd.f32 v31, v8  }
0x2db: {  	v13 =	vadd.f32 v24, v13;
	v29 =	vmul.f32 v6, v52;
	v6 =	vmul.f32 v6, v25  }
0x2dc: {  	v25 =	vld [tilespmem:$0x1FC40];
	v30 =	vsub.f32 $0.0e+00, v17;
	v18 =	vmul.f32 v1, v60;
	v8 =	vadd.f32 v15, v8  }
0x2dd: {  	v21 =	vld [tilespmem:$0x1FC50];
	v12 =	vadd.f32 v23, v12;
	v14 =	vadd.f32 v19, v14;
	v22 =	vmul.f32 v3, v59  }
0x2de: {  	v24 =	vmul.f32 $1.442695020e+00, v30;
	v13 =	vadd.f32 v18, v13;
	v8 =	vadd.f32 v16, v8;
	v16 =	vld [tilespmem:$0x1FE20]  }
0x2df: {  	v28 =	vmul.f32 v1, v28;
	v14 =	vadd.f32 v33, v14;
	v5 =	vadd.f32 v32, v5;
	v32 =	vld [tilespmem:$0x1FF70]  }
0x2e0: {  	v12 =	vadd.f32 v22, v12;
	(erf) = vpow2.f32 v24;
	v24 =	vadd.f32 v29, v13;
	v13 =	vld [tilespmem:$0x1FC60]  }
0x2e1: {  	v20 =	vld [tilespmem:$0x1FF80];
	v14 =	vadd.f32 v26, v14;
	v25 =	vmul.f32 v9, v25  }
0x2e2: {  	v55 =	vld [tilespmem:$0x1FE40];
	v12 =	vadd.f32 v28, v12  }
0x2e3: {  	v21 =	vmul.f32 v10, v21;
	v22 =	vld [tilespmem:$0x1FD10];
	v14 =	vadd.f32 v25, v14;
	v16 =	vmul.f32 v0, v16  }
0x2e4: {  	v40 =	vld [tilespmem:$0x1FC80];
	v6 =	vadd.f32 v6, v12;
	v12 =	vmul.f32 v9, v32  }
0x2e5: {  	v14 =	vadd.f32 v21, v14;
	v13 =	vmul.f32 v0, v13;
	v16 =	vadd.f32 v16, v8  }
0x2e6: {  	v20 =	vmul.f32 v10, v20;
	v6 =	vadd.f32 v12, v6  }
0x2e7: {  	v19 =	vmul.f32 v2, v55;
	v14 =	vadd.f32 v13, v14;
	v13 =	vsub.f32 $0.0e+00, v16  }
0x2e8: {  	v26 =	vmul.f32 v10, v22;
	v6 =	vadd.f32 v20, v6  }
0x2e9: {  	v23 =	vld [tilespmem:$0x1FE50];
	v22 =	vsub.f32 $0.0e+00, v14;
	v12 =	vmul.f32 $1.442695020e+00, v13;
	v13 =	vmul.f32 v0, v40  }
0x2ea: {  	v43 =	vld [tilespmem:$0x1FE60];
	v7 =	vadd.f32 v19, v7  }
0x2eb: {  	v19 =	vpop (erf);
	v22 =	vmul.f32 $1.442695020e+00, v22;
	(erf) = vpow2.f32 v12;
	v12 =	vadd.f32 v13, v6;
	v13 =	vld [tilespmem:$0x1FC90]  }
0x2ec: {  	v15 =	vld [tilespmem:$0x1FD80];
	v19 =	vadd.f32 $1.000000000e+00, v19  }
0x2ed: {  	v31 =	vld [tilespmem:$0x1FD90];
	(erf) = vpow2.f32 v22  }
0x2ee: {  	v44 =	vld [tilespmem:$0x1FE80];
	v23 =	vmul.f32 v3, v23;
	(erf) = vrcp.f32 v19  }
0x2ef: {  	v48 =	vld [tilespmem:$0x1FE90]  }
0x2f0: {  	v7 =	vadd.f32 v23, v7;
	v20 =	vmul.f32 v1, v43;
	v2 =	vmul.f32 v2, v13;
	v13 =	vld [tilespmem:$0x1FBB0]  }
0x2f1: {  	s26 =	simm.s32 $0x10;
	v5 =	vadd.f32 v27, v5;
	v15 =	vmul.f32 v9, v15;
	v22 =	vld [tilespmem:$0x1FBD0]  }
0x2f2: {  	v33 =	vmov s26;
	v7 =	vadd.f32 v20, v7;
	v21 =	vmul.f32 v10, v31  }
0x2f3: {  	v18 =	vld [tilespmem:$0x1FD00];
	v5 =	vadd.f32 v15, v5;
	v6 =	vshll.u32 v33, $0x3  }
0x2f4: {  	v39 =	vmul.f32 v9, v44;
	v38 =	vadd.f32 v38, v7;
	v6 =	vor.u32 v41, v6  }
0x2f5: {  	v27 =	vld [tilespmem:$0x1FBA0];
	v5 =	vadd.f32 v21, v5;
	v15 =	vpop (erf);
	v1 =	vmul.f32 v1, v13;
	v13 =	vsub.f32 $0.0e+00, v12  }
0x2f6: {  	v25 =	vld [tilespmem:$0x1FDA0];
	v19 =	vmul.f32 v10, v48;
	v7 =	vor.u32 $0x5, v6;
	v30 =	vmul.f32 v10, v22;
	v21 =	vpop (erf)  }
0x2f7: {  	v2 =	vadd.f32 v2, v4;
	v4 =	vadd.f32 v39, v38;
	v39 =	vld [tilespmem:$0x1FC70];
	v10 =	vpop (erf);
	v13 =	vmul.f32 $1.442695020e+00, v13  }
0x2f8: {  	[tilespmem:$0x1FB60] =	vst v16;
	v16 =	vmul.f32 v9, v18;
	v33 =	vmul.f32 v10, v17  }
0x2f9: {  	v29 =	vld.idx.msk [tilespmem:v6+s15+$0x0], $0xffff;
	(erf) = vpow2.f32 v13  }
0x2fa: {  	v16 =	vadd.f32 v16, v24;
	v20 =	vor.u32 $0x1, v6;
	v38 =	vld [tilespmem:$0x1FD20];
	[tilespmem:$0x1FB50] =	vst v33  }
0x2fb: {  	v3 =	vmul.f32 v3, v27;
	v8 =	vmul.f32 v0, v25;
	v10 =	vld.idx.msk [tilespmem:v7+s15+$0x0], $0xffff  }
0x2fc: {  	v26 =	vadd.f32 v26, v16;
	v4 =	vadd.f32 v19, v4;
	v19 =	vld [tilespmem:$0x1FBE0];
	v13 =	vmul.f32 v0, v39  }
0x2fd: {  	v23 =	vor.u32 $0x2, v6;
	v2 =	vadd.f32 v3, v2;
	v15 =	vadd.f32 $1.000000000e+00, v15  }
0x2fe: {  	v28 =	vor.u32 $0x6, v6;
	v22 =	vadd.f32 v8, v5;
	v33 =	vld [tilespmem:$0x1FCA0];
	v4 =	vadd.f32 v13, v4  }
0x2ff: {  	v24 =	vmul.f32 v29, v42;
	v1 =	vadd.f32 v1, v2;
	(erf) = vrcp.f32 v15;
	v15 =	vld.idx.msk [tilespmem:v20+s15+$0x0], $0xffff  }
0x300: {  	v5 =	vsub.f32 $0.0e+00, v4;
	v42 =	vmul.f32 v10, v47;
	v47 =	vmul.f32 v29, v11;
	v11 =	vld [tilespmem:$0x1FB40]  }
0x301: {  	v19 =	vmul.f32 v0, v19;
	v0 =	vmul.f32 v0, v38;
	v13 =	vadd.f32 $1.000000000e+00, v21  }
0x302: {  	v20 =	vmul.f32 v29, v36;
	v36 =	vor.u32 $0x3, v6;
	v5 =	vmul.f32 $1.442695020e+00, v5;
	v17 =	vpop (erf)  }
0x303: {  	v21 =	vld.idx.msk [tilespmem:v23+s15+$0x0], $0xffff;
	v23 =	vmul.f32 v29, v37;
	(erf) = vrcp.f32 v13;
	v37 =	vadd.f32 $1.000000000e+00, v17  }
0x304: {  	v0 =	vadd.f32 v0, v26;
	v7 =	vmul.f32 v9, v33;
	(erf) = vpow2.f32 v5  }
0x305: {  	v26 =	vld [tilespmem:$0x1FEC0];
	v1 =	vadd.f32 v11, v1;
	(erf) = vrcp.f32 v37;
	v37 =	vmul.f32 v15, v50  }
0x306: {  	v8 =	vsub.f32 $0.0e+00, v22;
	v9 =	vld.idx.msk [tilespmem:v28+s15+$0x0], $0xffff;
	v28 =	vmul.f32 v29, v45  }
0x307: {  	v1 =	vadd.f32 v7, v1;
	v7 =	vadd.f32 v37, v24;
	v24 =	vmul.f32 v15, v51  }
0x308: {  	v8 =	vmul.f32 $1.442695020e+00, v8;
	v16 =	vld.idx.msk [tilespmem:v36+s15+$0x0], $0xffff  }
0x309: {  	v34 =	vmul.f32 v15, v34;
	v24 =	vadd.f32 v24, v28;
	v28 =	vld [tilespmem:$0x1FED0]  }
0x30a: {  	v26 =	vmul.f32 v21, v26;
	(erf) = vpow2.f32 v8;
	v1 =	vadd.f32 v30, v1;
	v30 =	vld [tilespmem:$0x1FCD0]  }
0x30b: {  	v5 =	vmul.f32 v29, v46;
	v46 =	vsub.f32 $0.0e+00, v0;
	v8 =	vadd.f32 v34, v47  }
0x30c: {  	v45 =	vmul.f32 v9, v49;
	v49 =	vld [tilespmem:$0x1FC10]  }
0x30d: {  	v8 =	vadd.f32 v26, v8;
	v26 =	vmul.f32 $1.442695020e+00, v46  }
0x30e: {  	v28 =	vmul.f32 v16, v28  }
0x30f: {  	v47 =	vpop (erf);
	v1 =	vadd.f32 v19, v1;
	v30 =	vmul.f32 v21, v30  }
0x310: {  	v27 =	vor.u32 $0x4, v6;
	v50 =	vpop (erf)  }
0x311: {  	v2 =	vmul.f32 v21, v49;
	(erf) = vpow2.f32 v26;
	v49 =	vsub.f32 $0.0e+00, v1;
	v26 =	vpop (erf)  }
0x312: {  	v8 =	vadd.f32 v28, v8;
	v28 =	vpop (erf)  }
0x313: {  	v33 =	vmul.f32 $1.442695020e+00, v49;
	v24 =	vadd.f32 v30, v24;
	v30 =	vpop (erf)  }
0x314: {  	v30 =	vadd.f32 $1.000000000e+00, v30  }
0x315: {  	v27 =	vld.idx.msk [tilespmem:v27+s15+$0x0], $0xffff;
	v26 =	vadd.f32 $1.000000000e+00, v26;
	(erf) = vpow2.f32 v33  }
0x316: {  	(erf) = vrcp.f32 v30  }
0x317: {  	(erf) = vrcp.f32 v26;
	v26 =	vld [tilespmem:$0x1FEF0];
	_ =	sdelay $0x2  }
0x318: {  	v36 =	vmul.f32 v15, v53;
	v53 =	vmul.f32 v27, v63  }
0x319: {  	v19 =	vld [tilespmem:$0x1FD50]  }
0x31a: {  	v13 =	vmul.f32 v29, v35;
	v35 =	vld [tilespmem:$0x1FBC0];
	v8 =	vadd.f32 v53, v8;
	v26 =	vmul.f32 v10, v26  }
0x31b: {  	v11 =	vld [tilespmem:$0x1FF80]  }
0x31c: {  	v29 =	vmul.f32 v29, v54;
	v8 =	vadd.f32 v26, v8;
	v26 =	vld [tilespmem:$0x1FF00]  }
0x31d: {  	v6 =	vor.u32 $0x7, v6  }
0x31e: {  	v3 =	vadd.f32 v36, v29;
	v19 =	vmul.f32 v21, v19  }
0x31f: {  	v54 =	vmul.f32 v15, v58;
	v51 =	vmul.f32 v15, v56  }
0x320: {  	v17 =	vmul.f32 v9, v11;
	v3 =	vadd.f32 v19, v3;
	v19 =	vmul.f32 v21, v59  }
0x321: {  	v56 =	vadd.f32 v54, v23;
	v23 =	vld [tilespmem:$0x1FD60];
	v11 =	vmul.f32 v27, v35;
	v26 =	vmul.f32 v9, v26  }
0x322: {  	v35 =	vmul.f32 v50, v14;
	v14 =	vld.idx.msk [tilespmem:v6+s15+$0x0], $0xffff;
	v7 =	vadd.f32 v19, v7;
	v19 =	vmul.f32 v16, v60  }
0x323: {  	v8 =	vadd.f32 v26, v8;
	v26 =	vld [tilespmem:$0x1FF10]  }
0x324: {  	v24 =	vadd.f32 v19, v24;
	v19 =	vld [tilespmem:$0x1FF50];
	_ =	sdelay $0x1  }
0x325: {  	v23 =	vmul.f32 v16, v23  }
0x326: {  	v58 =	vmul.f32 v21, v57;
	v5 =	vadd.f32 v51, v5  }
0x327: {  	v3 =	vadd.f32 v23, v3;
	v23 =	vmul.f32 v27, v52;
	v26 =	vmul.f32 v14, v26  }
0x328: {  	v2 =	vadd.f32 v2, v5;
	v5 =	vadd.f32 v58, v56;
	v30 =	vmul.f32 v16, v19  }
0x329: {  	v19 =	vadd.f32 v26, v8;
	v8 =	vadd.f32 v23, v24;
	v23 =	vmul.f32 v16, v61;
	_ =	sdelay $0x1  }
0x32a: {  	v5 =	vadd.f32 v23, v5;
	v23 =	vld [tilespmem:$0x1FDF0];
	_ =	sdelay $0x4  }
0x32b: {  	v23 =	vmul.f32 v27, v23;
	_ =	sdelay $0x1  }
0x32c: {  	v5 =	vadd.f32 v23, v5;
	v23 =	vmul.f32 v10, v18;
	v18 =	vld [tilespmem:$0x1FC40]  }
0x32d: {  	v29 =	vmul.f32 v27, v62;
	v62 =	vmul.f32 v15, v55;
	v24 =	vld [tilespmem:$0x1FC20];
	_ =	sdelay $0x1  }
0x32e: {  	v37 =	vadd.f32 v62, v20;
	v20 =	vld [tilespmem:$0x1FC30];
	_ =	sdelay $0x1  }
0x32f: {  	v12 =	vmul.f32 v28, v12;
	v54 =	vmov v18;
	v28 =	vmul.f32 v10, v18;
	v18 =	vld [tilespmem:$0x1FE70]  }
0x330: {  	v24 =	vmul.f32 v16, v24;
	_ =	sdelay $0x1  }
0x331: {  	v20 =	vmul.f32 v27, v20;
	v59 =	vpop (erf);
	v2 =	vadd.f32 v24, v2  }
0x332: {  	v6 =	vadd.f32 $1.000000000e+00, v59  }
0x333: {  	v2 =	vadd.f32 v20, v2;
	v20 =	vadd.f32 v23, v8;
	v55 =	vmovc v18;
	v23 =	vmul.f32 v27, v18;
	v18 =	vld [tilespmem:$0x1FD80]  }
0x334: {  	v60 =	vpop (erf);
	v63 =	vsub.f32 $0.0e+00, v19;
	v8 =	vld [tilespmem:$0x1FE50]  }
0x335: {  	(erf) = vrcp.f32 v6;
	v6 =	vadd.f32 $1.000000000e+00, v60;
	_ =	sdelay $0x1  }
0x336: {  	(erf) = vrcp.f32 v6;
	v33 =	vpop (erf);
	v26 =	vadd.f32 v29, v3  }
0x337: {  	v6 =	vmul.f32 $1.442695020e+00, v63;
	v24 =	vpop (erf);
	v63 =	vmov v18;
	v29 =	vmul.f32 v10, v18;
	v18 =	vld [tilespmem:$0x1FB50]  }
0x338: {  	v4 =	vmul.f32 v24, v4;
	v56 =	vmov v8;
	v24 =	vmul.f32 v21, v8;
	v8 =	vld [tilespmem:$0x1FF60];
	_ =	sdelay $0x1  }
0x339: {  	s1 =	simm.s32 $0x144E0  }
0x33a: {  	v36 =	vld [tilespmem:$0x1FC50];
	[tilespmem:s1+$0xFFFFFF10] =	vst v35  }
0x33b: {  	[tilespmem:s1+$0xA0] =	vst v18  }
0x33c: {  	v5 =	vadd.f32 v42, v5;
	v59 =	vmov v8;
	v8 =	vmul.f32 v27, v8;
	v18 =	vld [tilespmem:$0x1FE20];
	[tilespmem:s1+$0x50] =	vst v4  }
0x33d: {  	v4 =	vld [tilespmem:$0x1FC60];
	[tilespmem:s1+$0xF0] =	vst v12  }
0x33e: {  	v7 =	vadd.f32 v30, v7;
	v5 =	vadd.f32 v45, v5;
	v45 =	vld [tilespmem:$0x1FB60]  }
0x33f: {  	v3 =	vmul.f32 v33, v22  }
0x340: {  	v7 =	vadd.f32 v8, v7;
	v8 =	vpop (erf)  }
0x341: {  	v0 =	vmul.f32 v8, v0;
	[tilespmem:s1+$0xFFFFFFB0] =	vst v3  }
0x342: {  	(erf) = vpow2.f32 v6;
	v49 =	vld [tilespmem:$0x1FBA0]  }
0x343: {  	v6 =	vmul.f32 v9, v36;
	v2 =	vadd.f32 v28, v2;
	v28 =	vmul.f32 v47, v45;
	v47 =	vld [tilespmem:$0x1FD10];
	[tilespmem:s1+$0xFFFFFF60] =	vst v0  }
0x344: {  	v57 =	vmov v32;
	v51 =	vmov v25;
	v0 =	vld [tilespmem:$0x1FBB0]  }
0x345: {  	v25 =	vmul.f32 v14, v25;
	v53 =	vmovc v36;
	v42 =	vmul.f32 v10, v32;
	v2 =	vadd.f32 v6, v2  }
0x346: {  	v46 =	vpop (erf);
	v22 =	vmul.f32 v14, v18;
	v50 =	vmov v4;
	v4 =	vmul.f32 v14, v4  }
0x347: {  	v52 =	vmovc v31;
	v27 =	vmul.f32 v9, v31;
	v32 =	vadd.f32 v42, v7;
	v30 =	vmul.f32 v46, v1  }
0x348: {  	v60 =	vmovc v18;
	v12 =	vadd.f32 v22, v5;
	v18 =	vadd.f32 v4, v2;
	v31 =	vmul.f32 v21, v49  }
0x349: {  	s21 =	simm.s32 $0x20;
	s19 =	simm.s32 $0x144F0;
	s26 =	simm.s32 $0x144F0;
	v62 =	vmovc v49;
	v58 =	vmovc v47;
	v22 =	vmul.f32 v9, v47;
	v61 =	vmov v0;
	v33 =	vmul.f32 v16, v0  }
.LBB2_9:
0x34a: {  	_ =	sdelay $0x1  }
0x34b: {  	v1 =	vsub.f32 $0.0e+00, v12  }
0x34c: {  	v0 =	vld [tilespmem:$0x1FC90]  }
0x34d: {  	s2 =	smov.u32 s21;
	v1 =	vmul.f32 $1.442695020e+00, v1  }
0x34e: {  	v3 =	vsub.f32 $0.0e+00, v18;
	v46 =	vmov s2  }
0x34f: {  	v6 =	vadd.f32 v24, v37;
	v7 =	vpop (erf);
	(erf) = vpow2.f32 v1;
	v1 =	vshll.u32 v46, $0x3  }
0x350: {  	v37 =	vadd.f32 v29, v26;
	v3 =	vmul.f32 $1.442695020e+00, v3;
	v1 =	vor.u32 v41, v1  }
0x351: {  	v4 =	vmul.f32 v16, v43;
	v0 =	vmul.f32 v15, v0;
	v15 =	vor.u32 $0x7, v1  }
0x352: {  	v5 =	vadd.f32 v17, v32;
	v29 =	vld [tilespmem:$0x1FD40];
	v2 =	vmul.f32 v14, v40;
	v7 =	vadd.f32 $1.000000000e+00, v7  }
0x353: {  	v27 =	vadd.f32 v27, v37;
	v45 =	vadd.f32 v4, v6;
	v46 =	vld [tilespmem:$0x1FB90];
	(erf) = vpow2.f32 v3  }
0x354: {  	[tilespmem:s1+$0x0] =	vst v28;
	v48 =	vmul.f32 v9, v48;
	v21 =	vadd.f32 v2, v5;
	v41 =	vld [tilespmem:$0x1FBE0];
	(erf) = vrcp.f32 v7  }
0x355: {  	[tilespmem:s1+$0xFFFFFEC0] =	vst v30;
	v36 =	vmul.f32 v10, v44;
	v40 =	vmul.f32 v14, v39;
	v2 =	vadd.f32 v23, v45;
	v45 =	vld [tilespmem:$0x1FCA0]  }
0x356: {  	v0 =	vadd.f32 v0, v13;
	v47 =	vsub.f32 $0.0e+00, v21;
	v13 =	vor.u32 $0x5, v1;
	v24 =	vld.idx.msk [tilespmem:v15+s15+$0x0], $0xffff  }
0x357: {  	v49 =	vor.u32 $0x1, v1;
	v35 =	vor.u32 $0x2, v1;
	v2 =	vadd.f32 v36, v2;
	v15 =	vld [tilespmem:$0x1FBD0]  }
0x358: {  	v17 =	vor.u32 $0x6, v1;
	v0 =	vadd.f32 v31, v0;
	v31 =	vld [tilespmem:$0x1FF30];
	v4 =	vmul.f32 $1.442695020e+00, v47  }
0x359: {  	v8 =	vor.u32 $0x4, v1;
	v16 =	vor.u32 $0x3, v1;
	v1 =	vld.idx.msk [tilespmem:v1+s15+$0x0], $0xffff;
	v28 =	vadd.f32 v48, v2  }
0x35a: {  	(erf) = vpow2.f32 v4;
	v4 =	vmul.f32 v14, v41;
	v41 =	vld [tilespmem:$0x1FBF0]  }
0x35b: {  	v43 =	vld.idx.msk [tilespmem:v13+s15+$0x0], $0xffff;
	v30 =	vadd.f32 v40, v28;
	v28 =	vadd.f32 v25, v27;
	v23 =	vpop (erf)  }
0x35c: {  	v32 =	vld.idx.msk [tilespmem:v35+s15+$0x0], $0xffff;
	v42 =	vpop (erf);
	v26 =	vmul.f32 v9, v15;
	v15 =	vadd.f32 $1.000000000e+00, v23  }
0x35d: {  	v6 =	vmul.f32 v10, v45;
	v10 =	vsub.f32 $0.0e+00, v28;
	v23 =	vmul.f32 v14, v38;
	v44 =	vpop (erf);
	v9 =	vld.idx.msk [tilespmem:v17+s15+$0x0], $0xffff  }
0x35e: {  	v20 =	vadd.f32 v22, v20;
	v7 =	vmul.f32 v44, v19;
	(erf) = vrcp.f32 v15;
	v15 =	vld.idx.msk [tilespmem:v49+s15+$0x0], $0xffff  }
0x35f: {  	s1 =	smov.u32 s19;
	v49 =	vmul.f32 $1.442695020e+00, v10;
	v10 =	vld [tilespmem:$0x1FF20]  }
0x360: {  	v38 =	vadd.f32 v23, v20;
	v23 =	vld [tilespmem:$0x1FF50];
	[tilespmem:s1+$0xA0] =	vst v7  }
0x361: {  	v0 =	vadd.f32 v33, v0;
	v16 =	vld.idx.msk [tilespmem:v16+s15+$0x0], $0xffff  }
0x362: {  	v48 =	vld [tilespmem:$0x1FE30];
	v2 =	vadd.f32 $1.000000000e+00, v42;
	v14 =	vsub.f32 $0.0e+00, v30  }
0x363: {  	v0 =	vadd.f32 v11, v0;
	v11 =	vld [tilespmem:$0x1FBC0]  }
0x364: {  	v42 =	vld [tilespmem:$0x1FE00];
	v47 =	vmul.f32 $1.442695020e+00, v14;
	(erf) = vrcp.f32 v2  }
0x365: {  	v17 =	vld [tilespmem:$0x1FCB0];
	v2 =	vmul.f32 v1, v41;
	v19 =	vmul.f32 v1, v10  }
0x366: {  	v10 =	vpop (erf);
	(erf) = vpow2.f32 v47;
	v47 =	vld [tilespmem:$0x1FCC0];
	v41 =	vmul.f32 v16, v23;
	v23 =	vsub.f32 $0.0e+00, v38  }
0x367: {  	v44 =	vld [tilespmem:$0x1FEA0]  }
0x368: {  	v37 =	vmul.f32 v1, v48;
	v48 =	vmul.f32 $1.442695020e+00, v23;
	v23 =	vld [tilespmem:$0x1FD60]  }
0x369: {  	v14 =	vmov v24;
	v24 =	vld [tilespmem:$0x1FEB0]  }
0x36a: {  	v0 =	vadd.f32 v6, v0;
	v13 =	vmul.f32 v1, v46;
	v46 =	vld [tilespmem:$0x1FCD0]  }
0x36b: {  	v20 =	vld [tilespmem:$0x1FD70];
	v25 =	vmul.f32 v1, v17;
	v39 =	vmul.f32 v15, v47  }
0x36c: {  	v0 =	vadd.f32 v26, v0;
	v26 =	vld [tilespmem:$0x1FC00]  }
0x36d: {  	v25 =	vadd.f32 v39, v25;
	v39 =	vmul.f32 v16, v23;
	v23 =	vld [tilespmem:$0x1FED0]  }
0x36e: {  	v7 =	vld.idx.msk [tilespmem:v8+s15+$0x0], $0xffff;
	v3 =	vmul.f32 v1, v44;
	v24 =	vmul.f32 v15, v24  }
0x36f: {  	v8 =	vld [tilespmem:$0x1FDB0]  }
0x370: {  	v17 =	vadd.f32 $1.000000000e+00, v10;
	v3 =	vadd.f32 v24, v3;
	v24 =	vld [tilespmem:$0x1FEC0]  }
0x371: {  	v10 =	vmov v43;
	v43 =	vld [tilespmem:$0x1FE10]  }
0x372: {  	(erf) = vrcp.f32 v17;
	v35 =	vpop (erf);
	v44 =	vmul.f32 v16, v23;
	v23 =	vld [tilespmem:$0x1FC20]  }
0x373: {  	v36 =	vmul.f32 v10, v42;
	v42 =	vld [tilespmem:$0x1FDF0];
	v22 =	vpop (erf);
	(erf) = vpow2.f32 v49  }
0x374: {  	v6 =	vmul.f32 v32, v46;
	v33 =	vmul.f32 v9, v53;
	v17 =	vld [tilespmem:$0x1FC10]  }
0x375: {  	v29 =	vmul.f32 v15, v29;
	v49 =	vld [tilespmem:$0x1FCF0];
	v45 =	vmul.f32 v32, v24  }
0x376: {  	v0 =	vadd.f32 v4, v0;
	v31 =	vmul.f32 v15, v31;
	v18 =	vmul.f32 v22, v18;
	v22 =	vld [tilespmem:$0x1FDC0]  }
0x377: {  	v26 =	vmul.f32 v15, v26;
	v3 =	vadd.f32 v45, v3;
	v45 =	vmul.f32 v16, v23;
	v23 =	vld [tilespmem:$0x1FD30]  }
0x378: {  	v46 =	vsub.f32 $0.0e+00, v0;
	v8 =	vmul.f32 v1, v8;
	v11 =	vmul.f32 v7, v11;
	v24 =	vld [tilespmem:$0x1FD50]  }
0x379: {  	v20 =	vmul.f32 v7, v20;
	v34 =	vmul.f32 v9, v43;
	v6 =	vadd.f32 v6, v25;
	v25 =	vld [tilespmem:$0x1FEE0]  }
0x37a: {  	v47 =	vld [tilespmem:$0x1FE40];
	v43 =	vmul.f32 $1.442695020e+00, v46;
	v42 =	vmul.f32 v7, v42;
	v5 =	vpop (erf)  }
0x37b: {  	v19 =	vadd.f32 v31, v19;
	v27 =	vmul.f32 v32, v17;
	v17 =	vld [tilespmem:$0x1FF80];
	v46 =	vmul.f32 v7, v49;
	v4 =	vpop (erf)  }
0x37c: {  	v2 =	vadd.f32 v26, v2;
	v49 =	vld [tilespmem:$0x1FCE0];
	(erf) = vpow2.f32 v48;
	v48 =	vpop (erf);
	v1 =	vmul.f32 v1, v23  }
0x37d: {  	v22 =	vmul.f32 v15, v22;
	v40 =	vmul.f32 v32, v24;
	v24 =	vld [tilespmem:$0x1FC30];
	v48 =	vadd.f32 $1.000000000e+00, v48  }
0x37e: {  	(erf) = vpow2.f32 v43;
	v25 =	vmul.f32 v7, v25;
	v1 =	vadd.f32 v29, v1;
	v29 =	vld [tilespmem:$0x1FF40]  }
0x37f: {  	v3 =	vadd.f32 v44, v3;
	(erf) = vrcp.f32 v48;
	v48 =	vadd.f32 v22, v8;
	v8 =	vld [tilespmem:$0x1FDD0]  }
0x380: {  	v47 =	vmul.f32 v15, v47;
	v5 =	vadd.f32 $1.000000000e+00, v5;
	v2 =	vadd.f32 v27, v2  }
0x381: {  	v27 =	vmul.f32 v9, v52;
	v49 =	vmul.f32 v16, v49;
	v3 =	vadd.f32 v25, v3;
	v25 =	vld [tilespmem:$0x1FEF0]  }
0x382: {  	v37 =	vadd.f32 v47, v37;
	v17 =	vmul.f32 v9, v17;
	v4 =	vmul.f32 v4, v21  }
0x383: {  	v22 =	vld [tilespmem:$0x1FF00];
	v6 =	vadd.f32 v49, v6;
	(erf) = vrcp.f32 v5;
	v29 =	vmul.f32 v32, v29  }
0x384: {  	v31 =	vmul.f32 v7, v24;
	v2 =	vadd.f32 v45, v2;
	v8 =	vmul.f32 v32, v8  }
0x385: {  	v43 =	vld [tilespmem:$0x1FDE0];
	v24 =	vmul.f32 v32, v56;
	v1 =	vadd.f32 v40, v1;
	v40 =	vadd.f32 v29, v19;
	v19 =	vpop (erf)  }
0x386: {  	v25 =	vmul.f32 v10, v25;
	v5 =	vadd.f32 v8, v48;
	v8 =	vadd.f32 $1.000000000e+00, v19;
	v19 =	vld [tilespmem:$0x1FF10]  }
0x387: {  	v2 =	vadd.f32 v31, v2;
	v31 =	vmul.f32 v32, v62;
	v1 =	vadd.f32 v39, v1  }
0x388: {  	v23 =	vmul.f32 v7, v55;
	v3 =	vadd.f32 v25, v3;
	v25 =	vmul.f32 v9, v22;
	v22 =	vpop (erf)  }
0x389: {  	v26 =	vadd.f32 v20, v1;
	v20 =	vld [tilespmem:$0x1FD00];
	v22 =	vadd.f32 $1.000000000e+00, v22;
	(erf) = vrcp.f32 v8  }
0x38a: {  	v6 =	vadd.f32 v46, v6;
	v7 =	vmul.f32 v7, v59;
	v1 =	vmul.f32 v16, v43  }
0x38b: {  	v3 =	vadd.f32 v25, v3;
	(erf) = vrcp.f32 v22;
	v19 =	vmul.f32 v14, v19  }
0x38c: {  	v25 =	vmul.f32 v14, v51;
	v29 =	vmul.f32 v10, v63;
	v1 =	vadd.f32 v1, v5  }
0x38d: {  	v46 =	vpop (erf);
	v49 =	vadd.f32 v41, v40;
	v8 =	vmul.f32 v10, v54;
	v19 =	vadd.f32 v19, v3  }
0x38e: {  	v47 =	vpop (erf);
	v1 =	vadd.f32 v42, v1;
	v20 =	vmul.f32 v10, v20;
	v22 =	vmul.f32 v9, v58  }
0x38f: {  	[tilespmem:s1+$0xFFFFFF10] =	vst v18;
	v44 =	vld [tilespmem:$0x1FE80];
	v30 =	vmul.f32 v47, v30;
	v42 =	vadd.f32 v7, v49;
	v18 =	vsub.f32 $0.0e+00, v19  }
0x390: {  	p2 =	sne.s32 s21, $0x40;
	v48 =	vld [tilespmem:$0x1FE90];
	v47 =	vmul.f32 v10, v57;
	v1 =	vadd.f32 v36, v1;
	v2 =	vadd.f32 v8, v2  }
.Ltmp5:
0x391: {  	v39 =	vld [tilespmem:$0x1FC70];
	v8 =	vmul.f32 v14, v60;
	v20 =	vadd.f32 v20, v6;
	v18 =	vmul.f32 $1.442695020e+00, v18;
	(pc) =	sbr.rel @p2 .LBB2_9-.Ltmp5, $4  }
0x392: {  	[tilespmem:s1+$0xF0] =	vst v4;
	v43 =	vld [tilespmem:$0x1FE60];
	v2 =	vadd.f32 v33, v2;
	v3 =	vmul.f32 v46, v28;
	v46 =	vmul.f32 v14, v50;
	v45 =	vpop (erf)  }
0x393: {  	v41 =	vld [tilespmem:$0x1FB80];
	[tilespmem:s1+$0x50] =	vst v30;
	v5 =	vmul.f32 v45, v38;
	(erf) = vpow2.f32 v18;
	v18 =	vadd.f32 v34, v1  }
0x394: {  	s26 =	sadd.s32 $0x10, s26;
	v40 =	vld [tilespmem:$0x1FC80];
	v32 =	vadd.f32 v47, v42;
	v33 =	vmul.f32 v16, v61;
	v28 =	vmul.f32 v35, v12;
	[tilespmem:s1+$0xFFFFFFB0] =	vst v3;
	v49 =	vpop (erf)  }
0x395: {  	s21 =	sadd.s32 $0x10, s21;
	s19 =	smov.u32 s26;
	v38 =	vld [tilespmem:$0x1FD20];
	v30 =	vmul.f32 v49, v0;
	[tilespmem:s1+$0xFFFFFF60] =	vst v5;
	v12 =	vadd.f32 v8, v18;
	v18 =	vadd.f32 v46, v2  }
0x396: {  	_ =	sdelay $0x2  }
0x397: {  	v3 =	vadd.f32 v17, v32;
	v58 =	vld [tilespmem:$0x1FC90];
	v0 =	vsub.f32 $0.0e+00, v12;
	v1 =	vmul.f32 v14, v40;
	_ =	sdelay $0x1  }
0x398: {  	v2 =	vsub.f32 $0.0e+00, v18;
	v0 =	vmul.f32 $1.442695020e+00, v0;
	v1 =	vadd.f32 v1, v3  }
0x399: {  	v56 =	vadd.f32 v24, v37;
	v55 =	vmul.f32 v16, v43  }
0x39a: {  	v7 =	vld [tilespmem:$0x1FBD0];
	v2 =	vmul.f32 $1.442695020e+00, v2;
	(erf) = vpow2.f32 v0;
	v4 =	vpop (erf);
	v5 =	vsub.f32 $0.0e+00, v1  }
0x39b: {  	v0 =	vadd.f32 v55, v56;
	v3 =	vmul.f32 v15, v58;
	v57 =	vadd.f32 $1.000000000e+00, v4  }
0x39c: {  	(erf) = vpow2.f32 v2;
	v59 =	vmul.f32 $1.442695020e+00, v5  }
0x39d: {  	v60 =	vmul.f32 v10, v44;
	v0 =	vadd.f32 v23, v0;
	(erf) = vrcp.f32 v57  }
0x39e: {  	v62 =	vadd.f32 v29, v26;
	v3 =	vadd.f32 v3, v13;
	(erf) = vpow2.f32 v59  }
0x39f: {  	v61 =	vmul.f32 v9, v48;
	v7 =	vmul.f32 v9, v7;
	v9 =	vld [tilespmem:$0x1FCA0];
	v0 =	vadd.f32 v60, v0  }
0x3a0: {  	v6 =	vld [tilespmem:$0x1FBE0];
	v2 =	vadd.f32 v27, v62;
	v3 =	vadd.f32 v31, v3  }
0x3a1: {  	v63 =	vmul.f32 v14, v39;
	v0 =	vadd.f32 v61, v0  }
0x3a2: {  	v2 =	vadd.f32 v25, v2;
	v3 =	vadd.f32 v33, v3  }
0x3a3: {  	v0 =	vadd.f32 v63, v0  }
0x3a4: {  	v9 =	vmul.f32 v10, v9;
	v35 =	vsub.f32 $0.0e+00, v2;
	v3 =	vadd.f32 v11, v3;
	v32 =	vpop (erf)  }
0x3a5: {  	v6 =	vmul.f32 v14, v6;
	v5 =	vadd.f32 $1.000000000e+00, v32;
	v34 =	vpop (erf);
	v8 =	vsub.f32 $0.0e+00, v0  }
0x3a6: {  	v10 =	vmul.f32 v14, v38;
	v3 =	vadd.f32 v9, v3;
	v4 =	vadd.f32 $1.000000000e+00, v34;
	v11 =	vpop (erf)  }
0x3a7: {  	v14 =	vadd.f32 v22, v20;
	(erf) = vrcp.f32 v5;
	v8 =	vmul.f32 $1.442695020e+00, v8;
	v13 =	vpop (erf)  }
0x3a8: {  	v3 =	vadd.f32 v7, v3;
	(erf) = vrcp.f32 v4;
	v37 =	vadd.f32 $1.000000000e+00, v13  }
0x3a9: {  	v36 =	vmul.f32 $1.442695020e+00, v35;
	(erf) = vpow2.f32 v8;
	v8 =	vadd.f32 v10, v14  }
0x3aa: {  	v3 =	vadd.f32 v6, v3;
	(erf) = vrcp.f32 v37  }
0x3ab: {  	v38 =	vsub.f32 $0.0e+00, v8;
	(erf) = vpow2.f32 v36  }
0x3ac: {  	v39 =	vsub.f32 $0.0e+00, v3  }
0x3ad: {  	v4 =	vmul.f32 $1.442695020e+00, v38  }
0x3ae: {  	v40 =	vmul.f32 $1.442695020e+00, v39  }
0x3af: {  	(erf) = vpow2.f32 v4  }
0x3b0: {  	v41 =	vpop (erf);
	(erf) = vpow2.f32 v40  }
0x3b1: {  	v42 =	vpop (erf)  }
0x3b2: {  	v43 =	vpop (erf)  }
0x3b3: {  	v44 =	vpop (erf)  }
0x3b4: {  	v9 =	vpop (erf)  }
0x3b5: {  	v9 =	vadd.f32 $1.000000000e+00, v9;
	_ =	sdelay $0x1  }
0x3b6: {  	v4 =	vadd.f32 $1.000000000e+00, v43  }
0x3b7: {  	v45 =	vpop (erf);
	(erf) = vrcp.f32 v9  }
0x3b8: {  	(erf) = vrcp.f32 v4;
	v4 =	vadd.f32 $1.000000000e+00, v45;
	v9 =	vpop (erf)  }
0x3b9: {  	v46 =	vadd.f32 $1.000000000e+00, v9  }
0x3ba: {  	(erf) = vrcp.f32 v4  }
0x3bb: {  	(erf) = vrcp.f32 v46;
	_ =	sdelay $0x2  }
0x3bc: {  	[tilespmem:s1+$0x0] =	vst v28;
	v47 =	vmul.f32 v11, v19  }
0x3bd: {  	[tilespmem:s1+$0xFFFFFEC0] =	vst v30;
	v49 =	vmul.f32 v41, v12  }
0x3be: {  	[tilespmem:s19+$0xA0] =	vst v47;
	v6 =	vmul.f32 v42, v18;
	v9 =	vpop (erf)  }
0x3bf: {  	[tilespmem:s19+$0x0] =	vst v49;
	v1 =	vmul.f32 v44, v1;
	v10 =	vpop (erf)  }
0x3c0: {  	[tilespmem:s19+$0xFFFFFF10] =	vst v6;
	v0 =	vmul.f32 v10, v0  }
0x3c1: {  	[tilespmem:s19+$0xF0] =	vst v1;
	v2 =	vmul.f32 v9, v2;
	v48 =	vpop (erf)  }
0x3c2: {  	[tilespmem:s19+$0x50] =	vst v0;
	v0 =	vmul.f32 v48, v8;
	v50 =	vpop (erf)  }
0x3c3: {  	[tilespmem:s19+$0xFFFFFFB0] =	vst v2;
	v2 =	vmul.f32 v50, v3  }
0x3c4: {  	[tilespmem:s19+$0xFFFFFF60] =	vst v0  }
0x3c5: {  	[tilespmem:s19+$0xFFFFFEC0] =	vst v2  }
0x3c6: {  	v14 =	vld [tilespmem:s28+$0x138C0]  }
0x3c7: {  	v10 =	vld [tilespmem:s28+$0x138D0]  }
0x3c8: {  	v12 =	vld [tilespmem:s28+$0x13940]  }
0x3c9: {  	v9 =	vld [tilespmem:s28+$0x13950]  }
0x3ca: {  	v13 =	vld [tilespmem:s28+$0x139C0]  }
0x3cb: {  	v11 =	vld [tilespmem:s28+$0x139D0]  }
0x3cc: {  	v40 =	vld [tilespmem:s28+$0x13A40]  }
0x3cd: {  	v56 =	vld [tilespmem:s28+$0x13A50]  }
0x3ce: {  	v46 =	vld [tilespmem:s28+$0x13AC0]  }
0x3cf: {  	s26 =	simm.s32 $0x0;
	v18 =	vld [tilespmem:s28+$0x13900]  }
0x3d0: {  	v51 =	vmov s26;
	v15 =	vld [tilespmem:s28+$0x13980]  }
0x3d1: {  	v52 =	vand.u32 $0xF, v51;
	v16 =	vld [tilespmem:s28+$0x13A00]  }
0x3d2: {  	v53 =	vor.u32 $0x50, v52;
	v17 =	vld [tilespmem:s28+$0x13A80]  }
0x3d3: {  	v54 =	vor.u32 $0xA0, v52;
	v34 =	vld [tilespmem:s28+$0x13B00]  }
0x3d4: {  	v55 =	vor.u32 $0xF0, v52;
	v35 =	vld [tilespmem:s28+$0x13B80]  }
0x3d5: {  	v57 =	vor.u32 $0x140, v52;
	v36 =	vld [tilespmem:s28+$0x13C00]  }
0x3d6: {  	v58 =	vor.u32 $0x190, v52;
	v0 =	vld.idx.msk [tilespmem:v51+s23+$0x0], $0xffff  }
0x3d7: {  	v59 =	vor.u32 $0x1E0, v52;
	v2 =	vld.idx.msk [tilespmem:v53+s23+$0x0], $0xffff  }
0x3d8: {  	v1 =	vor.u32 $0x230, v52;
	v3 =	vld.idx.msk [tilespmem:v54+s23+$0x0], $0xffff  }
0x3d9: {  	v4 =	vld.idx.msk [tilespmem:v55+s23+$0x0], $0xffff  }
0x3da: {  	v5 =	vld.idx.msk [tilespmem:v57+s23+$0x0], $0xffff  }
0x3db: {  	v6 =	vld.idx.msk [tilespmem:v58+s23+$0x0], $0xffff  }
0x3dc: {  	v7 =	vld.idx.msk [tilespmem:v59+s23+$0x0], $0xffff  }
0x3dd: {  	v1 =	vld.idx.msk [tilespmem:v1+s23+$0x0], $0xffff  }
0x3de: {  	v27 =	vld [tilespmem:s28+$0x13C80];
	v0 =	vpack.i.f32.bf16 v0, v0;
	v2 =	vpack.i.f32.bf16 v2, v2  }
0x3df: {  	v26 =	vld [tilespmem:s28+$0x13B40];
	v3 =	vpack.i.f32.bf16 v3, v3;
	v4 =	vpack.i.f32.bf16 v4, v4;
	v5 =	vpack.i.f32.bf16 v5, v5  }
0x3e0: {  	v49 =	vld [tilespmem:s28+$0x13BC0];
	v6 =	vpack.i.f32.bf16 v6, v6;
	v60 =	vmul.bf16 v0, v18;
	v50 =	vmul.bf16 v0, v14  }
0x3e1: {  	v51 =	vld [tilespmem:s28+$0x13C40];
	v7 =	vpack.i.f32.bf16 v7, v7;
	v31 =	vmul.bf16 v2, v15;
	v61 =	vmul.bf16 v3, v16  }
0x3e2: {  	v32 =	vld [tilespmem:s28+$0x13990];
	v22 =	vmovc v34;
	v1 =	vpack.i.f32.bf16 v1, v1;
	v62 =	vmul.bf16 v4, v17;
	v34 =	vmul.bf16 v5, v34  }
0x3e3: {  	v33 =	vld [tilespmem:s28+$0x13A10];
	v23 =	vmovc v35;
	v24 =	vmov v36;
	v35 =	vmul.bf16 v6, v35;
	v36 =	vmul.bf16 v7, v36  }
0x3e4: {  	s1 =	simm.s32 $0x15A40;
	v38 =	vld [tilespmem:s28+$0x13C90];
	[tilespmem:$0x1FB30] =	vst v14;
	v63 =	vmul.bf16 v1, v27;
	v52 =	vmul.bf16 v2, v12  }
0x3e5: {  	v39 =	vld [tilespmem:s1+$0xFFFFFFE0];
	v53 =	vmul.bf16 v3, v13;
	v54 =	vmul.bf16 v4, v40  }
0x3e6: {  	s19 =	simm.s32 $0x18240;
	v21 =	vmovc v17;
	v41 =	vld [tilespmem:s1+$0xFFFFFFF0];
	v17 =	vmov v46;
	v46 =	vmul.bf16 v5, v46;
	v47 =	vmul.bf16 v6, v26  }
0x3e7: {  	v28 =	vmovc v49;
	v42 =	vld [tilespmem:s19+$0xFFFFFFE0];
	v49 =	vmul.bf16 v7, v49;
	v31 =	vadd.bf16 v31, v60;
	v55 =	vadd.bf16 v62, v61  }
0x3e8: {  	v45 =	vld [tilespmem:s19+$0xFFFFFFF0];
	v59 =	vmul.bf16 v1, v51;
	v35 =	vadd.bf16 v35, v34;
	v36 =	vadd.bf16 v63, v36  }
0x3e9: {  	v20 =	vmovc v16;
	v14 =	vmovc v12;
	v16 =	vmov v40;
	v40 =	vld [tilespmem:s28+$0x13910];
	v12 =	vadd.bf16 v52, v50;
	v60 =	vadd.bf16 v54, v53  }
0x3ea: {  	s2 =	simm.s32 $0x1;
	v61 =	vadd.bf16 v47, v46;
	v62 =	vadd.bf16 v59, v49;
	v34 =	vld [tilespmem:s28+$0x13A90];
	v49 =	vmul.bf16 v2, v32  }
0x3eb: {  	v8 =	vld [tilespmem:s28+$0x13AD0];
	v47 =	vmov s2;
	v50 =	vmul.bf16 v3, v33;
	v2 =	vmul.bf16 v2, v9  }
0x3ec: {  	v57 =	vld [tilespmem:s28+$0x13B50];
	v3 =	vmul.bf16 v3, v11;
	v31 =	vadd.bf16 v55, v31;
	v59 =	vadd.bf16 v36, v35  }
0x3ed: {  	v35 =	vld [tilespmem:s28+$0x13B10];
	v12 =	vadd.bf16 v60, v12;
	v55 =	vmul.bf16 v1, v38;
	v42 =	vmul.f32 v42, v39  }
0x3ee: {  	v36 =	vld [tilespmem:s28+$0x13B90];
	v63 =	vmul.f32 v45, v41;
	v46 =	vmul.bf16 v0, v40;
	v45 =	vadd.bf16 v59, v31  }
0x3ef: {  	v37 =	vld [tilespmem:s28+$0x13C10];
	v0 =	vmul.bf16 v0, v10;
	v31 =	vadd.bf16 v62, v61;
	v53 =	vmul.bf16 v4, v34  }
0x3f0: {  	s21 =	simm.s32 $0x18280;
	v58 =	vld [tilespmem:s28+$0x13C50];
	v46 =	vadd.bf16 v49, v46;
	v4 =	vmul.bf16 v4, v56;
	v60 =	vunpack.i.l.bf16.f32 v45  }
0x3f1: {  	v49 =	vld [tilespmem:s21+$0xFFFFFFE0];
	v52 =	vadd.bf16 v31, v12;
	v45 =	vunpack.i.u.bf16.f32 v45;
	v42 =	vmul.f32 v42, v60  }
0x3f2: {  	v48 =	vand.u32 $0xF, v47;
	v31 =	vld [tilespmem:s28+$0x13BD0];
	v61 =	vmul.bf16 v5, v35;
	v44 =	vmul.f32 v63, v45  }
0x3f3: {  	s2 =	simm.s32 $0x15A80;
	v12 =	vmovc v11;
	v11 =	vmovc v56;
	v56 =	vld [tilespmem:s21+$0xFFFFFFF0];
	v54 =	vmul.bf16 v6, v36;
	v5 =	vmul.bf16 v5, v8;
	v62 =	vunpack.i.l.bf16.f32 v52  }
0x3f4: {  	v6 =	vmul.bf16 v6, v57;
	v52 =	vunpack.i.u.bf16.f32 v52;
	[tilespmem:s19+$0xFFFFFFE0] =	vst v42;
	v42 =	vld [tilespmem:s2+$0xFFFFFFE0];
	v39 =	vmul.f32 v62, v39  }
0x3f5: {  	v1 =	vmul.bf16 v1, v58;
	v0 =	vadd.bf16 v2, v0;
	[tilespmem:s19+$0xFFFFFFF0] =	vst v44;
	v52 =	vmul.f32 v52, v41;
	v41 =	vld [tilespmem:s2+$0xFFFFFFF0]  }
0x3f6: {  	v43 =	vor.u32 $0x50, v48;
	v63 =	vmul.bf16 v7, v37;
	v5 =	vadd.bf16 v6, v5;
	v6 =	vld.idx.msk [tilespmem:v47+s23+$0x0], $0xffff;
	[tilespmem:s1+$0xFFFFFFE0] =	vst v39  }
0x3f7: {  	v45 =	vor.u32 $0xA0, v48;
	v50 =	vadd.bf16 v53, v50;
	v60 =	vor.u32 $0xF0, v48;
	v39 =	vld [tilespmem:s1+$0x0];
	[tilespmem:s1+$0xFFFFFFF0] =	vst v52  }
0x3f8: {  	v30 =	vmovc v51;
	v51 =	vadd.bf16 v54, v61;
	v44 =	vadd.bf16 v55, v63;
	v7 =	vmul.bf16 v7, v31;
	v61 =	vld [tilespmem:s19+$0x0]  }
0x3f9: {  	v3 =	vadd.bf16 v4, v3;
	v53 =	vor.u32 $0x140, v48;
	v46 =	vadd.bf16 v50, v46;
	v4 =	vld [tilespmem:s1+$0x10]  }
0x3fa: {  	v25 =	vmovc v18;
	v29 =	vmovc v27;
	v63 =	vor.u32 $0x190, v48;
	v44 =	vadd.bf16 v44, v51;
	v62 =	vld [tilespmem:s19+$0x10];
	v1 =	vadd.bf16 v1, v7  }
0x3fb: {  	v27 =	vmovc v26;
	v26 =	vmovc v57;
	v59 =	vor.u32 $0x230, v48;
	v0 =	vadd.bf16 v3, v0;
	v18 =	vmov v31;
	v51 =	vld.idx.msk [tilespmem:v43+s23+$0x0], $0xffff  }
0x3fc: {  	v31 =	vmovc v58;
	v58 =	vor.u32 $0x1E0, v48;
	v50 =	vld.idx.msk [tilespmem:v45+s23+$0x0], $0xffff;
	v57 =	vadd.bf16 v44, v46;
	v1 =	vadd.bf16 v1, v5  }
0x3fd: {  	v19 =	vmovc v15;
	v15 =	vmov v13;
	v52 =	vld.idx.msk [tilespmem:v60+s23+$0x0], $0xffff;
	v45 =	vmul.f32 v49, v42;
	v2 =	vmul.f32 v61, v39  }
0x3fe: {  	v13 =	vmovc v10;
	v53 =	vld.idx.msk [tilespmem:v53+s23+$0x0], $0xffff;
	v46 =	vmul.f32 v56, v41;
	v60 =	vunpack.i.l.bf16.f32 v57;
	v0 =	vadd.bf16 v1, v0  }
0x3ff: {  	v54 =	vld.idx.msk [tilespmem:v63+s23+$0x0], $0xffff;
	v49 =	vpack.i.f32.bf16 v6, v6;
	v62 =	vmul.f32 v62, v4;
	v61 =	vmul.f32 v2, v60  }
0x400: {  	v10 =	vmovc v9;
	v9 =	vmovc v8;
	v56 =	vld.idx.msk [tilespmem:v59+s23+$0x0], $0xffff;
	v3 =	vunpack.i.u.bf16.f32 v57;
	v44 =	vmul.bf16 v49, v40;
	v63 =	vunpack.i.u.bf16.f32 v0  }
0x401: {  	s4 =	simm.s32 $0x2;
	s26 =	simm.s32 $0x15A80;
	v55 =	vld.idx.msk [tilespmem:v58+s23+$0x0], $0xffff;
	v47 =	vmul.f32 v62, v3;
	v43 =	vunpack.i.l.bf16.f32 v0;
	v48 =	vmul.f32 v63, v4;
	[tilespmem:s19+$0x0] =	vst v61  }
.LBB2_11:
0x402: {  	v0 =	vpack.i.f32.bf16 v51, v51  }
0x403: {  	v1 =	vmul.bf16 v49, v25;
	v7 =	vmul.bf16 v0, v19  }
0x404: {  	v2 =	vld [tilespmem:$0x1FB30];
	v57 =	vmul.bf16 v0, v14;
	v3 =	vpack.i.f32.bf16 v50, v50;
	v4 =	vpack.i.f32.bf16 v52, v52  }
0x405: {  	[tilespmem:s19+$0x10] =	vst v47;
	v5 =	vpack.i.f32.bf16 v53, v53;
	v47 =	vmul.bf16 v3, v20;
	v50 =	vmul.bf16 v4, v21  }
0x406: {  	v51 =	vmul.bf16 v5, v22;
	v59 =	vmul.bf16 v3, v15  }
0x407: {  	v52 =	vpack.i.f32.bf16 v56, v56;
	v60 =	vmul.bf16 v4, v16;
	v62 =	vmul.bf16 v5, v17  }
0x408: {  	[tilespmem:s1+$0x10] =	vst v48;
	v1 =	vadd.bf16 v7, v1;
	v6 =	vpack.i.f32.bf16 v54, v54;
	v48 =	vpack.i.f32.bf16 v55, v55  }
0x409: {  	v55 =	vmov s4;
	v56 =	vmul.bf16 v52, v29;
	v2 =	vmul.bf16 v49, v2  }
0x40a: {  	v53 =	vmul.bf16 v6, v23;
	v54 =	vmul.bf16 v48, v24;
	v58 =	vand.u32 $0xF, v55  }
0x40b: {  	v63 =	vmul.bf16 v6, v27;
	v7 =	vadd.bf16 v50, v47;
	v47 =	vmul.bf16 v48, v28  }
0x40c: {  	v60 =	vadd.bf16 v60, v59;
	v49 =	vmul.bf16 v49, v13;
	v50 =	vadd.bf16 v53, v51  }
0x40d: {  	v51 =	vadd.bf16 v56, v54;
	v53 =	vmul.bf16 v52, v30;
	v2 =	vadd.bf16 v57, v2  }
0x40e: {  	v59 =	vmul.bf16 v52, v38;
	v62 =	vadd.bf16 v63, v62;
	v1 =	vadd.bf16 v7, v1  }
0x40f: {  	v54 =	vmul.bf16 v5, v35;
	v47 =	vadd.bf16 v53, v47;
	v63 =	vadd.bf16 v51, v50  }
0x410: {  	v57 =	vmul.bf16 v48, v37;
	v5 =	vmul.bf16 v5, v9;
	v2 =	vadd.bf16 v60, v2  }
0x411: {  	v48 =	vmul.bf16 v48, v18;
	v1 =	vadd.bf16 v63, v1;
	v7 =	vadd.bf16 v47, v62  }
0x412: {  	s2 =	sadd.s32 $0x40, s2;
	v61 =	vor.u32 $0x50, v58;
	v53 =	vmul.bf16 v0, v32;
	v50 =	vmul.bf16 v3, v33  }
0x413: {  	s19 =	smov.u32 s21;
	s21 =	sadd.s32 $0x40, s21;
	v51 =	vmul.bf16 v4, v34;
	v60 =	vld [tilespmem:s2+$0xFFFFFFE0];
	v62 =	vunpack.i.l.bf16.f32 v1;
	v2 =	vadd.bf16 v7, v2  }
0x414: {  	v0 =	vmul.bf16 v0, v10;
	v63 =	vld [tilespmem:s21+$0xFFFFFFF0];
	v1 =	vunpack.i.u.bf16.f32 v1;
	v45 =	vmul.f32 v45, v62  }
0x415: {  	v3 =	vmul.bf16 v3, v12;
	v7 =	vld [tilespmem:s2+$0xFFFFFFF0];
	v1 =	vmul.f32 v46, v1;
	v46 =	vunpack.i.l.bf16.f32 v2  }
0x416: {  	v4 =	vmul.bf16 v4, v11;
	v62 =	vld [tilespmem:s21+$0xFFFFFFE0];
	v2 =	vunpack.i.u.bf16.f32 v2;
	[tilespmem:s19+$0xFFFFFFE0] =	vst v45;
	v42 =	vmul.f32 v46, v42  }
0x417: {  	v56 =	vor.u32 $0xA0, v58;
	v47 =	vmul.bf16 v6, v36;
	v8 =	vld.idx.msk [tilespmem:v55+s23+$0x0], $0xffff;
	[tilespmem:s19+$0xFFFFFFF0] =	vst v1;
	v55 =	vmul.f32 v2, v41  }
0x418: {  	v44 =	vadd.bf16 v53, v44;
	v0 =	vadd.bf16 v0, v49;
	v2 =	vmul.bf16 v6, v26;
	[tilespmem:s26+$0xFFFFFFE0] =	vst v42;
	v6 =	vld [tilespmem:s26+$0x0]  }
0x419: {  	v53 =	vor.u32 $0x140, v58;
	v3 =	vadd.bf16 v4, v3;
	v46 =	vadd.bf16 v51, v50;
	v1 =	vld [tilespmem:s26+$0x10];
	[tilespmem:s26+$0xFFFFFFF0] =	vst v55  }
0x41a: {  	v47 =	vadd.bf16 v47, v54;
	v50 =	vadd.bf16 v59, v57;
	v57 =	vmul.bf16 v52, v31;
	v59 =	vld [tilespmem:s19+$0x0]  }
0x41b: {  	v45 =	vor.u32 $0xF0, v58;
	v41 =	vmovc v7;
	v44 =	vadd.bf16 v46, v44;
	v2 =	vadd.bf16 v2, v5;
	v7 =	vld [tilespmem:s19+$0x10]  }
0x41c: {  	v49 =	vor.u32 $0x230, v58;
	v42 =	vmovc v60;
	v60 =	vadd.bf16 v57, v48;
	v51 =	vld.idx.msk [tilespmem:v61+s23+$0x0], $0xffff;
	v61 =	vadd.bf16 v50, v47  }
0x41d: {  	v4 =	vor.u32 $0x190, v58;
	v0 =	vadd.bf16 v3, v0;
	v48 =	vor.u32 $0x1E0, v58;
	v50 =	vld.idx.msk [tilespmem:v56+s23+$0x0], $0xffff  }
0x41e: {  	p2 =	sne.s32 s4, $0x9;
	v57 =	vmul.f32 v43, v39;
	v58 =	vadd.bf16 v61, v44;
	v2 =	vadd.bf16 v60, v2;
	v39 =	vmovc v6  }
.Ltmp6:
0x41f: {  	v46 =	vmul.f32 v63, v41;
	v53 =	vld.idx.msk [tilespmem:v53+s23+$0x0], $0xffff;
	v59 =	vmul.f32 v59, v39;
	(pc) =	sbr.rel @p2 .LBB2_11-.Ltmp6, $4  }
0x420: {  	v52 =	vld.idx.msk [tilespmem:v45+s23+$0x0], $0xffff;
	v45 =	vmul.f32 v62, v42;
	[tilespmem:s1+$0x0] =	vst v57;
	v60 =	vunpack.i.l.bf16.f32 v58;
	v0 =	vadd.bf16 v2, v0  }
0x421: {  	v56 =	vld.idx.msk [tilespmem:v49+s23+$0x0], $0xffff;
	v49 =	vpack.i.f32.bf16 v8, v8;
	v61 =	vmul.f32 v7, v1;
	v3 =	vmul.f32 v59, v60  }
0x422: {  	v54 =	vld.idx.msk [tilespmem:v4+s23+$0x0], $0xffff;
	v62 =	vunpack.i.u.bf16.f32 v58;
	v44 =	vmul.bf16 v49, v40;
	v63 =	vunpack.i.u.bf16.f32 v0  }
0x423: {  	s4 =	sadd.s32 $0x1, s4;
	s1 =	smov.u32 s26;
	s26 =	smov.u32 s2;
	v55 =	vld.idx.msk [tilespmem:v48+s23+$0x0], $0xffff;
	v43 =	vunpack.i.l.bf16.f32 v0;
	v47 =	vmul.f32 v61, v62;
	v48 =	vmul.f32 v63, v1;
	[tilespmem:s19+$0x0] =	vst v3  }
0x424: {  	v0 =	vpack.i.f32.bf16 v51, v51;
	v1 =	vmul.bf16 v49, v25  }
0x425: {  	v3 =	vpack.i.f32.bf16 v50, v50;
	v5 =	vpack.i.f32.bf16 v53, v53;
	v7 =	vmul.bf16 v0, v19  }
0x426: {  	v2 =	vld [tilespmem:$0x1FB30];
	v4 =	vpack.i.f32.bf16 v52, v52;
	v8 =	vmul.bf16 v3, v20;
	v63 =	vmul.bf16 v5, v22  }
0x427: {  	v57 =	vmul.bf16 v5, v17;
	v62 =	vmul.bf16 v4, v21;
	v20 =	vpack.i.f32.bf16 v56, v56  }
0x428: {  	v56 =	vmul.bf16 v4, v16;
	v6 =	vpack.i.f32.bf16 v54, v54;
	v53 =	vmul.bf16 v20, v29  }
0x429: {  	v54 =	vmul.bf16 v0, v14;
	v1 =	vadd.bf16 v7, v1;
	v51 =	vmul.bf16 v6, v23  }
0x42a: {  	v40 =	vpack.i.f32.bf16 v55, v55;
	v55 =	vmul.bf16 v3, v15;
	v58 =	vmul.bf16 v6, v27  }
0x42b: {  	v59 =	vadd.bf16 v62, v8;
	v2 =	vmul.bf16 v49, v2;
	v52 =	vmul.bf16 v40, v24  }
0x42c: {  	v60 =	vmul.bf16 v40, v28;
	v61 =	vadd.bf16 v51, v63;
	v15 =	vadd.bf16 v56, v55  }
0x42d: {  	v63 =	vmul.bf16 v20, v30;
	v24 =	vadd.bf16 v58, v57;
	v62 =	vadd.bf16 v53, v52  }
0x42e: {  	v1 =	vadd.bf16 v59, v1;
	v2 =	vadd.bf16 v54, v2  }
0x42f: {  	v38 =	vmul.bf16 v20, v38;
	v8 =	vadd.bf16 v63, v60;
	v25 =	vadd.bf16 v62, v61  }
0x430: {  	v27 =	vmul.bf16 v49, v13;
	v28 =	vmul.bf16 v0, v32;
	v2 =	vadd.bf16 v15, v2  }
0x431: {  	v32 =	vmul.bf16 v4, v34;
	v29 =	vadd.bf16 v8, v24;
	v1 =	vadd.bf16 v25, v1  }
0x432: {  	v0 =	vmul.bf16 v0, v10;
	v30 =	vmul.bf16 v3, v33  }
0x433: {  	v33 =	vmul.bf16 v5, v35;
	v2 =	vadd.bf16 v29, v2;
	v34 =	vunpack.i.l.bf16.f32 v1  }
0x434: {  	v35 =	vmul.bf16 v6, v36;
	v1 =	vunpack.i.u.bf16.f32 v1;
	v16 =	vmul.f32 v45, v34  }
0x435: {  	v36 =	vmul.bf16 v40, v37;
	v1 =	vmul.f32 v46, v1;
	v37 =	vunpack.i.l.bf16.f32 v2  }
0x436: {  	v49 =	vmul.bf16 v6, v26;
	v2 =	vunpack.i.u.bf16.f32 v2;
	v42 =	vmul.f32 v37, v42;
	[tilespmem:s21+$0xFFFFFFE0] =	vst v16  }
0x437: {  	v55 =	vmul.bf16 v20, v31;
	v51 =	vadd.bf16 v28, v44;
	v2 =	vmul.f32 v2, v41;
	[tilespmem:s21+$0xFFFFFFF0] =	vst v1  }
0x438: {  	v52 =	vmul.bf16 v40, v18;
	v0 =	vadd.bf16 v0, v27;
	v7 =	vadd.bf16 v35, v33;
	[tilespmem:s26+$0xFFFFFFE0] =	vst v42;
	v50 =	vld [tilespmem:s26+$0x0]  }
0x439: {  	v3 =	vmul.bf16 v3, v12;
	v54 =	vadd.bf16 v38, v36;
	v8 =	vadd.bf16 v32, v30;
	[tilespmem:s26+$0xFFFFFFF0] =	vst v2;
	v53 =	vld [tilespmem:s26+$0x10]  }
0x43a: {  	v58 =	vadd.bf16 v55, v52;
	v45 =	vmul.bf16 v4, v11;
	v46 =	vmul.bf16 v5, v9;
	v56 =	vld [tilespmem:s21+$0x0]  }
0x43b: {  	v7 =	vadd.bf16 v54, v7;
	v8 =	vadd.bf16 v8, v51;
	v57 =	vld [tilespmem:s21+$0x10]  }
0x43c: {  	v1 =	vadd.bf16 v45, v3;
	v4 =	vadd.bf16 v49, v46  }
0x43d: {  	v59 =	vadd.bf16 v7, v8  }
0x43e: {  	v0 =	vadd.bf16 v1, v0;
	v4 =	vadd.bf16 v58, v4  }
0x43f: {  	v60 =	vmul.f32 v43, v39;
	v61 =	vmul.f32 v56, v50  }
0x440: {  	[tilespmem:s19+$0x10] =	vst v47;
	v8 =	vunpack.i.l.bf16.f32 v59;
	v0 =	vadd.bf16 v4, v0;
	v3 =	vmul.f32 v57, v53  }
0x441: {  	[tilespmem:s1+$0x10] =	vst v48;
	v1 =	vunpack.i.u.bf16.f32 v59;
	v62 =	vmul.f32 v61, v8  }
.Ltmp7:
0x442: {  	[tilespmem:s1+$0x0] =	vst v60;
	v63 =	vunpack.i.u.bf16.f32 v0;
	v1 =	vmul.f32 v3, v1;
	(pc) =	sbr.rel @p1 .LBB2_14-.Ltmp7, $4  }
0x443: {  	v0 =	vunpack.i.l.bf16.f32 v0;
	v2 =	vmul.f32 v63, v53;
	[tilespmem:s21+$0x0] =	vst v62  }
0x444: {  	v0 =	vmul.f32 v0, v50;
	[tilespmem:s21+$0x10] =	vst v1  }
0x445: {  	[tilespmem:s26+$0x10] =	vst v2  }
0x446: {  	[tilespmem:s26+$0x0] =	vst v0  }
0x447: {  	_ =	swait.ge [sflag:s17], $0x50  }
0x448: {  	[sflag:s17] =	ssyncset.done $0x0  }
0x449: {  	[sflag:s17] =	ssyncadd.s32 $0xFFFFFFB0  }
0x44a: {  	_ =	swait.ge [sflag:s17], $0x280  }
0x44b: {  	[sflag:s17] =	ssyncset.done $0x0  }
0x44c: {  	[sflag:s17] =	ssyncadd.s32 $0xFFFFFD80  }
0x44d: {  	_ =	swait.ge [sflag:s12], $0x1400  }
0x44e: {  	[sflag:s12] =	ssyncset.done $0x0  }
0x44f: {  	[sflag:s12] =	ssyncadd.s32 $0xFFFFEC00  }
0x450: {  	s0 =	sshll.u32 s0, $0x4;
	s1 =	stileid.u32;
	_ =	swait.ge [sflag:s12], $0x1400  }
0x451: {  	s0 =	sor.u32 s1, s0;
	[sflag:s12] =	ssyncset.done $0x0  }
0x452: {  	s1 =	smul.u32 $0xA, s0;
	v4 =	vld [tilespmem:$0x1FFD0];
	[sflag:s12] =	ssyncadd.s32 $0xFFFFEC00  }
0x453: {  	s2 =	rddreg [dreg:$0x4]  }
0x454: {  	s0 =	smul.u32 $0xA0, s0;
	s1 =	sadd.s32 s2, s1  }
0x455: {  	v5 =	vld [tilespmem:$0x1FFF0];
	[tilespmem:s10], [sflag:$0x3] =	stream.linear.gather [hbm4b:s1+s8], $0x50, $0x38  }
0x456: {  	s0 =	sor.u32 s9, s0;
	v0 =	vld [tilespmem:$0x13CC0]  }
0x457: {  	s19 =	sadd.s32 $0x20, s0;
	v1 =	vld [tilespmem:$0x13CD0];
	v53 =	vor.u32 s0, v4  }
0x458: {  	s21 =	sadd.s32 $0x40, s0;
	v2 =	vld [tilespmem:$0x13CE0];
	v56 =	vor.u32 s19, v4;
	[tilespmem:$0x13D60] =	vst v53  }
0x459: {  	s26 =	sadd.s32 $0x60, s0;
	v3 =	vld [tilespmem:$0x13CF0];
	v58 =	vor.u32 s21, v4;
	[tilespmem:$0x13D70] =	vst v56  }
0x45a: {  	v55 =	vld [tilespmem:$0x13D00];
	v61 =	vor.u32 s26, v4;
	s0 =	sadd.s32 $0x80, s0;
	[tilespmem:$0x13D80] =	vst v58  }
0x45b: {  	[tilespmem:$0x13D90] =	vst v61;
	v63 =	vor.u32 s0, v4;
	v0 =	vshll.u32 v0, $0x1  }
0x45c: {  	[tilespmem:$0x13DA0] =	vst v63;
	v1 =	vshll.u32 v1, $0x1;
	v0 =	vor.u32 v5, v0  }
0x45d: {  	v2 =	vshll.u32 v2, $0x1;
	v54 =	vor.u32 v5, v1;
	[tilespmem:$0x13CC0] =	vst v0  }
0x45e: {  	v59 =	vshll.u32 v3, $0x1;
	v57 =	vor.u32 v5, v2;
	[tilespmem:$0x13CD0] =	vst v54  }
0x45f: {  	v60 =	vor.u32 v5, v59;
	v1 =	vshll.u32 v55, $0x1;
	[tilespmem:$0x13CE0] =	vst v57  }
0x460: {  	[tilespmem:$0x13CF0] =	vst v60;
	v62 =	vor.u32 v5, v1  }
0x461: {  	s4 =	simm.s32 $0x14620;
	s2 =	simm.s32 $0x13CC0;
	s1 =	rddreg [dreg:$0x0];
	[tilespmem:$0x13D00] =	vst v62  }
0x462: {  	[tilespmem:s4], [sflag:$0x5] =	stream.indirect.gather [hbm4b:s1+s18], $0x40, s2, s18, $0xb8;
	[tilespmem:$0x19620] =	vst v63  }
0x463: {  	s19 =	rddreg [dreg:$0x1];
	s21 =	simm.s32 $0x13D60;
	s26 =	simm.s32 $0x16E20  }
0x464: {  	[tilespmem:s26], [sflag:$0x5] =	stream.indirect.gather [hbm4b:s19+s18], $0x40, s21, s18, $0xb8;
	[tilespmem:$0x19620] =	vst v63  }
.LBB2_14:
0x465: {  	v13 =	vld [tilespmem:s28+$0x138C0]  }
0x466: {  	v9 =	vld [tilespmem:s28+$0x138D0]  }
0x467: {  	v11 =	vld [tilespmem:s28+$0x13940]  }
0x468: {  	v8 =	vld [tilespmem:s28+$0x13950]  }
0x469: {  	v12 =	vld [tilespmem:s28+$0x139C0]  }
0x46a: {  	v10 =	vld [tilespmem:s28+$0x139D0]  }
0x46b: {  	v26 =	vld [tilespmem:s28+$0x13A40]  }
0x46c: {  	v46 =	vld [tilespmem:s28+$0x13AC0]  }
0x46d: {  	v47 =	vld [tilespmem:s28+$0x13B40]  }
0x46e: {  	v18 =	vld [tilespmem:s28+$0x13900]  }
0x46f: {  	v14 =	vld [tilespmem:s28+$0x13980]  }
0x470: {  	s0 =	simm.s32 $0xA;
	v15 =	vld [tilespmem:s28+$0x13A00]  }
0x471: {  	v16 =	vld [tilespmem:s28+$0x13A80];
	v0 =	vmov s0  }
0x472: {  	v17 =	vld [tilespmem:s28+$0x13B00];
	v1 =	vand.u32 $0x7F, v0  }
0x473: {  	v35 =	vld [tilespmem:s28+$0x13B80];
	v2 =	vadd.s32 $0x50, v1  }
0x474: {  	v36 =	vld [tilespmem:s28+$0x13C00];
	v3 =	vadd.s32 $0xA0, v1  }
0x475: {  	v27 =	vld [tilespmem:s28+$0x13C80];
	v4 =	vadd.s32 $0xF0, v1  }
0x476: {  	v49 =	vld [tilespmem:s28+$0x13BC0];
	v5 =	vadd.s32 $0x140, v1  }
0x477: {  	v6 =	vadd.s32 $0x190, v1;
	v0 =	vld.idx.msk [tilespmem:v0+s23+$0x0], $0xffff  }
0x478: {  	v7 =	vadd.s32 $0x1E0, v1;
	v2 =	vld.idx.msk [tilespmem:v2+s23+$0x0], $0xffff  }
0x479: {  	v1 =	vadd.s32 $0x230, v1;
	v3 =	vld.idx.msk [tilespmem:v3+s23+$0x0], $0xffff  }
0x47a: {  	v4 =	vld.idx.msk [tilespmem:v4+s23+$0x0], $0xffff  }
0x47b: {  	v5 =	vld.idx.msk [tilespmem:v5+s23+$0x0], $0xffff  }
0x47c: {  	v6 =	vld.idx.msk [tilespmem:v6+s23+$0x0], $0xffff  }
0x47d: {  	v7 =	vld.idx.msk [tilespmem:v7+s23+$0x0], $0xffff  }
0x47e: {  	v1 =	vld.idx.msk [tilespmem:v1+s23+$0x0], $0xffff;
	v0 =	vpack.i.f32.bf16 v0, v0  }
0x47f: {  	v50 =	vld [tilespmem:s28+$0x13C40];
	v29 =	vmul.bf16 v0, v18;
	v30 =	vmul.bf16 v0, v13;
	v2 =	vpack.i.f32.bf16 v2, v2  }
0x480: {  	v39 =	vld [tilespmem:s28+$0x13910];
	v3 =	vpack.i.f32.bf16 v3, v3;
	v4 =	vpack.i.f32.bf16 v4, v4;
	v5 =	vpack.i.f32.bf16 v5, v5  }
0x481: {  	v51 =	vld [tilespmem:s28+$0x13A10];
	s0 =	simm.s32 $0x15CD0;
	[tilespmem:$0x1FB20] =	vst v13;
	v6 =	vpack.i.f32.bf16 v6, v6;
	v31 =	vmul.bf16 v2, v14;
	v32 =	vmul.bf16 v3, v15  }
0x482: {  	v23 =	vmovc v35;
	v40 =	vld [tilespmem:s0+$0xFFFFFFD0];
	v7 =	vpack.i.f32.bf16 v7, v7;
	v33 =	vmul.bf16 v4, v16;
	v34 =	vmul.bf16 v5, v17  }
0x483: {  	s1 =	simm.s32 $0x184D0;
	v24 =	vmovc v36;
	v43 =	vld [tilespmem:s0+$0xFFFFFFE0];
	v1 =	vpack.i.f32.bf16 v1, v1;
	v35 =	vmul.bf16 v6, v35;
	v36 =	vmul.bf16 v7, v36  }
0x484: {  	v20 =	vmov v15;
	v41 =	vld [tilespmem:s1+$0xFFFFFFD0];
	v37 =	vmul.bf16 v1, v27;
	v38 =	vmul.bf16 v2, v11  }
0x485: {  	v21 =	vmovc v16;
	v22 =	vmovc v17;
	v28 =	vmov v27;
	v45 =	vld [tilespmem:s1+$0xFFFFFFE0];
	v42 =	vmul.bf16 v3, v12;
	v44 =	vmul.bf16 v4, v26  }
0x486: {  	v52 =	vld [tilespmem:s28+$0x13B10];
	v15 =	vmovc v26;
	v16 =	vmovc v46;
	v46 =	vmul.bf16 v5, v46;
	v17 =	vmov v47;
	v47 =	vmul.bf16 v6, v47  }
0x487: {  	v58 =	vld [tilespmem:s28+$0x13AD0];
	v26 =	vmovc v49;
	v49 =	vmul.bf16 v7, v49;
	v48 =	vadd.bf16 v31, v29;
	v32 =	vadd.bf16 v33, v32  }
0x488: {  	v13 =	vmovc v11;
	v11 =	vld [tilespmem:s28+$0x13990];
	v63 =	vmul.bf16 v1, v50;
	v34 =	vadd.bf16 v35, v34;
	v62 =	vadd.bf16 v37, v36  }
0x489: {  	v27 =	vmovc v50;
	v41 =	vmul.f32 v41, v40;
	v31 =	vld [tilespmem:s28+$0x13A90];
	v30 =	vadd.bf16 v38, v30;
	v50 =	vadd.bf16 v44, v42  }
0x48a: {  	s2 =	simm.s32 $0xB;
	v45 =	vmul.f32 v45, v43;
	v53 =	vadd.bf16 v47, v46;
	v54 =	vadd.bf16 v63, v49;
	v36 =	vld [tilespmem:s28+$0x13B90]  }
0x48b: {  	v37 =	vld [tilespmem:s28+$0x13C10];
	v46 =	vmul.bf16 v0, v39;
	v0 =	vmul.bf16 v0, v9;
	v44 =	vmov s2  }
0x48c: {  	v57 =	vld [tilespmem:s28+$0x13A50];
	v32 =	vadd.bf16 v32, v48;
	v34 =	vadd.bf16 v62, v34;
	v48 =	vmul.bf16 v3, v51  }
0x48d: {  	v60 =	vld [tilespmem:s28+$0x13B50];
	v19 =	vmovc v14;
	v55 =	vadd.bf16 v50, v30;
	v50 =	vmul.bf16 v5, v52;
	v3 =	vmul.bf16 v3, v10  }
0x48e: {  	v14 =	vmovc v12;
	v38 =	vld [tilespmem:s28+$0x13C90];
	v42 =	vadd.bf16 v54, v53;
	v5 =	vmul.bf16 v5, v58;
	v47 =	vmul.bf16 v2, v11  }
0x48f: {  	v12 =	vmovc v9;
	v2 =	vmul.bf16 v2, v8;
	v9 =	vadd.bf16 v34, v32;
	v49 =	vmul.bf16 v4, v31  }
0x490: {  	s19 =	simm.s32 $0x18510;
	v33 =	vld [tilespmem:s28+$0x13BD0];
	v29 =	vmovc v11;
	v11 =	vmov v10;
	v53 =	vmul.bf16 v6, v36;
	v62 =	vmul.bf16 v7, v37  }
0x491: {  	s2 =	simm.s32 $0x15D10;
	v10 =	vmovc v57;
	v4 =	vmul.bf16 v4, v57;
	v57 =	vld [tilespmem:s19+$0xFFFFFFE0];
	v34 =	vmovc v52;
	v59 =	vunpack.i.l.bf16.f32 v9;
	v52 =	vadd.bf16 v42, v55  }
0x492: {  	v6 =	vmul.bf16 v6, v60;
	v61 =	vunpack.i.u.bf16.f32 v9;
	v42 =	vld [tilespmem:s2+$0xFFFFFFD0];
	v41 =	vmul.f32 v41, v59  }
0x493: {  	v56 =	vmul.bf16 v1, v38;
	v59 =	vld [tilespmem:s28+$0x13C50];
	v45 =	vmul.f32 v45, v61;
	v54 =	vunpack.i.l.bf16.f32 v52  }
0x494: {  	v5 =	vadd.bf16 v6, v5;
	v6 =	vld.idx.msk [tilespmem:v44+s23+$0x0], $0xffff;
	v52 =	vunpack.i.u.bf16.f32 v52;
	[tilespmem:s1+$0xFFFFFFD0] =	vst v41;
	v40 =	vmul.f32 v54, v40  }
0x495: {  	v46 =	vadd.bf16 v47, v46;
	v55 =	vand.u32 $0x7F, v44;
	v41 =	vld [tilespmem:s2+$0xFFFFFFE0];
	[tilespmem:s1+$0xFFFFFFE0] =	vst v45;
	v43 =	vmul.f32 v52, v43  }
0x496: {  	v7 =	vmul.bf16 v7, v33;
	v0 =	vadd.bf16 v2, v0;
	v45 =	vadd.s32 $0x50, v55;
	v54 =	vld [tilespmem:s19+$0xFFFFFFD0];
	[tilespmem:s0+$0xFFFFFFD0] =	vst v40  }
0x497: {  	v63 =	vadd.bf16 v49, v48;
	v49 =	vadd.bf16 v56, v62;
	v52 =	vadd.s32 $0xA0, v55;
	v40 =	vld [tilespmem:s0+$0xFFFFFFF0];
	[tilespmem:s0+$0xFFFFFFE0] =	vst v43  }
0x498: {  	v43 =	vadd.bf16 v53, v50;
	v53 =	vadd.s32 $0xF0, v55;
	v1 =	vmul.bf16 v1, v59;
	v56 =	vld [tilespmem:s1+$0xFFFFFFF0]  }
0x499: {  	v25 =	vmovc v18;
	v35 =	vmovc v60;
	v60 =	vadd.bf16 v4, v3;
	v61 =	vadd.s32 $0x140, v55;
	v63 =	vadd.bf16 v63, v46;
	v48 =	vld [tilespmem:s0+$0x0]  }
0x49a: {  	v32 =	vmovc v31;
	v31 =	vmovc v58;
	v58 =	vadd.s32 $0x1E0, v55;
	v4 =	vld [tilespmem:s1+$0x0];
	v43 =	vadd.bf16 v49, v43;
	v1 =	vadd.bf16 v1, v7  }
0x49b: {  	v30 =	vmovc v51;
	v18 =	vmovc v36;
	v36 =	vmov v33;
	v62 =	vadd.s32 $0x190, v55;
	v0 =	vadd.bf16 v60, v0;
	v51 =	vld.idx.msk [tilespmem:v45+s23+$0x0], $0xffff  }
0x49c: {  	v33 =	vmovc v59;
	v59 =	vadd.s32 $0x230, v55;
	v50 =	vld.idx.msk [tilespmem:v52+s23+$0x0], $0xffff;
	v43 =	vadd.bf16 v43, v63;
	v1 =	vadd.bf16 v1, v5  }
0x49d: {  	v45 =	vmul.f32 v54, v42;
	v52 =	vld.idx.msk [tilespmem:v53+s23+$0x0], $0xffff;
	v60 =	vmul.f32 v56, v40  }
0x49e: {  	v46 =	vmul.f32 v57, v41;
	v53 =	vld.idx.msk [tilespmem:v61+s23+$0x0], $0xffff;
	v61 =	vunpack.i.l.bf16.f32 v43;
	v0 =	vadd.bf16 v1, v0  }
0x49f: {  	v55 =	vld.idx.msk [tilespmem:v58+s23+$0x0], $0xffff;
	v49 =	vpack.i.f32.bf16 v6, v6;
	v4 =	vmul.f32 v4, v48;
	v3 =	vmul.f32 v60, v61  }
0x4a0: {  	v9 =	vmovc v8;
	v54 =	vld.idx.msk [tilespmem:v62+s23+$0x0], $0xffff;
	v44 =	vmul.bf16 v49, v39;
	v62 =	vunpack.i.u.bf16.f32 v43;
	v63 =	vunpack.i.u.bf16.f32 v0  }
0x4a1: {  	s4 =	simm.s32 $0xC;
	s21 =	simm.s32 $0x15D10;
	v56 =	vld.idx.msk [tilespmem:v59+s23+$0x0], $0xffff;
	v47 =	vmul.f32 v4, v62;
	v43 =	vunpack.i.l.bf16.f32 v0;
	[tilespmem:s1+$0xFFFFFFF0] =	vst v3;
	v48 =	vmul.f32 v63, v48  }
.LBB2_15:
0x4a2: {  	v0 =	vpack.i.f32.bf16 v51, v51  }
0x4a3: {  	v1 =	vmul.bf16 v49, v25;
	v7 =	vmul.bf16 v0, v19  }
0x4a4: {  	v2 =	vld [tilespmem:$0x1FB20];
	v57 =	vmul.bf16 v0, v13;
	v3 =	vpack.i.f32.bf16 v50, v50;
	v4 =	vpack.i.f32.bf16 v52, v52  }
0x4a5: {  	[tilespmem:s1+$0x0] =	vst v47;
	v5 =	vpack.i.f32.bf16 v53, v53;
	v47 =	vmul.bf16 v3, v20;
	v50 =	vmul.bf16 v4, v21  }
0x4a6: {  	v51 =	vmul.bf16 v5, v22;
	v59 =	vmul.bf16 v3, v14  }
0x4a7: {  	v52 =	vpack.i.f32.bf16 v56, v56;
	v60 =	vmul.bf16 v4, v15;
	v62 =	vmul.bf16 v5, v16  }
0x4a8: {  	[tilespmem:s0+$0x0] =	vst v48;
	v1 =	vadd.bf16 v7, v1;
	v6 =	vpack.i.f32.bf16 v54, v54;
	v48 =	vpack.i.f32.bf16 v55, v55  }
0x4a9: {  	v55 =	vmov s4;
	v56 =	vmul.bf16 v52, v28;
	v2 =	vmul.bf16 v49, v2  }
0x4aa: {  	v53 =	vmul.bf16 v6, v23;
	v54 =	vmul.bf16 v48, v24;
	v58 =	vand.u32 $0x7F, v55  }
0x4ab: {  	v63 =	vmul.bf16 v6, v17;
	v7 =	vadd.bf16 v50, v47;
	v47 =	vmul.bf16 v48, v26  }
0x4ac: {  	v60 =	vadd.bf16 v60, v59;
	v49 =	vmul.bf16 v49, v12;
	v50 =	vadd.bf16 v53, v51  }
0x4ad: {  	v51 =	vadd.bf16 v56, v54;
	v53 =	vmul.bf16 v52, v27;
	v2 =	vadd.bf16 v57, v2  }
0x4ae: {  	v59 =	vmul.bf16 v52, v38;
	v62 =	vadd.bf16 v63, v62;
	v1 =	vadd.bf16 v7, v1  }
0x4af: {  	v54 =	vmul.bf16 v5, v34;
	v47 =	vadd.bf16 v53, v47;
	v63 =	vadd.bf16 v51, v50  }
0x4b0: {  	v57 =	vmul.bf16 v48, v37;
	v5 =	vmul.bf16 v5, v31;
	v2 =	vadd.bf16 v60, v2  }
0x4b1: {  	v48 =	vmul.bf16 v48, v36;
	v1 =	vadd.bf16 v63, v1;
	v7 =	vadd.bf16 v47, v62  }
0x4b2: {  	s2 =	sadd.s32 $0x40, s2;
	v61 =	vadd.s32 $0x50, v58;
	v53 =	vmul.bf16 v0, v29;
	v50 =	vmul.bf16 v3, v30  }
0x4b3: {  	s1 =	smov.u32 s19;
	s19 =	sadd.s32 $0x40, s19;
	v51 =	vmul.bf16 v4, v32;
	v60 =	vld [tilespmem:s2+$0xFFFFFFD0];
	v62 =	vunpack.i.l.bf16.f32 v1;
	v2 =	vadd.bf16 v7, v2  }
0x4b4: {  	v0 =	vmul.bf16 v0, v9;
	v63 =	vld [tilespmem:s19+$0xFFFFFFE0];
	v1 =	vunpack.i.u.bf16.f32 v1;
	v45 =	vmul.f32 v45, v62  }
0x4b5: {  	v3 =	vmul.bf16 v3, v11;
	v7 =	vld [tilespmem:s2+$0xFFFFFFE0];
	v1 =	vmul.f32 v46, v1;
	v46 =	vunpack.i.l.bf16.f32 v2  }
0x4b6: {  	v4 =	vmul.bf16 v4, v10;
	v62 =	vld [tilespmem:s19+$0xFFFFFFD0];
	v2 =	vunpack.i.u.bf16.f32 v2;
	[tilespmem:s1+$0xFFFFFFD0] =	vst v45;
	v42 =	vmul.f32 v46, v42  }
0x4b7: {  	v56 =	vadd.s32 $0xA0, v58;
	v47 =	vmul.bf16 v6, v18;
	v8 =	vld.idx.msk [tilespmem:v55+s23+$0x0], $0xffff;
	[tilespmem:s1+$0xFFFFFFE0] =	vst v1;
	v55 =	vmul.f32 v2, v41  }
0x4b8: {  	v44 =	vadd.bf16 v53, v44;
	v0 =	vadd.bf16 v0, v49;
	v2 =	vmul.bf16 v6, v35;
	[tilespmem:s21+$0xFFFFFFD0] =	vst v42;
	v6 =	vld [tilespmem:s21+$0xFFFFFFF0]  }
0x4b9: {  	v53 =	vadd.s32 $0x140, v58;
	v3 =	vadd.bf16 v4, v3;
	v46 =	vadd.bf16 v51, v50;
	v1 =	vld [tilespmem:s21+$0x0];
	[tilespmem:s21+$0xFFFFFFE0] =	vst v55  }
0x4ba: {  	v47 =	vadd.bf16 v47, v54;
	v50 =	vadd.bf16 v59, v57;
	v57 =	vmul.bf16 v52, v33;
	v59 =	vld [tilespmem:s1+$0xFFFFFFF0]  }
0x4bb: {  	v45 =	vadd.s32 $0xF0, v58;
	v41 =	vmovc v7;
	v44 =	vadd.bf16 v46, v44;
	v2 =	vadd.bf16 v2, v5;
	v7 =	vld [tilespmem:s1+$0x0]  }
0x4bc: {  	v49 =	vadd.s32 $0x230, v58;
	v42 =	vmovc v60;
	v60 =	vadd.bf16 v57, v48;
	v51 =	vld.idx.msk [tilespmem:v61+s23+$0x0], $0xffff;
	v61 =	vadd.bf16 v50, v47  }
0x4bd: {  	v4 =	vadd.s32 $0x190, v58;
	v0 =	vadd.bf16 v3, v0;
	v48 =	vadd.s32 $0x1E0, v58;
	v50 =	vld.idx.msk [tilespmem:v56+s23+$0x0], $0xffff  }
0x4be: {  	p2 =	sne.s32 s4, $0x4F;
	v57 =	vmul.f32 v43, v40;
	v58 =	vadd.bf16 v61, v44;
	v2 =	vadd.bf16 v60, v2;
	v40 =	vmovc v6  }
.Ltmp8:
0x4bf: {  	v46 =	vmul.f32 v63, v41;
	v53 =	vld.idx.msk [tilespmem:v53+s23+$0x0], $0xffff;
	v59 =	vmul.f32 v59, v40;
	(pc) =	sbr.rel @p2 .LBB2_15-.Ltmp8, $4  }
0x4c0: {  	v52 =	vld.idx.msk [tilespmem:v45+s23+$0x0], $0xffff;
	v45 =	vmul.f32 v62, v42;
	[tilespmem:s0+$0xFFFFFFF0] =	vst v57;
	v60 =	vunpack.i.l.bf16.f32 v58;
	v0 =	vadd.bf16 v2, v0  }
0x4c1: {  	v56 =	vld.idx.msk [tilespmem:v49+s23+$0x0], $0xffff;
	v49 =	vpack.i.f32.bf16 v8, v8;
	v61 =	vmul.f32 v7, v1;
	v3 =	vmul.f32 v59, v60  }
0x4c2: {  	v54 =	vld.idx.msk [tilespmem:v4+s23+$0x0], $0xffff;
	v62 =	vunpack.i.u.bf16.f32 v58;
	v44 =	vmul.bf16 v49, v39;
	v63 =	vunpack.i.u.bf16.f32 v0  }
0x4c3: {  	s4 =	sadd.s32 $0x1, s4;
	s0 =	smov.u32 s21;
	s21 =	smov.u32 s2;
	v55 =	vld.idx.msk [tilespmem:v48+s23+$0x0], $0xffff;
	v43 =	vunpack.i.l.bf16.f32 v0;
	v47 =	vmul.f32 v61, v62;
	v48 =	vmul.f32 v63, v1;
	[tilespmem:s1+$0xFFFFFFF0] =	vst v3  }
0x4c4: {  	v0 =	vpack.i.f32.bf16 v51, v51;
	v1 =	vmul.bf16 v49, v25;
	v3 =	vpack.i.f32.bf16 v50, v50  }
0x4c5: {  	v5 =	vpack.i.f32.bf16 v53, v53;
	v7 =	vmul.bf16 v0, v19;
	v8 =	vmul.bf16 v3, v20  }
0x4c6: {  	v58 =	vmul.bf16 v5, v22;
	v59 =	vmul.bf16 v0, v13  }
0x4c7: {  	v2 =	vld [tilespmem:$0x1FB20];
	v4 =	vpack.i.f32.bf16 v52, v52;
	v60 =	vmul.bf16 v3, v14;
	v62 =	vmul.bf16 v5, v16  }
0x4c8: {  	v57 =	vmul.bf16 v4, v21;
	v20 =	vpack.i.f32.bf16 v56, v56;
	v6 =	vpack.i.f32.bf16 v54, v54  }
0x4c9: {  	v61 =	vmul.bf16 v4, v15;
	v1 =	vadd.bf16 v7, v1;
	v21 =	vmul.bf16 v6, v23  }
0x4ca: {  	v39 =	vpack.i.f32.bf16 v55, v55;
	v23 =	vmul.bf16 v20, v28;
	v63 =	vmul.bf16 v6, v17  }
0x4cb: {  	v7 =	vadd.bf16 v57, v8;
	v14 =	vadd.bf16 v61, v60;
	v22 =	vmul.bf16 v39, v24  }
0x4cc: {  	v2 =	vmul.bf16 v49, v2;
	v8 =	vmul.bf16 v39, v26;
	v25 =	vadd.bf16 v21, v58  }
0x4cd: {  	v21 =	vmul.bf16 v20, v27;
	v28 =	vadd.bf16 v63, v62;
	v26 =	vadd.bf16 v23, v22  }
0x4ce: {  	v1 =	vadd.bf16 v7, v1;
	v2 =	vadd.bf16 v59, v2  }
0x4cf: {  	v29 =	vmul.bf16 v0, v29;
	v8 =	vadd.bf16 v21, v8;
	v7 =	vadd.bf16 v26, v25  }
0x4d0: {  	v0 =	vmul.bf16 v0, v9;
	v51 =	vmul.bf16 v4, v10;
	v2 =	vadd.bf16 v14, v2  }
0x4d1: {  	v56 =	vmul.bf16 v20, v33;
	v1 =	vadd.bf16 v7, v1;
	v7 =	vadd.bf16 v8, v28  }
0x4d2: {  	v8 =	vmul.bf16 v3, v30;
	v30 =	vmul.bf16 v4, v32  }
0x4d3: {  	v32 =	vmul.bf16 v5, v34;
	v34 =	vunpack.i.l.bf16.f32 v1;
	v2 =	vadd.bf16 v7, v2  }
0x4d4: {  	v53 =	vmul.bf16 v6, v35;
	v1 =	vunpack.i.u.bf16.f32 v1;
	v15 =	vmul.f32 v45, v34  }
0x4d5: {  	v10 =	vmul.bf16 v39, v36;
	v1 =	vmul.f32 v46, v1;
	v46 =	vunpack.i.l.bf16.f32 v2  }
0x4d6: {  	v21 =	vmul.bf16 v49, v12;
	v2 =	vunpack.i.u.bf16.f32 v2;
	[tilespmem:s19+$0xFFFFFFD0] =	vst v15;
	v50 =	vmul.f32 v46, v42  }
0x4d7: {  	v9 =	vadd.bf16 v29, v44;
	v49 =	vmul.bf16 v20, v38;
	[tilespmem:s19+$0xFFFFFFE0] =	vst v1;
	v2 =	vmul.f32 v2, v41  }
0x4d8: {  	v59 =	vadd.bf16 v56, v10;
	v7 =	vmul.bf16 v6, v18;
	v45 =	vmul.bf16 v39, v37;
	v6 =	vld [tilespmem:s21+$0xFFFFFFF0];
	[tilespmem:s21+$0xFFFFFFD0] =	vst v50  }
0x4d9: {  	v52 =	vmul.bf16 v5, v31;
	v0 =	vadd.bf16 v0, v21;
	v8 =	vadd.bf16 v30, v8;
	v54 =	vld [tilespmem:s21+$0x0];
	[tilespmem:s21+$0xFFFFFFE0] =	vst v2  }
0x4da: {  	v3 =	vmul.bf16 v3, v11;
	v7 =	vadd.bf16 v7, v32;
	v55 =	vadd.bf16 v49, v45;
	v57 =	vld [tilespmem:s19+$0xFFFFFFF0]  }
0x4db: {  	v4 =	vadd.bf16 v53, v52;
	v8 =	vadd.bf16 v8, v9;
	v58 =	vld [tilespmem:s19+$0x0]  }
0x4dc: {  	v1 =	vadd.bf16 v51, v3;
	v7 =	vadd.bf16 v55, v7  }
0x4dd: {  	v4 =	vadd.bf16 v59, v4  }
0x4de: {  	v0 =	vadd.bf16 v1, v0;
	v60 =	vadd.bf16 v7, v8  }
0x4df: {  	v61 =	vmul.f32 v43, v40;
	v7 =	vmul.f32 v57, v6  }
0x4e0: {  	[tilespmem:s1+$0x0] =	vst v47;
	v0 =	vadd.bf16 v4, v0;
	v8 =	vunpack.i.l.bf16.f32 v60;
	v3 =	vmul.f32 v58, v54  }
0x4e1: {  	[tilespmem:s0+$0x0] =	vst v48;
	v1 =	vunpack.i.u.bf16.f32 v60;
	v62 =	vmul.f32 v7, v8  }
0x4e2: {  	[tilespmem:s0+$0xFFFFFFF0] =	vst v61;
	v63 =	vunpack.i.u.bf16.f32 v0;
	v1 =	vmul.f32 v3, v1  }
0x4e3: {  	v0 =	vunpack.i.l.bf16.f32 v0;
	v2 =	vmul.f32 v63, v54;
	[tilespmem:s19+$0xFFFFFFF0] =	vst v62  }
0x4e4: {  	v0 =	vmul.f32 v0, v6;
	[tilespmem:s19+$0x0] =	vst v1  }
0x4e5: {  	[tilespmem:s21+$0x0] =	vst v2  }
0x4e6: {  	[tilespmem:s21+$0xFFFFFFF0] =	vst v0  }
0x4e7: {  	_ =	swait.ge [sflag:s31], $0x50  }
.Ltmp9:
0x4e8: {  	[sflag:s31] =	ssyncset.done $0x0;
	(pc) =	sbr.rel @p1 .LBB2_18-.Ltmp9, $4  }
0x4e9: {  	[sflag:s31] =	ssyncadd.s32 $0xFFFFFFB0  }
0x4ea: {  	[spmem:s6] =	stream.indirect.scatter.add.f32 [tilespmem:s25], [sflag:$0x8], $0x40, s16, s18, $0xb8;
	[tilespmem:$0x19620] =	vst v63  }
0x4eb: {  	v8 =	vld [tilespmem:$0x1FC90]  }
0x4ec: {  	v22 =	vld [tilespmem:$0x1FCA0];
	[spmem:s7] =	stream.indirect.scatter.add.f32 [tilespmem:s14], [sflag:$0x8], $0x40, s16, s18, $0xb8  }
0x4ed: {  	v58 =	vld [tilespmem:$0x1FCB0]  }
0x4ee: {  	v62 =	vld [tilespmem:$0x1FCC0]  }
0x4ef: {  	v63 =	vld [tilespmem:$0x1FCD0]  }
0x4f0: {  	v57 =	vld [tilespmem:$0x1FCE0]  }
0x4f1: {  	v59 =	vld [tilespmem:$0x1FCF0]  }
0x4f2: {  	v60 =	vld [tilespmem:$0x1FD00]  }
0x4f3: {  	v61 =	vld [tilespmem:$0x1FD10]  }
0x4f4: {  	v36 =	vld [tilespmem:$0x1FD20]  }
0x4f5: {  	v32 =	vld [tilespmem:$0x1FD30]  }
0x4f6: {  	v29 =	vld [tilespmem:$0x1FD40]  }
0x4f7: {  	v33 =	vld [tilespmem:$0x1FD50]  }
0x4f8: {  	v34 =	vld [tilespmem:$0x1FD60]  }
0x4f9: {  	v37 =	vld [tilespmem:$0x1FD70]  }
0x4fa: {  	v38 =	vld [tilespmem:$0x1FD80]  }
0x4fb: {  	v39 =	vld [tilespmem:$0x1FD90]  }
0x4fc: {  	v40 =	vld [tilespmem:$0x1FDA0]  }
0x4fd: {  	v19 =	vld [tilespmem:$0x1FDB0]  }
0x4fe: {  	v35 =	vld [tilespmem:$0x1FDC0]  }
0x4ff: {  	v41 =	vld [tilespmem:$0x1FDD0]  }
0x500: {  	v42 =	vld [tilespmem:$0x1FDE0]  }
0x501: {  	v43 =	vld [tilespmem:$0x1FDF0]  }
0x502: {  	v44 =	vld [tilespmem:$0x1FE00]  }
0x503: {  	v24 =	vld [tilespmem:$0x1FE10]  }
0x504: {  	v45 =	vld [tilespmem:$0x1FE20]  }
0x505: {  	v18 =	vld [tilespmem:$0x1FE30]  }
0x506: {  	v46 =	vld [tilespmem:$0x1FE40]  }
0x507: {  	v5 =	vld [tilespmem:$0x1FE50]  }
0x508: {  	v47 =	vld [tilespmem:$0x1FE60]  }
0x509: {  	v4 =	vld [tilespmem:$0x1FE70]  }
0x50a: {  	v48 =	vld [tilespmem:$0x1FE80]  }
0x50b: {  	v49 =	vld [tilespmem:$0x1FE90]  }
0x50c: {  	v3 =	vld [tilespmem:$0x1FEA0]  }
0x50d: {  	v6 =	vld [tilespmem:$0x1FEB0]  }
0x50e: {  	v30 =	vld [tilespmem:$0x1FEC0]  }
0x50f: {  	v50 =	vld [tilespmem:$0x1FED0]  }
0x510: {  	v2 =	vld [tilespmem:$0x1FEE0]  }
0x511: {  	v51 =	vld [tilespmem:$0x1FEF0]  }
0x512: {  	v52 =	vld [tilespmem:$0x1FF00]  }
0x513: {  	s0 =	rddreg [dreg:$0x18];
	v53 =	vld [tilespmem:$0x1FF10]  }
0x514: {  	v20 =	vld [tilespmem:$0x1FF20];
	s0 =	sadd.s32 s0, s13  }
0x515: {  	v31 =	vld [tilespmem:$0x1FF30];
	s1 =	smul.u32 $0xA, s0  }
.Ltmp10:
0x516: {  	s2 =	rddreg [dreg:$0x3];
	v54 =	vld [tilespmem:$0x1FF40];
	(pc) =	sbr.rel .LBB2_2-.Ltmp10, $4  }
0x517: {  	s26 =	rddreg [dreg:$0x2];
	v1 =	vld [tilespmem:$0x1FF50];
	s0 =	smul.u32 $0x50, s0;
	s1 =	sadd.s32 s2, s1  }
0x518: {  	v55 =	vld [tilespmem:$0x1FF60];
	[tilespmem:s11], [sflag:$0x2] =	stream.linear.gather [hbm4b:s1+s8], $0x50, $0x38  }
0x519: {  	s5 =	sadd.s32 $0x1, s5;
	v7 =	vld [tilespmem:$0x1FF70];
	s0 =	sadd.s32 s26, s0  }
0x51a: {  	v56 =	vld [tilespmem:$0x1FF80];
	[tilespmem:s15], [sflag:$0x2] =	stream.linear.gather [hbm4b:s0+s8], $0x280, $0x38  }
.LBB2_19:
0x51b: {  	_ =	sfence.sel $0x180000  }
0x51c: {  	[bflag:$0x0] =	sbarrier.arrive $0xFFFF  }
0x51d: {  	_ =	strace $0x90000047  }
0x51e: {  	[bflag:$0x2] =	sbarrier.arrive $0xFFFF  }
0x51f: {  	s0 =	rddreg [dreg:$0x8]  }
0x520: {  	s0 =	sadd.s32 @!p0 $0x100000, s0  }
0x521: {  	[sflag:s0] =	ssyncadd.tile.s32 @!p0 $0x1;
	_ =	shalt  }
.Lfunc_end2:
_tile_overlayer_lowered:
.L_overlay_start_2:
0x522: {  	(tag) =	ssettag $0x2  }
0x523: {  	s0 =	rddreg [dreg:$0x0];
	s2 =	stileid.u32  }
0x524: {  	s1 =	rddreg [dreg:$0x1];
	p0 =	sne.s32 s2, $0x0  }
0x525: {  	s3 =	rddreg [dreg:$0x2];
	[bflag:$0x3] =	sbarrier.arrive $0xFFFF;
	s2 =	simm.s32 @!p0 $0x1C09  }
0x526: {  	[timem:s3], [sflag:s2] =	dma.local @!p0 [hbm:s0], s1  }
0x527: {  	s0 =	simm.s32 @!p0 $0x9  }
0x528: {  	_ =	swait.ge @!p0 [sflag:s0], s1  }
0x529: {  	s1 =	ssub.s32 @!p0 $0x0, s1;
	[sflag:s0] =	ssyncset.done @!p0 $0x0  }
0x52a: {  	[sflag:s0] =	ssyncadd.s32 @!p0 s1  }
0x52b: {  	[bflag:$0x3] =	sbarrier.arrive $0xFFFF  }
0x52c: {  	_ =	shalt  }

</sc_bundles>
